<compile_context>
chip_gen: v7x
topology: tpu7x:2x2x1
jax: 0.10.2.dev20260603
libtpu: 0.0.44.dev20260713+nightly
codegen_flags: <defaults>
</compile_context>

<pallas_src>
import functools

import jax
import jax.numpy as jnp
from jax import lax
from jax.experimental import pallas as pl
from jax.experimental.pallas import tpu as pltpu
from jax.experimental.pallas import tpu_sc as plsc

N_ATOMS = 100000
NC_TOT = 50000
D = 128
H = 4
C = D // H
B = 2000
E_EDGES = 200000

SC_CORES = 2
SC_SUBS = 16
K = 64
E_PAD = 200704
TILES_PER_SUB = E_PAD // K // SC_SUBS
SUP = 14
CH = 12544
NC_OUT = 4 * CH
CH_PAD = 12800
WB = CH // SC_SUBS
CROWS = 800
CNT_WB = CH // 16
ZR = 40

NB = 400
NBLK = NC_TOT // NB


def _sc_scatter(x, erows, ecols):
  mesh = plsc.VectorSubcoreMesh(core_axis_name="c", subcore_axis_name="s")

  @functools.partial(
      pl.kernel,
      out_type=(
          jax.ShapeDtypeStruct((NC_OUT, D), jnp.float32),
          jax.ShapeDtypeStruct((NC_OUT,), jnp.float32),
      ),
      mesh=mesh,
      scratch_types=[
          pltpu.VMEM((SUP * K,), jnp.int32),
          pltpu.VMEM((SUP * K,), jnp.int32),
          pltpu.VMEM((K,), jnp.int32),
          pltpu.VMEM((K, D), jnp.float32),
          pltpu.VMEM((K,), jnp.int32),
          pltpu.VMEM((K, D), jnp.float32),
          pltpu.VMEM((K,), jnp.float32),
          pltpu.VMEM((ZR, D), jnp.float32),
          pltpu.VMEM((CH_PAD // SC_SUBS,), jnp.float32),
          pltpu.VMEM((WB,), jnp.float32),
          pltpu.VMEM_SHARED((CH_PAD, D), jnp.float32),
          pltpu.VMEM_SHARED((CH_PAD,), jnp.float32),
          pltpu.SemaphoreType.DMA,
          pltpu.SemaphoreType.DMA,
          pltpu.SemaphoreType.DMA,
          pltpu.SemaphoreType.DMA,
      ],
  )
  def sc_kernel(x_hbm, erow_hbm, ecol_hbm, hx_out, cnt_out,
                colsv, rowsv, lidx0, rowsb0, lidx1, rowsb1,
                onesb, ztile, zcnt, cntwb, acc_sh, cnt_sh,
                sem0, sem1, sem_f, sem_c):
    core = lax.axis_index("c")
    sid = lax.axis_index("s")
    zeros16 = jnp.zeros((16,), jnp.float32)
    ones16 = jnp.ones((16,), jnp.float32)

    def _zrow(i, _):
      for j in range(D // 16):
        ztile[i, pl.ds(j * 16, 16)] = zeros16
      return 0
    lax.fori_loop(0, ZR, _zrow, 0)

    def _zc(i, _):
      zcnt[pl.ds(i * 16, 16)] = zeros16
      return 0
    lax.fori_loop(0, CH_PAD // SC_SUBS // 16, _zc, 0)

    def _ones(i, _):
      onesb[pl.ds(i * 16, 16)] = ones16
      return 0
    lax.fori_loop(0, K // 16, _ones, 0)

    for ch in range(2):
      chunk = core * 2 + ch
      base = chunk * CH
      for r in range(CH_PAD // SC_SUBS // ZR):
        pltpu.sync_copy(
            ztile, acc_sh.at[pl.ds((sid * (CH_PAD // SC_SUBS // ZR) + r) * ZR,
                                   ZR)])
      pltpu.sync_copy(zcnt,
                      cnt_sh.at[pl.ds(sid * (CH_PAD // SC_SUBS),
                                      CH_PAD // SC_SUBS)])
      plsc.subcore_barrier()

      bufs = ((lidx0, rowsb0, sem0), (lidx1, rowsb1, sem1))

      def _prep(i):
        li, rb, sm = bufs[i % 2]
        for j in range(K // 16):
          c16 = colsv[pl.ds(i * K + j * 16, 16)] - base
          ok = (c16 >= 0) & (c16 < CH)
          li[pl.ds(i * K + j * 16 - i * K, 16)] = jnp.where(ok, c16, CH)
        pltpu.async_copy(x_hbm.at[rowsv.at[pl.ds(i * K, K)]], rb, sm)

      def _super(sup, _):
        soff = (sid * TILES_PER_SUB + sup * SUP) * K
        pltpu.sync_copy(ecol_hbm.at[pl.ds(soff, SUP * K)], colsv)
        pltpu.sync_copy(erow_hbm.at[pl.ds(soff, SUP * K)], rowsv)
        _prep(0)
        for i in range(SUP):
          li, rb, sm = bufs[i % 2]
          if i + 1 < SUP:
            _prep(i + 1)
          pltpu.make_async_copy(x_hbm.at[rowsv.at[pl.ds(i * K, K)]],
                                rb, sm).wait()
          fa = pltpu.async_copy(rb, acc_sh.at[li], sem_f, add=True)
          ca = pltpu.async_copy(onesb, cnt_sh.at[li], sem_c, add=True)
          fa.wait()
          ca.wait()
        return 0
      lax.fori_loop(0, TILES_PER_SUB // SUP, _super, 0)
      plsc.subcore_barrier()

      pltpu.sync_copy(acc_sh.at[pl.ds(sid * WB, WB)],
                      hx_out.at[pl.ds(base + sid * WB, WB)])
      pltpu.sync_copy(cnt_sh.at[pl.ds(sid * WB, WB)], cntwb)
      pltpu.sync_copy(cntwb, cnt_out.at[pl.ds(base + sid * WB, WB)])
      plsc.subcore_barrier()

  return sc_kernel(x, erows, ecols)


def _tc1_body(hx_ref, cnt_ref, xcl_ref, wl_ref, bl_ref, w1_ref, b1_ref,
              w2_ref, b2_ref, xc_ref, sc_ref, gmax_ref):
  i = pl.program_id(0)
  inv = 1.0 / jnp.maximum(cnt_ref[:, 0:1], 1.0)
  hx = hx_ref[...] * inv
  lin = jnp.dot(hx, wl_ref[...], preferred_element_type=jnp.float32)
  lin = lin + bl_ref[0:1, :]
  xc = xcl_ref[...] + jnp.maximum(lin, 0.0)
  xc_ref[...] = xc
  h1 = jnp.dot(xc, w1_ref[...], preferred_element_type=jnp.float32)
  h1 = jnp.maximum(h1 + b1_ref[0:1, :], 0.0)
  s = jnp.dot(h1, w2_ref[...], preferred_element_type=jnp.float32)
  s = s[:, 0:H] + b2_ref[0:1, 0:H]
  sc_ref[...] = s
  m = jnp.max(s, axis=0, keepdims=True)

  @pl.when(i == 0)
  def _():
    gmax_ref[...] = jnp.full((8, 128), -jnp.inf, jnp.float32)

  gmax_ref[0:1, 0:H] = jnp.maximum(gmax_ref[0:1, 0:H], m)


def _tc2_body(sc_ref, cb_ref, gmax_ref, den_ref):
  i = pl.program_id(0)
  g = gmax_ref[0:1, 0:H]
  ex = jnp.exp(sc_ref[...] - g)
  cb = cb_ref[0, 0, :]
  iota_t = lax.broadcasted_iota(jnp.int32, (B, NB), 0)
  oht = jnp.where(cb[None, :] == iota_t, 1.0, 0.0)
  part = jnp.dot(oht, ex, preferred_element_type=jnp.float32)

  @pl.when(i == 0)
  def _():
    den_ref[...] = jnp.zeros((B, H), jnp.float32)

  den_ref[...] += part


def _tc3_body(sc_ref, cb_ref, gmax_ref, den_ref, xc_ref, eh_ref,
              alpha_ref, df_ref):
  i = pl.program_id(0)
  g = gmax_ref[0:1, 0:H]
  ex = jnp.exp(sc_ref[...] - g)
  cb = cb_ref[0, 0, :]
  iota_n = lax.broadcasted_iota(jnp.int32, (NB, B), 1)
  oh = jnp.where(cb[:, None] == iota_n, 1.0, 0.0)
  dsel = jnp.dot(oh, den_ref[...], preferred_element_type=jnp.float32)
  alpha = ex / (dsel + 1e-16)
  alpha_ref[...] = alpha
  spread = jnp.dot(alpha, eh_ref[0:H, :], preferred_element_type=jnp.float32)
  w = xc_ref[...] * spread
  iota_t = lax.broadcasted_iota(jnp.int32, (B, NB), 0)
  oht = jnp.where(cb[None, :] == iota_t, 1.0, 0.0)
  part = jnp.dot(oht, w, preferred_element_type=jnp.float32)

  @pl.when(i == 0)
  def _():
    df_ref[...] = jnp.zeros((B, D), jnp.float32)

  df_ref[...] += part


def kernel(x, x_clique, W_lin, b_lin, W1, b1, W2, b2,
           atom2clique_index, clique_batch, clique_edge_index):
  pad = E_PAD - E_EDGES
  rows = jnp.concatenate([atom2clique_index[0],
                          jnp.zeros((pad,), jnp.int32)])
  cols = jnp.concatenate([atom2clique_index[1],
                          jnp.full((pad,), NC_TOT, jnp.int32)])

  w1bd = jax.scipy.linalg.block_diag(*[W1[h] for h in range(H)])
  w2bd = jax.scipy.linalg.block_diag(*[W2[h] for h in range(H)])
  w2p = jnp.zeros((2 * C * H, 128), jnp.float32).at[:, 0:H].set(w2bd)
  blp = jnp.broadcast_to(b_lin.reshape(1, D), (8, D))
  b1p = jnp.broadcast_to(b1.reshape(1, 2 * C * H), (8, 2 * C * H))
  b2p = jnp.zeros((8, 128), jnp.float32).at[0, 0:H].set(b2.reshape(H))
  ehead = jnp.zeros((8, D), jnp.float32).at[0:H, :].set(
      jnp.kron(jnp.eye(H, dtype=jnp.float32), jnp.ones((1, C), jnp.float32)))
  cb3 = clique_batch.reshape(NBLK, 1, NB)

  hx_full, cnt_full = _sc_scatter(x, rows, cols)
  hx_sum = hx_full[:NC_TOT]
  cnt2 = cnt_full[:NC_TOT].reshape(NC_TOT, 1)

  xc, score, gmax = pl.pallas_call(
      _tc1_body,
      grid=(NBLK,),
      in_specs=[
          pl.BlockSpec((NB, D), lambda i: (i, 0)),
          pl.BlockSpec((NB, 1), lambda i: (i, 0)),
          pl.BlockSpec((NB, D), lambda i: (i, 0)),
          pl.BlockSpec((D, D), lambda i: (0, 0)),
          pl.BlockSpec((8, D), lambda i: (0, 0)),
          pl.BlockSpec((D, 2 * C * H), lambda i: (0, 0)),
          pl.BlockSpec((8, 2 * C * H), lambda i: (0, 0)),
          pl.BlockSpec((2 * C * H, 128), lambda i: (0, 0)),
          pl.BlockSpec((8, 128), lambda i: (0, 0)),
      ],
      out_specs=[
          pl.BlockSpec((NB, D), lambda i: (i, 0)),
          pl.BlockSpec((NB, H), lambda i: (i, 0)),
          pl.BlockSpec((8, 128), lambda i: (0, 0)),
      ],
      out_shape=[
          jax.ShapeDtypeStruct((NC_TOT, D), jnp.float32),
          jax.ShapeDtypeStruct((NC_TOT, H), jnp.float32),
          jax.ShapeDtypeStruct((8, 128), jnp.float32),
      ],
  )(hx_sum, cnt2, x_clique, W_lin, blp, w1bd, b1p, w2p, b2p)

  denom = pl.pallas_call(
      _tc2_body,
      grid=(NBLK,),
      in_specs=[
          pl.BlockSpec((NB, H), lambda i: (i, 0)),
          pl.BlockSpec((1, 1, NB), lambda i: (i, 0, 0)),
          pl.BlockSpec((8, 128), lambda i: (0, 0)),
      ],
      out_specs=pl.BlockSpec((B, H), lambda i: (0, 0)),
      out_shape=jax.ShapeDtypeStruct((B, H), jnp.float32),
  )(score, cb3, gmax)

  alpha, drug_feat = pl.pallas_call(
      _tc3_body,
      grid=(NBLK,),
      in_specs=[
          pl.BlockSpec((NB, H), lambda i: (i, 0)),
          pl.BlockSpec((1, 1, NB), lambda i: (i, 0, 0)),
          pl.BlockSpec((8, 128), lambda i: (0, 0)),
          pl.BlockSpec((B, H), lambda i: (0, 0)),
          pl.BlockSpec((NB, D), lambda i: (i, 0)),
          pl.BlockSpec((8, D), lambda i: (0, 0)),
      ],
      out_specs=[
          pl.BlockSpec((NB, H), lambda i: (i, 0)),
          pl.BlockSpec((B, D), lambda i: (0, 0)),
      ],
      out_shape=[
          jax.ShapeDtypeStruct((NC_TOT, H), jnp.float32),
          jax.ShapeDtypeStruct((B, D), jnp.float32),
      ],
  )(score, cb3, gmax, denom, xc, ehead)

  return (drug_feat, xc, alpha)

# --- scband reference (transcript-rebuilt; emitter-appended) ---
"""Pipeline reference for scband-motif-pool-75213467288135 (READ-ONLY COPY).

The authoritative reference and input builder live on the scoring server;
editing this copy changes nothing except your own understanding.
"""

import jax, jax.numpy as jnp
import numpy as np

N_ATOMS = 100000
N_CLIQUES = 50000
D = 128
H = 4
C = D // H
B = 2000
E_A2C = 200000
E_CL = 400000


def setup_inputs(seed: int = 0) -> dict:
    key = jax.random.key(seed)
    ks = jax.random.split(key, 12)
    x = jax.random.normal(ks[0], (N_ATOMS, D), dtype=jnp.float32)
    x_clique = jax.random.normal(ks[1], (N_CLIQUES, D), dtype=jnp.float32)
    atom2clique_index = jax.random.randint(ks[2], (2, E_A2C), 0, N_CLIQUES, dtype=jnp.int32)
    clique_batch = jnp.sort(jax.random.randint(ks[3], (N_CLIQUES,), 0, B, dtype=jnp.int32))
    clique_edge_index = jax.random.randint(ks[4], (2, E_CL), 0, N_CLIQUES, dtype=jnp.int32)
    # learned parameters
    W_lin = jax.random.normal(ks[5], (D, D), dtype=jnp.float32) * (1.0 / np.sqrt(D))
    b_lin = jnp.zeros((D,), dtype=jnp.float32)
    W1 = jax.random.normal(ks[6], (H, C, 2 * C), dtype=jnp.float32) * (1.0 / np.sqrt(C))
    b1 = jnp.zeros((H, 2 * C), dtype=jnp.float32)
    W2 = jax.random.normal(ks[7], (H, 2 * C, 1), dtype=jnp.float32) * (1.0 / np.sqrt(2 * C))
    b2 = jnp.zeros((H, 1), dtype=jnp.float32)
    return {"x": x, "x_clique": x_clique, "W_lin": W_lin, "b_lin": b_lin,
            "W1": W1, "b1": b1, "W2": W2, "b2": b2,
            "atom2clique_index": atom2clique_index, "clique_batch": clique_batch,
            "clique_edge_index": clique_edge_index}


def reference(x, x_clique, W_lin, b_lin, W1, b1, W2, b2,
              atom2clique_index, clique_batch, clique_edge_index):
    row = atom2clique_index[0]
    col = atom2clique_index[1]
    Nc = x_clique.shape[0]
    # scatter-mean of atom features into cliques
    summed = jax.ops.segment_sum(x[row], col, num_segments=Nc)
    cnt = jax.ops.segment_sum(jnp.ones((row.shape[0],), x.dtype), col, num_segments=Nc)
    hx_clique = summed / jnp.clip(cnt, 1.0, None)[:, None]
    xc = x_clique + jax.nn.relu(hx_clique @ W_lin + b_lin)
    # per-head score MLP: [C -> 2C -> 1]
    sc = xc.reshape(-1, H, C)
    h1 = jax.nn.relu(jnp.einsum('nhc,hcf->nhf', sc, W1) + b1[None, :, :])
    score = (jnp.einsum('nhf,hfo->nho', h1, W2) + b2[None, :, :])[..., 0]  # [Nc, H]
    # dropout_attn_score = 0 (no-op)
    # segment softmax over clique_batch
    seg_max = jax.ops.segment_max(score, clique_batch, num_segments=B)
    score_c = score - seg_max[clique_batch]
    ex = jnp.exp(score_c)
    denom = jax.ops.segment_sum(ex, clique_batch, num_segments=B)
    alpha = ex / (denom[clique_batch] + 1e-16)
    # dropout_node with p=0 / eval mode -> mask all ones, scaling 1.0
    mask = jnp.ones((Nc,), x.dtype)
    scaling_factor = 1.0
    drug = (xc.reshape(-1, H, C) * alpha[:, :, None]).reshape(-1, H * C) * mask[:, None]
    drug_feat = jax.ops.segment_sum(drug, clique_batch, num_segments=B) * scaling_factor
    return (drug_feat, xc, alpha)

if __name__ == "__main__":
    import jax
    _d = setup_inputs()
    print(jax.jit(kernel)(*tuple(_d.values())))

</pallas_src>

<mosaic_0001>
#map = affine_map<(d0, d1) -> (0, 0)>
#map1 = affine_map<(d0, d1) -> (0)>
module attributes {stable_mosaic.version = 14 : i64} {
  func.func @sc_kernel(%arg0: i32, %arg1: i32, %arg2: memref<100000x128xf32, #tpu.memory_space<hbm>>, %arg3: memref<200704xi32, #tpu.memory_space<hbm>>, %arg4: memref<200704xi32, #tpu.memory_space<hbm>>, %arg5: memref<50176x128xf32, #tpu.memory_space<hbm>>, %arg6: memref<50176xf32, #tpu.memory_space<hbm>>, %arg7: memref<896xi32, #tpu.memory_space<vmem>>, %arg8: memref<896xi32, #tpu.memory_space<vmem>>, %arg9: memref<64xi32, #tpu.memory_space<vmem>>, %arg10: memref<64x128xf32, #tpu.memory_space<vmem>>, %arg11: memref<64xi32, #tpu.memory_space<vmem>>, %arg12: memref<64x128xf32, #tpu.memory_space<vmem>>, %arg13: memref<64xf32, #tpu.memory_space<vmem>>, %arg14: memref<40x128xf32, #tpu.memory_space<vmem>>, %arg15: memref<800xf32, #tpu.memory_space<vmem>>, %arg16: memref<784xf32, #tpu.memory_space<vmem>>, %arg17: memref<12800x128xf32, #tpu.memory_space<vmem_shared>>, %arg18: memref<12800xf32, #tpu.memory_space<vmem_shared>>, %arg19: memref<!tpu.dma_semaphore, #tpu.memory_space<semaphore_mem>>, %arg20: memref<!tpu.dma_semaphore, #tpu.memory_space<semaphore_mem>>, %arg21: memref<!tpu.dma_semaphore, #tpu.memory_space<semaphore_mem>>, %arg22: memref<!tpu.dma_semaphore, #tpu.memory_space<semaphore_mem>>) attributes {dimension_semantics = [#tpu.dimension_semantics<core_parallel>, #tpu.dimension_semantics<subcore_parallel>], iteration_bounds = array<i64: 2, 16>, scalar_prefetch = 0 : i64, scratch_operands = 16 : i64, tpu.core_type = #tpu.core_type<sc_vector_subcore>, window_params = [{transform_indices = #map}, {transform_indices = #map1}, {transform_indices = #map1}, {transform_indices = #map}, {transform_indices = #map1}]} {
    %broadcast_in_dim3A = arith.constant 0.000000e+00 : f32
    %broadcast_in_dim3A_0 = vector.broadcast %broadcast_in_dim3A : f32 to vector<16xf32>
    %broadcast_in_dim3A_1 = arith.constant 1.000000e+00 : f32
    %broadcast_in_dim3A_2 = vector.broadcast %broadcast_in_dim3A_1 : f32 to vector<16xf32>
    %scan3A = arith.constant 0 : i32
    %scan3A_3 = arith.constant 0 : i32
    %scan3A_4 = arith.constant 40 : i32
    %scan3A_5 = arith.addi %scan3A_3, %scan3A_4 : i32
    %scan3A_6 = arith.constant 1 : i32
    %scan3A_7 = scf.for %scan3A_316 = %scan3A_3 to %scan3A_5 step %scan3A_6 iter_args(%scan3A_317 = %scan3A) -> (i32)  : i32 {
      %swap3A = arith.index_cast %scan3A_316 : i32 to index
      %swap3A_318 = arith.constant 0 : index
      %swap3A_319 = tpu.vector_load %arg14[%swap3A, %swap3A_318] {strides = array<i32>} : memref<40x128xf32, #tpu.memory_space<vmem>>, vector<1x16xf32>,
      %swap3A_320 = vector.shape_cast %swap3A_319 : vector<1x16xf32> to vector<16xf32>
      %swap3A_321 = vector.shape_cast %broadcast_in_dim3A_0 : vector<16xf32> to vector<1x16xf32>
      tpu.vector_store %arg14[%swap3A, %swap3A_318], %swap3A_321 {strides = array<i32>} : memref<40x128xf32, #tpu.memory_space<vmem>>, vector<1x16xf32>,
      %swap3A_322 = arith.index_cast %scan3A_316 : i32 to index
      %swap3A_323 = arith.constant 16 : index
      %swap3A_324 = tpu.vector_load %arg14[%swap3A_322, %swap3A_323] {strides = array<i32>} : memref<40x128xf32, #tpu.memory_space<vmem>>, vector<1x16xf32>,
      %swap3A_325 = vector.shape_cast %swap3A_324 : vector<1x16xf32> to vector<16xf32>
      %swap3A_326 = vector.shape_cast %broadcast_in_dim3A_0 : vector<16xf32> to vector<1x16xf32>
      tpu.vector_store %arg14[%swap3A_322, %swap3A_323], %swap3A_326 {strides = array<i32>} : memref<40x128xf32, #tpu.memory_space<vmem>>, vector<1x16xf32>,
      %swap3A_327 = arith.index_cast %scan3A_316 : i32 to index
      %swap3A_328 = arith.constant 32 : index
      %swap3A_329 = tpu.vector_load %arg14[%swap3A_327, %swap3A_328] {strides = array<i32>} : memref<40x128xf32, #tpu.memory_space<vmem>>, vector<1x16xf32>,
      %swap3A_330 = vector.shape_cast %swap3A_329 : vector<1x16xf32> to vector<16xf32>
      %swap3A_331 = vector.shape_cast %broadcast_in_dim3A_0 : vector<16xf32> to vector<1x16xf32>
      tpu.vector_store %arg14[%swap3A_327, %swap3A_328], %swap3A_331 {strides = array<i32>} : memref<40x128xf32, #tpu.memory_space<vmem>>, vector<1x16xf32>,
      %swap3A_332 = arith.index_cast %scan3A_316 : i32 to index
      %swap3A_333 = arith.constant 48 : index
      %swap3A_334 = tpu.vector_load %arg14[%swap3A_332, %swap3A_333] {strides = array<i32>} : memref<40x128xf32, #tpu.memory_space<vmem>>, vector<1x16xf32>,
      %swap3A_335 = vector.shape_cast %swap3A_334 : vector<1x16xf32> to vector<16xf32>
      %swap3A_336 = vector.shape_cast %broadcast_in_dim3A_0 : vector<16xf32> to vector<1x16xf32>
      tpu.vector_store %arg14[%swap3A_332, %swap3A_333], %swap3A_336 {strides = array<i32>} : memref<40x128xf32, #tpu.memory_space<vmem>>, vector<1x16xf32>,
      %swap3A_337 = arith.index_cast %scan3A_316 : i32 to index
      %swap3A_338 = arith.constant 64 : index
      %swap3A_339 = tpu.vector_load %arg14[%swap3A_337, %swap3A_338] {strides = array<i32>} : memref<40x128xf32, #tpu.memory_space<vmem>>, vector<1x16xf32>,
      %swap3A_340 = vector.shape_cast %swap3A_339 : vector<1x16xf32> to vector<16xf32>
      %swap3A_341 = vector.shape_cast %broadcast_in_dim3A_0 : vector<16xf32> to vector<1x16xf32>
      tpu.vector_store %arg14[%swap3A_337, %swap3A_338], %swap3A_341 {strides = array<i32>} : memref<40x128xf32, #tpu.memory_space<vmem>>, vector<1x16xf32>,
      %swap3A_342 = arith.index_cast %scan3A_316 : i32 to index
      %swap3A_343 = arith.constant 80 : index
      %swap3A_344 = tpu.vector_load %arg14[%swap3A_342, %swap3A_343] {strides = array<i32>} : memref<40x128xf32, #tpu.memory_space<vmem>>, vector<1x16xf32>,
      %swap3A_345 = vector.shape_cast %swap3A_344 : vector<1x16xf32> to vector<16xf32>
      %swap3A_346 = vector.shape_cast %broadcast_in_dim3A_0 : vector<16xf32> to vector<1x16xf32>
      tpu.vector_store %arg14[%swap3A_342, %swap3A_343], %swap3A_346 {strides = array<i32>} : memref<40x128xf32, #tpu.memory_space<vmem>>, vector<1x16xf32>,
      %swap3A_347 = arith.index_cast %scan3A_316 : i32 to index
      %swap3A_348 = arith.constant 96 : index
      %swap3A_349 = tpu.vector_load %arg14[%swap3A_347, %swap3A_348] {strides = array<i32>} : memref<40x128xf32, #tpu.memory_space<vmem>>, vector<1x16xf32>,
      %swap3A_350 = vector.shape_cast %swap3A_349 : vector<1x16xf32> to vector<16xf32>
      %swap3A_351 = vector.shape_cast %broadcast_in_dim3A_0 : vector<16xf32> to vector<1x16xf32>
      tpu.vector_store %arg14[%swap3A_347, %swap3A_348], %swap3A_351 {strides = array<i32>} : memref<40x128xf32, #tpu.memory_space<vmem>>, vector<1x16xf32>,
      %swap3A_352 = arith.index_cast %scan3A_316 : i32 to index
      %swap3A_353 = arith.constant 112 : index
      %swap3A_354 = tpu.vector_load %arg14[%swap3A_352, %swap3A_353] {strides = array<i32>} : memref<40x128xf32, #tpu.memory_space<vmem>>, vector<1x16xf32>,
      %swap3A_355 = vector.shape_cast %swap3A_354 : vector<1x16xf32> to vector<16xf32>
      %swap3A_356 = vector.shape_cast %broadcast_in_dim3A_0 : vector<16xf32> to vector<1x16xf32>
      tpu.vector_store %arg14[%swap3A_352, %swap3A_353], %swap3A_356 {strides = array<i32>} : memref<40x128xf32, #tpu.memory_space<vmem>>, vector<1x16xf32>,
      %scan3A_357 = arith.constant 0 : i32
      scf.yield %scan3A_357 : i32
    }
    %scan3A_8 = arith.constant 40 : i32
    %scan3A_9 = arith.constant 0 : i32
    %scan3A_10 = arith.constant 0 : i32
    %scan3A_11 = arith.constant 50 : i32
    %scan3A_12 = arith.addi %scan3A_10, %scan3A_11 : i32
    %scan3A_13 = arith.constant 1 : i32
    %scan3A_14 = scf.for %scan3A_316 = %scan3A_10 to %scan3A_12 step %scan3A_13 iter_args(%scan3A_317 = %scan3A_9) -> (i32)  : i32 {
      %mul3A_318 = arith.constant 16 : i32
      %mul3A_319 = arith.muli %scan3A_316, %mul3A_318 : i32
      %swap3A = arith.index_cast %mul3A_319 : i32 to index
      %swap3A_320 = tpu.vector_load %arg15[%swap3A] {strides = array<i32>} : memref<800xf32, #tpu.memory_space<vmem>>, vector<16xf32>,
      %swap3A_321 = vector.shape_cast %swap3A_320 : vector<16xf32> to vector<16xf32>
      %swap3A_322 = vector.shape_cast %broadcast_in_dim3A_0 : vector<16xf32> to vector<16xf32>
      tpu.vector_store %arg15[%swap3A], %swap3A_322 {strides = array<i32>} : memref<800xf32, #tpu.memory_space<vmem>>, vector<16xf32>,
      %scan3A_323 = arith.constant 0 : i32
      scf.yield %scan3A_323 : i32
    }
    %scan3A_15 = arith.constant 50 : i32
    %scan3A_16 = arith.constant 0 : i32
    %scan3A_17 = arith.constant 0 : i32
    %scan3A_18 = arith.constant 4 : i32
    %scan3A_19 = arith.addi %scan3A_17, %scan3A_18 : i32
    %scan3A_20 = arith.constant 1 : i32
    %scan3A_21 = scf.for %scan3A_316 = %scan3A_17 to %scan3A_19 step %scan3A_20 iter_args(%scan3A_317 = %scan3A_16) -> (i32)  : i32 {
      %mul3A_318 = arith.constant 16 : i32
      %mul3A_319 = arith.muli %scan3A_316, %mul3A_318 : i32
      %swap3A = arith.index_cast %mul3A_319 : i32 to index
      %swap3A_320 = tpu.vector_load %arg13[%swap3A] {strides = array<i32>} : memref<64xf32, #tpu.memory_space<vmem>>, vector<16xf32>,
      %swap3A_321 = vector.shape_cast %swap3A_320 : vector<16xf32> to vector<16xf32>
      %swap3A_322 = vector.shape_cast %broadcast_in_dim3A_2 : vector<16xf32> to vector<16xf32>
      tpu.vector_store %arg13[%swap3A], %swap3A_322 {strides = array<i32>} : memref<64xf32, #tpu.memory_space<vmem>>, vector<16xf32>,
      %scan3A_323 = arith.constant 0 : i32
      scf.yield %scan3A_323 : i32
    }
    %scan3A_22 = arith.constant 4 : i32
    %mul3A = arith.constant 2 : i32
    %mul3A_23 = arith.muli %arg0, %mul3A : i32
    %add3A = arith.constant 0 : i32
    %add3A_24 = arith.addi %mul3A_23, %add3A : i32
    %mul3A_25 = arith.constant 12544 : i32
    %mul3A_26 = arith.muli %add3A_24, %mul3A_25 : i32
    %mul3A_27 = arith.constant 20 : i32
    %mul3A_28 = arith.muli %arg1, %mul3A_27 : i32
    %add3A_29 = arith.constant 0 : i32
    %add3A_30 = arith.addi %mul3A_28, %add3A_29 : i32
    %mul3A_31 = arith.constant 40 : i32
    %mul3A_32 = arith.muli %add3A_30, %mul3A_31 : i32
    "tpu.region"() ({
      %run_scoped3A = tpu.sem_alloc : memref<!tpu.dma_semaphore, #tpu.memory_space<semaphore_mem>>
      %dma_start3A = arith.constant 0 : i32
      %dma_start3A_316 = tpu.memref_slice %arg17[%mul3A_32, %dma_start3A] : memref<12800x128xf32, #tpu.memory_space<vmem_shared>> -> memref<40x128xf32, #tpu.memory_space<vmem_shared>>
      %dma_start3A_317 = arith.constant 0 : i32
      %dma_start3A_318 = tpu.memref_slice %arg17[%mul3A_32, %dma_start3A_317] : memref<12800x128xf32, #tpu.memory_space<vmem_shared>> -> memref<40x128xf32, #tpu.memory_space<vmem_shared>>
      tpu.enqueue_dma source(%arg14 : memref<40x128xf32, #tpu.memory_space<vmem>>) target(%dma_start3A_318 : memref<40x128xf32, #tpu.memory_space<vmem_shared>>) target_semaphore(%run_scoped3A : memref<!tpu.dma_semaphore, #tpu.memory_space<semaphore_mem>>)
      %dma_wait3A = arith.constant 0 : i32
      %dma_wait3A_319 = tpu.memref_slice %arg17[%mul3A_32, %dma_wait3A] : memref<12800x128xf32, #tpu.memory_space<vmem_shared>> -> memref<40x128xf32, #tpu.memory_space<vmem_shared>>
      %dma_wait3A_320 = arith.constant 0 : i32
      %dma_wait3A_321 = tpu.memref_slice %arg17[%mul3A_32, %dma_wait3A_320] : memref<12800x128xf32, #tpu.memory_space<vmem_shared>> -> memref<40x128xf32, #tpu.memory_space<vmem_shared>>
      tpu.wait_dma2 semaphore(%run_scoped3A : memref<!tpu.dma_semaphore, #tpu.memory_space<semaphore_mem>>) src(%arg14 : memref<40x128xf32, #tpu.memory_space<vmem>>) dst(%dma_wait3A_321 : memref<40x128xf32, #tpu.memory_space<vmem_shared>>)
      tpu.yield
    }) : () -> ()
    %mul3A_33 = arith.constant 20 : i32
    %mul3A_34 = arith.muli %arg1, %mul3A_33 : i32
    %add3A_35 = arith.constant 1 : i32
    %add3A_36 = arith.addi %mul3A_34, %add3A_35 : i32
    %mul3A_37 = arith.constant 40 : i32
    %mul3A_38 = arith.muli %add3A_36, %mul3A_37 : i32
    "tpu.region"() ({
      %run_scoped3A = tpu.sem_alloc : memref<!tpu.dma_semaphore, #tpu.memory_space<semaphore_mem>>
      %dma_start3A = arith.constant 0 : i32
      %dma_start3A_316 = tpu.memref_slice %arg17[%mul3A_38, %dma_start3A] : memref<12800x128xf32, #tpu.memory_space<vmem_shared>> -> memref<40x128xf32, #tpu.memory_space<vmem_shared>>
      %dma_start3A_317 = arith.constant 0 : i32
      %dma_start3A_318 = tpu.memref_slice %arg17[%mul3A_38, %dma_start3A_317] : memref<12800x128xf32, #tpu.memory_space<vmem_shared>> -> memref<40x128xf32, #tpu.memory_space<vmem_shared>>
      tpu.enqueue_dma source(%arg14 : memref<40x128xf32, #tpu.memory_space<vmem>>) target(%dma_start3A_318 : memref<40x128xf32, #tpu.memory_space<vmem_shared>>) target_semaphore(%run_scoped3A : memref<!tpu.dma_semaphore, #tpu.memory_space<semaphore_mem>>)
      %dma_wait3A = arith.constant 0 : i32
      %dma_wait3A_319 = tpu.memref_slice %arg17[%mul3A_38, %dma_wait3A] : memref<12800x128xf32, #tpu.memory_space<vmem_shared>> -> memref<40x128xf32, #tpu.memory_space<vmem_shared>>
      %dma_wait3A_320 = arith.constant 0 : i32
      %dma_wait3A_321 = tpu.memref_slice %arg17[%mul3A_38, %dma_wait3A_320] : memref<12800x128xf32, #tpu.memory_space<vmem_shared>> -> memref<40x128xf32, #tpu.memory_space<vmem_shared>>
      tpu.wait_dma2 semaphore(%run_scoped3A : memref<!tpu.dma_semaphore, #tpu.memory_space<semaphore_mem>>) src(%arg14 : memref<40x128xf32, #tpu.memory_space<vmem>>) dst(%dma_wait3A_321 : memref<40x128xf32, #tpu.memory_space<vmem_shared>>)
      tpu.yield
    }) : () -> ()
    %mul3A_39 = arith.constant 20 : i32
    %mul3A_40 = arith.muli %arg1, %mul3A_39 : i32
    %add3A_41 = arith.constant 2 : i32
    %add3A_42 = arith.addi %mul3A_40, %add3A_41 : i32
    %mul3A_43 = arith.constant 40 : i32
    %mul3A_44 = arith.muli %add3A_42, %mul3A_43 : i32
    "tpu.region"() ({
      %run_scoped3A = tpu.sem_alloc : memref<!tpu.dma_semaphore, #tpu.memory_space<semaphore_mem>>
      %dma_start3A = arith.constant 0 : i32
      %dma_start3A_316 = tpu.memref_slice %arg17[%mul3A_44, %dma_start3A] : memref<12800x128xf32, #tpu.memory_space<vmem_shared>> -> memref<40x128xf32, #tpu.memory_space<vmem_shared>>
      %dma_start3A_317 = arith.constant 0 : i32
      %dma_start3A_318 = tpu.memref_slice %arg17[%mul3A_44, %dma_start3A_317] : memref<12800x128xf32, #tpu.memory_space<vmem_shared>> -> memref<40x128xf32, #tpu.memory_space<vmem_shared>>
      tpu.enqueue_dma source(%arg14 : memref<40x128xf32, #tpu.memory_space<vmem>>) target(%dma_start3A_318 : memref<40x128xf32, #tpu.memory_space<vmem_shared>>) target_semaphore(%run_scoped3A : memref<!tpu.dma_semaphore, #tpu.memory_space<semaphore_mem>>)
      %dma_wait3A = arith.constant 0 : i32
      %dma_wait3A_319 = tpu.memref_slice %arg17[%mul3A_44, %dma_wait3A] : memref<12800x128xf32, #tpu.memory_space<vmem_shared>> -> memref<40x128xf32, #tpu.memory_space<vmem_shared>>
      %dma_wait3A_320 = arith.constant 0 : i32
      %dma_wait3A_321 = tpu.memref_slice %arg17[%mul3A_44, %dma_wait3A_320] : memref<12800x128xf32, #tpu.memory_space<vmem_shared>> -> memref<40x128xf32, #tpu.memory_space<vmem_shared>>
      tpu.wait_dma2 semaphore(%run_scoped3A : memref<!tpu.dma_semaphore, #tpu.memory_space<semaphore_mem>>) src(%arg14 : memref<40x128xf32, #tpu.memory_space<vmem>>) dst(%dma_wait3A_321 : memref<40x128xf32, #tpu.memory_space<vmem_shared>>)
      tpu.yield
    }) : () -> ()
    %mul3A_45 = arith.constant 20 : i32
    %mul3A_46 = arith.muli %arg1, %mul3A_45 : i32
    %add3A_47 = arith.constant 3 : i32
    %add3A_48 = arith.addi %mul3A_46, %add3A_47 : i32
    %mul3A_49 = arith.constant 40 : i32
    %mul3A_50 = arith.muli %add3A_48, %mul3A_49 : i32
    "tpu.region"() ({
      %run_scoped3A = tpu.sem_alloc : memref<!tpu.dma_semaphore, #tpu.memory_space<semaphore_mem>>
      %dma_start3A = arith.constant 0 : i32
      %dma_start3A_316 = tpu.memref_slice %arg17[%mul3A_50, %dma_start3A] : memref<12800x128xf32, #tpu.memory_space<vmem_shared>> -> memref<40x128xf32, #tpu.memory_space<vmem_shared>>
      %dma_start3A_317 = arith.constant 0 : i32
      %dma_start3A_318 = tpu.memref_slice %arg17[%mul3A_50, %dma_start3A_317] : memref<12800x128xf32, #tpu.memory_space<vmem_shared>> -> memref<40x128xf32, #tpu.memory_space<vmem_shared>>
      tpu.enqueue_dma source(%arg14 : memref<40x128xf32, #tpu.memory_space<vmem>>) target(%dma_start3A_318 : memref<40x128xf32, #tpu.memory_space<vmem_shared>>) target_semaphore(%run_scoped3A : memref<!tpu.dma_semaphore, #tpu.memory_space<semaphore_mem>>)
      %dma_wait3A = arith.constant 0 : i32
      %dma_wait3A_319 = tpu.memref_slice %arg17[%mul3A_50, %dma_wait3A] : memref<12800x128xf32, #tpu.memory_space<vmem_shared>> -> memref<40x128xf32, #tpu.memory_space<vmem_shared>>
      %dma_wait3A_320 = arith.constant 0 : i32
      %dma_wait3A_321 = tpu.memref_slice %arg17[%mul3A_50, %dma_wait3A_320] : memref<12800x128xf32, #tpu.memory_space<vmem_shared>> -> memref<40x128xf32, #tpu.memory_space<vmem_shared>>
      tpu.wait_dma2 semaphore(%run_scoped3A : memref<!tpu.dma_semaphore, #tpu.memory_space<semaphore_mem>>) src(%arg14 : memref<40x128xf32, #tpu.memory_space<vmem>>) dst(%dma_wait3A_321 : memref<40x128xf32, #tpu.memory_space<vmem_shared>>)
      tpu.yield
    }) : () -> ()
    %mul3A_51 = arith.constant 20 : i32
    %mul3A_52 = arith.muli %arg1, %mul3A_51 : i32
    %add3A_53 = arith.constant 4 : i32
    %add3A_54 = arith.addi %mul3A_52, %add3A_53 : i32
    %mul3A_55 = arith.constant 40 : i32
    %mul3A_56 = arith.muli %add3A_54, %mul3A_55 : i32
    "tpu.region"() ({
      %run_scoped3A = tpu.sem_alloc : memref<!tpu.dma_semaphore, #tpu.memory_space<semaphore_mem>>
      %dma_start3A = arith.constant 0 : i32
      %dma_start3A_316 = tpu.memref_slice %arg17[%mul3A_56, %dma_start3A] : memref<12800x128xf32, #tpu.memory_space<vmem_shared>> -> memref<40x128xf32, #tpu.memory_space<vmem_shared>>
      %dma_start3A_317 = arith.constant 0 : i32
      %dma_start3A_318 = tpu.memref_slice %arg17[%mul3A_56, %dma_start3A_317] : memref<12800x128xf32, #tpu.memory_space<vmem_shared>> -> memref<40x128xf32, #tpu.memory_space<vmem_shared>>
      tpu.enqueue_dma source(%arg14 : memref<40x128xf32, #tpu.memory_space<vmem>>) target(%dma_start3A_318 : memref<40x128xf32, #tpu.memory_space<vmem_shared>>) target_semaphore(%run_scoped3A : memref<!tpu.dma_semaphore, #tpu.memory_space<semaphore_mem>>)
      %dma_wait3A = arith.constant 0 : i32
      %dma_wait3A_319 = tpu.memref_slice %arg17[%mul3A_56, %dma_wait3A] : memref<12800x128xf32, #tpu.memory_space<vmem_shared>> -> memref<40x128xf32, #tpu.memory_space<vmem_shared>>
      %dma_wait3A_320 = arith.constant 0 : i32
      %dma_wait3A_321 = tpu.memref_slice %arg17[%mul3A_56, %dma_wait3A_320] : memref<12800x128xf32, #tpu.memory_space<vmem_shared>> -> memref<40x128xf32, #tpu.memory_space<vmem_shared>>
      tpu.wait_dma2 semaphore(%run_scoped3A : memref<!tpu.dma_semaphore, #tpu.memory_space<semaphore_mem>>) src(%arg14 : memref<40x128xf32, #tpu.memory_space<vmem>>) dst(%dma_wait3A_321 : memref<40x128xf32, #tpu.memory_space<vmem_shared>>)
      tpu.yield
    }) : () -> ()
    %mul3A_57 = arith.constant 20 : i32
    %mul3A_58 = arith.muli %arg1, %mul3A_57 : i32
    %add3A_59 = arith.constant 5 : i32
    %add3A_60 = arith.addi %mul3A_58, %add3A_59 : i32
    %mul3A_61 = arith.constant 40 : i32
    %mul3A_62 = arith.muli %add3A_60, %mul3A_61 : i32
    "tpu.region"() ({
      %run_scoped3A = tpu.sem_alloc : memref<!tpu.dma_semaphore, #tpu.memory_space<semaphore_mem>>
      %dma_start3A = arith.constant 0 : i32
      %dma_start3A_316 = tpu.memref_slice %arg17[%mul3A_62, %dma_start3A] : memref<12800x128xf32, #tpu.memory_space<vmem_shared>> -> memref<40x128xf32, #tpu.memory_space<vmem_shared>>
      %dma_start3A_317 = arith.constant 0 : i32
      %dma_start3A_318 = tpu.memref_slice %arg17[%mul3A_62, %dma_start3A_317] : memref<12800x128xf32, #tpu.memory_space<vmem_shared>> -> memref<40x128xf32, #tpu.memory_space<vmem_shared>>
      tpu.enqueue_dma source(%arg14 : memref<40x128xf32, #tpu.memory_space<vmem>>) target(%dma_start3A_318 : memref<40x128xf32, #tpu.memory_space<vmem_shared>>) target_semaphore(%run_scoped3A : memref<!tpu.dma_semaphore, #tpu.memory_space<semaphore_mem>>)
      %dma_wait3A = arith.constant 0 : i32
      %dma_wait3A_319 = tpu.memref_slice %arg17[%mul3A_62, %dma_wait3A] : memref<12800x128xf32, #tpu.memory_space<vmem_shared>> -> memref<40x128xf32, #tpu.memory_space<vmem_shared>>
      %dma_wait3A_320 = arith.constant 0 : i32
      %dma_wait3A_321 = tpu.memref_slice %arg17[%mul3A_62, %dma_wait3A_320] : memref<12800x128xf32, #tpu.memory_space<vmem_shared>> -> memref<40x128xf32, #tpu.memory_space<vmem_shared>>
      tpu.wait_dma2 semaphore(%run_scoped3A : memref<!tpu.dma_semaphore, #tpu.memory_space<semaphore_mem>>) src(%arg14 : memref<40x128xf32, #tpu.memory_space<vmem>>) dst(%dma_wait3A_321 : memref<40x128xf32, #tpu.memory_space<vmem_shared>>)
      tpu.yield
    }) : () -> ()
    %mul3A_63 = arith.constant 20 : i32
    %mul3A_64 = arith.muli %arg1, %mul3A_63 : i32
    %add3A_65 = arith.constant 6 : i32
    %add3A_66 = arith.addi %mul3A_64, %add3A_65 : i32
    %mul3A_67 = arith.constant 40 : i32
    %mul3A_68 = arith.muli %add3A_66, %mul3A_67 : i32
    "tpu.region"() ({
      %run_scoped3A = tpu.sem_alloc : memref<!tpu.dma_semaphore, #tpu.memory_space<semaphore_mem>>
      %dma_start3A = arith.constant 0 : i32
      %dma_start3A_316 = tpu.memref_slice %arg17[%mul3A_68, %dma_start3A] : memref<12800x128xf32, #tpu.memory_space<vmem_shared>> -> memref<40x128xf32, #tpu.memory_space<vmem_shared>>
      %dma_start3A_317 = arith.constant 0 : i32
      %dma_start3A_318 = tpu.memref_slice %arg17[%mul3A_68, %dma_start3A_317] : memref<12800x128xf32, #tpu.memory_space<vmem_shared>> -> memref<40x128xf32, #tpu.memory_space<vmem_shared>>
      tpu.enqueue_dma source(%arg14 : memref<40x128xf32, #tpu.memory_space<vmem>>) target(%dma_start3A_318 : memref<40x128xf32, #tpu.memory_space<vmem_shared>>) target_semaphore(%run_scoped3A : memref<!tpu.dma_semaphore, #tpu.memory_space<semaphore_mem>>)
      %dma_wait3A = arith.constant 0 : i32
      %dma_wait3A_319 = tpu.memref_slice %arg17[%mul3A_68, %dma_wait3A] : memref<12800x128xf32, #tpu.memory_space<vmem_shared>> -> memref<40x128xf32, #tpu.memory_space<vmem_shared>>
      %dma_wait3A_320 = arith.constant 0 : i32
      %dma_wait3A_321 = tpu.memref_slice %arg17[%mul3A_68, %dma_wait3A_320] : memref<12800x128xf32, #tpu.memory_space<vmem_shared>> -> memref<40x128xf32, #tpu.memory_space<vmem_shared>>
      tpu.wait_dma2 semaphore(%run_scoped3A : memref<!tpu.dma_semaphore, #tpu.memory_space<semaphore_mem>>) src(%arg14 : memref<40x128xf32, #tpu.memory_space<vmem>>) dst(%dma_wait3A_321 : memref<40x128xf32, #tpu.memory_space<vmem_shared>>)
      tpu.yield
    }) : () -> ()
    %mul3A_69 = arith.constant 20 : i32
    %mul3A_70 = arith.muli %arg1, %mul3A_69 : i32
    %add3A_71 = arith.constant 7 : i32
    %add3A_72 = arith.addi %mul3A_70, %add3A_71 : i32
    %mul3A_73 = arith.constant 40 : i32
    %mul3A_74 = arith.muli %add3A_72, %mul3A_73 : i32
    "tpu.region"() ({
      %run_scoped3A = tpu.sem_alloc : memref<!tpu.dma_semaphore, #tpu.memory_space<semaphore_mem>>
      %dma_start3A = arith.constant 0 : i32
      %dma_start3A_316 = tpu.memref_slice %arg17[%mul3A_74, %dma_start3A] : memref<12800x128xf32, #tpu.memory_space<vmem_shared>> -> memref<40x128xf32, #tpu.memory_space<vmem_shared>>
      %dma_start3A_317 = arith.constant 0 : i32
      %dma_start3A_318 = tpu.memref_slice %arg17[%mul3A_74, %dma_start3A_317] : memref<12800x128xf32, #tpu.memory_space<vmem_shared>> -> memref<40x128xf32, #tpu.memory_space<vmem_shared>>
      tpu.enqueue_dma source(%arg14 : memref<40x128xf32, #tpu.memory_space<vmem>>) target(%dma_start3A_318 : memref<40x128xf32, #tpu.memory_space<vmem_shared>>) target_semaphore(%run_scoped3A : memref<!tpu.dma_semaphore, #tpu.memory_space<semaphore_mem>>)
      %dma_wait3A = arith.constant 0 : i32
      %dma_wait3A_319 = tpu.memref_slice %arg17[%mul3A_74, %dma_wait3A] : memref<12800x128xf32, #tpu.memory_space<vmem_shared>> -> memref<40x128xf32, #tpu.memory_space<vmem_shared>>
      %dma_wait3A_320 = arith.constant 0 : i32
      %dma_wait3A_321 = tpu.memref_slice %arg17[%mul3A_74, %dma_wait3A_320] : memref<12800x128xf32, #tpu.memory_space<vmem_shared>> -> memref<40x128xf32, #tpu.memory_space<vmem_shared>>
      tpu.wait_dma2 semaphore(%run_scoped3A : memref<!tpu.dma_semaphore, #tpu.memory_space<semaphore_mem>>) src(%arg14 : memref<40x128xf32, #tpu.memory_space<vmem>>) dst(%dma_wait3A_321 : memref<40x128xf32, #tpu.memory_space<vmem_shared>>)
      tpu.yield
    }) : () -> ()
    %mul3A_75 = arith.constant 20 : i32
    %mul3A_76 = arith.muli %arg1, %mul3A_75 : i32
    %add3A_77 = arith.constant 8 : i32
    %add3A_78 = arith.addi %mul3A_76, %add3A_77 : i32
    %mul3A_79 = arith.constant 40 : i32
    %mul3A_80 = arith.muli %add3A_78, %mul3A_79 : i32
    "tpu.region"() ({
      %run_scoped3A = tpu.sem_alloc : memref<!tpu.dma_semaphore, #tpu.memory_space<semaphore_mem>>
      %dma_start3A = arith.constant 0 : i32
      %dma_start3A_316 = tpu.memref_slice %arg17[%mul3A_80, %dma_start3A] : memref<12800x128xf32, #tpu.memory_space<vmem_shared>> -> memref<40x128xf32, #tpu.memory_space<vmem_shared>>
      %dma_start3A_317 = arith.constant 0 : i32
      %dma_start3A_318 = tpu.memref_slice %arg17[%mul3A_80, %dma_start3A_317] : memref<12800x128xf32, #tpu.memory_space<vmem_shared>> -> memref<40x128xf32, #tpu.memory_space<vmem_shared>>
      tpu.enqueue_dma source(%arg14 : memref<40x128xf32, #tpu.memory_space<vmem>>) target(%dma_start3A_318 : memref<40x128xf32, #tpu.memory_space<vmem_shared>>) target_semaphore(%run_scoped3A : memref<!tpu.dma_semaphore, #tpu.memory_space<semaphore_mem>>)
      %dma_wait3A = arith.constant 0 : i32
      %dma_wait3A_319 = tpu.memref_slice %arg17[%mul3A_80, %dma_wait3A] : memref<12800x128xf32, #tpu.memory_space<vmem_shared>> -> memref<40x128xf32, #tpu.memory_space<vmem_shared>>
      %dma_wait3A_320 = arith.constant 0 : i32
      %dma_wait3A_321 = tpu.memref_slice %arg17[%mul3A_80, %dma_wait3A_320] : memref<12800x128xf32, #tpu.memory_space<vmem_shared>> -> memref<40x128xf32, #tpu.memory_space<vmem_shared>>
      tpu.wait_dma2 semaphore(%run_scoped3A : memref<!tpu.dma_semaphore, #tpu.memory_space<semaphore_mem>>) src(%arg14 : memref<40x128xf32, #tpu.memory_space<vmem>>) dst(%dma_wait3A_321 : memref<40x128xf32, #tpu.memory_space<vmem_shared>>)
      tpu.yield
    }) : () -> ()
    %mul3A_81 = arith.constant 20 : i32
    %mul3A_82 = arith.muli %arg1, %mul3A_81 : i32
    %add3A_83 = arith.constant 9 : i32
    %add3A_84 = arith.addi %mul3A_82, %add3A_83 : i32
    %mul3A_85 = arith.constant 40 : i32
    %mul3A_86 = arith.muli %add3A_84, %mul3A_85 : i32
    "tpu.region"() ({
      %run_scoped3A = tpu.sem_alloc : memref<!tpu.dma_semaphore, #tpu.memory_space<semaphore_mem>>
      %dma_start3A = arith.constant 0 : i32
      %dma_start3A_316 = tpu.memref_slice %arg17[%mul3A_86, %dma_start3A] : memref<12800x128xf32, #tpu.memory_space<vmem_shared>> -> memref<40x128xf32, #tpu.memory_space<vmem_shared>>
      %dma_start3A_317 = arith.constant 0 : i32
      %dma_start3A_318 = tpu.memref_slice %arg17[%mul3A_86, %dma_start3A_317] : memref<12800x128xf32, #tpu.memory_space<vmem_shared>> -> memref<40x128xf32, #tpu.memory_space<vmem_shared>>
      tpu.enqueue_dma source(%arg14 : memref<40x128xf32, #tpu.memory_space<vmem>>) target(%dma_start3A_318 : memref<40x128xf32, #tpu.memory_space<vmem_shared>>) target_semaphore(%run_scoped3A : memref<!tpu.dma_semaphore, #tpu.memory_space<semaphore_mem>>)
      %dma_wait3A = arith.constant 0 : i32
      %dma_wait3A_319 = tpu.memref_slice %arg17[%mul3A_86, %dma_wait3A] : memref<12800x128xf32, #tpu.memory_space<vmem_shared>> -> memref<40x128xf32, #tpu.memory_space<vmem_shared>>
      %dma_wait3A_320 = arith.constant 0 : i32
      %dma_wait3A_321 = tpu.memref_slice %arg17[%mul3A_86, %dma_wait3A_320] : memref<12800x128xf32, #tpu.memory_space<vmem_shared>> -> memref<40x128xf32, #tpu.memory_space<vmem_shared>>
      tpu.wait_dma2 semaphore(%run_scoped3A : memref<!tpu.dma_semaphore, #tpu.memory_space<semaphore_mem>>) src(%arg14 : memref<40x128xf32, #tpu.memory_space<vmem>>) dst(%dma_wait3A_321 : memref<40x128xf32, #tpu.memory_space<vmem_shared>>)
      tpu.yield
    }) : () -> ()
    %mul3A_87 = arith.constant 20 : i32
    %mul3A_88 = arith.muli %arg1, %mul3A_87 : i32
    %add3A_89 = arith.constant 10 : i32
    %add3A_90 = arith.addi %mul3A_88, %add3A_89 : i32
    %mul3A_91 = arith.constant 40 : i32
    %mul3A_92 = arith.muli %add3A_90, %mul3A_91 : i32
    "tpu.region"() ({
      %run_scoped3A = tpu.sem_alloc : memref<!tpu.dma_semaphore, #tpu.memory_space<semaphore_mem>>
      %dma_start3A = arith.constant 0 : i32
      %dma_start3A_316 = tpu.memref_slice %arg17[%mul3A_92, %dma_start3A] : memref<12800x128xf32, #tpu.memory_space<vmem_shared>> -> memref<40x128xf32, #tpu.memory_space<vmem_shared>>
      %dma_start3A_317 = arith.constant 0 : i32
      %dma_start3A_318 = tpu.memref_slice %arg17[%mul3A_92, %dma_start3A_317] : memref<12800x128xf32, #tpu.memory_space<vmem_shared>> -> memref<40x128xf32, #tpu.memory_space<vmem_shared>>
      tpu.enqueue_dma source(%arg14 : memref<40x128xf32, #tpu.memory_space<vmem>>) target(%dma_start3A_318 : memref<40x128xf32, #tpu.memory_space<vmem_shared>>) target_semaphore(%run_scoped3A : memref<!tpu.dma_semaphore, #tpu.memory_space<semaphore_mem>>)
      %dma_wait3A = arith.constant 0 : i32
      %dma_wait3A_319 = tpu.memref_slice %arg17[%mul3A_92, %dma_wait3A] : memref<12800x128xf32, #tpu.memory_space<vmem_shared>> -> memref<40x128xf32, #tpu.memory_space<vmem_shared>>
      %dma_wait3A_320 = arith.constant 0 : i32
      %dma_wait3A_321 = tpu.memref_slice %arg17[%mul3A_92, %dma_wait3A_320] : memref<12800x128xf32, #tpu.memory_space<vmem_shared>> -> memref<40x128xf32, #tpu.memory_space<vmem_shared>>
      tpu.wait_dma2 semaphore(%run_scoped3A : memref<!tpu.dma_semaphore, #tpu.memory_space<semaphore_mem>>) src(%arg14 : memref<40x128xf32, #tpu.memory_space<vmem>>) dst(%dma_wait3A_321 : memref<40x128xf32, #tpu.memory_space<vmem_shared>>)
      tpu.yield
    }) : () -> ()
    %mul3A_93 = arith.constant 20 : i32
    %mul3A_94 = arith.muli %arg1, %mul3A_93 : i32
    %add3A_95 = arith.constant 11 : i32
    %add3A_96 = arith.addi %mul3A_94, %add3A_95 : i32
    %mul3A_97 = arith.constant 40 : i32
    %mul3A_98 = arith.muli %add3A_96, %mul3A_97 : i32
    "tpu.region"() ({
      %run_scoped3A = tpu.sem_alloc : memref<!tpu.dma_semaphore, #tpu.memory_space<semaphore_mem>>
      %dma_start3A = arith.constant 0 : i32
      %dma_start3A_316 = tpu.memref_slice %arg17[%mul3A_98, %dma_start3A] : memref<12800x128xf32, #tpu.memory_space<vmem_shared>> -> memref<40x128xf32, #tpu.memory_space<vmem_shared>>
      %dma_start3A_317 = arith.constant 0 : i32
      %dma_start3A_318 = tpu.memref_slice %arg17[%mul3A_98, %dma_start3A_317] : memref<12800x128xf32, #tpu.memory_space<vmem_shared>> -> memref<40x128xf32, #tpu.memory_space<vmem_shared>>
      tpu.enqueue_dma source(%arg14 : memref<40x128xf32, #tpu.memory_space<vmem>>) target(%dma_start3A_318 : memref<40x128xf32, #tpu.memory_space<vmem_shared>>) target_semaphore(%run_scoped3A : memref<!tpu.dma_semaphore, #tpu.memory_space<semaphore_mem>>)
      %dma_wait3A = arith.constant 0 : i32
      %dma_wait3A_319 = tpu.memref_slice %arg17[%mul3A_98, %dma_wait3A] : memref<12800x128xf32, #tpu.memory_space<vmem_shared>> -> memref<40x128xf32, #tpu.memory_space<vmem_shared>>
      %dma_wait3A_320 = arith.constant 0 : i32
      %dma_wait3A_321 = tpu.memref_slice %arg17[%mul3A_98, %dma_wait3A_320] : memref<12800x128xf32, #tpu.memory_space<vmem_shared>> -> memref<40x128xf32, #tpu.memory_space<vmem_shared>>
      tpu.wait_dma2 semaphore(%run_scoped3A : memref<!tpu.dma_semaphore, #tpu.memory_space<semaphore_mem>>) src(%arg14 : memref<40x128xf32, #tpu.memory_space<vmem>>) dst(%dma_wait3A_321 : memref<40x128xf32, #tpu.memory_space<vmem_shared>>)
      tpu.yield
    }) : () -> ()
    %mul3A_99 = arith.constant 20 : i32
    %mul3A_100 = arith.muli %arg1, %mul3A_99 : i32
    %add3A_101 = arith.constant 12 : i32
    %add3A_102 = arith.addi %mul3A_100, %add3A_101 : i32
    %mul3A_103 = arith.constant 40 : i32
    %mul3A_104 = arith.muli %add3A_102, %mul3A_103 : i32
    "tpu.region"() ({
      %run_scoped3A = tpu.sem_alloc : memref<!tpu.dma_semaphore, #tpu.memory_space<semaphore_mem>>
      %dma_start3A = arith.constant 0 : i32
      %dma_start3A_316 = tpu.memref_slice %arg17[%mul3A_104, %dma_start3A] : memref<12800x128xf32, #tpu.memory_space<vmem_shared>> -> memref<40x128xf32, #tpu.memory_space<vmem_shared>>
      %dma_start3A_317 = arith.constant 0 : i32
      %dma_start3A_318 = tpu.memref_slice %arg17[%mul3A_104, %dma_start3A_317] : memref<12800x128xf32, #tpu.memory_space<vmem_shared>> -> memref<40x128xf32, #tpu.memory_space<vmem_shared>>
      tpu.enqueue_dma source(%arg14 : memref<40x128xf32, #tpu.memory_space<vmem>>) target(%dma_start3A_318 : memref<40x128xf32, #tpu.memory_space<vmem_shared>>) target_semaphore(%run_scoped3A : memref<!tpu.dma_semaphore, #tpu.memory_space<semaphore_mem>>)
      %dma_wait3A = arith.constant 0 : i32
      %dma_wait3A_319 = tpu.memref_slice %arg17[%mul3A_104, %dma_wait3A] : memref<12800x128xf32, #tpu.memory_space<vmem_shared>> -> memref<40x128xf32, #tpu.memory_space<vmem_shared>>
      %dma_wait3A_320 = arith.constant 0 : i32
      %dma_wait3A_321 = tpu.memref_slice %arg17[%mul3A_104, %dma_wait3A_320] : memref<12800x128xf32, #tpu.memory_space<vmem_shared>> -> memref<40x128xf32, #tpu.memory_space<vmem_shared>>
      tpu.wait_dma2 semaphore(%run_scoped3A : memref<!tpu.dma_semaphore, #tpu.memory_space<semaphore_mem>>) src(%arg14 : memref<40x128xf32, #tpu.memory_space<vmem>>) dst(%dma_wait3A_321 : memref<40x128xf32, #tpu.memory_space<vmem_shared>>)
      tpu.yield
    }) : () -> ()
    %mul3A_105 = arith.constant 20 : i32
    %mul3A_106 = arith.muli %arg1, %mul3A_105 : i32
    %add3A_107 = arith.constant 13 : i32
    %add3A_108 = arith.addi %mul3A_106, %add3A_107 : i32
    %mul3A_109 = arith.constant 40 : i32
    %mul3A_110 = arith.muli %add3A_108, %mul3A_109 : i32
    "tpu.region"() ({
      %run_scoped3A = tpu.sem_alloc : memref<!tpu.dma_semaphore, #tpu.memory_space<semaphore_mem>>
      %dma_start3A = arith.constant 0 : i32
      %dma_start3A_316 = tpu.memref_slice %arg17[%mul3A_110, %dma_start3A] : memref<12800x128xf32, #tpu.memory_space<vmem_shared>> -> memref<40x128xf32, #tpu.memory_space<vmem_shared>>
      %dma_start3A_317 = arith.constant 0 : i32
      %dma_start3A_318 = tpu.memref_slice %arg17[%mul3A_110, %dma_start3A_317] : memref<12800x128xf32, #tpu.memory_space<vmem_shared>> -> memref<40x128xf32, #tpu.memory_space<vmem_shared>>
      tpu.enqueue_dma source(%arg14 : memref<40x128xf32, #tpu.memory_space<vmem>>) target(%dma_start3A_318 : memref<40x128xf32, #tpu.memory_space<vmem_shared>>) target_semaphore(%run_scoped3A : memref<!tpu.dma_semaphore, #tpu.memory_space<semaphore_mem>>)
      %dma_wait3A = arith.constant 0 : i32
      %dma_wait3A_319 = tpu.memref_slice %arg17[%mul3A_110, %dma_wait3A] : memref<12800x128xf32, #tpu.memory_space<vmem_shared>> -> memref<40x128xf32, #tpu.memory_space<vmem_shared>>
      %dma_wait3A_320 = arith.constant 0 : i32
      %dma_wait3A_321 = tpu.memref_slice %arg17[%mul3A_110, %dma_wait3A_320] : memref<12800x128xf32, #tpu.memory_space<vmem_shared>> -> memref<40x128xf32, #tpu.memory_space<vmem_shared>>
      tpu.wait_dma2 semaphore(%run_scoped3A : memref<!tpu.dma_semaphore, #tpu.memory_space<semaphore_mem>>) src(%arg14 : memref<40x128xf32, #tpu.memory_space<vmem>>) dst(%dma_wait3A_321 : memref<40x128xf32, #tpu.memory_space<vmem_shared>>)
      tpu.yield
    }) : () -> ()
    %mul3A_111 = arith.constant 20 : i32
    %mul3A_112 = arith.muli %arg1, %mul3A_111 : i32
    %add3A_113 = arith.constant 14 : i32
    %add3A_114 = arith.addi %mul3A_112, %add3A_113 : i32
    %mul3A_115 = arith.constant 40 : i32
    %mul3A_116 = arith.muli %add3A_114, %mul3A_115 : i32
    "tpu.region"() ({
      %run_scoped3A = tpu.sem_alloc : memref<!tpu.dma_semaphore, #tpu.memory_space<semaphore_mem>>
      %dma_start3A = arith.constant 0 : i32
      %dma_start3A_316 = tpu.memref_slice %arg17[%mul3A_116, %dma_start3A] : memref<12800x128xf32, #tpu.memory_space<vmem_shared>> -> memref<40x128xf32, #tpu.memory_space<vmem_shared>>
      %dma_start3A_317 = arith.constant 0 : i32
      %dma_start3A_318 = tpu.memref_slice %arg17[%mul3A_116, %dma_start3A_317] : memref<12800x128xf32, #tpu.memory_space<vmem_shared>> -> memref<40x128xf32, #tpu.memory_space<vmem_shared>>
      tpu.enqueue_dma source(%arg14 : memref<40x128xf32, #tpu.memory_space<vmem>>) target(%dma_start3A_318 : memref<40x128xf32, #tpu.memory_space<vmem_shared>>) target_semaphore(%run_scoped3A : memref<!tpu.dma_semaphore, #tpu.memory_space<semaphore_mem>>)
      %dma_wait3A = arith.constant 0 : i32
      %dma_wait3A_319 = tpu.memref_slice %arg17[%mul3A_116, %dma_wait3A] : memref<12800x128xf32, #tpu.memory_space<vmem_shared>> -> memref<40x128xf32, #tpu.memory_space<vmem_shared>>
      %dma_wait3A_320 = arith.constant 0 : i32
      %dma_wait3A_321 = tpu.memref_slice %arg17[%mul3A_116, %dma_wait3A_320] : memref<12800x128xf32, #tpu.memory_space<vmem_shared>> -> memref<40x128xf32, #tpu.memory_space<vmem_shared>>
      tpu.wait_dma2 semaphore(%run_scoped3A : memref<!tpu.dma_semaphore, #tpu.memory_space<semaphore_mem>>) src(%arg14 : memref<40x128xf32, #tpu.memory_space<vmem>>) dst(%dma_wait3A_321 : memref<40x128xf32, #tpu.memory_space<vmem_shared>>)
      tpu.yield
    }) : () -> ()
    %mul3A_117 = arith.constant 20 : i32
    %mul3A_118 = arith.muli %arg1, %mul3A_117 : i32
    %add3A_119 = arith.constant 15 : i32
    %add3A_120 = arith.addi %mul3A_118, %add3A_119 : i32
    %mul3A_121 = arith.constant 40 : i32
    %mul3A_122 = arith.muli %add3A_120, %mul3A_121 : i32
    "tpu.region"() ({
      %run_scoped3A = tpu.sem_alloc : memref<!tpu.dma_semaphore, #tpu.memory_space<semaphore_mem>>
      %dma_start3A = arith.constant 0 : i32
      %dma_start3A_316 = tpu.memref_slice %arg17[%mul3A_122, %dma_start3A] : memref<12800x128xf32, #tpu.memory_space<vmem_shared>> -> memref<40x128xf32, #tpu.memory_space<vmem_shared>>
      %dma_start3A_317 = arith.constant 0 : i32
      %dma_start3A_318 = tpu.memref_slice %arg17[%mul3A_122, %dma_start3A_317] : memref<12800x128xf32, #tpu.memory_space<vmem_shared>> -> memref<40x128xf32, #tpu.memory_space<vmem_shared>>
      tpu.enqueue_dma source(%arg14 : memref<40x128xf32, #tpu.memory_space<vmem>>) target(%dma_start3A_318 : memref<40x128xf32, #tpu.memory_space<vmem_shared>>) target_semaphore(%run_scoped3A : memref<!tpu.dma_semaphore, #tpu.memory_space<semaphore_mem>>)
      %dma_wait3A = arith.constant 0 : i32
      %dma_wait3A_319 = tpu.memref_slice %arg17[%mul3A_122, %dma_wait3A] : memref<12800x128xf32, #tpu.memory_space<vmem_shared>> -> memref<40x128xf32, #tpu.memory_space<vmem_shared>>
      %dma_wait3A_320 = arith.constant 0 : i32
      %dma_wait3A_321 = tpu.memref_slice %arg17[%mul3A_122, %dma_wait3A_320] : memref<12800x128xf32, #tpu.memory_space<vmem_shared>> -> memref<40x128xf32, #tpu.memory_space<vmem_shared>>
      tpu.wait_dma2 semaphore(%run_scoped3A : memref<!tpu.dma_semaphore, #tpu.memory_space<semaphore_mem>>) src(%arg14 : memref<40x128xf32, #tpu.memory_space<vmem>>) dst(%dma_wait3A_321 : memref<40x128xf32, #tpu.memory_space<vmem_shared>>)
      tpu.yield
    }) : () -> ()
    %mul3A_123 = arith.constant 20 : i32
    %mul3A_124 = arith.muli %arg1, %mul3A_123 : i32
    %add3A_125 = arith.constant 16 : i32
    %add3A_126 = arith.addi %mul3A_124, %add3A_125 : i32
    %mul3A_127 = arith.constant 40 : i32
    %mul3A_128 = arith.muli %add3A_126, %mul3A_127 : i32
    "tpu.region"() ({
      %run_scoped3A = tpu.sem_alloc : memref<!tpu.dma_semaphore, #tpu.memory_space<semaphore_mem>>
      %dma_start3A = arith.constant 0 : i32
      %dma_start3A_316 = tpu.memref_slice %arg17[%mul3A_128, %dma_start3A] : memref<12800x128xf32, #tpu.memory_space<vmem_shared>> -> memref<40x128xf32, #tpu.memory_space<vmem_shared>>
      %dma_start3A_317 = arith.constant 0 : i32
      %dma_start3A_318 = tpu.memref_slice %arg17[%mul3A_128, %dma_start3A_317] : memref<12800x128xf32, #tpu.memory_space<vmem_shared>> -> memref<40x128xf32, #tpu.memory_space<vmem_shared>>
      tpu.enqueue_dma source(%arg14 : memref<40x128xf32, #tpu.memory_space<vmem>>) target(%dma_start3A_318 : memref<40x128xf32, #tpu.memory_space<vmem_shared>>) target_semaphore(%run_scoped3A : memref<!tpu.dma_semaphore, #tpu.memory_space<semaphore_mem>>)
      %dma_wait3A = arith.constant 0 : i32
      %dma_wait3A_319 = tpu.memref_slice %arg17[%mul3A_128, %dma_wait3A] : memref<12800x128xf32, #tpu.memory_space<vmem_shared>> -> memref<40x128xf32, #tpu.memory_space<vmem_shared>>
      %dma_wait3A_320 = arith.constant 0 : i32
      %dma_wait3A_321 = tpu.memref_slice %arg17[%mul3A_128, %dma_wait3A_320] : memref<12800x128xf32, #tpu.memory_space<vmem_shared>> -> memref<40x128xf32, #tpu.memory_space<vmem_shared>>
      tpu.wait_dma2 semaphore(%run_scoped3A : memref<!tpu.dma_semaphore, #tpu.memory_space<semaphore_mem>>) src(%arg14 : memref<40x128xf32, #tpu.memory_space<vmem>>) dst(%dma_wait3A_321 : memref<40x128xf32, #tpu.memory_space<vmem_shared>>)
      tpu.yield
    }) : () -> ()
    %mul3A_129 = arith.constant 20 : i32
    %mul3A_130 = arith.muli %arg1, %mul3A_129 : i32
    %add3A_131 = arith.constant 17 : i32
    %add3A_132 = arith.addi %mul3A_130, %add3A_131 : i32
    %mul3A_133 = arith.constant 40 : i32
    %mul3A_134 = arith.muli %add3A_132, %mul3A_133 : i32
    "tpu.region"() ({
      %run_scoped3A = tpu.sem_alloc : memref<!tpu.dma_semaphore, #tpu.memory_space<semaphore_mem>>
      %dma_start3A = arith.constant 0 : i32
      %dma_start3A_316 = tpu.memref_slice %arg17[%mul3A_134, %dma_start3A] : memref<12800x128xf32, #tpu.memory_space<vmem_shared>> -> memref<40x128xf32, #tpu.memory_space<vmem_shared>>
      %dma_start3A_317 = arith.constant 0 : i32
      %dma_start3A_318 = tpu.memref_slice %arg17[%mul3A_134, %dma_start3A_317] : memref<12800x128xf32, #tpu.memory_space<vmem_shared>> -> memref<40x128xf32, #tpu.memory_space<vmem_shared>>
      tpu.enqueue_dma source(%arg14 : memref<40x128xf32, #tpu.memory_space<vmem>>) target(%dma_start3A_318 : memref<40x128xf32, #tpu.memory_space<vmem_shared>>) target_semaphore(%run_scoped3A : memref<!tpu.dma_semaphore, #tpu.memory_space<semaphore_mem>>)
      %dma_wait3A = arith.constant 0 : i32
      %dma_wait3A_319 = tpu.memref_slice %arg17[%mul3A_134, %dma_wait3A] : memref<12800x128xf32, #tpu.memory_space<vmem_shared>> -> memref<40x128xf32, #tpu.memory_space<vmem_shared>>
      %dma_wait3A_320 = arith.constant 0 : i32
      %dma_wait3A_321 = tpu.memref_slice %arg17[%mul3A_134, %dma_wait3A_320] : memref<12800x128xf32, #tpu.memory_space<vmem_shared>> -> memref<40x128xf32, #tpu.memory_space<vmem_shared>>
      tpu.wait_dma2 semaphore(%run_scoped3A : memref<!tpu.dma_semaphore, #tpu.memory_space<semaphore_mem>>) src(%arg14 : memref<40x128xf32, #tpu.memory_space<vmem>>) dst(%dma_wait3A_321 : memref<40x128xf32, #tpu.memory_space<vmem_shared>>)
      tpu.yield
    }) : () -> ()
    %mul3A_135 = arith.constant 20 : i32
    %mul3A_136 = arith.muli %arg1, %mul3A_135 : i32
    %add3A_137 = arith.constant 18 : i32
    %add3A_138 = arith.addi %mul3A_136, %add3A_137 : i32
    %mul3A_139 = arith.constant 40 : i32
    %mul3A_140 = arith.muli %add3A_138, %mul3A_139 : i32
    "tpu.region"() ({
      %run_scoped3A = tpu.sem_alloc : memref<!tpu.dma_semaphore, #tpu.memory_space<semaphore_mem>>
      %dma_start3A = arith.constant 0 : i32
      %dma_start3A_316 = tpu.memref_slice %arg17[%mul3A_140, %dma_start3A] : memref<12800x128xf32, #tpu.memory_space<vmem_shared>> -> memref<40x128xf32, #tpu.memory_space<vmem_shared>>
      %dma_start3A_317 = arith.constant 0 : i32
      %dma_start3A_318 = tpu.memref_slice %arg17[%mul3A_140, %dma_start3A_317] : memref<12800x128xf32, #tpu.memory_space<vmem_shared>> -> memref<40x128xf32, #tpu.memory_space<vmem_shared>>
      tpu.enqueue_dma source(%arg14 : memref<40x128xf32, #tpu.memory_space<vmem>>) target(%dma_start3A_318 : memref<40x128xf32, #tpu.memory_space<vmem_shared>>) target_semaphore(%run_scoped3A : memref<!tpu.dma_semaphore, #tpu.memory_space<semaphore_mem>>)
      %dma_wait3A = arith.constant 0 : i32
      %dma_wait3A_319 = tpu.memref_slice %arg17[%mul3A_140, %dma_wait3A] : memref<12800x128xf32, #tpu.memory_space<vmem_shared>> -> memref<40x128xf32, #tpu.memory_space<vmem_shared>>
      %dma_wait3A_320 = arith.constant 0 : i32
      %dma_wait3A_321 = tpu.memref_slice %arg17[%mul3A_140, %dma_wait3A_320] : memref<12800x128xf32, #tpu.memory_space<vmem_shared>> -> memref<40x128xf32, #tpu.memory_space<vmem_shared>>
      tpu.wait_dma2 semaphore(%run_scoped3A : memref<!tpu.dma_semaphore, #tpu.memory_space<semaphore_mem>>) src(%arg14 : memref<40x128xf32, #tpu.memory_space<vmem>>) dst(%dma_wait3A_321 : memref<40x128xf32, #tpu.memory_space<vmem_shared>>)
      tpu.yield
    }) : () -> ()
    %mul3A_141 = arith.constant 20 : i32
    %mul3A_142 = arith.muli %arg1, %mul3A_141 : i32
    %add3A_143 = arith.constant 19 : i32
    %add3A_144 = arith.addi %mul3A_142, %add3A_143 : i32
    %mul3A_145 = arith.constant 40 : i32
    %mul3A_146 = arith.muli %add3A_144, %mul3A_145 : i32
    "tpu.region"() ({
      %run_scoped3A = tpu.sem_alloc : memref<!tpu.dma_semaphore, #tpu.memory_space<semaphore_mem>>
      %dma_start3A = arith.constant 0 : i32
      %dma_start3A_316 = tpu.memref_slice %arg17[%mul3A_146, %dma_start3A] : memref<12800x128xf32, #tpu.memory_space<vmem_shared>> -> memref<40x128xf32, #tpu.memory_space<vmem_shared>>
      %dma_start3A_317 = arith.constant 0 : i32
      %dma_start3A_318 = tpu.memref_slice %arg17[%mul3A_146, %dma_start3A_317] : memref<12800x128xf32, #tpu.memory_space<vmem_shared>> -> memref<40x128xf32, #tpu.memory_space<vmem_shared>>
      tpu.enqueue_dma source(%arg14 : memref<40x128xf32, #tpu.memory_space<vmem>>) target(%dma_start3A_318 : memref<40x128xf32, #tpu.memory_space<vmem_shared>>) target_semaphore(%run_scoped3A : memref<!tpu.dma_semaphore, #tpu.memory_space<semaphore_mem>>)
      %dma_wait3A = arith.constant 0 : i32
      %dma_wait3A_319 = tpu.memref_slice %arg17[%mul3A_146, %dma_wait3A] : memref<12800x128xf32, #tpu.memory_space<vmem_shared>> -> memref<40x128xf32, #tpu.memory_space<vmem_shared>>
      %dma_wait3A_320 = arith.constant 0 : i32
      %dma_wait3A_321 = tpu.memref_slice %arg17[%mul3A_146, %dma_wait3A_320] : memref<12800x128xf32, #tpu.memory_space<vmem_shared>> -> memref<40x128xf32, #tpu.memory_space<vmem_shared>>
      tpu.wait_dma2 semaphore(%run_scoped3A : memref<!tpu.dma_semaphore, #tpu.memory_space<semaphore_mem>>) src(%arg14 : memref<40x128xf32, #tpu.memory_space<vmem>>) dst(%dma_wait3A_321 : memref<40x128xf32, #tpu.memory_space<vmem_shared>>)
      tpu.yield
    }) : () -> ()
    %mul3A_147 = arith.constant 800 : i32
    %mul3A_148 = arith.muli %arg1, %mul3A_147 : i32
    "tpu.region"() ({
      %run_scoped3A = tpu.sem_alloc : memref<!tpu.dma_semaphore, #tpu.memory_space<semaphore_mem>>
      %dma_start3A = tpu.memref_slice %arg18[%mul3A_148] : memref<12800xf32, #tpu.memory_space<vmem_shared>> -> memref<800xf32, #tpu.memory_space<vmem_shared>>
      %dma_start3A_316 = tpu.memref_slice %arg18[%mul3A_148] : memref<12800xf32, #tpu.memory_space<vmem_shared>> -> memref<800xf32, #tpu.memory_space<vmem_shared>>
      tpu.enqueue_dma source(%arg15 : memref<800xf32, #tpu.memory_space<vmem>>) target(%dma_start3A_316 : memref<800xf32, #tpu.memory_space<vmem_shared>>) target_semaphore(%run_scoped3A : memref<!tpu.dma_semaphore, #tpu.memory_space<semaphore_mem>>)
      %dma_wait3A = tpu.memref_slice %arg18[%mul3A_148] : memref<12800xf32, #tpu.memory_space<vmem_shared>> -> memref<800xf32, #tpu.memory_space<vmem_shared>>
      %dma_wait3A_317 = tpu.memref_slice %arg18[%mul3A_148] : memref<12800xf32, #tpu.memory_space<vmem_shared>> -> memref<800xf32, #tpu.memory_space<vmem_shared>>
      tpu.wait_dma2 semaphore(%run_scoped3A : memref<!tpu.dma_semaphore, #tpu.memory_space<semaphore_mem>>) src(%arg15 : memref<800xf32, #tpu.memory_space<vmem>>) dst(%dma_wait3A_317 : memref<800xf32, #tpu.memory_space<vmem_shared>>)
      tpu.yield
    }) : () -> ()
    %barrier3A = arith.constant 0 : index
    tpu.barrier barrier_id(%barrier3A)
    %scan3A_149 = arith.constant 0 : i32
    %scan3A_150 = arith.constant 0 : i32
    %scan3A_151 = arith.constant 14 : i32
    %scan3A_152 = arith.addi %scan3A_150, %scan3A_151 : i32
    %scan3A_153 = arith.constant 1 : i32
    %scan3A_154 = scf.for %scan3A_316 = %scan3A_150 to %scan3A_152 step %scan3A_153 iter_args(%scan3A_317 = %scan3A_149) -> (i32)  : i32 {
      %mul3A_318 = arith.constant 196 : i32
      %mul3A_319 = arith.muli %arg1, %mul3A_318 : i32
      %mul3A_320 = arith.constant 14 : i32
      %mul3A_321 = arith.muli %scan3A_316, %mul3A_320 : i32
      %add3A_322 = arith.addi %mul3A_319, %mul3A_321 : i32
      %mul3A_323 = arith.constant 64 : i32
      %mul3A_324 = arith.muli %add3A_322, %mul3A_323 : i32
      "tpu.region"() ({
        %run_scoped3A = tpu.sem_alloc : memref<!tpu.dma_semaphore, #tpu.memory_space<semaphore_mem>>
        %dma_start3A_1660 = tpu.memref_slice %arg4[%mul3A_324] : memref<200704xi32, #tpu.memory_space<hbm>> -> memref<896xi32, #tpu.memory_space<hbm>>
        %dma_start3A_1661 = tpu.memref_slice %arg4[%mul3A_324] : memref<200704xi32, #tpu.memory_space<hbm>> -> memref<896xi32, #tpu.memory_space<hbm>>
        tpu.enqueue_dma source(%dma_start3A_1661 : memref<896xi32, #tpu.memory_space<hbm>>) target(%arg7 : memref<896xi32, #tpu.memory_space<vmem>>) target_semaphore(%run_scoped3A : memref<!tpu.dma_semaphore, #tpu.memory_space<semaphore_mem>>)
        %dma_wait3A_1662 = tpu.memref_slice %arg4[%mul3A_324] : memref<200704xi32, #tpu.memory_space<hbm>> -> memref<896xi32, #tpu.memory_space<hbm>>
        %dma_wait3A_1663 = tpu.memref_slice %arg4[%mul3A_324] : memref<200704xi32, #tpu.memory_space<hbm>> -> memref<896xi32, #tpu.memory_space<hbm>>
        tpu.wait_dma2 semaphore(%run_scoped3A : memref<!tpu.dma_semaphore, #tpu.memory_space<semaphore_mem>>) src(%dma_wait3A_1663 : memref<896xi32, #tpu.memory_space<hbm>>) dst(%arg7 : memref<896xi32, #tpu.memory_space<vmem>>)
        tpu.yield
      }) : () -> ()
      "tpu.region"() ({
        %run_scoped3A = tpu.sem_alloc : memref<!tpu.dma_semaphore, #tpu.memory_space<semaphore_mem>>
        %dma_start3A_1660 = tpu.memref_slice %arg3[%mul3A_324] : memref<200704xi32, #tpu.memory_space<hbm>> -> memref<896xi32, #tpu.memory_space<hbm>>
        %dma_start3A_1661 = tpu.memref_slice %arg3[%mul3A_324] : memref<200704xi32, #tpu.memory_space<hbm>> -> memref<896xi32, #tpu.memory_space<hbm>>
        tpu.enqueue_dma source(%dma_start3A_1661 : memref<896xi32, #tpu.memory_space<hbm>>) target(%arg8 : memref<896xi32, #tpu.memory_space<vmem>>) target_semaphore(%run_scoped3A : memref<!tpu.dma_semaphore, #tpu.memory_space<semaphore_mem>>)
        %dma_wait3A_1662 = tpu.memref_slice %arg3[%mul3A_324] : memref<200704xi32, #tpu.memory_space<hbm>> -> memref<896xi32, #tpu.memory_space<hbm>>
        %dma_wait3A_1663 = tpu.memref_slice %arg3[%mul3A_324] : memref<200704xi32, #tpu.memory_space<hbm>> -> memref<896xi32, #tpu.memory_space<hbm>>
        tpu.wait_dma2 semaphore(%run_scoped3A : memref<!tpu.dma_semaphore, #tpu.memory_space<semaphore_mem>>) src(%dma_wait3A_1663 : memref<896xi32, #tpu.memory_space<hbm>>) dst(%arg8 : memref<896xi32, #tpu.memory_space<vmem>>)
        tpu.yield
      }) : () -> ()
      %get3A = arith.constant 0 : index
      %get3A_325 = tpu.vector_load %arg7[%get3A] {strides = array<i32>} : memref<896xi32, #tpu.memory_space<vmem>>, vector<16xi32>,
      %get3A_326 = vector.shape_cast %get3A_325 : vector<16xi32> to vector<16xi32>
      %sub3A = vector.broadcast %mul3A_26 : i32 to vector<16xi32>
      %sub3A_327 = arith.subi %get3A_326, %sub3A : vector<16xi32>
      %ge3A = arith.constant 0 : i32
      %ge3A_328 = vector.broadcast %ge3A : i32 to vector<16xi32>
      %ge3A_329 = arith.cmpi sge, %sub3A_327, %ge3A_328 : vector<16xi32>
      %lt3A = arith.constant 12544 : i32
      %lt3A_330 = vector.broadcast %lt3A : i32 to vector<16xi32>
      %lt3A_331 = arith.cmpi slt, %sub3A_327, %lt3A_330 : vector<16xi32>
      %and3A = arith.andi %ge3A_329, %lt3A_331 : vector<16xi1>
      %jit3A = arith.constant 12544 : i32
      %broadcast_in_dim3A_332 = vector.broadcast %jit3A : i32 to vector<16xi32>
      %select_n3A = arith.select %and3A, %sub3A_327, %broadcast_in_dim3A_332 : vector<16xi1>, vector<16xi32>
      %swap3A = arith.constant 0 : index
      %swap3A_333 = tpu.vector_load %arg9[%swap3A] {strides = array<i32>} : memref<64xi32, #tpu.memory_space<vmem>>, vector<16xi32>,
      %swap3A_334 = vector.shape_cast %swap3A_333 : vector<16xi32> to vector<16xi32>
      %swap3A_335 = vector.shape_cast %select_n3A : vector<16xi32> to vector<16xi32>
      tpu.vector_store %arg9[%swap3A], %swap3A_335 {strides = array<i32>} : memref<64xi32, #tpu.memory_space<vmem>>, vector<16xi32>,
      %get3A_336 = arith.constant 16 : index
      %get3A_337 = tpu.vector_load %arg7[%get3A_336] {strides = array<i32>} : memref<896xi32, #tpu.memory_space<vmem>>, vector<16xi32>,
      %get3A_338 = vector.shape_cast %get3A_337 : vector<16xi32> to vector<16xi32>
      %sub3A_339 = vector.broadcast %mul3A_26 : i32 to vector<16xi32>
      %sub3A_340 = arith.subi %get3A_338, %sub3A_339 : vector<16xi32>
      %ge3A_341 = arith.constant 0 : i32
      %ge3A_342 = vector.broadcast %ge3A_341 : i32 to vector<16xi32>
      %ge3A_343 = arith.cmpi sge, %sub3A_340, %ge3A_342 : vector<16xi32>
      %lt3A_344 = arith.constant 12544 : i32
      %lt3A_345 = vector.broadcast %lt3A_344 : i32 to vector<16xi32>
      %lt3A_346 = arith.cmpi slt, %sub3A_340, %lt3A_345 : vector<16xi32>
      %and3A_347 = arith.andi %ge3A_343, %lt3A_346 : vector<16xi1>
      %jit3A_348 = arith.constant 12544 : i32
      %broadcast_in_dim3A_349 = vector.broadcast %jit3A_348 : i32 to vector<16xi32>
      %select_n3A_350 = arith.select %and3A_347, %sub3A_340, %broadcast_in_dim3A_349 : vector<16xi1>, vector<16xi32>
      %swap3A_351 = arith.constant 16 : index
      %swap3A_352 = tpu.vector_load %arg9[%swap3A_351] {strides = array<i32>} : memref<64xi32, #tpu.memory_space<vmem>>, vector<16xi32>,
      %swap3A_353 = vector.shape_cast %swap3A_352 : vector<16xi32> to vector<16xi32>
      %swap3A_354 = vector.shape_cast %select_n3A_350 : vector<16xi32> to vector<16xi32>
      tpu.vector_store %arg9[%swap3A_351], %swap3A_354 {strides = array<i32>} : memref<64xi32, #tpu.memory_space<vmem>>, vector<16xi32>,
      %get3A_355 = arith.constant 32 : index
      %get3A_356 = tpu.vector_load %arg7[%get3A_355] {strides = array<i32>} : memref<896xi32, #tpu.memory_space<vmem>>, vector<16xi32>,
      %get3A_357 = vector.shape_cast %get3A_356 : vector<16xi32> to vector<16xi32>
      %sub3A_358 = vector.broadcast %mul3A_26 : i32 to vector<16xi32>
      %sub3A_359 = arith.subi %get3A_357, %sub3A_358 : vector<16xi32>
      %ge3A_360 = arith.constant 0 : i32
      %ge3A_361 = vector.broadcast %ge3A_360 : i32 to vector<16xi32>
      %ge3A_362 = arith.cmpi sge, %sub3A_359, %ge3A_361 : vector<16xi32>
      %lt3A_363 = arith.constant 12544 : i32
      %lt3A_364 = vector.broadcast %lt3A_363 : i32 to vector<16xi32>
      %lt3A_365 = arith.cmpi slt, %sub3A_359, %lt3A_364 : vector<16xi32>
      %and3A_366 = arith.andi %ge3A_362, %lt3A_365 : vector<16xi1>
      %jit3A_367 = arith.constant 12544 : i32
      %broadcast_in_dim3A_368 = vector.broadcast %jit3A_367 : i32 to vector<16xi32>
      %select_n3A_369 = arith.select %and3A_366, %sub3A_359, %broadcast_in_dim3A_368 : vector<16xi1>, vector<16xi32>
      %swap3A_370 = arith.constant 32 : index
      %swap3A_371 = tpu.vector_load %arg9[%swap3A_370] {strides = array<i32>} : memref<64xi32, #tpu.memory_space<vmem>>, vector<16xi32>,
      %swap3A_372 = vector.shape_cast %swap3A_371 : vector<16xi32> to vector<16xi32>
      %swap3A_373 = vector.shape_cast %select_n3A_369 : vector<16xi32> to vector<16xi32>
      tpu.vector_store %arg9[%swap3A_370], %swap3A_373 {strides = array<i32>} : memref<64xi32, #tpu.memory_space<vmem>>, vector<16xi32>,
      %get3A_374 = arith.constant 48 : index
      %get3A_375 = tpu.vector_load %arg7[%get3A_374] {strides = array<i32>} : memref<896xi32, #tpu.memory_space<vmem>>, vector<16xi32>,
      %get3A_376 = vector.shape_cast %get3A_375 : vector<16xi32> to vector<16xi32>
      %sub3A_377 = vector.broadcast %mul3A_26 : i32 to vector<16xi32>
      %sub3A_378 = arith.subi %get3A_376, %sub3A_377 : vector<16xi32>
      %ge3A_379 = arith.constant 0 : i32
      %ge3A_380 = vector.broadcast %ge3A_379 : i32 to vector<16xi32>
      %ge3A_381 = arith.cmpi sge, %sub3A_378, %ge3A_380 : vector<16xi32>
      %lt3A_382 = arith.constant 12544 : i32
      %lt3A_383 = vector.broadcast %lt3A_382 : i32 to vector<16xi32>
      %lt3A_384 = arith.cmpi slt, %sub3A_378, %lt3A_383 : vector<16xi32>
      %and3A_385 = arith.andi %ge3A_381, %lt3A_384 : vector<16xi1>
      %jit3A_386 = arith.constant 12544 : i32
      %broadcast_in_dim3A_387 = vector.broadcast %jit3A_386 : i32 to vector<16xi32>
      %select_n3A_388 = arith.select %and3A_385, %sub3A_378, %broadcast_in_dim3A_387 : vector<16xi1>, vector<16xi32>
      %swap3A_389 = arith.constant 48 : index
      %swap3A_390 = tpu.vector_load %arg9[%swap3A_389] {strides = array<i32>} : memref<64xi32, #tpu.memory_space<vmem>>, vector<16xi32>,
      %swap3A_391 = vector.shape_cast %swap3A_390 : vector<16xi32> to vector<16xi32>
      %swap3A_392 = vector.shape_cast %select_n3A_388 : vector<16xi32> to vector<16xi32>
      tpu.vector_store %arg9[%swap3A_389], %swap3A_392 {strides = array<i32>} : memref<64xi32, #tpu.memory_space<vmem>>, vector<16xi32>,
      %dma_start3A = arith.constant 0 : i32
      %dma_start3A_393 = tpu.memref_slice %arg8[%dma_start3A] : memref<896xi32, #tpu.memory_space<vmem>> -> memref<64xi32, #tpu.memory_space<vmem>>
      %dma_start3A_394 = arith.constant 0 : i32
      %dma_start3A_395 = arith.constant 0 : i32
      %dma_start3A_396 = tpu.memref_slice %arg2[%dma_start3A_394, %dma_start3A_395] : memref<100000x128xf32, #tpu.memory_space<hbm>> -> memref<100000x128xf32, #tpu.memory_space<hbm>>
      tpu.enqueue_indirect_dma source(%dma_start3A_396 : memref<100000x128xf32, #tpu.memory_space<hbm>>) target(%arg10 : memref<64x128xf32, #tpu.memory_space<vmem>>) offsets(%dma_start3A_393 : memref<64xi32, #tpu.memory_space<vmem>>) semaphore(%arg19 : memref<!tpu.dma_semaphore, #tpu.memory_space<semaphore_mem>>)
      %get3A_397 = arith.constant 64 : index
      %get3A_398 = tpu.vector_load %arg7[%get3A_397] {strides = array<i32>} : memref<896xi32, #tpu.memory_space<vmem>>, vector<16xi32>,
      %get3A_399 = vector.shape_cast %get3A_398 : vector<16xi32> to vector<16xi32>
      %sub3A_400 = vector.broadcast %mul3A_26 : i32 to vector<16xi32>
      %sub3A_401 = arith.subi %get3A_399, %sub3A_400 : vector<16xi32>
      %ge3A_402 = arith.constant 0 : i32
      %ge3A_403 = vector.broadcast %ge3A_402 : i32 to vector<16xi32>
      %ge3A_404 = arith.cmpi sge, %sub3A_401, %ge3A_403 : vector<16xi32>
      %lt3A_405 = arith.constant 12544 : i32
      %lt3A_406 = vector.broadcast %lt3A_405 : i32 to vector<16xi32>
      %lt3A_407 = arith.cmpi slt, %sub3A_401, %lt3A_406 : vector<16xi32>
      %and3A_408 = arith.andi %ge3A_404, %lt3A_407 : vector<16xi1>
      %jit3A_409 = arith.constant 12544 : i32
      %broadcast_in_dim3A_410 = vector.broadcast %jit3A_409 : i32 to vector<16xi32>
      %select_n3A_411 = arith.select %and3A_408, %sub3A_401, %broadcast_in_dim3A_410 : vector<16xi1>, vector<16xi32>
      %swap3A_412 = arith.constant 0 : index
      %swap3A_413 = tpu.vector_load %arg11[%swap3A_412] {strides = array<i32>} : memref<64xi32, #tpu.memory_space<vmem>>, vector<16xi32>,
      %swap3A_414 = vector.shape_cast %swap3A_413 : vector<16xi32> to vector<16xi32>
      %swap3A_415 = vector.shape_cast %select_n3A_411 : vector<16xi32> to vector<16xi32>
      tpu.vector_store %arg11[%swap3A_412], %swap3A_415 {strides = array<i32>} : memref<64xi32, #tpu.memory_space<vmem>>, vector<16xi32>,
      %get3A_416 = arith.constant 80 : index
      %get3A_417 = tpu.vector_load %arg7[%get3A_416] {strides = array<i32>} : memref<896xi32, #tpu.memory_space<vmem>>, vector<16xi32>,
      %get3A_418 = vector.shape_cast %get3A_417 : vector<16xi32> to vector<16xi32>
      %sub3A_419 = vector.broadcast %mul3A_26 : i32 to vector<16xi32>
      %sub3A_420 = arith.subi %get3A_418, %sub3A_419 : vector<16xi32>
      %ge3A_421 = arith.constant 0 : i32
      %ge3A_422 = vector.broadcast %ge3A_421 : i32 to vector<16xi32>
      %ge3A_423 = arith.cmpi sge, %sub3A_420, %ge3A_422 : vector<16xi32>
      %lt3A_424 = arith.constant 12544 : i32
      %lt3A_425 = vector.broadcast %lt3A_424 : i32 to vector<16xi32>
      %lt3A_426 = arith.cmpi slt, %sub3A_420, %lt3A_425 : vector<16xi32>
      %and3A_427 = arith.andi %ge3A_423, %lt3A_426 : vector<16xi1>
      %jit3A_428 = arith.constant 12544 : i32
      %broadcast_in_dim3A_429 = vector.broadcast %jit3A_428 : i32 to vector<16xi32>
      %select_n3A_430 = arith.select %and3A_427, %sub3A_420, %broadcast_in_dim3A_429 : vector<16xi1>, vector<16xi32>
      %swap3A_431 = arith.constant 16 : index
      %swap3A_432 = tpu.vector_load %arg11[%swap3A_431] {strides = array<i32>} : memref<64xi32, #tpu.memory_space<vmem>>, vector<16xi32>,
      %swap3A_433 = vector.shape_cast %swap3A_432 : vector<16xi32> to vector<16xi32>
      %swap3A_434 = vector.shape_cast %select_n3A_430 : vector<16xi32> to vector<16xi32>
      tpu.vector_store %arg11[%swap3A_431], %swap3A_434 {strides = array<i32>} : memref<64xi32, #tpu.memory_space<vmem>>, vector<16xi32>,
      %get3A_435 = arith.constant 96 : index
      %get3A_436 = tpu.vector_load %arg7[%get3A_435] {strides = array<i32>} : memref<896xi32, #tpu.memory_space<vmem>>, vector<16xi32>,
      %get3A_437 = vector.shape_cast %get3A_436 : vector<16xi32> to vector<16xi32>
      %sub3A_438 = vector.broadcast %mul3A_26 : i32 to vector<16xi32>
      %sub3A_439 = arith.subi %get3A_437, %sub3A_438 : vector<16xi32>
      %ge3A_440 = arith.constant 0 : i32
      %ge3A_441 = vector.broadcast %ge3A_440 : i32 to vector<16xi32>
      %ge3A_442 = arith.cmpi sge, %sub3A_439, %ge3A_441 : vector<16xi32>
      %lt3A_443 = arith.constant 12544 : i32
      %lt3A_444 = vector.broadcast %lt3A_443 : i32 to vector<16xi32>
      %lt3A_445 = arith.cmpi slt, %sub3A_439, %lt3A_444 : vector<16xi32>
      %and3A_446 = arith.andi %ge3A_442, %lt3A_445 : vector<16xi1>
      %jit3A_447 = arith.constant 12544 : i32
      %broadcast_in_dim3A_448 = vector.broadcast %jit3A_447 : i32 to vector<16xi32>
      %select_n3A_449 = arith.select %and3A_446, %sub3A_439, %broadcast_in_dim3A_448 : vector<16xi1>, vector<16xi32>
      %swap3A_450 = arith.constant 32 : index
      %swap3A_451 = tpu.vector_load %arg11[%swap3A_450] {strides = array<i32>} : memref<64xi32, #tpu.memory_space<vmem>>, vector<16xi32>,
      %swap3A_452 = vector.shape_cast %swap3A_451 : vector<16xi32> to vector<16xi32>
      %swap3A_453 = vector.shape_cast %select_n3A_449 : vector<16xi32> to vector<16xi32>
      tpu.vector_store %arg11[%swap3A_450], %swap3A_453 {strides = array<i32>} : memref<64xi32, #tpu.memory_space<vmem>>, vector<16xi32>,
      %get3A_454 = arith.constant 112 : index
      %get3A_455 = tpu.vector_load %arg7[%get3A_454] {strides = array<i32>} : memref<896xi32, #tpu.memory_space<vmem>>, vector<16xi32>,
      %get3A_456 = vector.shape_cast %get3A_455 : vector<16xi32> to vector<16xi32>
      %sub3A_457 = vector.broadcast %mul3A_26 : i32 to vector<16xi32>
      %sub3A_458 = arith.subi %get3A_456, %sub3A_457 : vector<16xi32>
      %ge3A_459 = arith.constant 0 : i32
      %ge3A_460 = vector.broadcast %ge3A_459 : i32 to vector<16xi32>
      %ge3A_461 = arith.cmpi sge, %sub3A_458, %ge3A_460 : vector<16xi32>
      %lt3A_462 = arith.constant 12544 : i32
      %lt3A_463 = vector.broadcast %lt3A_462 : i32 to vector<16xi32>
      %lt3A_464 = arith.cmpi slt, %sub3A_458, %lt3A_463 : vector<16xi32>
      %and3A_465 = arith.andi %ge3A_461, %lt3A_464 : vector<16xi1>
      %jit3A_466 = arith.constant 12544 : i32
      %broadcast_in_dim3A_467 = vector.broadcast %jit3A_466 : i32 to vector<16xi32>
      %select_n3A_468 = arith.select %and3A_465, %sub3A_458, %broadcast_in_dim3A_467 : vector<16xi1>, vector<16xi32>
      %swap3A_469 = arith.constant 48 : index
      %swap3A_470 = tpu.vector_load %arg11[%swap3A_469] {strides = array<i32>} : memref<64xi32, #tpu.memory_space<vmem>>, vector<16xi32>,
      %swap3A_471 = vector.shape_cast %swap3A_470 : vector<16xi32> to vector<16xi32>
      %swap3A_472 = vector.shape_cast %select_n3A_468 : vector<16xi32> to vector<16xi32>
      tpu.vector_store %arg11[%swap3A_469], %swap3A_472 {strides = array<i32>} : memref<64xi32, #tpu.memory_space<vmem>>, vector<16xi32>,
      %dma_start3A_473 = arith.constant 64 : i32
      %dma_start3A_474 = tpu.memref_slice %arg8[%dma_start3A_473] : memref<896xi32, #tpu.memory_space<vmem>> -> memref<64xi32, #tpu.memory_space<vmem>>
      %dma_start3A_475 = arith.constant 0 : i32
      %dma_start3A_476 = arith.constant 0 : i32
      %dma_start3A_477 = tpu.memref_slice %arg2[%dma_start3A_475, %dma_start3A_476] : memref<100000x128xf32, #tpu.memory_space<hbm>> -> memref<100000x128xf32, #tpu.memory_space<hbm>>
      tpu.enqueue_indirect_dma source(%dma_start3A_477 : memref<100000x128xf32, #tpu.memory_space<hbm>>) target(%arg12 : memref<64x128xf32, #tpu.memory_space<vmem>>) offsets(%dma_start3A_474 : memref<64xi32, #tpu.memory_space<vmem>>) semaphore(%arg20 : memref<!tpu.dma_semaphore, #tpu.memory_space<semaphore_mem>>)
      %dma_wait3A = arith.constant 0 : i32
      %dma_wait3A_478 = tpu.memref_slice %arg8[%dma_wait3A] : memref<896xi32, #tpu.memory_space<vmem>> -> memref<64xi32, #tpu.memory_space<vmem>>
      %dma_wait3A_479 = arith.constant 0 : i32
      %dma_wait3A_480 = arith.constant 0 : i32
      %dma_wait3A_481 = tpu.memref_slice %arg2[%dma_wait3A_479, %dma_wait3A_480] : memref<100000x128xf32, #tpu.memory_space<hbm>> -> memref<100000x128xf32, #tpu.memory_space<hbm>>
      tpu.wait_indirect_dma semaphore(%arg19 : memref<!tpu.dma_semaphore, #tpu.memory_space<semaphore_mem>>) src(%dma_wait3A_481 : memref<100000x128xf32, #tpu.memory_space<hbm>>) dst(%arg10 : memref<64x128xf32, #tpu.memory_space<vmem>>)
      %dma_start3A_482 = arith.constant 0 : i32
      %dma_start3A_483 = arith.constant 0 : i32
      %dma_start3A_484 = tpu.memref_slice %arg17[%dma_start3A_482, %dma_start3A_483] : memref<12800x128xf32, #tpu.memory_space<vmem_shared>> -> memref<12800x128xf32, #tpu.memory_space<vmem_shared>>
      tpu.enqueue_indirect_dma source(%arg10 : memref<64x128xf32, #tpu.memory_space<vmem>>) target(%dma_start3A_484 : memref<12800x128xf32, #tpu.memory_space<vmem_shared>>) offsets(%arg9 : memref<64xi32, #tpu.memory_space<vmem>>) semaphore(%arg21 : memref<!tpu.dma_semaphore, #tpu.memory_space<semaphore_mem>>) {add = true}
      %dma_start3A_485 = arith.constant 0 : i32
      %dma_start3A_486 = tpu.memref_slice %arg18[%dma_start3A_485] : memref<12800xf32, #tpu.memory_space<vmem_shared>> -> memref<12800xf32, #tpu.memory_space<vmem_shared>>
      tpu.enqueue_indirect_dma source(%arg13 : memref<64xf32, #tpu.memory_space<vmem>>) target(%dma_start3A_486 : memref<12800xf32, #tpu.memory_space<vmem_shared>>) offsets(%arg9 : memref<64xi32, #tpu.memory_space<vmem>>) semaphore(%arg22 : memref<!tpu.dma_semaphore, #tpu.memory_space<semaphore_mem>>) {add = true}
      %dma_wait3A_487 = arith.constant 0 : i32
      %dma_wait3A_488 = arith.constant 0 : i32
      %dma_wait3A_489 = tpu.memref_slice %arg17[%dma_wait3A_487, %dma_wait3A_488] : memref<12800x128xf32, #tpu.memory_space<vmem_shared>> -> memref<12800x128xf32, #tpu.memory_space<vmem_shared>>
      tpu.wait_indirect_dma semaphore(%arg21 : memref<!tpu.dma_semaphore, #tpu.memory_space<semaphore_mem>>) src(%arg10 : memref<64x128xf32, #tpu.memory_space<vmem>>) dst(%dma_wait3A_489 : memref<12800x128xf32, #tpu.memory_space<vmem_shared>>)
      %dma_wait3A_490 = arith.constant 0 : i32
      %dma_wait3A_491 = tpu.memref_slice %arg18[%dma_wait3A_490] : memref<12800xf32, #tpu.memory_space<vmem_shared>> -> memref<12800xf32, #tpu.memory_space<vmem_shared>>
      tpu.wait_indirect_dma semaphore(%arg22 : memref<!tpu.dma_semaphore, #tpu.memory_space<semaphore_mem>>) src(%arg13 : memref<64xf32, #tpu.memory_space<vmem>>) dst(%dma_wait3A_491 : memref<12800xf32, #tpu.memory_space<vmem_shared>>)
      %get3A_492 = arith.constant 128 : index
      %get3A_493 = tpu.vector_load %arg7[%get3A_492] {strides = array<i32>} : memref<896xi32, #tpu.memory_space<vmem>>, vector<16xi32>,
      %get3A_494 = vector.shape_cast %get3A_493 : vector<16xi32> to vector<16xi32>
      %sub3A_495 = vector.broadcast %mul3A_26 : i32 to vector<16xi32>
      %sub3A_496 = arith.subi %get3A_494, %sub3A_495 : vector<16xi32>
      %ge3A_497 = arith.constant 0 : i32
      %ge3A_498 = vector.broadcast %ge3A_497 : i32 to vector<16xi32>
      %ge3A_499 = arith.cmpi sge, %sub3A_496, %ge3A_498 : vector<16xi32>
      %lt3A_500 = arith.constant 12544 : i32
      %lt3A_501 = vector.broadcast %lt3A_500 : i32 to vector<16xi32>
      %lt3A_502 = arith.cmpi slt, %sub3A_496, %lt3A_501 : vector<16xi32>
      %and3A_503 = arith.andi %ge3A_499, %lt3A_502 : vector<16xi1>
      %jit3A_504 = arith.constant 12544 : i32
      %broadcast_in_dim3A_505 = vector.broadcast %jit3A_504 : i32 to vector<16xi32>
      %select_n3A_506 = arith.select %and3A_503, %sub3A_496, %broadcast_in_dim3A_505 : vector<16xi1>, vector<16xi32>
      %swap3A_507 = arith.constant 0 : index
      %swap3A_508 = tpu.vector_load %arg9[%swap3A_507] {strides = array<i32>} : memref<64xi32, #tpu.memory_space<vmem>>, vector<16xi32>,
      %swap3A_509 = vector.shape_cast %swap3A_508 : vector<16xi32> to vector<16xi32>
      %swap3A_510 = vector.shape_cast %select_n3A_506 : vector<16xi32> to vector<16xi32>
      tpu.vector_store %arg9[%swap3A_507], %swap3A_510 {strides = array<i32>} : memref<64xi32, #tpu.memory_space<vmem>>, vector<16xi32>,
      %get3A_511 = arith.constant 144 : index
      %get3A_512 = tpu.vector_load %arg7[%get3A_511] {strides = array<i32>} : memref<896xi32, #tpu.memory_space<vmem>>, vector<16xi32>,
      %get3A_513 = vector.shape_cast %get3A_512 : vector<16xi32> to vector<16xi32>
      %sub3A_514 = vector.broadcast %mul3A_26 : i32 to vector<16xi32>
      %sub3A_515 = arith.subi %get3A_513, %sub3A_514 : vector<16xi32>
      %ge3A_516 = arith.constant 0 : i32
      %ge3A_517 = vector.broadcast %ge3A_516 : i32 to vector<16xi32>
      %ge3A_518 = arith.cmpi sge, %sub3A_515, %ge3A_517 : vector<16xi32>
      %lt3A_519 = arith.constant 12544 : i32
      %lt3A_520 = vector.broadcast %lt3A_519 : i32 to vector<16xi32>
      %lt3A_521 = arith.cmpi slt, %sub3A_515, %lt3A_520 : vector<16xi32>
      %and3A_522 = arith.andi %ge3A_518, %lt3A_521 : vector<16xi1>
      %jit3A_523 = arith.constant 12544 : i32
      %broadcast_in_dim3A_524 = vector.broadcast %jit3A_523 : i32 to vector<16xi32>
      %select_n3A_525 = arith.select %and3A_522, %sub3A_515, %broadcast_in_dim3A_524 : vector<16xi1>, vector<16xi32>
      %swap3A_526 = arith.constant 16 : index
      %swap3A_527 = tpu.vector_load %arg9[%swap3A_526] {strides = array<i32>} : memref<64xi32, #tpu.memory_space<vmem>>, vector<16xi32>,
      %swap3A_528 = vector.shape_cast %swap3A_527 : vector<16xi32> to vector<16xi32>
      %swap3A_529 = vector.shape_cast %select_n3A_525 : vector<16xi32> to vector<16xi32>
      tpu.vector_store %arg9[%swap3A_526], %swap3A_529 {strides = array<i32>} : memref<64xi32, #tpu.memory_space<vmem>>, vector<16xi32>,
      %get3A_530 = arith.constant 160 : index
      %get3A_531 = tpu.vector_load %arg7[%get3A_530] {strides = array<i32>} : memref<896xi32, #tpu.memory_space<vmem>>, vector<16xi32>,
      %get3A_532 = vector.shape_cast %get3A_531 : vector<16xi32> to vector<16xi32>
      %sub3A_533 = vector.broadcast %mul3A_26 : i32 to vector<16xi32>
      %sub3A_534 = arith.subi %get3A_532, %sub3A_533 : vector<16xi32>
      %ge3A_535 = arith.constant 0 : i32
      %ge3A_536 = vector.broadcast %ge3A_535 : i32 to vector<16xi32>
      %ge3A_537 = arith.cmpi sge, %sub3A_534, %ge3A_536 : vector<16xi32>
      %lt3A_538 = arith.constant 12544 : i32
      %lt3A_539 = vector.broadcast %lt3A_538 : i32 to vector<16xi32>
      %lt3A_540 = arith.cmpi slt, %sub3A_534, %lt3A_539 : vector<16xi32>
      %and3A_541 = arith.andi %ge3A_537, %lt3A_540 : vector<16xi1>
      %jit3A_542 = arith.constant 12544 : i32
      %broadcast_in_dim3A_543 = vector.broadcast %jit3A_542 : i32 to vector<16xi32>
      %select_n3A_544 = arith.select %and3A_541, %sub3A_534, %broadcast_in_dim3A_543 : vector<16xi1>, vector<16xi32>
      %swap3A_545 = arith.constant 32 : index
      %swap3A_546 = tpu.vector_load %arg9[%swap3A_545] {strides = array<i32>} : memref<64xi32, #tpu.memory_space<vmem>>, vector<16xi32>,
      %swap3A_547 = vector.shape_cast %swap3A_546 : vector<16xi32> to vector<16xi32>
      %swap3A_548 = vector.shape_cast %select_n3A_544 : vector<16xi32> to vector<16xi32>
      tpu.vector_store %arg9[%swap3A_545], %swap3A_548 {strides = array<i32>} : memref<64xi32, #tpu.memory_space<vmem>>, vector<16xi32>,
      %get3A_549 = arith.constant 176 : index
      %get3A_550 = tpu.vector_load %arg7[%get3A_549] {strides = array<i32>} : memref<896xi32, #tpu.memory_space<vmem>>, vector<16xi32>,
      %get3A_551 = vector.shape_cast %get3A_550 : vector<16xi32> to vector<16xi32>
      %sub3A_552 = vector.broadcast %mul3A_26 : i32 to vector<16xi32>
      %sub3A_553 = arith.subi %get3A_551, %sub3A_552 : vector<16xi32>
      %ge3A_554 = arith.constant 0 : i32
      %ge3A_555 = vector.broadcast %ge3A_554 : i32 to vector<16xi32>
      %ge3A_556 = arith.cmpi sge, %sub3A_553, %ge3A_555 : vector<16xi32>
      %lt3A_557 = arith.constant 12544 : i32
      %lt3A_558 = vector.broadcast %lt3A_557 : i32 to vector<16xi32>
      %lt3A_559 = arith.cmpi slt, %sub3A_553, %lt3A_558 : vector<16xi32>
      %and3A_560 = arith.andi %ge3A_556, %lt3A_559 : vector<16xi1>
      %jit3A_561 = arith.constant 12544 : i32
      %broadcast_in_dim3A_562 = vector.broadcast %jit3A_561 : i32 to vector<16xi32>
      %select_n3A_563 = arith.select %and3A_560, %sub3A_553, %broadcast_in_dim3A_562 : vector<16xi1>, vector<16xi32>
      %swap3A_564 = arith.constant 48 : index
      %swap3A_565 = tpu.vector_load %arg9[%swap3A_564] {strides = array<i32>} : memref<64xi32, #tpu.memory_space<vmem>>, vector<16xi32>,
      %swap3A_566 = vector.shape_cast %swap3A_565 : vector<16xi32> to vector<16xi32>
      %swap3A_567 = vector.shape_cast %select_n3A_563 : vector<16xi32> to vector<16xi32>
      tpu.vector_store %arg9[%swap3A_564], %swap3A_567 {strides = array<i32>} : memref<64xi32, #tpu.memory_space<vmem>>, vector<16xi32>,
      %dma_start3A_568 = arith.constant 128 : i32
      %dma_start3A_569 = tpu.memref_slice %arg8[%dma_start3A_568] : memref<896xi32, #tpu.memory_space<vmem>> -> memref<64xi32, #tpu.memory_space<vmem>>
      %dma_start3A_570 = arith.constant 0 : i32
      %dma_start3A_571 = arith.constant 0 : i32
      %dma_start3A_572 = tpu.memref_slice %arg2[%dma_start3A_570, %dma_start3A_571] : memref<100000x128xf32, #tpu.memory_space<hbm>> -> memref<100000x128xf32, #tpu.memory_space<hbm>>
      tpu.enqueue_indirect_dma source(%dma_start3A_572 : memref<100000x128xf32, #tpu.memory_space<hbm>>) target(%arg10 : memref<64x128xf32, #tpu.memory_space<vmem>>) offsets(%dma_start3A_569 : memref<64xi32, #tpu.memory_space<vmem>>) semaphore(%arg19 : memref<!tpu.dma_semaphore, #tpu.memory_space<semaphore_mem>>)
      %dma_wait3A_573 = arith.constant 64 : i32
      %dma_wait3A_574 = tpu.memref_slice %arg8[%dma_wait3A_573] : memref<896xi32, #tpu.memory_space<vmem>> -> memref<64xi32, #tpu.memory_space<vmem>>
      %dma_wait3A_575 = arith.constant 0 : i32
      %dma_wait3A_576 = arith.constant 0 : i32
      %dma_wait3A_577 = tpu.memref_slice %arg2[%dma_wait3A_575, %dma_wait3A_576] : memref<100000x128xf32, #tpu.memory_space<hbm>> -> memref<100000x128xf32, #tpu.memory_space<hbm>>
      tpu.wait_indirect_dma semaphore(%arg20 : memref<!tpu.dma_semaphore, #tpu.memory_space<semaphore_mem>>) src(%dma_wait3A_577 : memref<100000x128xf32, #tpu.memory_space<hbm>>) dst(%arg12 : memref<64x128xf32, #tpu.memory_space<vmem>>)
      %dma_start3A_578 = arith.constant 0 : i32
      %dma_start3A_579 = arith.constant 0 : i32
      %dma_start3A_580 = tpu.memref_slice %arg17[%dma_start3A_578, %dma_start3A_579] : memref<12800x128xf32, #tpu.memory_space<vmem_shared>> -> memref<12800x128xf32, #tpu.memory_space<vmem_shared>>
      tpu.enqueue_indirect_dma source(%arg12 : memref<64x128xf32, #tpu.memory_space<vmem>>) target(%dma_start3A_580 : memref<12800x128xf32, #tpu.memory_space<vmem_shared>>) offsets(%arg11 : memref<64xi32, #tpu.memory_space<vmem>>) semaphore(%arg21 : memref<!tpu.dma_semaphore, #tpu.memory_space<semaphore_mem>>) {add = true}
      %dma_start3A_581 = arith.constant 0 : i32
      %dma_start3A_582 = tpu.memref_slice %arg18[%dma_start3A_581] : memref<12800xf32, #tpu.memory_space<vmem_shared>> -> memref<12800xf32, #tpu.memory_space<vmem_shared>>
      tpu.enqueue_indirect_dma source(%arg13 : memref<64xf32, #tpu.memory_space<vmem>>) target(%dma_start3A_582 : memref<12800xf32, #tpu.memory_space<vmem_shared>>) offsets(%arg11 : memref<64xi32, #tpu.memory_space<vmem>>) semaphore(%arg22 : memref<!tpu.dma_semaphore, #tpu.memory_space<semaphore_mem>>) {add = true}
      %dma_wait3A_583 = arith.constant 0 : i32
      %dma_wait3A_584 = arith.constant 0 : i32
      %dma_wait3A_585 = tpu.memref_slice %arg17[%dma_wait3A_583, %dma_wait3A_584] : memref<12800x128xf32, #tpu.memory_space<vmem_shared>> -> memref<12800x128xf32, #tpu.memory_space<vmem_shared>>
      tpu.wait_indirect_dma semaphore(%arg21 : memref<!tpu.dma_semaphore, #tpu.memory_space<semaphore_mem>>) src(%arg12 : memref<64x128xf32, #tpu.memory_space<vmem>>) dst(%dma_wait3A_585 : memref<12800x128xf32, #tpu.memory_space<vmem_shared>>)
      %dma_wait3A_586 = arith.constant 0 : i32
      %dma_wait3A_587 = tpu.memref_slice %arg18[%dma_wait3A_586] : memref<12800xf32, #tpu.memory_space<vmem_shared>> -> memref<12800xf32, #tpu.memory_space<vmem_shared>>
      tpu.wait_indirect_dma semaphore(%arg22 : memref<!tpu.dma_semaphore, #tpu.memory_space<semaphore_mem>>) src(%arg13 : memref<64xf32, #tpu.memory_space<vmem>>) dst(%dma_wait3A_587 : memref<12800xf32, #tpu.memory_space<vmem_shared>>)
      %get3A_588 = arith.constant 192 : index
      %get3A_589 = tpu.vector_load %arg7[%get3A_588] {strides = array<i32>} : memref<896xi32, #tpu.memory_space<vmem>>, vector<16xi32>,
      %get3A_590 = vector.shape_cast %get3A_589 : vector<16xi32> to vector<16xi32>
      %sub3A_591 = vector.broadcast %mul3A_26 : i32 to vector<16xi32>
      %sub3A_592 = arith.subi %get3A_590, %sub3A_591 : vector<16xi32>
      %ge3A_593 = arith.constant 0 : i32
      %ge3A_594 = vector.broadcast %ge3A_593 : i32 to vector<16xi32>
      %ge3A_595 = arith.cmpi sge, %sub3A_592, %ge3A_594 : vector<16xi32>
      %lt3A_596 = arith.constant 12544 : i32
      %lt3A_597 = vector.broadcast %lt3A_596 : i32 to vector<16xi32>
      %lt3A_598 = arith.cmpi slt, %sub3A_592, %lt3A_597 : vector<16xi32>
      %and3A_599 = arith.andi %ge3A_595, %lt3A_598 : vector<16xi1>
      %jit3A_600 = arith.constant 12544 : i32
      %broadcast_in_dim3A_601 = vector.broadcast %jit3A_600 : i32 to vector<16xi32>
      %select_n3A_602 = arith.select %and3A_599, %sub3A_592, %broadcast_in_dim3A_601 : vector<16xi1>, vector<16xi32>
      %swap3A_603 = arith.constant 0 : index
      %swap3A_604 = tpu.vector_load %arg11[%swap3A_603] {strides = array<i32>} : memref<64xi32, #tpu.memory_space<vmem>>, vector<16xi32>,
      %swap3A_605 = vector.shape_cast %swap3A_604 : vector<16xi32> to vector<16xi32>
      %swap3A_606 = vector.shape_cast %select_n3A_602 : vector<16xi32> to vector<16xi32>
      tpu.vector_store %arg11[%swap3A_603], %swap3A_606 {strides = array<i32>} : memref<64xi32, #tpu.memory_space<vmem>>, vector<16xi32>,
      %get3A_607 = arith.constant 208 : index
      %get3A_608 = tpu.vector_load %arg7[%get3A_607] {strides = array<i32>} : memref<896xi32, #tpu.memory_space<vmem>>, vector<16xi32>,
      %get3A_609 = vector.shape_cast %get3A_608 : vector<16xi32> to vector<16xi32>
      %sub3A_610 = vector.broadcast %mul3A_26 : i32 to vector<16xi32>
      %sub3A_611 = arith.subi %get3A_609, %sub3A_610 : vector<16xi32>
      %ge3A_612 = arith.constant 0 : i32
      %ge3A_613 = vector.broadcast %ge3A_612 : i32 to vector<16xi32>
      %ge3A_614 = arith.cmpi sge, %sub3A_611, %ge3A_613 : vector<16xi32>
      %lt3A_615 = arith.constant 12544 : i32
      %lt3A_616 = vector.broadcast %lt3A_615 : i32 to vector<16xi32>
      %lt3A_617 = arith.cmpi slt, %sub3A_611, %lt3A_616 : vector<16xi32>
      %and3A_618 = arith.andi %ge3A_614, %lt3A_617 : vector<16xi1>
      %jit3A_619 = arith.constant 12544 : i32
      %broadcast_in_dim3A_620 = vector.broadcast %jit3A_619 : i32 to vector<16xi32>
      %select_n3A_621 = arith.select %and3A_618, %sub3A_611, %broadcast_in_dim3A_620 : vector<16xi1>, vector<16xi32>
      %swap3A_622 = arith.constant 16 : index
      %swap3A_623 = tpu.vector_load %arg11[%swap3A_622] {strides = array<i32>} : memref<64xi32, #tpu.memory_space<vmem>>, vector<16xi32>,
      %swap3A_624 = vector.shape_cast %swap3A_623 : vector<16xi32> to vector<16xi32>
      %swap3A_625 = vector.shape_cast %select_n3A_621 : vector<16xi32> to vector<16xi32>
      tpu.vector_store %arg11[%swap3A_622], %swap3A_625 {strides = array<i32>} : memref<64xi32, #tpu.memory_space<vmem>>, vector<16xi32>,
      %get3A_626 = arith.constant 224 : index
      %get3A_627 = tpu.vector_load %arg7[%get3A_626] {strides = array<i32>} : memref<896xi32, #tpu.memory_space<vmem>>, vector<16xi32>,
      %get3A_628 = vector.shape_cast %get3A_627 : vector<16xi32> to vector<16xi32>
      %sub3A_629 = vector.broadcast %mul3A_26 : i32 to vector<16xi32>
      %sub3A_630 = arith.subi %get3A_628, %sub3A_629 : vector<16xi32>
      %ge3A_631 = arith.constant 0 : i32
      %ge3A_632 = vector.broadcast %ge3A_631 : i32 to vector<16xi32>
      %ge3A_633 = arith.cmpi sge, %sub3A_630, %ge3A_632 : vector<16xi32>
      %lt3A_634 = arith.constant 12544 : i32
      %lt3A_635 = vector.broadcast %lt3A_634 : i32 to vector<16xi32>
      %lt3A_636 = arith.cmpi slt, %sub3A_630, %lt3A_635 : vector<16xi32>
      %and3A_637 = arith.andi %ge3A_633, %lt3A_636 : vector<16xi1>
      %jit3A_638 = arith.constant 12544 : i32
      %broadcast_in_dim3A_639 = vector.broadcast %jit3A_638 : i32 to vector<16xi32>
      %select_n3A_640 = arith.select %and3A_637, %sub3A_630, %broadcast_in_dim3A_639 : vector<16xi1>, vector<16xi32>
      %swap3A_641 = arith.constant 32 : index
      %swap3A_642 = tpu.vector_load %arg11[%swap3A_641] {strides = array<i32>} : memref<64xi32, #tpu.memory_space<vmem>>, vector<16xi32>,
      %swap3A_643 = vector.shape_cast %swap3A_642 : vector<16xi32> to vector<16xi32>
      %swap3A_644 = vector.shape_cast %select_n3A_640 : vector<16xi32> to vector<16xi32>
      tpu.vector_store %arg11[%swap3A_641], %swap3A_644 {strides = array<i32>} : memref<64xi32, #tpu.memory_space<vmem>>, vector<16xi32>,
      %get3A_645 = arith.constant 240 : index
      %get3A_646 = tpu.vector_load %arg7[%get3A_645] {strides = array<i32>} : memref<896xi32, #tpu.memory_space<vmem>>, vector<16xi32>,
      %get3A_647 = vector.shape_cast %get3A_646 : vector<16xi32> to vector<16xi32>
      %sub3A_648 = vector.broadcast %mul3A_26 : i32 to vector<16xi32>
      %sub3A_649 = arith.subi %get3A_647, %sub3A_648 : vector<16xi32>
      %ge3A_650 = arith.constant 0 : i32
      %ge3A_651 = vector.broadcast %ge3A_650 : i32 to vector<16xi32>
      %ge3A_652 = arith.cmpi sge, %sub3A_649, %ge3A_651 : vector<16xi32>
      %lt3A_653 = arith.constant 12544 : i32
      %lt3A_654 = vector.broadcast %lt3A_653 : i32 to vector<16xi32>
      %lt3A_655 = arith.cmpi slt, %sub3A_649, %lt3A_654 : vector<16xi32>
      %and3A_656 = arith.andi %ge3A_652, %lt3A_655 : vector<16xi1>
      %jit3A_657 = arith.constant 12544 : i32
      %broadcast_in_dim3A_658 = vector.broadcast %jit3A_657 : i32 to vector<16xi32>
      %select_n3A_659 = arith.select %and3A_656, %sub3A_649, %broadcast_in_dim3A_658 : vector<16xi1>, vector<16xi32>
      %swap3A_660 = arith.constant 48 : index
      %swap3A_661 = tpu.vector_load %arg11[%swap3A_660] {strides = array<i32>} : memref<64xi32, #tpu.memory_space<vmem>>, vector<16xi32>,
      %swap3A_662 = vector.shape_cast %swap3A_661 : vector<16xi32> to vector<16xi32>
      %swap3A_663 = vector.shape_cast %select_n3A_659 : vector<16xi32> to vector<16xi32>
      tpu.vector_store %arg11[%swap3A_660], %swap3A_663 {strides = array<i32>} : memref<64xi32, #tpu.memory_space<vmem>>, vector<16xi32>,
      %dma_start3A_664 = arith.constant 192 : i32
      %dma_start3A_665 = tpu.memref_slice %arg8[%dma_start3A_664] : memref<896xi32, #tpu.memory_space<vmem>> -> memref<64xi32, #tpu.memory_space<vmem>>
      %dma_start3A_666 = arith.constant 0 : i32
      %dma_start3A_667 = arith.constant 0 : i32
      %dma_start3A_668 = tpu.memref_slice %arg2[%dma_start3A_666, %dma_start3A_667] : memref<100000x128xf32, #tpu.memory_space<hbm>> -> memref<100000x128xf32, #tpu.memory_space<hbm>>
      tpu.enqueue_indirect_dma source(%dma_start3A_668 : memref<100000x128xf32, #tpu.memory_space<hbm>>) target(%arg12 : memref<64x128xf32, #tpu.memory_space<vmem>>) offsets(%dma_start3A_665 : memref<64xi32, #tpu.memory_space<vmem>>) semaphore(%arg20 : memref<!tpu.dma_semaphore, #tpu.memory_space<semaphore_mem>>)
      %dma_wait3A_669 = arith.constant 128 : i32
      %dma_wait3A_670 = tpu.memref_slice %arg8[%dma_wait3A_669] : memref<896xi32, #tpu.memory_space<vmem>> -> memref<64xi32, #tpu.memory_space<vmem>>
      %dma_wait3A_671 = arith.constant 0 : i32
      %dma_wait3A_672 = arith.constant 0 : i32
      %dma_wait3A_673 = tpu.memref_slice %arg2[%dma_wait3A_671, %dma_wait3A_672] : memref<100000x128xf32, #tpu.memory_space<hbm>> -> memref<100000x128xf32, #tpu.memory_space<hbm>>
      tpu.wait_indirect_dma semaphore(%arg19 : memref<!tpu.dma_semaphore, #tpu.memory_space<semaphore_mem>>) src(%dma_wait3A_673 : memref<100000x128xf32, #tpu.memory_space<hbm>>) dst(%arg10 : memref<64x128xf32, #tpu.memory_space<vmem>>)
      %dma_start3A_674 = arith.constant 0 : i32
      %dma_start3A_675 = arith.constant 0 : i32
      %dma_start3A_676 = tpu.memref_slice %arg17[%dma_start3A_674, %dma_start3A_675] : memref<12800x128xf32, #tpu.memory_space<vmem_shared>> -> memref<12800x128xf32, #tpu.memory_space<vmem_shared>>
      tpu.enqueue_indirect_dma source(%arg10 : memref<64x128xf32, #tpu.memory_space<vmem>>) target(%dma_start3A_676 : memref<12800x128xf32, #tpu.memory_space<vmem_shared>>) offsets(%arg9 : memref<64xi32, #tpu.memory_space<vmem>>) semaphore(%arg21 : memref<!tpu.dma_semaphore, #tpu.memory_space<semaphore_mem>>) {add = true}
      %dma_start3A_677 = arith.constant 0 : i32
      %dma_start3A_678 = tpu.memref_slice %arg18[%dma_start3A_677] : memref<12800xf32, #tpu.memory_space<vmem_shared>> -> memref<12800xf32, #tpu.memory_space<vmem_shared>>
      tpu.enqueue_indirect_dma source(%arg13 : memref<64xf32, #tpu.memory_space<vmem>>) target(%dma_start3A_678 : memref<12800xf32, #tpu.memory_space<vmem_shared>>) offsets(%arg9 : memref<64xi32, #tpu.memory_space<vmem>>) semaphore(%arg22 : memref<!tpu.dma_semaphore, #tpu.memory_space<semaphore_mem>>) {add = true}
      %dma_wait3A_679 = arith.constant 0 : i32
      %dma_wait3A_680 = arith.constant 0 : i32
      %dma_wait3A_681 = tpu.memref_slice %arg17[%dma_wait3A_679, %dma_wait3A_680] : memref<12800x128xf32, #tpu.memory_space<vmem_shared>> -> memref<12800x128xf32, #tpu.memory_space<vmem_shared>>
      tpu.wait_indirect_dma semaphore(%arg21 : memref<!tpu.dma_semaphore, #tpu.memory_space<semaphore_mem>>) src(%arg10 : memref<64x128xf32, #tpu.memory_space<vmem>>) dst(%dma_wait3A_681 : memref<12800x128xf32, #tpu.memory_space<vmem_shared>>)
      %dma_wait3A_682 = arith.constant 0 : i32
      %dma_wait3A_683 = tpu.memref_slice %arg18[%dma_wait3A_682] : memref<12800xf32, #tpu.memory_space<vmem_shared>> -> memref<12800xf32, #tpu.memory_space<vmem_shared>>
      tpu.wait_indirect_dma semaphore(%arg22 : memref<!tpu.dma_semaphore, #tpu.memory_space<semaphore_mem>>) src(%arg13 : memref<64xf32, #tpu.memory_space<vmem>>) dst(%dma_wait3A_683 : memref<12800xf32, #tpu.memory_space<vmem_shared>>)
      %get3A_684 = arith.constant 256 : index
      %get3A_685 = tpu.vector_load %arg7[%get3A_684] {strides = array<i32>} : memref<896xi32, #tpu.memory_space<vmem>>, vector<16xi32>,
      %get3A_686 = vector.shape_cast %get3A_685 : vector<16xi32> to vector<16xi32>
      %sub3A_687 = vector.broadcast %mul3A_26 : i32 to vector<16xi32>
      %sub3A_688 = arith.subi %get3A_686, %sub3A_687 : vector<16xi32>
      %ge3A_689 = arith.constant 0 : i32
      %ge3A_690 = vector.broadcast %ge3A_689 : i32 to vector<16xi32>
      %ge3A_691 = arith.cmpi sge, %sub3A_688, %ge3A_690 : vector<16xi32>
      %lt3A_692 = arith.constant 12544 : i32
      %lt3A_693 = vector.broadcast %lt3A_692 : i32 to vector<16xi32>
      %lt3A_694 = arith.cmpi slt, %sub3A_688, %lt3A_693 : vector<16xi32>
      %and3A_695 = arith.andi %ge3A_691, %lt3A_694 : vector<16xi1>
      %jit3A_696 = arith.constant 12544 : i32
      %broadcast_in_dim3A_697 = vector.broadcast %jit3A_696 : i32 to vector<16xi32>
      %select_n3A_698 = arith.select %and3A_695, %sub3A_688, %broadcast_in_dim3A_697 : vector<16xi1>, vector<16xi32>
      %swap3A_699 = arith.constant 0 : index
      %swap3A_700 = tpu.vector_load %arg9[%swap3A_699] {strides = array<i32>} : memref<64xi32, #tpu.memory_space<vmem>>, vector<16xi32>,
      %swap3A_701 = vector.shape_cast %swap3A_700 : vector<16xi32> to vector<16xi32>
      %swap3A_702 = vector.shape_cast %select_n3A_698 : vector<16xi32> to vector<16xi32>
      tpu.vector_store %arg9[%swap3A_699], %swap3A_702 {strides = array<i32>} : memref<64xi32, #tpu.memory_space<vmem>>, vector<16xi32>,
      %get3A_703 = arith.constant 272 : index
      %get3A_704 = tpu.vector_load %arg7[%get3A_703] {strides = array<i32>} : memref<896xi32, #tpu.memory_space<vmem>>, vector<16xi32>,
      %get3A_705 = vector.shape_cast %get3A_704 : vector<16xi32> to vector<16xi32>
      %sub3A_706 = vector.broadcast %mul3A_26 : i32 to vector<16xi32>
      %sub3A_707 = arith.subi %get3A_705, %sub3A_706 : vector<16xi32>
      %ge3A_708 = arith.constant 0 : i32
      %ge3A_709 = vector.broadcast %ge3A_708 : i32 to vector<16xi32>
      %ge3A_710 = arith.cmpi sge, %sub3A_707, %ge3A_709 : vector<16xi32>
      %lt3A_711 = arith.constant 12544 : i32
      %lt3A_712 = vector.broadcast %lt3A_711 : i32 to vector<16xi32>
      %lt3A_713 = arith.cmpi slt, %sub3A_707, %lt3A_712 : vector<16xi32>
      %and3A_714 = arith.andi %ge3A_710, %lt3A_713 : vector<16xi1>
      %jit3A_715 = arith.constant 12544 : i32
      %broadcast_in_dim3A_716 = vector.broadcast %jit3A_715 : i32 to vector<16xi32>
      %select_n3A_717 = arith.select %and3A_714, %sub3A_707, %broadcast_in_dim3A_716 : vector<16xi1>, vector<16xi32>
      %swap3A_718 = arith.constant 16 : index
      %swap3A_719 = tpu.vector_load %arg9[%swap3A_718] {strides = array<i32>} : memref<64xi32, #tpu.memory_space<vmem>>, vector<16xi32>,
      %swap3A_720 = vector.shape_cast %swap3A_719 : vector<16xi32> to vector<16xi32>
      %swap3A_721 = vector.shape_cast %select_n3A_717 : vector<16xi32> to vector<16xi32>
      tpu.vector_store %arg9[%swap3A_718], %swap3A_721 {strides = array<i32>} : memref<64xi32, #tpu.memory_space<vmem>>, vector<16xi32>,
      %get3A_722 = arith.constant 288 : index
      %get3A_723 = tpu.vector_load %arg7[%get3A_722] {strides = array<i32>} : memref<896xi32, #tpu.memory_space<vmem>>, vector<16xi32>,
      %get3A_724 = vector.shape_cast %get3A_723 : vector<16xi32> to vector<16xi32>
      %sub3A_725 = vector.broadcast %mul3A_26 : i32 to vector<16xi32>
      %sub3A_726 = arith.subi %get3A_724, %sub3A_725 : vector<16xi32>
      %ge3A_727 = arith.constant 0 : i32
      %ge3A_728 = vector.broadcast %ge3A_727 : i32 to vector<16xi32>
      %ge3A_729 = arith.cmpi sge, %sub3A_726, %ge3A_728 : vector<16xi32>
      %lt3A_730 = arith.constant 12544 : i32
      %lt3A_731 = vector.broadcast %lt3A_730 : i32 to vector<16xi32>
      %lt3A_732 = arith.cmpi slt, %sub3A_726, %lt3A_731 : vector<16xi32>
      %and3A_733 = arith.andi %ge3A_729, %lt3A_732 : vector<16xi1>
      %jit3A_734 = arith.constant 12544 : i32
      %broadcast_in_dim3A_735 = vector.broadcast %jit3A_734 : i32 to vector<16xi32>
      %select_n3A_736 = arith.select %and3A_733, %sub3A_726, %broadcast_in_dim3A_735 : vector<16xi1>, vector<16xi32>
      %swap3A_737 = arith.constant 32 : index
      %swap3A_738 = tpu.vector_load %arg9[%swap3A_737] {strides = array<i32>} : memref<64xi32, #tpu.memory_space<vmem>>, vector<16xi32>,
      %swap3A_739 = vector.shape_cast %swap3A_738 : vector<16xi32> to vector<16xi32>
      %swap3A_740 = vector.shape_cast %select_n3A_736 : vector<16xi32> to vector<16xi32>
      tpu.vector_store %arg9[%swap3A_737], %swap3A_740 {strides = array<i32>} : memref<64xi32, #tpu.memory_space<vmem>>, vector<16xi32>,
      %get3A_741 = arith.constant 304 : index
      %get3A_742 = tpu.vector_load %arg7[%get3A_741] {strides = array<i32>} : memref<896xi32, #tpu.memory_space<vmem>>, vector<16xi32>,
      %get3A_743 = vector.shape_cast %get3A_742 : vector<16xi32> to vector<16xi32>
      %sub3A_744 = vector.broadcast %mul3A_26 : i32 to vector<16xi32>
      %sub3A_745 = arith.subi %get3A_743, %sub3A_744 : vector<16xi32>
      %ge3A_746 = arith.constant 0 : i32
      %ge3A_747 = vector.broadcast %ge3A_746 : i32 to vector<16xi32>
      %ge3A_748 = arith.cmpi sge, %sub3A_745, %ge3A_747 : vector<16xi32>
      %lt3A_749 = arith.constant 12544 : i32
      %lt3A_750 = vector.broadcast %lt3A_749 : i32 to vector<16xi32>
      %lt3A_751 = arith.cmpi slt, %sub3A_745, %lt3A_750 : vector<16xi32>
      %and3A_752 = arith.andi %ge3A_748, %lt3A_751 : vector<16xi1>
      %jit3A_753 = arith.constant 12544 : i32
      %broadcast_in_dim3A_754 = vector.broadcast %jit3A_753 : i32 to vector<16xi32>
      %select_n3A_755 = arith.select %and3A_752, %sub3A_745, %broadcast_in_dim3A_754 : vector<16xi1>, vector<16xi32>
      %swap3A_756 = arith.constant 48 : index
      %swap3A_757 = tpu.vector_load %arg9[%swap3A_756] {strides = array<i32>} : memref<64xi32, #tpu.memory_space<vmem>>, vector<16xi32>,
      %swap3A_758 = vector.shape_cast %swap3A_757 : vector<16xi32> to vector<16xi32>
      %swap3A_759 = vector.shape_cast %select_n3A_755 : vector<16xi32> to vector<16xi32>
      tpu.vector_store %arg9[%swap3A_756], %swap3A_759 {strides = array<i32>} : memref<64xi32, #tpu.memory_space<vmem>>, vector<16xi32>,
      %dma_start3A_760 = arith.constant 256 : i32
      %dma_start3A_761 = tpu.memref_slice %arg8[%dma_start3A_760] : memref<896xi32, #tpu.memory_space<vmem>> -> memref<64xi32, #tpu.memory_space<vmem>>
      %dma_start3A_762 = arith.constant 0 : i32
      %dma_start3A_763 = arith.constant 0 : i32
      %dma_start3A_764 = tpu.memref_slice %arg2[%dma_start3A_762, %dma_start3A_763] : memref<100000x128xf32, #tpu.memory_space<hbm>> -> memref<100000x128xf32, #tpu.memory_space<hbm>>
      tpu.enqueue_indirect_dma source(%dma_start3A_764 : memref<100000x128xf32, #tpu.memory_space<hbm>>) target(%arg10 : memref<64x128xf32, #tpu.memory_space<vmem>>) offsets(%dma_start3A_761 : memref<64xi32, #tpu.memory_space<vmem>>) semaphore(%arg19 : memref<!tpu.dma_semaphore, #tpu.memory_space<semaphore_mem>>)
      %dma_wait3A_765 = arith.constant 192 : i32
      %dma_wait3A_766 = tpu.memref_slice %arg8[%dma_wait3A_765] : memref<896xi32, #tpu.memory_space<vmem>> -> memref<64xi32, #tpu.memory_space<vmem>>
      %dma_wait3A_767 = arith.constant 0 : i32
      %dma_wait3A_768 = arith.constant 0 : i32
      %dma_wait3A_769 = tpu.memref_slice %arg2[%dma_wait3A_767, %dma_wait3A_768] : memref<100000x128xf32, #tpu.memory_space<hbm>> -> memref<100000x128xf32, #tpu.memory_space<hbm>>
      tpu.wait_indirect_dma semaphore(%arg20 : memref<!tpu.dma_semaphore, #tpu.memory_space<semaphore_mem>>) src(%dma_wait3A_769 : memref<100000x128xf32, #tpu.memory_space<hbm>>) dst(%arg12 : memref<64x128xf32, #tpu.memory_space<vmem>>)
      %dma_start3A_770 = arith.constant 0 : i32
      %dma_start3A_771 = arith.constant 0 : i32
      %dma_start3A_772 = tpu.memref_slice %arg17[%dma_start3A_770, %dma_start3A_771] : memref<12800x128xf32, #tpu.memory_space<vmem_shared>> -> memref<12800x128xf32, #tpu.memory_space<vmem_shared>>
      tpu.enqueue_indirect_dma source(%arg12 : memref<64x128xf32, #tpu.memory_space<vmem>>) target(%dma_start3A_772 : memref<12800x128xf32, #tpu.memory_space<vmem_shared>>) offsets(%arg11 : memref<64xi32, #tpu.memory_space<vmem>>) semaphore(%arg21 : memref<!tpu.dma_semaphore, #tpu.memory_space<semaphore_mem>>) {add = true}
      %dma_start3A_773 = arith.constant 0 : i32
      %dma_start3A_774 = tpu.memref_slice %arg18[%dma_start3A_773] : memref<12800xf32, #tpu.memory_space<vmem_shared>> -> memref<12800xf32, #tpu.memory_space<vmem_shared>>
      tpu.enqueue_indirect_dma source(%arg13 : memref<64xf32, #tpu.memory_space<vmem>>) target(%dma_start3A_774 : memref<12800xf32, #tpu.memory_space<vmem_shared>>) offsets(%arg11 : memref<64xi32, #tpu.memory_space<vmem>>) semaphore(%arg22 : memref<!tpu.dma_semaphore, #tpu.memory_space<semaphore_mem>>) {add = true}
      %dma_wait3A_775 = arith.constant 0 : i32
      %dma_wait3A_776 = arith.constant 0 : i32
      %dma_wait3A_777 = tpu.memref_slice %arg17[%dma_wait3A_775, %dma_wait3A_776] : memref<12800x128xf32, #tpu.memory_space<vmem_shared>> -> memref<12800x128xf32, #tpu.memory_space<vmem_shared>>
      tpu.wait_indirect_dma semaphore(%arg21 : memref<!tpu.dma_semaphore, #tpu.memory_space<semaphore_mem>>) src(%arg12 : memref<64x128xf32, #tpu.memory_space<vmem>>) dst(%dma_wait3A_777 : memref<12800x128xf32, #tpu.memory_space<vmem_shared>>)
      %dma_wait3A_778 = arith.constant 0 : i32
      %dma_wait3A_779 = tpu.memref_slice %arg18[%dma_wait3A_778] : memref<12800xf32, #tpu.memory_space<vmem_shared>> -> memref<12800xf32, #tpu.memory_space<vmem_shared>>
      tpu.wait_indirect_dma semaphore(%arg22 : memref<!tpu.dma_semaphore, #tpu.memory_space<semaphore_mem>>) src(%arg13 : memref<64xf32, #tpu.memory_space<vmem>>) dst(%dma_wait3A_779 : memref<12800xf32, #tpu.memory_space<vmem_shared>>)
      %get3A_780 = arith.constant 320 : index
      %get3A_781 = tpu.vector_load %arg7[%get3A_780] {strides = array<i32>} : memref<896xi32, #tpu.memory_space<vmem>>, vector<16xi32>,
      %get3A_782 = vector.shape_cast %get3A_781 : vector<16xi32> to vector<16xi32>
      %sub3A_783 = vector.broadcast %mul3A_26 : i32 to vector<16xi32>
      %sub3A_784 = arith.subi %get3A_782, %sub3A_783 : vector<16xi32>
      %ge3A_785 = arith.constant 0 : i32
      %ge3A_786 = vector.broadcast %ge3A_785 : i32 to vector<16xi32>
      %ge3A_787 = arith.cmpi sge, %sub3A_784, %ge3A_786 : vector<16xi32>
      %lt3A_788 = arith.constant 12544 : i32
      %lt3A_789 = vector.broadcast %lt3A_788 : i32 to vector<16xi32>
      %lt3A_790 = arith.cmpi slt, %sub3A_784, %lt3A_789 : vector<16xi32>
      %and3A_791 = arith.andi %ge3A_787, %lt3A_790 : vector<16xi1>
      %jit3A_792 = arith.constant 12544 : i32
      %broadcast_in_dim3A_793 = vector.broadcast %jit3A_792 : i32 to vector<16xi32>
      %select_n3A_794 = arith.select %and3A_791, %sub3A_784, %broadcast_in_dim3A_793 : vector<16xi1>, vector<16xi32>
      %swap3A_795 = arith.constant 0 : index
      %swap3A_796 = tpu.vector_load %arg11[%swap3A_795] {strides = array<i32>} : memref<64xi32, #tpu.memory_space<vmem>>, vector<16xi32>,
      %swap3A_797 = vector.shape_cast %swap3A_796 : vector<16xi32> to vector<16xi32>
      %swap3A_798 = vector.shape_cast %select_n3A_794 : vector<16xi32> to vector<16xi32>
      tpu.vector_store %arg11[%swap3A_795], %swap3A_798 {strides = array<i32>} : memref<64xi32, #tpu.memory_space<vmem>>, vector<16xi32>,
      %get3A_799 = arith.constant 336 : index
      %get3A_800 = tpu.vector_load %arg7[%get3A_799] {strides = array<i32>} : memref<896xi32, #tpu.memory_space<vmem>>, vector<16xi32>,
      %get3A_801 = vector.shape_cast %get3A_800 : vector<16xi32> to vector<16xi32>
      %sub3A_802 = vector.broadcast %mul3A_26 : i32 to vector<16xi32>
      %sub3A_803 = arith.subi %get3A_801, %sub3A_802 : vector<16xi32>
      %ge3A_804 = arith.constant 0 : i32
      %ge3A_805 = vector.broadcast %ge3A_804 : i32 to vector<16xi32>
      %ge3A_806 = arith.cmpi sge, %sub3A_803, %ge3A_805 : vector<16xi32>
      %lt3A_807 = arith.constant 12544 : i32
      %lt3A_808 = vector.broadcast %lt3A_807 : i32 to vector<16xi32>
      %lt3A_809 = arith.cmpi slt, %sub3A_803, %lt3A_808 : vector<16xi32>
      %and3A_810 = arith.andi %ge3A_806, %lt3A_809 : vector<16xi1>
      %jit3A_811 = arith.constant 12544 : i32
      %broadcast_in_dim3A_812 = vector.broadcast %jit3A_811 : i32 to vector<16xi32>
      %select_n3A_813 = arith.select %and3A_810, %sub3A_803, %broadcast_in_dim3A_812 : vector<16xi1>, vector<16xi32>
      %swap3A_814 = arith.constant 16 : index
      %swap3A_815 = tpu.vector_load %arg11[%swap3A_814] {strides = array<i32>} : memref<64xi32, #tpu.memory_space<vmem>>, vector<16xi32>,
      %swap3A_816 = vector.shape_cast %swap3A_815 : vector<16xi32> to vector<16xi32>
      %swap3A_817 = vector.shape_cast %select_n3A_813 : vector<16xi32> to vector<16xi32>
      tpu.vector_store %arg11[%swap3A_814], %swap3A_817 {strides = array<i32>} : memref<64xi32, #tpu.memory_space<vmem>>, vector<16xi32>,
      %get3A_818 = arith.constant 352 : index
      %get3A_819 = tpu.vector_load %arg7[%get3A_818] {strides = array<i32>} : memref<896xi32, #tpu.memory_space<vmem>>, vector<16xi32>,
      %get3A_820 = vector.shape_cast %get3A_819 : vector<16xi32> to vector<16xi32>
      %sub3A_821 = vector.broadcast %mul3A_26 : i32 to vector<16xi32>
      %sub3A_822 = arith.subi %get3A_820, %sub3A_821 : vector<16xi32>
      %ge3A_823 = arith.constant 0 : i32
      %ge3A_824 = vector.broadcast %ge3A_823 : i32 to vector<16xi32>
      %ge3A_825 = arith.cmpi sge, %sub3A_822, %ge3A_824 : vector<16xi32>
      %lt3A_826 = arith.constant 12544 : i32
      %lt3A_827 = vector.broadcast %lt3A_826 : i32 to vector<16xi32>
      %lt3A_828 = arith.cmpi slt, %sub3A_822, %lt3A_827 : vector<16xi32>
      %and3A_829 = arith.andi %ge3A_825, %lt3A_828 : vector<16xi1>
      %jit3A_830 = arith.constant 12544 : i32
      %broadcast_in_dim3A_831 = vector.broadcast %jit3A_830 : i32 to vector<16xi32>
      %select_n3A_832 = arith.select %and3A_829, %sub3A_822, %broadcast_in_dim3A_831 : vector<16xi1>, vector<16xi32>
      %swap3A_833 = arith.constant 32 : index
      %swap3A_834 = tpu.vector_load %arg11[%swap3A_833] {strides = array<i32>} : memref<64xi32, #tpu.memory_space<vmem>>, vector<16xi32>,
      %swap3A_835 = vector.shape_cast %swap3A_834 : vector<16xi32> to vector<16xi32>
      %swap3A_836 = vector.shape_cast %select_n3A_832 : vector<16xi32> to vector<16xi32>
      tpu.vector_store %arg11[%swap3A_833], %swap3A_836 {strides = array<i32>} : memref<64xi32, #tpu.memory_space<vmem>>, vector<16xi32>,
      %get3A_837 = arith.constant 368 : index
      %get3A_838 = tpu.vector_load %arg7[%get3A_837] {strides = array<i32>} : memref<896xi32, #tpu.memory_space<vmem>>, vector<16xi32>,
      %get3A_839 = vector.shape_cast %get3A_838 : vector<16xi32> to vector<16xi32>
      %sub3A_840 = vector.broadcast %mul3A_26 : i32 to vector<16xi32>
      %sub3A_841 = arith.subi %get3A_839, %sub3A_840 : vector<16xi32>
      %ge3A_842 = arith.constant 0 : i32
      %ge3A_843 = vector.broadcast %ge3A_842 : i32 to vector<16xi32>
      %ge3A_844 = arith.cmpi sge, %sub3A_841, %ge3A_843 : vector<16xi32>
      %lt3A_845 = arith.constant 12544 : i32
      %lt3A_846 = vector.broadcast %lt3A_845 : i32 to vector<16xi32>
      %lt3A_847 = arith.cmpi slt, %sub3A_841, %lt3A_846 : vector<16xi32>
      %and3A_848 = arith.andi %ge3A_844, %lt3A_847 : vector<16xi1>
      %jit3A_849 = arith.constant 12544 : i32
      %broadcast_in_dim3A_850 = vector.broadcast %jit3A_849 : i32 to vector<16xi32>
      %select_n3A_851 = arith.select %and3A_848, %sub3A_841, %broadcast_in_dim3A_850 : vector<16xi1>, vector<16xi32>
      %swap3A_852 = arith.constant 48 : index
      %swap3A_853 = tpu.vector_load %arg11[%swap3A_852] {strides = array<i32>} : memref<64xi32, #tpu.memory_space<vmem>>, vector<16xi32>,
      %swap3A_854 = vector.shape_cast %swap3A_853 : vector<16xi32> to vector<16xi32>
      %swap3A_855 = vector.shape_cast %select_n3A_851 : vector<16xi32> to vector<16xi32>
      tpu.vector_store %arg11[%swap3A_852], %swap3A_855 {strides = array<i32>} : memref<64xi32, #tpu.memory_space<vmem>>, vector<16xi32>,
      %dma_start3A_856 = arith.constant 320 : i32
      %dma_start3A_857 = tpu.memref_slice %arg8[%dma_start3A_856] : memref<896xi32, #tpu.memory_space<vmem>> -> memref<64xi32, #tpu.memory_space<vmem>>
      %dma_start3A_858 = arith.constant 0 : i32
      %dma_start3A_859 = arith.constant 0 : i32
      %dma_start3A_860 = tpu.memref_slice %arg2[%dma_start3A_858, %dma_start3A_859] : memref<100000x128xf32, #tpu.memory_space<hbm>> -> memref<100000x128xf32, #tpu.memory_space<hbm>>
      tpu.enqueue_indirect_dma source(%dma_start3A_860 : memref<100000x128xf32, #tpu.memory_space<hbm>>) target(%arg12 : memref<64x128xf32, #tpu.memory_space<vmem>>) offsets(%dma_start3A_857 : memref<64xi32, #tpu.memory_space<vmem>>) semaphore(%arg20 : memref<!tpu.dma_semaphore, #tpu.memory_space<semaphore_mem>>)
      %dma_wait3A_861 = arith.constant 256 : i32
      %dma_wait3A_862 = tpu.memref_slice %arg8[%dma_wait3A_861] : memref<896xi32, #tpu.memory_space<vmem>> -> memref<64xi32, #tpu.memory_space<vmem>>
      %dma_wait3A_863 = arith.constant 0 : i32
      %dma_wait3A_864 = arith.constant 0 : i32
      %dma_wait3A_865 = tpu.memref_slice %arg2[%dma_wait3A_863, %dma_wait3A_864] : memref<100000x128xf32, #tpu.memory_space<hbm>> -> memref<100000x128xf32, #tpu.memory_space<hbm>>
      tpu.wait_indirect_dma semaphore(%arg19 : memref<!tpu.dma_semaphore, #tpu.memory_space<semaphore_mem>>) src(%dma_wait3A_865 : memref<100000x128xf32, #tpu.memory_space<hbm>>) dst(%arg10 : memref<64x128xf32, #tpu.memory_space<vmem>>)
      %dma_start3A_866 = arith.constant 0 : i32
      %dma_start3A_867 = arith.constant 0 : i32
      %dma_start3A_868 = tpu.memref_slice %arg17[%dma_start3A_866, %dma_start3A_867] : memref<12800x128xf32, #tpu.memory_space<vmem_shared>> -> memref<12800x128xf32, #tpu.memory_space<vmem_shared>>
      tpu.enqueue_indirect_dma source(%arg10 : memref<64x128xf32, #tpu.memory_space<vmem>>) target(%dma_start3A_868 : memref<12800x128xf32, #tpu.memory_space<vmem_shared>>) offsets(%arg9 : memref<64xi32, #tpu.memory_space<vmem>>) semaphore(%arg21 : memref<!tpu.dma_semaphore, #tpu.memory_space<semaphore_mem>>) {add = true}
      %dma_start3A_869 = arith.constant 0 : i32
      %dma_start3A_870 = tpu.memref_slice %arg18[%dma_start3A_869] : memref<12800xf32, #tpu.memory_space<vmem_shared>> -> memref<12800xf32, #tpu.memory_space<vmem_shared>>
      tpu.enqueue_indirect_dma source(%arg13 : memref<64xf32, #tpu.memory_space<vmem>>) target(%dma_start3A_870 : memref<12800xf32, #tpu.memory_space<vmem_shared>>) offsets(%arg9 : memref<64xi32, #tpu.memory_space<vmem>>) semaphore(%arg22 : memref<!tpu.dma_semaphore, #tpu.memory_space<semaphore_mem>>) {add = true}
      %dma_wait3A_871 = arith.constant 0 : i32
      %dma_wait3A_872 = arith.constant 0 : i32
      %dma_wait3A_873 = tpu.memref_slice %arg17[%dma_wait3A_871, %dma_wait3A_872] : memref<12800x128xf32, #tpu.memory_space<vmem_shared>> -> memref<12800x128xf32, #tpu.memory_space<vmem_shared>>
      tpu.wait_indirect_dma semaphore(%arg21 : memref<!tpu.dma_semaphore, #tpu.memory_space<semaphore_mem>>) src(%arg10 : memref<64x128xf32, #tpu.memory_space<vmem>>) dst(%dma_wait3A_873 : memref<12800x128xf32, #tpu.memory_space<vmem_shared>>)
      %dma_wait3A_874 = arith.constant 0 : i32
      %dma_wait3A_875 = tpu.memref_slice %arg18[%dma_wait3A_874] : memref<12800xf32, #tpu.memory_space<vmem_shared>> -> memref<12800xf32, #tpu.memory_space<vmem_shared>>
      tpu.wait_indirect_dma semaphore(%arg22 : memref<!tpu.dma_semaphore, #tpu.memory_space<semaphore_mem>>) src(%arg13 : memref<64xf32, #tpu.memory_space<vmem>>) dst(%dma_wait3A_875 : memref<12800xf32, #tpu.memory_space<vmem_shared>>)
      %get3A_876 = arith.constant 384 : index
      %get3A_877 = tpu.vector_load %arg7[%get3A_876] {strides = array<i32>} : memref<896xi32, #tpu.memory_space<vmem>>, vector<16xi32>,
      %get3A_878 = vector.shape_cast %get3A_877 : vector<16xi32> to vector<16xi32>
      %sub3A_879 = vector.broadcast %mul3A_26 : i32 to vector<16xi32>
      %sub3A_880 = arith.subi %get3A_878, %sub3A_879 : vector<16xi32>
      %ge3A_881 = arith.constant 0 : i32
      %ge3A_882 = vector.broadcast %ge3A_881 : i32 to vector<16xi32>
      %ge3A_883 = arith.cmpi sge, %sub3A_880, %ge3A_882 : vector<16xi32>
      %lt3A_884 = arith.constant 12544 : i32
      %lt3A_885 = vector.broadcast %lt3A_884 : i32 to vector<16xi32>
      %lt3A_886 = arith.cmpi slt, %sub3A_880, %lt3A_885 : vector<16xi32>
      %and3A_887 = arith.andi %ge3A_883, %lt3A_886 : vector<16xi1>
      %jit3A_888 = arith.constant 12544 : i32
      %broadcast_in_dim3A_889 = vector.broadcast %jit3A_888 : i32 to vector<16xi32>
      %select_n3A_890 = arith.select %and3A_887, %sub3A_880, %broadcast_in_dim3A_889 : vector<16xi1>, vector<16xi32>
      %swap3A_891 = arith.constant 0 : index
      %swap3A_892 = tpu.vector_load %arg9[%swap3A_891] {strides = array<i32>} : memref<64xi32, #tpu.memory_space<vmem>>, vector<16xi32>,
      %swap3A_893 = vector.shape_cast %swap3A_892 : vector<16xi32> to vector<16xi32>
      %swap3A_894 = vector.shape_cast %select_n3A_890 : vector<16xi32> to vector<16xi32>
      tpu.vector_store %arg9[%swap3A_891], %swap3A_894 {strides = array<i32>} : memref<64xi32, #tpu.memory_space<vmem>>, vector<16xi32>,
      %get3A_895 = arith.constant 400 : index
      %get3A_896 = tpu.vector_load %arg7[%get3A_895] {strides = array<i32>} : memref<896xi32, #tpu.memory_space<vmem>>, vector<16xi32>,
      %get3A_897 = vector.shape_cast %get3A_896 : vector<16xi32> to vector<16xi32>
      %sub3A_898 = vector.broadcast %mul3A_26 : i32 to vector<16xi32>
      %sub3A_899 = arith.subi %get3A_897, %sub3A_898 : vector<16xi32>
      %ge3A_900 = arith.constant 0 : i32
      %ge3A_901 = vector.broadcast %ge3A_900 : i32 to vector<16xi32>
      %ge3A_902 = arith.cmpi sge, %sub3A_899, %ge3A_901 : vector<16xi32>
      %lt3A_903 = arith.constant 12544 : i32
      %lt3A_904 = vector.broadcast %lt3A_903 : i32 to vector<16xi32>
      %lt3A_905 = arith.cmpi slt, %sub3A_899, %lt3A_904 : vector<16xi32>
      %and3A_906 = arith.andi %ge3A_902, %lt3A_905 : vector<16xi1>
      %jit3A_907 = arith.constant 12544 : i32
      %broadcast_in_dim3A_908 = vector.broadcast %jit3A_907 : i32 to vector<16xi32>
      %select_n3A_909 = arith.select %and3A_906, %sub3A_899, %broadcast_in_dim3A_908 : vector<16xi1>, vector<16xi32>
      %swap3A_910 = arith.constant 16 : index
      %swap3A_911 = tpu.vector_load %arg9[%swap3A_910] {strides = array<i32>} : memref<64xi32, #tpu.memory_space<vmem>>, vector<16xi32>,
      %swap3A_912 = vector.shape_cast %swap3A_911 : vector<16xi32> to vector<16xi32>
      %swap3A_913 = vector.shape_cast %select_n3A_909 : vector<16xi32> to vector<16xi32>
      tpu.vector_store %arg9[%swap3A_910], %swap3A_913 {strides = array<i32>} : memref<64xi32, #tpu.memory_space<vmem>>, vector<16xi32>,
      %get3A_914 = arith.constant 416 : index
      %get3A_915 = tpu.vector_load %arg7[%get3A_914] {strides = array<i32>} : memref<896xi32, #tpu.memory_space<vmem>>, vector<16xi32>,
      %get3A_916 = vector.shape_cast %get3A_915 : vector<16xi32> to vector<16xi32>
      %sub3A_917 = vector.broadcast %mul3A_26 : i32 to vector<16xi32>
      %sub3A_918 = arith.subi %get3A_916, %sub3A_917 : vector<16xi32>
      %ge3A_919 = arith.constant 0 : i32
      %ge3A_920 = vector.broadcast %ge3A_919 : i32 to vector<16xi32>
      %ge3A_921 = arith.cmpi sge, %sub3A_918, %ge3A_920 : vector<16xi32>
      %lt3A_922 = arith.constant 12544 : i32
      %lt3A_923 = vector.broadcast %lt3A_922 : i32 to vector<16xi32>
      %lt3A_924 = arith.cmpi slt, %sub3A_918, %lt3A_923 : vector<16xi32>
      %and3A_925 = arith.andi %ge3A_921, %lt3A_924 : vector<16xi1>
      %jit3A_926 = arith.constant 12544 : i32
      %broadcast_in_dim3A_927 = vector.broadcast %jit3A_926 : i32 to vector<16xi32>
      %select_n3A_928 = arith.select %and3A_925, %sub3A_918, %broadcast_in_dim3A_927 : vector<16xi1>, vector<16xi32>
      %swap3A_929 = arith.constant 32 : index
      %swap3A_930 = tpu.vector_load %arg9[%swap3A_929] {strides = array<i32>} : memref<64xi32, #tpu.memory_space<vmem>>, vector<16xi32>,
      %swap3A_931 = vector.shape_cast %swap3A_930 : vector<16xi32> to vector<16xi32>
      %swap3A_932 = vector.shape_cast %select_n3A_928 : vector<16xi32> to vector<16xi32>
      tpu.vector_store %arg9[%swap3A_929], %swap3A_932 {strides = array<i32>} : memref<64xi32, #tpu.memory_space<vmem>>, vector<16xi32>,
      %get3A_933 = arith.constant 432 : index
      %get3A_934 = tpu.vector_load %arg7[%get3A_933] {strides = array<i32>} : memref<896xi32, #tpu.memory_space<vmem>>, vector<16xi32>,
      %get3A_935 = vector.shape_cast %get3A_934 : vector<16xi32> to vector<16xi32>
      %sub3A_936 = vector.broadcast %mul3A_26 : i32 to vector<16xi32>
      %sub3A_937 = arith.subi %get3A_935, %sub3A_936 : vector<16xi32>
      %ge3A_938 = arith.constant 0 : i32
      %ge3A_939 = vector.broadcast %ge3A_938 : i32 to vector<16xi32>
      %ge3A_940 = arith.cmpi sge, %sub3A_937, %ge3A_939 : vector<16xi32>
      %lt3A_941 = arith.constant 12544 : i32
      %lt3A_942 = vector.broadcast %lt3A_941 : i32 to vector<16xi32>
      %lt3A_943 = arith.cmpi slt, %sub3A_937, %lt3A_942 : vector<16xi32>
      %and3A_944 = arith.andi %ge3A_940, %lt3A_943 : vector<16xi1>
      %jit3A_945 = arith.constant 12544 : i32
      %broadcast_in_dim3A_946 = vector.broadcast %jit3A_945 : i32 to vector<16xi32>
      %select_n3A_947 = arith.select %and3A_944, %sub3A_937, %broadcast_in_dim3A_946 : vector<16xi1>, vector<16xi32>
      %swap3A_948 = arith.constant 48 : index
      %swap3A_949 = tpu.vector_load %arg9[%swap3A_948] {strides = array<i32>} : memref<64xi32, #tpu.memory_space<vmem>>, vector<16xi32>,
      %swap3A_950 = vector.shape_cast %swap3A_949 : vector<16xi32> to vector<16xi32>
      %swap3A_951 = vector.shape_cast %select_n3A_947 : vector<16xi32> to vector<16xi32>
      tpu.vector_store %arg9[%swap3A_948], %swap3A_951 {strides = array<i32>} : memref<64xi32, #tpu.memory_space<vmem>>, vector<16xi32>,
      %dma_start3A_952 = arith.constant 384 : i32
      %dma_start3A_953 = tpu.memref_slice %arg8[%dma_start3A_952] : memref<896xi32, #tpu.memory_space<vmem>> -> memref<64xi32, #tpu.memory_space<vmem>>
      %dma_start3A_954 = arith.constant 0 : i32
      %dma_start3A_955 = arith.constant 0 : i32
      %dma_start3A_956 = tpu.memref_slice %arg2[%dma_start3A_954, %dma_start3A_955] : memref<100000x128xf32, #tpu.memory_space<hbm>> -> memref<100000x128xf32, #tpu.memory_space<hbm>>
      tpu.enqueue_indirect_dma source(%dma_start3A_956 : memref<100000x128xf32, #tpu.memory_space<hbm>>) target(%arg10 : memref<64x128xf32, #tpu.memory_space<vmem>>) offsets(%dma_start3A_953 : memref<64xi32, #tpu.memory_space<vmem>>) semaphore(%arg19 : memref<!tpu.dma_semaphore, #tpu.memory_space<semaphore_mem>>)
      %dma_wait3A_957 = arith.constant 320 : i32
      %dma_wait3A_958 = tpu.memref_slice %arg8[%dma_wait3A_957] : memref<896xi32, #tpu.memory_space<vmem>> -> memref<64xi32, #tpu.memory_space<vmem>>
      %dma_wait3A_959 = arith.constant 0 : i32
      %dma_wait3A_960 = arith.constant 0 : i32
      %dma_wait3A_961 = tpu.memref_slice %arg2[%dma_wait3A_959, %dma_wait3A_960] : memref<100000x128xf32, #tpu.memory_space<hbm>> -> memref<100000x128xf32, #tpu.memory_space<hbm>>
      tpu.wait_indirect_dma semaphore(%arg20 : memref<!tpu.dma_semaphore, #tpu.memory_space<semaphore_mem>>) src(%dma_wait3A_961 : memref<100000x128xf32, #tpu.memory_space<hbm>>) dst(%arg12 : memref<64x128xf32, #tpu.memory_space<vmem>>)
      %dma_start3A_962 = arith.constant 0 : i32
      %dma_start3A_963 = arith.constant 0 : i32
      %dma_start3A_964 = tpu.memref_slice %arg17[%dma_start3A_962, %dma_start3A_963] : memref<12800x128xf32, #tpu.memory_space<vmem_shared>> -> memref<12800x128xf32, #tpu.memory_space<vmem_shared>>
      tpu.enqueue_indirect_dma source(%arg12 : memref<64x128xf32, #tpu.memory_space<vmem>>) target(%dma_start3A_964 : memref<12800x128xf32, #tpu.memory_space<vmem_shared>>) offsets(%arg11 : memref<64xi32, #tpu.memory_space<vmem>>) semaphore(%arg21 : memref<!tpu.dma_semaphore, #tpu.memory_space<semaphore_mem>>) {add = true}
      %dma_start3A_965 = arith.constant 0 : i32
      %dma_start3A_966 = tpu.memref_slice %arg18[%dma_start3A_965] : memref<12800xf32, #tpu.memory_space<vmem_shared>> -> memref<12800xf32, #tpu.memory_space<vmem_shared>>
      tpu.enqueue_indirect_dma source(%arg13 : memref<64xf32, #tpu.memory_space<vmem>>) target(%dma_start3A_966 : memref<12800xf32, #tpu.memory_space<vmem_shared>>) offsets(%arg11 : memref<64xi32, #tpu.memory_space<vmem>>) semaphore(%arg22 : memref<!tpu.dma_semaphore, #tpu.memory_space<semaphore_mem>>) {add = true}
      %dma_wait3A_967 = arith.constant 0 : i32
      %dma_wait3A_968 = arith.constant 0 : i32
      %dma_wait3A_969 = tpu.memref_slice %arg17[%dma_wait3A_967, %dma_wait3A_968] : memref<12800x128xf32, #tpu.memory_space<vmem_shared>> -> memref<12800x128xf32, #tpu.memory_space<vmem_shared>>
      tpu.wait_indirect_dma semaphore(%arg21 : memref<!tpu.dma_semaphore, #tpu.memory_space<semaphore_mem>>) src(%arg12 : memref<64x128xf32, #tpu.memory_space<vmem>>) dst(%dma_wait3A_969 : memref<12800x128xf32, #tpu.memory_space<vmem_shared>>)
      %dma_wait3A_970 = arith.constant 0 : i32
      %dma_wait3A_971 = tpu.memref_slice %arg18[%dma_wait3A_970] : memref<12800xf32, #tpu.memory_space<vmem_shared>> -> memref<12800xf32, #tpu.memory_space<vmem_shared>>
      tpu.wait_indirect_dma semaphore(%arg22 : memref<!tpu.dma_semaphore, #tpu.memory_space<semaphore_mem>>) src(%arg13 : memref<64xf32, #tpu.memory_space<vmem>>) dst(%dma_wait3A_971 : memref<12800xf32, #tpu.memory_space<vmem_shared>>)
      %get3A_972 = arith.constant 448 : index
      %get3A_973 = tpu.vector_load %arg7[%get3A_972] {strides = array<i32>} : memref<896xi32, #tpu.memory_space<vmem>>, vector<16xi32>,
      %get3A_974 = vector.shape_cast %get3A_973 : vector<16xi32> to vector<16xi32>
      %sub3A_975 = vector.broadcast %mul3A_26 : i32 to vector<16xi32>
      %sub3A_976 = arith.subi %get3A_974, %sub3A_975 : vector<16xi32>
      %ge3A_977 = arith.constant 0 : i32
      %ge3A_978 = vector.broadcast %ge3A_977 : i32 to vector<16xi32>
      %ge3A_979 = arith.cmpi sge, %sub3A_976, %ge3A_978 : vector<16xi32>
      %lt3A_980 = arith.constant 12544 : i32
      %lt3A_981 = vector.broadcast %lt3A_980 : i32 to vector<16xi32>
      %lt3A_982 = arith.cmpi slt, %sub3A_976, %lt3A_981 : vector<16xi32>
      %and3A_983 = arith.andi %ge3A_979, %lt3A_982 : vector<16xi1>
      %jit3A_984 = arith.constant 12544 : i32
      %broadcast_in_dim3A_985 = vector.broadcast %jit3A_984 : i32 to vector<16xi32>
      %select_n3A_986 = arith.select %and3A_983, %sub3A_976, %broadcast_in_dim3A_985 : vector<16xi1>, vector<16xi32>
      %swap3A_987 = arith.constant 0 : index
      %swap3A_988 = tpu.vector_load %arg11[%swap3A_987] {strides = array<i32>} : memref<64xi32, #tpu.memory_space<vmem>>, vector<16xi32>,
      %swap3A_989 = vector.shape_cast %swap3A_988 : vector<16xi32> to vector<16xi32>
      %swap3A_990 = vector.shape_cast %select_n3A_986 : vector<16xi32> to vector<16xi32>
      tpu.vector_store %arg11[%swap3A_987], %swap3A_990 {strides = array<i32>} : memref<64xi32, #tpu.memory_space<vmem>>, vector<16xi32>,
      %get3A_991 = arith.constant 464 : index
      %get3A_992 = tpu.vector_load %arg7[%get3A_991] {strides = array<i32>} : memref<896xi32, #tpu.memory_space<vmem>>, vector<16xi32>,
      %get3A_993 = vector.shape_cast %get3A_992 : vector<16xi32> to vector<16xi32>
      %sub3A_994 = vector.broadcast %mul3A_26 : i32 to vector<16xi32>
      %sub3A_995 = arith.subi %get3A_993, %sub3A_994 : vector<16xi32>
      %ge3A_996 = arith.constant 0 : i32
      %ge3A_997 = vector.broadcast %ge3A_996 : i32 to vector<16xi32>
      %ge3A_998 = arith.cmpi sge, %sub3A_995, %ge3A_997 : vector<16xi32>
      %lt3A_999 = arith.constant 12544 : i32
      %lt3A_1000 = vector.broadcast %lt3A_999 : i32 to vector<16xi32>
      %lt3A_1001 = arith.cmpi slt, %sub3A_995, %lt3A_1000 : vector<16xi32>
      %and3A_1002 = arith.andi %ge3A_998, %lt3A_1001 : vector<16xi1>
      %jit3A_1003 = arith.constant 12544 : i32
      %broadcast_in_dim3A_1004 = vector.broadcast %jit3A_1003 : i32 to vector<16xi32>
      %select_n3A_1005 = arith.select %and3A_1002, %sub3A_995, %broadcast_in_dim3A_1004 : vector<16xi1>, vector<16xi32>
      %swap3A_1006 = arith.constant 16 : index
      %swap3A_1007 = tpu.vector_load %arg11[%swap3A_1006] {strides = array<i32>} : memref<64xi32, #tpu.memory_space<vmem>>, vector<16xi32>,
      %swap3A_1008 = vector.shape_cast %swap3A_1007 : vector<16xi32> to vector<16xi32>
      %swap3A_1009 = vector.shape_cast %select_n3A_1005 : vector<16xi32> to vector<16xi32>
      tpu.vector_store %arg11[%swap3A_1006], %swap3A_1009 {strides = array<i32>} : memref<64xi32, #tpu.memory_space<vmem>>, vector<16xi32>,
      %get3A_1010 = arith.constant 480 : index
      %get3A_1011 = tpu.vector_load %arg7[%get3A_1010] {strides = array<i32>} : memref<896xi32, #tpu.memory_space<vmem>>, vector<16xi32>,
      %get3A_1012 = vector.shape_cast %get3A_1011 : vector<16xi32> to vector<16xi32>
      %sub3A_1013 = vector.broadcast %mul3A_26 : i32 to vector<16xi32>
      %sub3A_1014 = arith.subi %get3A_1012, %sub3A_1013 : vector<16xi32>
      %ge3A_1015 = arith.constant 0 : i32
      %ge3A_1016 = vector.broadcast %ge3A_1015 : i32 to vector<16xi32>
      %ge3A_1017 = arith.cmpi sge, %sub3A_1014, %ge3A_1016 : vector<16xi32>
      %lt3A_1018 = arith.constant 12544 : i32
      %lt3A_1019 = vector.broadcast %lt3A_1018 : i32 to vector<16xi32>
      %lt3A_1020 = arith.cmpi slt, %sub3A_1014, %lt3A_1019 : vector<16xi32>
      %and3A_1021 = arith.andi %ge3A_1017, %lt3A_1020 : vector<16xi1>
      %jit3A_1022 = arith.constant 12544 : i32
      %broadcast_in_dim3A_1023 = vector.broadcast %jit3A_1022 : i32 to vector<16xi32>
      %select_n3A_1024 = arith.select %and3A_1021, %sub3A_1014, %broadcast_in_dim3A_1023 : vector<16xi1>, vector<16xi32>
      %swap3A_1025 = arith.constant 32 : index
      %swap3A_1026 = tpu.vector_load %arg11[%swap3A_1025] {strides = array<i32>} : memref<64xi32, #tpu.memory_space<vmem>>, vector<16xi32>,
      %swap3A_1027 = vector.shape_cast %swap3A_1026 : vector<16xi32> to vector<16xi32>
      %swap3A_1028 = vector.shape_cast %select_n3A_1024 : vector<16xi32> to vector<16xi32>
      tpu.vector_store %arg11[%swap3A_1025], %swap3A_1028 {strides = array<i32>} : memref<64xi32, #tpu.memory_space<vmem>>, vector<16xi32>,
      %get3A_1029 = arith.constant 496 : index
      %get3A_1030 = tpu.vector_load %arg7[%get3A_1029] {strides = array<i32>} : memref<896xi32, #tpu.memory_space<vmem>>, vector<16xi32>,
      %get3A_1031 = vector.shape_cast %get3A_1030 : vector<16xi32> to vector<16xi32>
      %sub3A_1032 = vector.broadcast %mul3A_26 : i32 to vector<16xi32>
      %sub3A_1033 = arith.subi %get3A_1031, %sub3A_1032 : vector<16xi32>
      %ge3A_1034 = arith.constant 0 : i32
      %ge3A_1035 = vector.broadcast %ge3A_1034 : i32 to vector<16xi32>
      %ge3A_1036 = arith.cmpi sge, %sub3A_1033, %ge3A_1035 : vector<16xi32>
      %lt3A_1037 = arith.constant 12544 : i32
      %lt3A_1038 = vector.broadcast %lt3A_1037 : i32 to vector<16xi32>
      %lt3A_1039 = arith.cmpi slt, %sub3A_1033, %lt3A_1038 : vector<16xi32>
      %and3A_1040 = arith.andi %ge3A_1036, %lt3A_1039 : vector<16xi1>
      %jit3A_1041 = arith.constant 12544 : i32
      %broadcast_in_dim3A_1042 = vector.broadcast %jit3A_1041 : i32 to vector<16xi32>
      %select_n3A_1043 = arith.select %and3A_1040, %sub3A_1033, %broadcast_in_dim3A_1042 : vector<16xi1>, vector<16xi32>
      %swap3A_1044 = arith.constant 48 : index
      %swap3A_1045 = tpu.vector_load %arg11[%swap3A_1044] {strides = array<i32>} : memref<64xi32, #tpu.memory_space<vmem>>, vector<16xi32>,
      %swap3A_1046 = vector.shape_cast %swap3A_1045 : vector<16xi32> to vector<16xi32>
      %swap3A_1047 = vector.shape_cast %select_n3A_1043 : vector<16xi32> to vector<16xi32>
      tpu.vector_store %arg11[%swap3A_1044], %swap3A_1047 {strides = array<i32>} : memref<64xi32, #tpu.memory_space<vmem>>, vector<16xi32>,
      %dma_start3A_1048 = arith.constant 448 : i32
      %dma_start3A_1049 = tpu.memref_slice %arg8[%dma_start3A_1048] : memref<896xi32, #tpu.memory_space<vmem>> -> memref<64xi32, #tpu.memory_space<vmem>>
      %dma_start3A_1050 = arith.constant 0 : i32
      %dma_start3A_1051 = arith.constant 0 : i32
      %dma_start3A_1052 = tpu.memref_slice %arg2[%dma_start3A_1050, %dma_start3A_1051] : memref<100000x128xf32, #tpu.memory_space<hbm>> -> memref<100000x128xf32, #tpu.memory_space<hbm>>
      tpu.enqueue_indirect_dma source(%dma_start3A_1052 : memref<100000x128xf32, #tpu.memory_space<hbm>>) target(%arg12 : memref<64x128xf32, #tpu.memory_space<vmem>>) offsets(%dma_start3A_1049 : memref<64xi32, #tpu.memory_space<vmem>>) semaphore(%arg20 : memref<!tpu.dma_semaphore, #tpu.memory_space<semaphore_mem>>)
      %dma_wait3A_1053 = arith.constant 384 : i32
      %dma_wait3A_1054 = tpu.memref_slice %arg8[%dma_wait3A_1053] : memref<896xi32, #tpu.memory_space<vmem>> -> memref<64xi32, #tpu.memory_space<vmem>>
      %dma_wait3A_1055 = arith.constant 0 : i32
      %dma_wait3A_1056 = arith.constant 0 : i32
      %dma_wait3A_1057 = tpu.memref_slice %arg2[%dma_wait3A_1055, %dma_wait3A_1056] : memref<100000x128xf32, #tpu.memory_space<hbm>> -> memref<100000x128xf32, #tpu.memory_space<hbm>>
      tpu.wait_indirect_dma semaphore(%arg19 : memref<!tpu.dma_semaphore, #tpu.memory_space<semaphore_mem>>) src(%dma_wait3A_1057 : memref<100000x128xf32, #tpu.memory_space<hbm>>) dst(%arg10 : memref<64x128xf32, #tpu.memory_space<vmem>>)
      %dma_start3A_1058 = arith.constant 0 : i32
      %dma_start3A_1059 = arith.constant 0 : i32
      %dma_start3A_1060 = tpu.memref_slice %arg17[%dma_start3A_1058, %dma_start3A_1059] : memref<12800x128xf32, #tpu.memory_space<vmem_shared>> -> memref<12800x128xf32, #tpu.memory_space<vmem_shared>>
      tpu.enqueue_indirect_dma source(%arg10 : memref<64x128xf32, #tpu.memory_space<vmem>>) target(%dma_start3A_1060 : memref<12800x128xf32, #tpu.memory_space<vmem_shared>>) offsets(%arg9 : memref<64xi32, #tpu.memory_space<vmem>>) semaphore(%arg21 : memref<!tpu.dma_semaphore, #tpu.memory_space<semaphore_mem>>) {add = true}
      %dma_start3A_1061 = arith.constant 0 : i32
      %dma_start3A_1062 = tpu.memref_slice %arg18[%dma_start3A_1061] : memref<12800xf32, #tpu.memory_space<vmem_shared>> -> memref<12800xf32, #tpu.memory_space<vmem_shared>>
      tpu.enqueue_indirect_dma source(%arg13 : memref<64xf32, #tpu.memory_space<vmem>>) target(%dma_start3A_1062 : memref<12800xf32, #tpu.memory_space<vmem_shared>>) offsets(%arg9 : memref<64xi32, #tpu.memory_space<vmem>>) semaphore(%arg22 : memref<!tpu.dma_semaphore, #tpu.memory_space<semaphore_mem>>) {add = true}
      %dma_wait3A_1063 = arith.constant 0 : i32
      %dma_wait3A_1064 = arith.constant 0 : i32
      %dma_wait3A_1065 = tpu.memref_slice %arg17[%dma_wait3A_1063, %dma_wait3A_1064] : memref<12800x128xf32, #tpu.memory_space<vmem_shared>> -> memref<12800x128xf32, #tpu.memory_space<vmem_shared>>
      tpu.wait_indirect_dma semaphore(%arg21 : memref<!tpu.dma_semaphore, #tpu.memory_space<semaphore_mem>>) src(%arg10 : memref<64x128xf32, #tpu.memory_space<vmem>>) dst(%dma_wait3A_1065 : memref<12800x128xf32, #tpu.memory_space<vmem_shared>>)
      %dma_wait3A_1066 = arith.constant 0 : i32
      %dma_wait3A_1067 = tpu.memref_slice %arg18[%dma_wait3A_1066] : memref<12800xf32, #tpu.memory_space<vmem_shared>> -> memref<12800xf32, #tpu.memory_space<vmem_shared>>
      tpu.wait_indirect_dma semaphore(%arg22 : memref<!tpu.dma_semaphore, #tpu.memory_space<semaphore_mem>>) src(%arg13 : memref<64xf32, #tpu.memory_space<vmem>>) dst(%dma_wait3A_1067 : memref<12800xf32, #tpu.memory_space<vmem_shared>>)
      %get3A_1068 = arith.constant 512 : index
      %get3A_1069 = tpu.vector_load %arg7[%get3A_1068] {strides = array<i32>} : memref<896xi32, #tpu.memory_space<vmem>>, vector<16xi32>,
      %get3A_1070 = vector.shape_cast %get3A_1069 : vector<16xi32> to vector<16xi32>
      %sub3A_1071 = vector.broadcast %mul3A_26 : i32 to vector<16xi32>
      %sub3A_1072 = arith.subi %get3A_1070, %sub3A_1071 : vector<16xi32>
      %ge3A_1073 = arith.constant 0 : i32
      %ge3A_1074 = vector.broadcast %ge3A_1073 : i32 to vector<16xi32>
      %ge3A_1075 = arith.cmpi sge, %sub3A_1072, %ge3A_1074 : vector<16xi32>
      %lt3A_1076 = arith.constant 12544 : i32
      %lt3A_1077 = vector.broadcast %lt3A_1076 : i32 to vector<16xi32>
      %lt3A_1078 = arith.cmpi slt, %sub3A_1072, %lt3A_1077 : vector<16xi32>
      %and3A_1079 = arith.andi %ge3A_1075, %lt3A_1078 : vector<16xi1>
      %jit3A_1080 = arith.constant 12544 : i32
      %broadcast_in_dim3A_1081 = vector.broadcast %jit3A_1080 : i32 to vector<16xi32>
      %select_n3A_1082 = arith.select %and3A_1079, %sub3A_1072, %broadcast_in_dim3A_1081 : vector<16xi1>, vector<16xi32>
      %swap3A_1083 = arith.constant 0 : index
      %swap3A_1084 = tpu.vector_load %arg9[%swap3A_1083] {strides = array<i32>} : memref<64xi32, #tpu.memory_space<vmem>>, vector<16xi32>,
      %swap3A_1085 = vector.shape_cast %swap3A_1084 : vector<16xi32> to vector<16xi32>
      %swap3A_1086 = vector.shape_cast %select_n3A_1082 : vector<16xi32> to vector<16xi32>
      tpu.vector_store %arg9[%swap3A_1083], %swap3A_1086 {strides = array<i32>} : memref<64xi32, #tpu.memory_space<vmem>>, vector<16xi32>,
      %get3A_1087 = arith.constant 528 : index
      %get3A_1088 = tpu.vector_load %arg7[%get3A_1087] {strides = array<i32>} : memref<896xi32, #tpu.memory_space<vmem>>, vector<16xi32>,
      %get3A_1089 = vector.shape_cast %get3A_1088 : vector<16xi32> to vector<16xi32>
      %sub3A_1090 = vector.broadcast %mul3A_26 : i32 to vector<16xi32>
      %sub3A_1091 = arith.subi %get3A_1089, %sub3A_1090 : vector<16xi32>
      %ge3A_1092 = arith.constant 0 : i32
      %ge3A_1093 = vector.broadcast %ge3A_1092 : i32 to vector<16xi32>
      %ge3A_1094 = arith.cmpi sge, %sub3A_1091, %ge3A_1093 : vector<16xi32>
      %lt3A_1095 = arith.constant 12544 : i32
      %lt3A_1096 = vector.broadcast %lt3A_1095 : i32 to vector<16xi32>
      %lt3A_1097 = arith.cmpi slt, %sub3A_1091, %lt3A_1096 : vector<16xi32>
      %and3A_1098 = arith.andi %ge3A_1094, %lt3A_1097 : vector<16xi1>
      %jit3A_1099 = arith.constant 12544 : i32
      %broadcast_in_dim3A_1100 = vector.broadcast %jit3A_1099 : i32 to vector<16xi32>
      %select_n3A_1101 = arith.select %and3A_1098, %sub3A_1091, %broadcast_in_dim3A_1100 : vector<16xi1>, vector<16xi32>
      %swap3A_1102 = arith.constant 16 : index
      %swap3A_1103 = tpu.vector_load %arg9[%swap3A_1102] {strides = array<i32>} : memref<64xi32, #tpu.memory_space<vmem>>, vector<16xi32>,
      %swap3A_1104 = vector.shape_cast %swap3A_1103 : vector<16xi32> to vector<16xi32>
      %swap3A_1105 = vector.shape_cast %select_n3A_1101 : vector<16xi32> to vector<16xi32>
      tpu.vector_store %arg9[%swap3A_1102], %swap3A_1105 {strides = array<i32>} : memref<64xi32, #tpu.memory_space<vmem>>, vector<16xi32>,
      %get3A_1106 = arith.constant 544 : index
      %get3A_1107 = tpu.vector_load %arg7[%get3A_1106] {strides = array<i32>} : memref<896xi32, #tpu.memory_space<vmem>>, vector<16xi32>,
      %get3A_1108 = vector.shape_cast %get3A_1107 : vector<16xi32> to vector<16xi32>
      %sub3A_1109 = vector.broadcast %mul3A_26 : i32 to vector<16xi32>
      %sub3A_1110 = arith.subi %get3A_1108, %sub3A_1109 : vector<16xi32>
      %ge3A_1111 = arith.constant 0 : i32
      %ge3A_1112 = vector.broadcast %ge3A_1111 : i32 to vector<16xi32>
      %ge3A_1113 = arith.cmpi sge, %sub3A_1110, %ge3A_1112 : vector<16xi32>
      %lt3A_1114 = arith.constant 12544 : i32
      %lt3A_1115 = vector.broadcast %lt3A_1114 : i32 to vector<16xi32>
      %lt3A_1116 = arith.cmpi slt, %sub3A_1110, %lt3A_1115 : vector<16xi32>
      %and3A_1117 = arith.andi %ge3A_1113, %lt3A_1116 : vector<16xi1>
      %jit3A_1118 = arith.constant 12544 : i32
      %broadcast_in_dim3A_1119 = vector.broadcast %jit3A_1118 : i32 to vector<16xi32>
      %select_n3A_1120 = arith.select %and3A_1117, %sub3A_1110, %broadcast_in_dim3A_1119 : vector<16xi1>, vector<16xi32>
      %swap3A_1121 = arith.constant 32 : index
      %swap3A_1122 = tpu.vector_load %arg9[%swap3A_1121] {strides = array<i32>} : memref<64xi32, #tpu.memory_space<vmem>>, vector<16xi32>,
      %swap3A_1123 = vector.shape_cast %swap3A_1122 : vector<16xi32> to vector<16xi32>
      %swap3A_1124 = vector.shape_cast %select_n3A_1120 : vector<16xi32> to vector<16xi32>
      tpu.vector_store %arg9[%swap3A_1121], %swap3A_1124 {strides = array<i32>} : memref<64xi32, #tpu.memory_space<vmem>>, vector<16xi32>,
      %get3A_1125 = arith.constant 560 : index
      %get3A_1126 = tpu.vector_load %arg7[%get3A_1125] {strides = array<i32>} : memref<896xi32, #tpu.memory_space<vmem>>, vector<16xi32>,
      %get3A_1127 = vector.shape_cast %get3A_1126 : vector<16xi32> to vector<16xi32>
      %sub3A_1128 = vector.broadcast %mul3A_26 : i32 to vector<16xi32>
      %sub3A_1129 = arith.subi %get3A_1127, %sub3A_1128 : vector<16xi32>
      %ge3A_1130 = arith.constant 0 : i32
      %ge3A_1131 = vector.broadcast %ge3A_1130 : i32 to vector<16xi32>
      %ge3A_1132 = arith.cmpi sge, %sub3A_1129, %ge3A_1131 : vector<16xi32>
      %lt3A_1133 = arith.constant 12544 : i32
      %lt3A_1134 = vector.broadcast %lt3A_1133 : i32 to vector<16xi32>
      %lt3A_1135 = arith.cmpi slt, %sub3A_1129, %lt3A_1134 : vector<16xi32>
      %and3A_1136 = arith.andi %ge3A_1132, %lt3A_1135 : vector<16xi1>
      %jit3A_1137 = arith.constant 12544 : i32
      %broadcast_in_dim3A_1138 = vector.broadcast %jit3A_1137 : i32 to vector<16xi32>
      %select_n3A_1139 = arith.select %and3A_1136, %sub3A_1129, %broadcast_in_dim3A_1138 : vector<16xi1>, vector<16xi32>
      %swap3A_1140 = arith.constant 48 : index
      %swap3A_1141 = tpu.vector_load %arg9[%swap3A_1140] {strides = array<i32>} : memref<64xi32, #tpu.memory_space<vmem>>, vector<16xi32>,
      %swap3A_1142 = vector.shape_cast %swap3A_1141 : vector<16xi32> to vector<16xi32>
      %swap3A_1143 = vector.shape_cast %select_n3A_1139 : vector<16xi32> to vector<16xi32>
      tpu.vector_store %arg9[%swap3A_1140], %swap3A_1143 {strides = array<i32>} : memref<64xi32, #tpu.memory_space<vmem>>, vector<16xi32>,
      %dma_start3A_1144 = arith.constant 512 : i32
      %dma_start3A_1145 = tpu.memref_slice %arg8[%dma_start3A_1144] : memref<896xi32, #tpu.memory_space<vmem>> -> memref<64xi32, #tpu.memory_space<vmem>>
      %dma_start3A_1146 = arith.constant 0 : i32
      %dma_start3A_1147 = arith.constant 0 : i32
      %dma_start3A_1148 = tpu.memref_slice %arg2[%dma_start3A_1146, %dma_start3A_1147] : memref<100000x128xf32, #tpu.memory_space<hbm>> -> memref<100000x128xf32, #tpu.memory_space<hbm>>
      tpu.enqueue_indirect_dma source(%dma_start3A_1148 : memref<100000x128xf32, #tpu.memory_space<hbm>>) target(%arg10 : memref<64x128xf32, #tpu.memory_space<vmem>>) offsets(%dma_start3A_1145 : memref<64xi32, #tpu.memory_space<vmem>>) semaphore(%arg19 : memref<!tpu.dma_semaphore, #tpu.memory_space<semaphore_mem>>)
      %dma_wait3A_1149 = arith.constant 448 : i32
      %dma_wait3A_1150 = tpu.memref_slice %arg8[%dma_wait3A_1149] : memref<896xi32, #tpu.memory_space<vmem>> -> memref<64xi32, #tpu.memory_space<vmem>>
      %dma_wait3A_1151 = arith.constant 0 : i32
      %dma_wait3A_1152 = arith.constant 0 : i32
      %dma_wait3A_1153 = tpu.memref_slice %arg2[%dma_wait3A_1151, %dma_wait3A_1152] : memref<100000x128xf32, #tpu.memory_space<hbm>> -> memref<100000x128xf32, #tpu.memory_space<hbm>>
      tpu.wait_indirect_dma semaphore(%arg20 : memref<!tpu.dma_semaphore, #tpu.memory_space<semaphore_mem>>) src(%dma_wait3A_1153 : memref<100000x128xf32, #tpu.memory_space<hbm>>) dst(%arg12 : memref<64x128xf32, #tpu.memory_space<vmem>>)
      %dma_start3A_1154 = arith.constant 0 : i32
      %dma_start3A_1155 = arith.constant 0 : i32
      %dma_start3A_1156 = tpu.memref_slice %arg17[%dma_start3A_1154, %dma_start3A_1155] : memref<12800x128xf32, #tpu.memory_space<vmem_shared>> -> memref<12800x128xf32, #tpu.memory_space<vmem_shared>>
      tpu.enqueue_indirect_dma source(%arg12 : memref<64x128xf32, #tpu.memory_space<vmem>>) target(%dma_start3A_1156 : memref<12800x128xf32, #tpu.memory_space<vmem_shared>>) offsets(%arg11 : memref<64xi32, #tpu.memory_space<vmem>>) semaphore(%arg21 : memref<!tpu.dma_semaphore, #tpu.memory_space<semaphore_mem>>) {add = true}
      %dma_start3A_1157 = arith.constant 0 : i32
      %dma_start3A_1158 = tpu.memref_slice %arg18[%dma_start3A_1157] : memref<12800xf32, #tpu.memory_space<vmem_shared>> -> memref<12800xf32, #tpu.memory_space<vmem_shared>>
      tpu.enqueue_indirect_dma source(%arg13 : memref<64xf32, #tpu.memory_space<vmem>>) target(%dma_start3A_1158 : memref<12800xf32, #tpu.memory_space<vmem_shared>>) offsets(%arg11 : memref<64xi32, #tpu.memory_space<vmem>>) semaphore(%arg22 : memref<!tpu.dma_semaphore, #tpu.memory_space<semaphore_mem>>) {add = true}
      %dma_wait3A_1159 = arith.constant 0 : i32
      %dma_wait3A_1160 = arith.constant 0 : i32
      %dma_wait3A_1161 = tpu.memref_slice %arg17[%dma_wait3A_1159, %dma_wait3A_1160] : memref<12800x128xf32, #tpu.memory_space<vmem_shared>> -> memref<12800x128xf32, #tpu.memory_space<vmem_shared>>
      tpu.wait_indirect_dma semaphore(%arg21 : memref<!tpu.dma_semaphore, #tpu.memory_space<semaphore_mem>>) src(%arg12 : memref<64x128xf32, #tpu.memory_space<vmem>>) dst(%dma_wait3A_1161 : memref<12800x128xf32, #tpu.memory_space<vmem_shared>>)
      %dma_wait3A_1162 = arith.constant 0 : i32
      %dma_wait3A_1163 = tpu.memref_slice %arg18[%dma_wait3A_1162] : memref<12800xf32, #tpu.memory_space<vmem_shared>> -> memref<12800xf32, #tpu.memory_space<vmem_shared>>
      tpu.wait_indirect_dma semaphore(%arg22 : memref<!tpu.dma_semaphore, #tpu.memory_space<semaphore_mem>>) src(%arg13 : memref<64xf32, #tpu.memory_space<vmem>>) dst(%dma_wait3A_1163 : memref<12800xf32, #tpu.memory_space<vmem_shared>>)
      %get3A_1164 = arith.constant 576 : index
      %get3A_1165 = tpu.vector_load %arg7[%get3A_1164] {strides = array<i32>} : memref<896xi32, #tpu.memory_space<vmem>>, vector<16xi32>,
      %get3A_1166 = vector.shape_cast %get3A_1165 : vector<16xi32> to vector<16xi32>
      %sub3A_1167 = vector.broadcast %mul3A_26 : i32 to vector<16xi32>
      %sub3A_1168 = arith.subi %get3A_1166, %sub3A_1167 : vector<16xi32>
      %ge3A_1169 = arith.constant 0 : i32
      %ge3A_1170 = vector.broadcast %ge3A_1169 : i32 to vector<16xi32>
      %ge3A_1171 = arith.cmpi sge, %sub3A_1168, %ge3A_1170 : vector<16xi32>
      %lt3A_1172 = arith.constant 12544 : i32
      %lt3A_1173 = vector.broadcast %lt3A_1172 : i32 to vector<16xi32>
      %lt3A_1174 = arith.cmpi slt, %sub3A_1168, %lt3A_1173 : vector<16xi32>
      %and3A_1175 = arith.andi %ge3A_1171, %lt3A_1174 : vector<16xi1>
      %jit3A_1176 = arith.constant 12544 : i32
      %broadcast_in_dim3A_1177 = vector.broadcast %jit3A_1176 : i32 to vector<16xi32>
      %select_n3A_1178 = arith.select %and3A_1175, %sub3A_1168, %broadcast_in_dim3A_1177 : vector<16xi1>, vector<16xi32>
      %swap3A_1179 = arith.constant 0 : index
      %swap3A_1180 = tpu.vector_load %arg11[%swap3A_1179] {strides = array<i32>} : memref<64xi32, #tpu.memory_space<vmem>>, vector<16xi32>,
      %swap3A_1181 = vector.shape_cast %swap3A_1180 : vector<16xi32> to vector<16xi32>
      %swap3A_1182 = vector.shape_cast %select_n3A_1178 : vector<16xi32> to vector<16xi32>
      tpu.vector_store %arg11[%swap3A_1179], %swap3A_1182 {strides = array<i32>} : memref<64xi32, #tpu.memory_space<vmem>>, vector<16xi32>,
      %get3A_1183 = arith.constant 592 : index
      %get3A_1184 = tpu.vector_load %arg7[%get3A_1183] {strides = array<i32>} : memref<896xi32, #tpu.memory_space<vmem>>, vector<16xi32>,
      %get3A_1185 = vector.shape_cast %get3A_1184 : vector<16xi32> to vector<16xi32>
      %sub3A_1186 = vector.broadcast %mul3A_26 : i32 to vector<16xi32>
      %sub3A_1187 = arith.subi %get3A_1185, %sub3A_1186 : vector<16xi32>
      %ge3A_1188 = arith.constant 0 : i32
      %ge3A_1189 = vector.broadcast %ge3A_1188 : i32 to vector<16xi32>
      %ge3A_1190 = arith.cmpi sge, %sub3A_1187, %ge3A_1189 : vector<16xi32>
      %lt3A_1191 = arith.constant 12544 : i32
      %lt3A_1192 = vector.broadcast %lt3A_1191 : i32 to vector<16xi32>
      %lt3A_1193 = arith.cmpi slt, %sub3A_1187, %lt3A_1192 : vector<16xi32>
      %and3A_1194 = arith.andi %ge3A_1190, %lt3A_1193 : vector<16xi1>
      %jit3A_1195 = arith.constant 12544 : i32
      %broadcast_in_dim3A_1196 = vector.broadcast %jit3A_1195 : i32 to vector<16xi32>
      %select_n3A_1197 = arith.select %and3A_1194, %sub3A_1187, %broadcast_in_dim3A_1196 : vector<16xi1>, vector<16xi32>
      %swap3A_1198 = arith.constant 16 : index
      %swap3A_1199 = tpu.vector_load %arg11[%swap3A_1198] {strides = array<i32>} : memref<64xi32, #tpu.memory_space<vmem>>, vector<16xi32>,
      %swap3A_1200 = vector.shape_cast %swap3A_1199 : vector<16xi32> to vector<16xi32>
      %swap3A_1201 = vector.shape_cast %select_n3A_1197 : vector<16xi32> to vector<16xi32>
      tpu.vector_store %arg11[%swap3A_1198], %swap3A_1201 {strides = array<i32>} : memref<64xi32, #tpu.memory_space<vmem>>, vector<16xi32>,
      %get3A_1202 = arith.constant 608 : index
      %get3A_1203 = tpu.vector_load %arg7[%get3A_1202] {strides = array<i32>} : memref<896xi32, #tpu.memory_space<vmem>>, vector<16xi32>,
      %get3A_1204 = vector.shape_cast %get3A_1203 : vector<16xi32> to vector<16xi32>
      %sub3A_1205 = vector.broadcast %mul3A_26 : i32 to vector<16xi32>
      %sub3A_1206 = arith.subi %get3A_1204, %sub3A_1205 : vector<16xi32>
      %ge3A_1207 = arith.constant 0 : i32
      %ge3A_1208 = vector.broadcast %ge3A_1207 : i32 to vector<16xi32>
      %ge3A_1209 = arith.cmpi sge, %sub3A_1206, %ge3A_1208 : vector<16xi32>
      %lt3A_1210 = arith.constant 12544 : i32
      %lt3A_1211 = vector.broadcast %lt3A_1210 : i32 to vector<16xi32>
      %lt3A_1212 = arith.cmpi slt, %sub3A_1206, %lt3A_1211 : vector<16xi32>
      %and3A_1213 = arith.andi %ge3A_1209, %lt3A_1212 : vector<16xi1>
      %jit3A_1214 = arith.constant 12544 : i32
      %broadcast_in_dim3A_1215 = vector.broadcast %jit3A_1214 : i32 to vector<16xi32>
      %select_n3A_1216 = arith.select %and3A_1213, %sub3A_1206, %broadcast_in_dim3A_1215 : vector<16xi1>, vector<16xi32>
      %swap3A_1217 = arith.constant 32 : index
      %swap3A_1218 = tpu.vector_load %arg11[%swap3A_1217] {strides = array<i32>} : memref<64xi32, #tpu.memory_space<vmem>>, vector<16xi32>,
      %swap3A_1219 = vector.shape_cast %swap3A_1218 : vector<16xi32> to vector<16xi32>
      %swap3A_1220 = vector.shape_cast %select_n3A_1216 : vector<16xi32> to vector<16xi32>
      tpu.vector_store %arg11[%swap3A_1217], %swap3A_1220 {strides = array<i32>} : memref<64xi32, #tpu.memory_space<vmem>>, vector<16xi32>,
      %get3A_1221 = arith.constant 624 : index
      %get3A_1222 = tpu.vector_load %arg7[%get3A_1221] {strides = array<i32>} : memref<896xi32, #tpu.memory_space<vmem>>, vector<16xi32>,
      %get3A_1223 = vector.shape_cast %get3A_1222 : vector<16xi32> to vector<16xi32>
      %sub3A_1224 = vector.broadcast %mul3A_26 : i32 to vector<16xi32>
      %sub3A_1225 = arith.subi %get3A_1223, %sub3A_1224 : vector<16xi32>
      %ge3A_1226 = arith.constant 0 : i32
      %ge3A_1227 = vector.broadcast %ge3A_1226 : i32 to vector<16xi32>
      %ge3A_1228 = arith.cmpi sge, %sub3A_1225, %ge3A_1227 : vector<16xi32>
      %lt3A_1229 = arith.constant 12544 : i32
      %lt3A_1230 = vector.broadcast %lt3A_1229 : i32 to vector<16xi32>
      %lt3A_1231 = arith.cmpi slt, %sub3A_1225, %lt3A_1230 : vector<16xi32>
      %and3A_1232 = arith.andi %ge3A_1228, %lt3A_1231 : vector<16xi1>
      %jit3A_1233 = arith.constant 12544 : i32
      %broadcast_in_dim3A_1234 = vector.broadcast %jit3A_1233 : i32 to vector<16xi32>
      %select_n3A_1235 = arith.select %and3A_1232, %sub3A_1225, %broadcast_in_dim3A_1234 : vector<16xi1>, vector<16xi32>
      %swap3A_1236 = arith.constant 48 : index
      %swap3A_1237 = tpu.vector_load %arg11[%swap3A_1236] {strides = array<i32>} : memref<64xi32, #tpu.memory_space<vmem>>, vector<16xi32>,
      %swap3A_1238 = vector.shape_cast %swap3A_1237 : vector<16xi32> to vector<16xi32>
      %swap3A_1239 = vector.shape_cast %select_n3A_1235 : vector<16xi32> to vector<16xi32>
      tpu.vector_store %arg11[%swap3A_1236], %swap3A_1239 {strides = array<i32>} : memref<64xi32, #tpu.memory_space<vmem>>, vector<16xi32>,
      %dma_start3A_1240 = arith.constant 576 : i32
      %dma_start3A_1241 = tpu.memref_slice %arg8[%dma_start3A_1240] : memref<896xi32, #tpu.memory_space<vmem>> -> memref<64xi32, #tpu.memory_space<vmem>>
      %dma_start3A_1242 = arith.constant 0 : i32
      %dma_start3A_1243 = arith.constant 0 : i32
      %dma_start3A_1244 = tpu.memref_slice %arg2[%dma_start3A_1242, %dma_start3A_1243] : memref<100000x128xf32, #tpu.memory_space<hbm>> -> memref<100000x128xf32, #tpu.memory_space<hbm>>
      tpu.enqueue_indirect_dma source(%dma_start3A_1244 : memref<100000x128xf32, #tpu.memory_space<hbm>>) target(%arg12 : memref<64x128xf32, #tpu.memory_space<vmem>>) offsets(%dma_start3A_1241 : memref<64xi32, #tpu.memory_space<vmem>>) semaphore(%arg20 : memref<!tpu.dma_semaphore, #tpu.memory_space<semaphore_mem>>)
      %dma_wait3A_1245 = arith.constant 512 : i32
      %dma_wait3A_1246 = tpu.memref_slice %arg8[%dma_wait3A_1245] : memref<896xi32, #tpu.memory_space<vmem>> -> memref<64xi32, #tpu.memory_space<vmem>>
      %dma_wait3A_1247 = arith.constant 0 : i32
      %dma_wait3A_1248 = arith.constant 0 : i32
      %dma_wait3A_1249 = tpu.memref_slice %arg2[%dma_wait3A_1247, %dma_wait3A_1248] : memref<100000x128xf32, #tpu.memory_space<hbm>> -> memref<100000x128xf32, #tpu.memory_space<hbm>>
      tpu.wait_indirect_dma semaphore(%arg19 : memref<!tpu.dma_semaphore, #tpu.memory_space<semaphore_mem>>) src(%dma_wait3A_1249 : memref<100000x128xf32, #tpu.memory_space<hbm>>) dst(%arg10 : memref<64x128xf32, #tpu.memory_space<vmem>>)
      %dma_start3A_1250 = arith.constant 0 : i32
      %dma_start3A_1251 = arith.constant 0 : i32
      %dma_start3A_1252 = tpu.memref_slice %arg17[%dma_start3A_1250, %dma_start3A_1251] : memref<12800x128xf32, #tpu.memory_space<vmem_shared>> -> memref<12800x128xf32, #tpu.memory_space<vmem_shared>>
      tpu.enqueue_indirect_dma source(%arg10 : memref<64x128xf32, #tpu.memory_space<vmem>>) target(%dma_start3A_1252 : memref<12800x128xf32, #tpu.memory_space<vmem_shared>>) offsets(%arg9 : memref<64xi32, #tpu.memory_space<vmem>>) semaphore(%arg21 : memref<!tpu.dma_semaphore, #tpu.memory_space<semaphore_mem>>) {add = true}
      %dma_start3A_1253 = arith.constant 0 : i32
      %dma_start3A_1254 = tpu.memref_slice %arg18[%dma_start3A_1253] : memref<12800xf32, #tpu.memory_space<vmem_shared>> -> memref<12800xf32, #tpu.memory_space<vmem_shared>>
      tpu.enqueue_indirect_dma source(%arg13 : memref<64xf32, #tpu.memory_space<vmem>>) target(%dma_start3A_1254 : memref<12800xf32, #tpu.memory_space<vmem_shared>>) offsets(%arg9 : memref<64xi32, #tpu.memory_space<vmem>>) semaphore(%arg22 : memref<!tpu.dma_semaphore, #tpu.memory_space<semaphore_mem>>) {add = true}
      %dma_wait3A_1255 = arith.constant 0 : i32
      %dma_wait3A_1256 = arith.constant 0 : i32
      %dma_wait3A_1257 = tpu.memref_slice %arg17[%dma_wait3A_1255, %dma_wait3A_1256] : memref<12800x128xf32, #tpu.memory_space<vmem_shared>> -> memref<12800x128xf32, #tpu.memory_space<vmem_shared>>
      tpu.wait_indirect_dma semaphore(%arg21 : memref<!tpu.dma_semaphore, #tpu.memory_space<semaphore_mem>>) src(%arg10 : memref<64x128xf32, #tpu.memory_space<vmem>>) dst(%dma_wait3A_1257 : memref<12800x128xf32, #tpu.memory_space<vmem_shared>>)
      %dma_wait3A_1258 = arith.constant 0 : i32
      %dma_wait3A_1259 = tpu.memref_slice %arg18[%dma_wait3A_1258] : memref<12800xf32, #tpu.memory_space<vmem_shared>> -> memref<12800xf32, #tpu.memory_space<vmem_shared>>
      tpu.wait_indirect_dma semaphore(%arg22 : memref<!tpu.dma_semaphore, #tpu.memory_space<semaphore_mem>>) src(%arg13 : memref<64xf32, #tpu.memory_space<vmem>>) dst(%dma_wait3A_1259 : memref<12800xf32, #tpu.memory_space<vmem_shared>>)
      %get3A_1260 = arith.constant 640 : index
      %get3A_1261 = tpu.vector_load %arg7[%get3A_1260] {strides = array<i32>} : memref<896xi32, #tpu.memory_space<vmem>>, vector<16xi32>,
      %get3A_1262 = vector.shape_cast %get3A_1261 : vector<16xi32> to vector<16xi32>
      %sub3A_1263 = vector.broadcast %mul3A_26 : i32 to vector<16xi32>
      %sub3A_1264 = arith.subi %get3A_1262, %sub3A_1263 : vector<16xi32>
      %ge3A_1265 = arith.constant 0 : i32
      %ge3A_1266 = vector.broadcast %ge3A_1265 : i32 to vector<16xi32>
      %ge3A_1267 = arith.cmpi sge, %sub3A_1264, %ge3A_1266 : vector<16xi32>
      %lt3A_1268 = arith.constant 12544 : i32
      %lt3A_1269 = vector.broadcast %lt3A_1268 : i32 to vector<16xi32>
      %lt3A_1270 = arith.cmpi slt, %sub3A_1264, %lt3A_1269 : vector<16xi32>
      %and3A_1271 = arith.andi %ge3A_1267, %lt3A_1270 : vector<16xi1>
      %jit3A_1272 = arith.constant 12544 : i32
      %broadcast_in_dim3A_1273 = vector.broadcast %jit3A_1272 : i32 to vector<16xi32>
      %select_n3A_1274 = arith.select %and3A_1271, %sub3A_1264, %broadcast_in_dim3A_1273 : vector<16xi1>, vector<16xi32>
      %swap3A_1275 = arith.constant 0 : index
      %swap3A_1276 = tpu.vector_load %arg9[%swap3A_1275] {strides = array<i32>} : memref<64xi32, #tpu.memory_space<vmem>>, vector<16xi32>,
      %swap3A_1277 = vector.shape_cast %swap3A_1276 : vector<16xi32> to vector<16xi32>
      %swap3A_1278 = vector.shape_cast %select_n3A_1274 : vector<16xi32> to vector<16xi32>
      tpu.vector_store %arg9[%swap3A_1275], %swap3A_1278 {strides = array<i32>} : memref<64xi32, #tpu.memory_space<vmem>>, vector<16xi32>,
      %get3A_1279 = arith.constant 656 : index
      %get3A_1280 = tpu.vector_load %arg7[%get3A_1279] {strides = array<i32>} : memref<896xi32, #tpu.memory_space<vmem>>, vector<16xi32>,
      %get3A_1281 = vector.shape_cast %get3A_1280 : vector<16xi32> to vector<16xi32>
      %sub3A_1282 = vector.broadcast %mul3A_26 : i32 to vector<16xi32>
      %sub3A_1283 = arith.subi %get3A_1281, %sub3A_1282 : vector<16xi32>
      %ge3A_1284 = arith.constant 0 : i32
      %ge3A_1285 = vector.broadcast %ge3A_1284 : i32 to vector<16xi32>
      %ge3A_1286 = arith.cmpi sge, %sub3A_1283, %ge3A_1285 : vector<16xi32>
      %lt3A_1287 = arith.constant 12544 : i32
      %lt3A_1288 = vector.broadcast %lt3A_1287 : i32 to vector<16xi32>
      %lt3A_1289 = arith.cmpi slt, %sub3A_1283, %lt3A_1288 : vector<16xi32>
      %and3A_1290 = arith.andi %ge3A_1286, %lt3A_1289 : vector<16xi1>
      %jit3A_1291 = arith.constant 12544 : i32
      %broadcast_in_dim3A_1292 = vector.broadcast %jit3A_1291 : i32 to vector<16xi32>
      %select_n3A_1293 = arith.select %and3A_1290, %sub3A_1283, %broadcast_in_dim3A_1292 : vector<16xi1>, vector<16xi32>
      %swap3A_1294 = arith.constant 16 : index
      %swap3A_1295 = tpu.vector_load %arg9[%swap3A_1294] {strides = array<i32>} : memref<64xi32, #tpu.memory_space<vmem>>, vector<16xi32>,
      %swap3A_1296 = vector.shape_cast %swap3A_1295 : vector<16xi32> to vector<16xi32>
      %swap3A_1297 = vector.shape_cast %select_n3A_1293 : vector<16xi32> to vector<16xi32>
      tpu.vector_store %arg9[%swap3A_1294], %swap3A_1297 {strides = array<i32>} : memref<64xi32, #tpu.memory_space<vmem>>, vector<16xi32>,
      %get3A_1298 = arith.constant 672 : index
      %get3A_1299 = tpu.vector_load %arg7[%get3A_1298] {strides = array<i32>} : memref<896xi32, #tpu.memory_space<vmem>>, vector<16xi32>,
      %get3A_1300 = vector.shape_cast %get3A_1299 : vector<16xi32> to vector<16xi32>
      %sub3A_1301 = vector.broadcast %mul3A_26 : i32 to vector<16xi32>
      %sub3A_1302 = arith.subi %get3A_1300, %sub3A_1301 : vector<16xi32>
      %ge3A_1303 = arith.constant 0 : i32
      %ge3A_1304 = vector.broadcast %ge3A_1303 : i32 to vector<16xi32>
      %ge3A_1305 = arith.cmpi sge, %sub3A_1302, %ge3A_1304 : vector<16xi32>
      %lt3A_1306 = arith.constant 12544 : i32
      %lt3A_1307 = vector.broadcast %lt3A_1306 : i32 to vector<16xi32>
      %lt3A_1308 = arith.cmpi slt, %sub3A_1302, %lt3A_1307 : vector<16xi32>
      %and3A_1309 = arith.andi %ge3A_1305, %lt3A_1308 : vector<16xi1>
      %jit3A_1310 = arith.constant 12544 : i32
      %broadcast_in_dim3A_1311 = vector.broadcast %jit3A_1310 : i32 to vector<16xi32>
      %select_n3A_1312 = arith.select %and3A_1309, %sub3A_1302, %broadcast_in_dim3A_1311 : vector<16xi1>, vector<16xi32>
      %swap3A_1313 = arith.constant 32 : index
      %swap3A_1314 = tpu.vector_load %arg9[%swap3A_1313] {strides = array<i32>} : memref<64xi32, #tpu.memory_space<vmem>>, vector<16xi32>,
      %swap3A_1315 = vector.shape_cast %swap3A_1314 : vector<16xi32> to vector<16xi32>
      %swap3A_1316 = vector.shape_cast %select_n3A_1312 : vector<16xi32> to vector<16xi32>
      tpu.vector_store %arg9[%swap3A_1313], %swap3A_1316 {strides = array<i32>} : memref<64xi32, #tpu.memory_space<vmem>>, vector<16xi32>,
      %get3A_1317 = arith.constant 688 : index
      %get3A_1318 = tpu.vector_load %arg7[%get3A_1317] {strides = array<i32>} : memref<896xi32, #tpu.memory_space<vmem>>, vector<16xi32>,
      %get3A_1319 = vector.shape_cast %get3A_1318 : vector<16xi32> to vector<16xi32>
      %sub3A_1320 = vector.broadcast %mul3A_26 : i32 to vector<16xi32>
      %sub3A_1321 = arith.subi %get3A_1319, %sub3A_1320 : vector<16xi32>
      %ge3A_1322 = arith.constant 0 : i32
      %ge3A_1323 = vector.broadcast %ge3A_1322 : i32 to vector<16xi32>
      %ge3A_1324 = arith.cmpi sge, %sub3A_1321, %ge3A_1323 : vector<16xi32>
      %lt3A_1325 = arith.constant 12544 : i32
      %lt3A_1326 = vector.broadcast %lt3A_1325 : i32 to vector<16xi32>
      %lt3A_1327 = arith.cmpi slt, %sub3A_1321, %lt3A_1326 : vector<16xi32>
      %and3A_1328 = arith.andi %ge3A_1324, %lt3A_1327 : vector<16xi1>
      %jit3A_1329 = arith.constant 12544 : i32
      %broadcast_in_dim3A_1330 = vector.broadcast %jit3A_1329 : i32 to vector<16xi32>
      %select_n3A_1331 = arith.select %and3A_1328, %sub3A_1321, %broadcast_in_dim3A_1330 : vector<16xi1>, vector<16xi32>
      %swap3A_1332 = arith.constant 48 : index
      %swap3A_1333 = tpu.vector_load %arg9[%swap3A_1332] {strides = array<i32>} : memref<64xi32, #tpu.memory_space<vmem>>, vector<16xi32>,
      %swap3A_1334 = vector.shape_cast %swap3A_1333 : vector<16xi32> to vector<16xi32>
      %swap3A_1335 = vector.shape_cast %select_n3A_1331 : vector<16xi32> to vector<16xi32>
      tpu.vector_store %arg9[%swap3A_1332], %swap3A_1335 {strides = array<i32>} : memref<64xi32, #tpu.memory_space<vmem>>, vector<16xi32>,
      %dma_start3A_1336 = arith.constant 640 : i32
      %dma_start3A_1337 = tpu.memref_slice %arg8[%dma_start3A_1336] : memref<896xi32, #tpu.memory_space<vmem>> -> memref<64xi32, #tpu.memory_space<vmem>>
      %dma_start3A_1338 = arith.constant 0 : i32
      %dma_start3A_1339 = arith.constant 0 : i32
      %dma_start3A_1340 = tpu.memref_slice %arg2[%dma_start3A_1338, %dma_start3A_1339] : memref<100000x128xf32, #tpu.memory_space<hbm>> -> memref<100000x128xf32, #tpu.memory_space<hbm>>
      tpu.enqueue_indirect_dma source(%dma_start3A_1340 : memref<100000x128xf32, #tpu.memory_space<hbm>>) target(%arg10 : memref<64x128xf32, #tpu.memory_space<vmem>>) offsets(%dma_start3A_1337 : memref<64xi32, #tpu.memory_space<vmem>>) semaphore(%arg19 : memref<!tpu.dma_semaphore, #tpu.memory_space<semaphore_mem>>)
      %dma_wait3A_1341 = arith.constant 576 : i32
      %dma_wait3A_1342 = tpu.memref_slice %arg8[%dma_wait3A_1341] : memref<896xi32, #tpu.memory_space<vmem>> -> memref<64xi32, #tpu.memory_space<vmem>>
      %dma_wait3A_1343 = arith.constant 0 : i32
      %dma_wait3A_1344 = arith.constant 0 : i32
      %dma_wait3A_1345 = tpu.memref_slice %arg2[%dma_wait3A_1343, %dma_wait3A_1344] : memref<100000x128xf32, #tpu.memory_space<hbm>> -> memref<100000x128xf32, #tpu.memory_space<hbm>>
      tpu.wait_indirect_dma semaphore(%arg20 : memref<!tpu.dma_semaphore, #tpu.memory_space<semaphore_mem>>) src(%dma_wait3A_1345 : memref<100000x128xf32, #tpu.memory_space<hbm>>) dst(%arg12 : memref<64x128xf32, #tpu.memory_space<vmem>>)
      %dma_start3A_1346 = arith.constant 0 : i32
      %dma_start3A_1347 = arith.constant 0 : i32
      %dma_start3A_1348 = tpu.memref_slice %arg17[%dma_start3A_1346, %dma_start3A_1347] : memref<12800x128xf32, #tpu.memory_space<vmem_shared>> -> memref<12800x128xf32, #tpu.memory_space<vmem_shared>>
      tpu.enqueue_indirect_dma source(%arg12 : memref<64x128xf32, #tpu.memory_space<vmem>>) target(%dma_start3A_1348 : memref<12800x128xf32, #tpu.memory_space<vmem_shared>>) offsets(%arg11 : memref<64xi32, #tpu.memory_space<vmem>>) semaphore(%arg21 : memref<!tpu.dma_semaphore, #tpu.memory_space<semaphore_mem>>) {add = true}
      %dma_start3A_1349 = arith.constant 0 : i32
      %dma_start3A_1350 = tpu.memref_slice %arg18[%dma_start3A_1349] : memref<12800xf32, #tpu.memory_space<vmem_shared>> -> memref<12800xf32, #tpu.memory_space<vmem_shared>>
      tpu.enqueue_indirect_dma source(%arg13 : memref<64xf32, #tpu.memory_space<vmem>>) target(%dma_start3A_1350 : memref<12800xf32, #tpu.memory_space<vmem_shared>>) offsets(%arg11 : memref<64xi32, #tpu.memory_space<vmem>>) semaphore(%arg22 : memref<!tpu.dma_semaphore, #tpu.memory_space<semaphore_mem>>) {add = true}
      %dma_wait3A_1351 = arith.constant 0 : i32
      %dma_wait3A_1352 = arith.constant 0 : i32
      %dma_wait3A_1353 = tpu.memref_slice %arg17[%dma_wait3A_1351, %dma_wait3A_1352] : memref<12800x128xf32, #tpu.memory_space<vmem_shared>> -> memref<12800x128xf32, #tpu.memory_space<vmem_shared>>
      tpu.wait_indirect_dma semaphore(%arg21 : memref<!tpu.dma_semaphore, #tpu.memory_space<semaphore_mem>>) src(%arg12 : memref<64x128xf32, #tpu.memory_space<vmem>>) dst(%dma_wait3A_1353 : memref<12800x128xf32, #tpu.memory_space<vmem_shared>>)
      %dma_wait3A_1354 = arith.constant 0 : i32
      %dma_wait3A_1355 = tpu.memref_slice %arg18[%dma_wait3A_1354] : memref<12800xf32, #tpu.memory_space<vmem_shared>> -> memref<12800xf32, #tpu.memory_space<vmem_shared>>
      tpu.wait_indirect_dma semaphore(%arg22 : memref<!tpu.dma_semaphore, #tpu.memory_space<semaphore_mem>>) src(%arg13 : memref<64xf32, #tpu.memory_space<vmem>>) dst(%dma_wait3A_1355 : memref<12800xf32, #tpu.memory_space<vmem_shared>>)
      %get3A_1356 = arith.constant 704 : index
      %get3A_1357 = tpu.vector_load %arg7[%get3A_1356] {strides = array<i32>} : memref<896xi32, #tpu.memory_space<vmem>>, vector<16xi32>,
      %get3A_1358 = vector.shape_cast %get3A_1357 : vector<16xi32> to vector<16xi32>
      %sub3A_1359 = vector.broadcast %mul3A_26 : i32 to vector<16xi32>
      %sub3A_1360 = arith.subi %get3A_1358, %sub3A_1359 : vector<16xi32>
      %ge3A_1361 = arith.constant 0 : i32
      %ge3A_1362 = vector.broadcast %ge3A_1361 : i32 to vector<16xi32>
      %ge3A_1363 = arith.cmpi sge, %sub3A_1360, %ge3A_1362 : vector<16xi32>
      %lt3A_1364 = arith.constant 12544 : i32
      %lt3A_1365 = vector.broadcast %lt3A_1364 : i32 to vector<16xi32>
      %lt3A_1366 = arith.cmpi slt, %sub3A_1360, %lt3A_1365 : vector<16xi32>
      %and3A_1367 = arith.andi %ge3A_1363, %lt3A_1366 : vector<16xi1>
      %jit3A_1368 = arith.constant 12544 : i32
      %broadcast_in_dim3A_1369 = vector.broadcast %jit3A_1368 : i32 to vector<16xi32>
      %select_n3A_1370 = arith.select %and3A_1367, %sub3A_1360, %broadcast_in_dim3A_1369 : vector<16xi1>, vector<16xi32>
      %swap3A_1371 = arith.constant 0 : index
      %swap3A_1372 = tpu.vector_load %arg11[%swap3A_1371] {strides = array<i32>} : memref<64xi32, #tpu.memory_space<vmem>>, vector<16xi32>,
      %swap3A_1373 = vector.shape_cast %swap3A_1372 : vector<16xi32> to vector<16xi32>
      %swap3A_1374 = vector.shape_cast %select_n3A_1370 : vector<16xi32> to vector<16xi32>
      tpu.vector_store %arg11[%swap3A_1371], %swap3A_1374 {strides = array<i32>} : memref<64xi32, #tpu.memory_space<vmem>>, vector<16xi32>,
      %get3A_1375 = arith.constant 720 : index
      %get3A_1376 = tpu.vector_load %arg7[%get3A_1375] {strides = array<i32>} : memref<896xi32, #tpu.memory_space<vmem>>, vector<16xi32>,
      %get3A_1377 = vector.shape_cast %get3A_1376 : vector<16xi32> to vector<16xi32>
      %sub3A_1378 = vector.broadcast %mul3A_26 : i32 to vector<16xi32>
      %sub3A_1379 = arith.subi %get3A_1377, %sub3A_1378 : vector<16xi32>
      %ge3A_1380 = arith.constant 0 : i32
      %ge3A_1381 = vector.broadcast %ge3A_1380 : i32 to vector<16xi32>
      %ge3A_1382 = arith.cmpi sge, %sub3A_1379, %ge3A_1381 : vector<16xi32>
      %lt3A_1383 = arith.constant 12544 : i32
      %lt3A_1384 = vector.broadcast %lt3A_1383 : i32 to vector<16xi32>
      %lt3A_1385 = arith.cmpi slt, %sub3A_1379, %lt3A_1384 : vector<16xi32>
      %and3A_1386 = arith.andi %ge3A_1382, %lt3A_1385 : vector<16xi1>
      %jit3A_1387 = arith.constant 12544 : i32
      %broadcast_in_dim3A_1388 = vector.broadcast %jit3A_1387 : i32 to vector<16xi32>
      %select_n3A_1389 = arith.select %and3A_1386, %sub3A_1379, %broadcast_in_dim3A_1388 : vector<16xi1>, vector<16xi32>
      %swap3A_1390 = arith.constant 16 : index
      %swap3A_1391 = tpu.vector_load %arg11[%swap3A_1390] {strides = array<i32>} : memref<64xi32, #tpu.memory_space<vmem>>, vector<16xi32>,
      %swap3A_1392 = vector.shape_cast %swap3A_1391 : vector<16xi32> to vector<16xi32>
      %swap3A_1393 = vector.shape_cast %select_n3A_1389 : vector<16xi32> to vector<16xi32>
      tpu.vector_store %arg11[%swap3A_1390], %swap3A_1393 {strides = array<i32>} : memref<64xi32, #tpu.memory_space<vmem>>, vector<16xi32>,
      %get3A_1394 = arith.constant 736 : index
      %get3A_1395 = tpu.vector_load %arg7[%get3A_1394] {strides = array<i32>} : memref<896xi32, #tpu.memory_space<vmem>>, vector<16xi32>,
      %get3A_1396 = vector.shape_cast %get3A_1395 : vector<16xi32> to vector<16xi32>
      %sub3A_1397 = vector.broadcast %mul3A_26 : i32 to vector<16xi32>
      %sub3A_1398 = arith.subi %get3A_1396, %sub3A_1397 : vector<16xi32>
      %ge3A_1399 = arith.constant 0 : i32
      %ge3A_1400 = vector.broadcast %ge3A_1399 : i32 to vector<16xi32>
      %ge3A_1401 = arith.cmpi sge, %sub3A_1398, %ge3A_1400 : vector<16xi32>
      %lt3A_1402 = arith.constant 12544 : i32
      %lt3A_1403 = vector.broadcast %lt3A_1402 : i32 to vector<16xi32>
      %lt3A_1404 = arith.cmpi slt, %sub3A_1398, %lt3A_1403 : vector<16xi32>
      %and3A_1405 = arith.andi %ge3A_1401, %lt3A_1404 : vector<16xi1>
      %jit3A_1406 = arith.constant 12544 : i32
      %broadcast_in_dim3A_1407 = vector.broadcast %jit3A_1406 : i32 to vector<16xi32>
      %select_n3A_1408 = arith.select %and3A_1405, %sub3A_1398, %broadcast_in_dim3A_1407 : vector<16xi1>, vector<16xi32>
      %swap3A_1409 = arith.constant 32 : index
      %swap3A_1410 = tpu.vector_load %arg11[%swap3A_1409] {strides = array<i32>} : memref<64xi32, #tpu.memory_space<vmem>>, vector<16xi32>,
      %swap3A_1411 = vector.shape_cast %swap3A_1410 : vector<16xi32> to vector<16xi32>
      %swap3A_1412 = vector.shape_cast %select_n3A_1408 : vector<16xi32> to vector<16xi32>
      tpu.vector_store %arg11[%swap3A_1409], %swap3A_1412 {strides = array<i32>} : memref<64xi32, #tpu.memory_space<vmem>>, vector<16xi32>,
      %get3A_1413 = arith.constant 752 : index
      %get3A_1414 = tpu.vector_load %arg7[%get3A_1413] {strides = array<i32>} : memref<896xi32, #tpu.memory_space<vmem>>, vector<16xi32>,
      %get3A_1415 = vector.shape_cast %get3A_1414 : vector<16xi32> to vector<16xi32>
      %sub3A_1416 = vector.broadcast %mul3A_26 : i32 to vector<16xi32>
      %sub3A_1417 = arith.subi %get3A_1415, %sub3A_1416 : vector<16xi32>
      %ge3A_1418 = arith.constant 0 : i32
      %ge3A_1419 = vector.broadcast %ge3A_1418 : i32 to vector<16xi32>
      %ge3A_1420 = arith.cmpi sge, %sub3A_1417, %ge3A_1419 : vector<16xi32>
      %lt3A_1421 = arith.constant 12544 : i32
      %lt3A_1422 = vector.broadcast %lt3A_1421 : i32 to vector<16xi32>
      %lt3A_1423 = arith.cmpi slt, %sub3A_1417, %lt3A_1422 : vector<16xi32>
      %and3A_1424 = arith.andi %ge3A_1420, %lt3A_1423 : vector<16xi1>
      %jit3A_1425 = arith.constant 12544 : i32
      %broadcast_in_dim3A_1426 = vector.broadcast %jit3A_1425 : i32 to vector<16xi32>
      %select_n3A_1427 = arith.select %and3A_1424, %sub3A_1417, %broadcast_in_dim3A_1426 : vector<16xi1>, vector<16xi32>
      %swap3A_1428 = arith.constant 48 : index
      %swap3A_1429 = tpu.vector_load %arg11[%swap3A_1428] {strides = array<i32>} : memref<64xi32, #tpu.memory_space<vmem>>, vector<16xi32>,
      %swap3A_1430 = vector.shape_cast %swap3A_1429 : vector<16xi32> to vector<16xi32>
      %swap3A_1431 = vector.shape_cast %select_n3A_1427 : vector<16xi32> to vector<16xi32>
      tpu.vector_store %arg11[%swap3A_1428], %swap3A_1431 {strides = array<i32>} : memref<64xi32, #tpu.memory_space<vmem>>, vector<16xi32>,
      %dma_start3A_1432 = arith.constant 704 : i32
      %dma_start3A_1433 = tpu.memref_slice %arg8[%dma_start3A_1432] : memref<896xi32, #tpu.memory_space<vmem>> -> memref<64xi32, #tpu.memory_space<vmem>>
      %dma_start3A_1434 = arith.constant 0 : i32
      %dma_start3A_1435 = arith.constant 0 : i32
      %dma_start3A_1436 = tpu.memref_slice %arg2[%dma_start3A_1434, %dma_start3A_1435] : memref<100000x128xf32, #tpu.memory_space<hbm>> -> memref<100000x128xf32, #tpu.memory_space<hbm>>
      tpu.enqueue_indirect_dma source(%dma_start3A_1436 : memref<100000x128xf32, #tpu.memory_space<hbm>>) target(%arg12 : memref<64x128xf32, #tpu.memory_space<vmem>>) offsets(%dma_start3A_1433 : memref<64xi32, #tpu.memory_space<vmem>>) semaphore(%arg20 : memref<!tpu.dma_semaphore, #tpu.memory_space<semaphore_mem>>)
      %dma_wait3A_1437 = arith.constant 640 : i32
      %dma_wait3A_1438 = tpu.memref_slice %arg8[%dma_wait3A_1437] : memref<896xi32, #tpu.memory_space<vmem>> -> memref<64xi32, #tpu.memory_space<vmem>>
      %dma_wait3A_1439 = arith.constant 0 : i32
      %dma_wait3A_1440 = arith.constant 0 : i32
      %dma_wait3A_1441 = tpu.memref_slice %arg2[%dma_wait3A_1439, %dma_wait3A_1440] : memref<100000x128xf32, #tpu.memory_space<hbm>> -> memref<100000x128xf32, #tpu.memory_space<hbm>>
      tpu.wait_indirect_dma semaphore(%arg19 : memref<!tpu.dma_semaphore, #tpu.memory_space<semaphore_mem>>) src(%dma_wait3A_1441 : memref<100000x128xf32, #tpu.memory_space<hbm>>) dst(%arg10 : memref<64x128xf32, #tpu.memory_space<vmem>>)
      %dma_start3A_1442 = arith.constant 0 : i32
      %dma_start3A_1443 = arith.constant 0 : i32
      %dma_start3A_1444 = tpu.memref_slice %arg17[%dma_start3A_1442, %dma_start3A_1443] : memref<12800x128xf32, #tpu.memory_space<vmem_shared>> -> memref<12800x128xf32, #tpu.memory_space<vmem_shared>>
      tpu.enqueue_indirect_dma source(%arg10 : memref<64x128xf32, #tpu.memory_space<vmem>>) target(%dma_start3A_1444 : memref<12800x128xf32, #tpu.memory_space<vmem_shared>>) offsets(%arg9 : memref<64xi32, #tpu.memory_space<vmem>>) semaphore(%arg21 : memref<!tpu.dma_semaphore, #tpu.memory_space<semaphore_mem>>) {add = true}
      %dma_start3A_1445 = arith.constant 0 : i32
      %dma_start3A_1446 = tpu.memref_slice %arg18[%dma_start3A_1445] : memref<12800xf32, #tpu.memory_space<vmem_shared>> -> memref<12800xf32, #tpu.memory_space<vmem_shared>>
      tpu.enqueue_indirect_dma source(%arg13 : memref<64xf32, #tpu.memory_space<vmem>>) target(%dma_start3A_1446 : memref<12800xf32, #tpu.memory_space<vmem_shared>>) offsets(%arg9 : memref<64xi32, #tpu.memory_space<vmem>>) semaphore(%arg22 : memref<!tpu.dma_semaphore, #tpu.memory_space<semaphore_mem>>) {add = true}
      %dma_wait3A_1447 = arith.constant 0 : i32
      %dma_wait3A_1448 = arith.constant 0 : i32
      %dma_wait3A_1449 = tpu.memref_slice %arg17[%dma_wait3A_1447, %dma_wait3A_1448] : memref<12800x128xf32, #tpu.memory_space<vmem_shared>> -> memref<12800x128xf32, #tpu.memory_space<vmem_shared>>
      tpu.wait_indirect_dma semaphore(%arg21 : memref<!tpu.dma_semaphore, #tpu.memory_space<semaphore_mem>>) src(%arg10 : memref<64x128xf32, #tpu.memory_space<vmem>>) dst(%dma_wait3A_1449 : memref<12800x128xf32, #tpu.memory_space<vmem_shared>>)
      %dma_wait3A_1450 = arith.constant 0 : i32
      %dma_wait3A_1451 = tpu.memref_slice %arg18[%dma_wait3A_1450] : memref<12800xf32, #tpu.memory_space<vmem_shared>> -> memref<12800xf32, #tpu.memory_space<vmem_shared>>
      tpu.wait_indirect_dma semaphore(%arg22 : memref<!tpu.dma_semaphore, #tpu.memory_space<semaphore_mem>>) src(%arg13 : memref<64xf32, #tpu.memory_space<vmem>>) dst(%dma_wait3A_1451 : memref<12800xf32, #tpu.memory_space<vmem_shared>>)
      %get3A_1452 = arith.constant 768 : index
      %get3A_1453 = tpu.vector_load %arg7[%get3A_1452] {strides = array<i32>} : memref<896xi32, #tpu.memory_space<vmem>>, vector<16xi32>,
      %get3A_1454 = vector.shape_cast %get3A_1453 : vector<16xi32> to vector<16xi32>
      %sub3A_1455 = vector.broadcast %mul3A_26 : i32 to vector<16xi32>
      %sub3A_1456 = arith.subi %get3A_1454, %sub3A_1455 : vector<16xi32>
      %ge3A_1457 = arith.constant 0 : i32
      %ge3A_1458 = vector.broadcast %ge3A_1457 : i32 to vector<16xi32>
      %ge3A_1459 = arith.cmpi sge, %sub3A_1456, %ge3A_1458 : vector<16xi32>
      %lt3A_1460 = arith.constant 12544 : i32
      %lt3A_1461 = vector.broadcast %lt3A_1460 : i32 to vector<16xi32>
      %lt3A_1462 = arith.cmpi slt, %sub3A_1456, %lt3A_1461 : vector<16xi32>
      %and3A_1463 = arith.andi %ge3A_1459, %lt3A_1462 : vector<16xi1>
      %jit3A_1464 = arith.constant 12544 : i32
      %broadcast_in_dim3A_1465 = vector.broadcast %jit3A_1464 : i32 to vector<16xi32>
      %select_n3A_1466 = arith.select %and3A_1463, %sub3A_1456, %broadcast_in_dim3A_1465 : vector<16xi1>, vector<16xi32>
      %swap3A_1467 = arith.constant 0 : index
      %swap3A_1468 = tpu.vector_load %arg9[%swap3A_1467] {strides = array<i32>} : memref<64xi32, #tpu.memory_space<vmem>>, vector<16xi32>,
      %swap3A_1469 = vector.shape_cast %swap3A_1468 : vector<16xi32> to vector<16xi32>
      %swap3A_1470 = vector.shape_cast %select_n3A_1466 : vector<16xi32> to vector<16xi32>
      tpu.vector_store %arg9[%swap3A_1467], %swap3A_1470 {strides = array<i32>} : memref<64xi32, #tpu.memory_space<vmem>>, vector<16xi32>,
      %get3A_1471 = arith.constant 784 : index
      %get3A_1472 = tpu.vector_load %arg7[%get3A_1471] {strides = array<i32>} : memref<896xi32, #tpu.memory_space<vmem>>, vector<16xi32>,
      %get3A_1473 = vector.shape_cast %get3A_1472 : vector<16xi32> to vector<16xi32>
      %sub3A_1474 = vector.broadcast %mul3A_26 : i32 to vector<16xi32>
      %sub3A_1475 = arith.subi %get3A_1473, %sub3A_1474 : vector<16xi32>
      %ge3A_1476 = arith.constant 0 : i32
      %ge3A_1477 = vector.broadcast %ge3A_1476 : i32 to vector<16xi32>
      %ge3A_1478 = arith.cmpi sge, %sub3A_1475, %ge3A_1477 : vector<16xi32>
      %lt3A_1479 = arith.constant 12544 : i32
      %lt3A_1480 = vector.broadcast %lt3A_1479 : i32 to vector<16xi32>
      %lt3A_1481 = arith.cmpi slt, %sub3A_1475, %lt3A_1480 : vector<16xi32>
      %and3A_1482 = arith.andi %ge3A_1478, %lt3A_1481 : vector<16xi1>
      %jit3A_1483 = arith.constant 12544 : i32
      %broadcast_in_dim3A_1484 = vector.broadcast %jit3A_1483 : i32 to vector<16xi32>
      %select_n3A_1485 = arith.select %and3A_1482, %sub3A_1475, %broadcast_in_dim3A_1484 : vector<16xi1>, vector<16xi32>
      %swap3A_1486 = arith.constant 16 : index
      %swap3A_1487 = tpu.vector_load %arg9[%swap3A_1486] {strides = array<i32>} : memref<64xi32, #tpu.memory_space<vmem>>, vector<16xi32>,
      %swap3A_1488 = vector.shape_cast %swap3A_1487 : vector<16xi32> to vector<16xi32>
      %swap3A_1489 = vector.shape_cast %select_n3A_1485 : vector<16xi32> to vector<16xi32>
      tpu.vector_store %arg9[%swap3A_1486], %swap3A_1489 {strides = array<i32>} : memref<64xi32, #tpu.memory_space<vmem>>, vector<16xi32>,
      %get3A_1490 = arith.constant 800 : index
      %get3A_1491 = tpu.vector_load %arg7[%get3A_1490] {strides = array<i32>} : memref<896xi32, #tpu.memory_space<vmem>>, vector<16xi32>,
      %get3A_1492 = vector.shape_cast %get3A_1491 : vector<16xi32> to vector<16xi32>
      %sub3A_1493 = vector.broadcast %mul3A_26 : i32 to vector<16xi32>
      %sub3A_1494 = arith.subi %get3A_1492, %sub3A_1493 : vector<16xi32>
      %ge3A_1495 = arith.constant 0 : i32
      %ge3A_1496 = vector.broadcast %ge3A_1495 : i32 to vector<16xi32>
      %ge3A_1497 = arith.cmpi sge, %sub3A_1494, %ge3A_1496 : vector<16xi32>
      %lt3A_1498 = arith.constant 12544 : i32
      %lt3A_1499 = vector.broadcast %lt3A_1498 : i32 to vector<16xi32>
      %lt3A_1500 = arith.cmpi slt, %sub3A_1494, %lt3A_1499 : vector<16xi32>
      %and3A_1501 = arith.andi %ge3A_1497, %lt3A_1500 : vector<16xi1>
      %jit3A_1502 = arith.constant 12544 : i32
      %broadcast_in_dim3A_1503 = vector.broadcast %jit3A_1502 : i32 to vector<16xi32>
      %select_n3A_1504 = arith.select %and3A_1501, %sub3A_1494, %broadcast_in_dim3A_1503 : vector<16xi1>, vector<16xi32>
      %swap3A_1505 = arith.constant 32 : index
      %swap3A_1506 = tpu.vector_load %arg9[%swap3A_1505] {strides = array<i32>} : memref<64xi32, #tpu.memory_space<vmem>>, vector<16xi32>,
      %swap3A_1507 = vector.shape_cast %swap3A_1506 : vector<16xi32> to vector<16xi32>
      %swap3A_1508 = vector.shape_cast %select_n3A_1504 : vector<16xi32> to vector<16xi32>
      tpu.vector_store %arg9[%swap3A_1505], %swap3A_1508 {strides = array<i32>} : memref<64xi32, #tpu.memory_space<vmem>>, vector<16xi32>,
      %get3A_1509 = arith.constant 816 : index
      %get3A_1510 = tpu.vector_load %arg7[%get3A_1509] {strides = array<i32>} : memref<896xi32, #tpu.memory_space<vmem>>, vector<16xi32>,
      %get3A_1511 = vector.shape_cast %get3A_1510 : vector<16xi32> to vector<16xi32>
      %sub3A_1512 = vector.broadcast %mul3A_26 : i32 to vector<16xi32>
      %sub3A_1513 = arith.subi %get3A_1511, %sub3A_1512 : vector<16xi32>
      %ge3A_1514 = arith.constant 0 : i32
      %ge3A_1515 = vector.broadcast %ge3A_1514 : i32 to vector<16xi32>
      %ge3A_1516 = arith.cmpi sge, %sub3A_1513, %ge3A_1515 : vector<16xi32>
      %lt3A_1517 = arith.constant 12544 : i32
      %lt3A_1518 = vector.broadcast %lt3A_1517 : i32 to vector<16xi32>
      %lt3A_1519 = arith.cmpi slt, %sub3A_1513, %lt3A_1518 : vector<16xi32>
      %and3A_1520 = arith.andi %ge3A_1516, %lt3A_1519 : vector<16xi1>
      %jit3A_1521 = arith.constant 12544 : i32
      %broadcast_in_dim3A_1522 = vector.broadcast %jit3A_1521 : i32 to vector<16xi32>
      %select_n3A_1523 = arith.select %and3A_1520, %sub3A_1513, %broadcast_in_dim3A_1522 : vector<16xi1>, vector<16xi32>
      %swap3A_1524 = arith.constant 48 : index
      %swap3A_1525 = tpu.vector_load %arg9[%swap3A_1524] {strides = array<i32>} : memref<64xi32, #tpu.memory_space<vmem>>, vector<16xi32>,
      %swap3A_1526 = vector.shape_cast %swap3A_1525 : vector<16xi32> to vector<16xi32>
      %swap3A_1527 = vector.shape_cast %select_n3A_1523 : vector<16xi32> to vector<16xi32>
      tpu.vector_store %arg9[%swap3A_1524], %swap3A_1527 {strides = array<i32>} : memref<64xi32, #tpu.memory_space<vmem>>, vector<16xi32>,
      %dma_start3A_1528 = arith.constant 768 : i32
      %dma_start3A_1529 = tpu.memref_slice %arg8[%dma_start3A_1528] : memref<896xi32, #tpu.memory_space<vmem>> -> memref<64xi32, #tpu.memory_space<vmem>>
      %dma_start3A_1530 = arith.constant 0 : i32
      %dma_start3A_1531 = arith.constant 0 : i32
      %dma_start3A_1532 = tpu.memref_slice %arg2[%dma_start3A_1530, %dma_start3A_1531] : memref<100000x128xf32, #tpu.memory_space<hbm>> -> memref<100000x128xf32, #tpu.memory_space<hbm>>
      tpu.enqueue_indirect_dma source(%dma_start3A_1532 : memref<100000x128xf32, #tpu.memory_space<hbm>>) target(%arg10 : memref<64x128xf32, #tpu.memory_space<vmem>>) offsets(%dma_start3A_1529 : memref<64xi32, #tpu.memory_space<vmem>>) semaphore(%arg19 : memref<!tpu.dma_semaphore, #tpu.memory_space<semaphore_mem>>)
      %dma_wait3A_1533 = arith.constant 704 : i32
      %dma_wait3A_1534 = tpu.memref_slice %arg8[%dma_wait3A_1533] : memref<896xi32, #tpu.memory_space<vmem>> -> memref<64xi32, #tpu.memory_space<vmem>>
      %dma_wait3A_1535 = arith.constant 0 : i32
      %dma_wait3A_1536 = arith.constant 0 : i32
      %dma_wait3A_1537 = tpu.memref_slice %arg2[%dma_wait3A_1535, %dma_wait3A_1536] : memref<100000x128xf32, #tpu.memory_space<hbm>> -> memref<100000x128xf32, #tpu.memory_space<hbm>>
      tpu.wait_indirect_dma semaphore(%arg20 : memref<!tpu.dma_semaphore, #tpu.memory_space<semaphore_mem>>) src(%dma_wait3A_1537 : memref<100000x128xf32, #tpu.memory_space<hbm>>) dst(%arg12 : memref<64x128xf32, #tpu.memory_space<vmem>>)
      %dma_start3A_1538 = arith.constant 0 : i32
      %dma_start3A_1539 = arith.constant 0 : i32
      %dma_start3A_1540 = tpu.memref_slice %arg17[%dma_start3A_1538, %dma_start3A_1539] : memref<12800x128xf32, #tpu.memory_space<vmem_shared>> -> memref<12800x128xf32, #tpu.memory_space<vmem_shared>>
      tpu.enqueue_indirect_dma source(%arg12 : memref<64x128xf32, #tpu.memory_space<vmem>>) target(%dma_start3A_1540 : memref<12800x128xf32, #tpu.memory_space<vmem_shared>>) offsets(%arg11 : memref<64xi32, #tpu.memory_space<vmem>>) semaphore(%arg21 : memref<!tpu.dma_semaphore, #tpu.memory_space<semaphore_mem>>) {add = true}
      %dma_start3A_1541 = arith.constant 0 : i32
      %dma_start3A_1542 = tpu.memref_slice %arg18[%dma_start3A_1541] : memref<12800xf32, #tpu.memory_space<vmem_shared>> -> memref<12800xf32, #tpu.memory_space<vmem_shared>>
      tpu.enqueue_indirect_dma source(%arg13 : memref<64xf32, #tpu.memory_space<vmem>>) target(%dma_start3A_1542 : memref<12800xf32, #tpu.memory_space<vmem_shared>>) offsets(%arg11 : memref<64xi32, #tpu.memory_space<vmem>>) semaphore(%arg22 : memref<!tpu.dma_semaphore, #tpu.memory_space<semaphore_mem>>) {add = true}
      %dma_wait3A_1543 = arith.constant 0 : i32
      %dma_wait3A_1544 = arith.constant 0 : i32
      %dma_wait3A_1545 = tpu.memref_slice %arg17[%dma_wait3A_1543, %dma_wait3A_1544] : memref<12800x128xf32, #tpu.memory_space<vmem_shared>> -> memref<12800x128xf32, #tpu.memory_space<vmem_shared>>
      tpu.wait_indirect_dma semaphore(%arg21 : memref<!tpu.dma_semaphore, #tpu.memory_space<semaphore_mem>>) src(%arg12 : memref<64x128xf32, #tpu.memory_space<vmem>>) dst(%dma_wait3A_1545 : memref<12800x128xf32, #tpu.memory_space<vmem_shared>>)
      %dma_wait3A_1546 = arith.constant 0 : i32
      %dma_wait3A_1547 = tpu.memref_slice %arg18[%dma_wait3A_1546] : memref<12800xf32, #tpu.memory_space<vmem_shared>> -> memref<12800xf32, #tpu.memory_space<vmem_shared>>
      tpu.wait_indirect_dma semaphore(%arg22 : memref<!tpu.dma_semaphore, #tpu.memory_space<semaphore_mem>>) src(%arg13 : memref<64xf32, #tpu.memory_space<vmem>>) dst(%dma_wait3A_1547 : memref<12800xf32, #tpu.memory_space<vmem_shared>>)
      %get3A_1548 = arith.constant 832 : index
      %get3A_1549 = tpu.vector_load %arg7[%get3A_1548] {strides = array<i32>} : memref<896xi32, #tpu.memory_space<vmem>>, vector<16xi32>,
      %get3A_1550 = vector.shape_cast %get3A_1549 : vector<16xi32> to vector<16xi32>
      %sub3A_1551 = vector.broadcast %mul3A_26 : i32 to vector<16xi32>
      %sub3A_1552 = arith.subi %get3A_1550, %sub3A_1551 : vector<16xi32>
      %ge3A_1553 = arith.constant 0 : i32
      %ge3A_1554 = vector.broadcast %ge3A_1553 : i32 to vector<16xi32>
      %ge3A_1555 = arith.cmpi sge, %sub3A_1552, %ge3A_1554 : vector<16xi32>
      %lt3A_1556 = arith.constant 12544 : i32
      %lt3A_1557 = vector.broadcast %lt3A_1556 : i32 to vector<16xi32>
      %lt3A_1558 = arith.cmpi slt, %sub3A_1552, %lt3A_1557 : vector<16xi32>
      %and3A_1559 = arith.andi %ge3A_1555, %lt3A_1558 : vector<16xi1>
      %jit3A_1560 = arith.constant 12544 : i32
      %broadcast_in_dim3A_1561 = vector.broadcast %jit3A_1560 : i32 to vector<16xi32>
      %select_n3A_1562 = arith.select %and3A_1559, %sub3A_1552, %broadcast_in_dim3A_1561 : vector<16xi1>, vector<16xi32>
      %swap3A_1563 = arith.constant 0 : index
      %swap3A_1564 = tpu.vector_load %arg11[%swap3A_1563] {strides = array<i32>} : memref<64xi32, #tpu.memory_space<vmem>>, vector<16xi32>,
      %swap3A_1565 = vector.shape_cast %swap3A_1564 : vector<16xi32> to vector<16xi32>
      %swap3A_1566 = vector.shape_cast %select_n3A_1562 : vector<16xi32> to vector<16xi32>
      tpu.vector_store %arg11[%swap3A_1563], %swap3A_1566 {strides = array<i32>} : memref<64xi32, #tpu.memory_space<vmem>>, vector<16xi32>,
      %get3A_1567 = arith.constant 848 : index
      %get3A_1568 = tpu.vector_load %arg7[%get3A_1567] {strides = array<i32>} : memref<896xi32, #tpu.memory_space<vmem>>, vector<16xi32>,
      %get3A_1569 = vector.shape_cast %get3A_1568 : vector<16xi32> to vector<16xi32>
      %sub3A_1570 = vector.broadcast %mul3A_26 : i32 to vector<16xi32>
      %sub3A_1571 = arith.subi %get3A_1569, %sub3A_1570 : vector<16xi32>
      %ge3A_1572 = arith.constant 0 : i32
      %ge3A_1573 = vector.broadcast %ge3A_1572 : i32 to vector<16xi32>
      %ge3A_1574 = arith.cmpi sge, %sub3A_1571, %ge3A_1573 : vector<16xi32>
      %lt3A_1575 = arith.constant 12544 : i32
      %lt3A_1576 = vector.broadcast %lt3A_1575 : i32 to vector<16xi32>
      %lt3A_1577 = arith.cmpi slt, %sub3A_1571, %lt3A_1576 : vector<16xi32>
      %and3A_1578 = arith.andi %ge3A_1574, %lt3A_1577 : vector<16xi1>
      %jit3A_1579 = arith.constant 12544 : i32
      %broadcast_in_dim3A_1580 = vector.broadcast %jit3A_1579 : i32 to vector<16xi32>
      %select_n3A_1581 = arith.select %and3A_1578, %sub3A_1571, %broadcast_in_dim3A_1580 : vector<16xi1>, vector<16xi32>
      %swap3A_1582 = arith.constant 16 : index
      %swap3A_1583 = tpu.vector_load %arg11[%swap3A_1582] {strides = array<i32>} : memref<64xi32, #tpu.memory_space<vmem>>, vector<16xi32>,
      %swap3A_1584 = vector.shape_cast %swap3A_1583 : vector<16xi32> to vector<16xi32>
      %swap3A_1585 = vector.shape_cast %select_n3A_1581 : vector<16xi32> to vector<16xi32>
      tpu.vector_store %arg11[%swap3A_1582], %swap3A_1585 {strides = array<i32>} : memref<64xi32, #tpu.memory_space<vmem>>, vector<16xi32>,
      %get3A_1586 = arith.constant 864 : index
      %get3A_1587 = tpu.vector_load %arg7[%get3A_1586] {strides = array<i32>} : memref<896xi32, #tpu.memory_space<vmem>>, vector<16xi32>,
      %get3A_1588 = vector.shape_cast %get3A_1587 : vector<16xi32> to vector<16xi32>
      %sub3A_1589 = vector.broadcast %mul3A_26 : i32 to vector<16xi32>
      %sub3A_1590 = arith.subi %get3A_1588, %sub3A_1589 : vector<16xi32>
      %ge3A_1591 = arith.constant 0 : i32
      %ge3A_1592 = vector.broadcast %ge3A_1591 : i32 to vector<16xi32>
      %ge3A_1593 = arith.cmpi sge, %sub3A_1590, %ge3A_1592 : vector<16xi32>
      %lt3A_1594 = arith.constant 12544 : i32
      %lt3A_1595 = vector.broadcast %lt3A_1594 : i32 to vector<16xi32>
      %lt3A_1596 = arith.cmpi slt, %sub3A_1590, %lt3A_1595 : vector<16xi32>
      %and3A_1597 = arith.andi %ge3A_1593, %lt3A_1596 : vector<16xi1>
      %jit3A_1598 = arith.constant 12544 : i32
      %broadcast_in_dim3A_1599 = vector.broadcast %jit3A_1598 : i32 to vector<16xi32>
      %select_n3A_1600 = arith.select %and3A_1597, %sub3A_1590, %broadcast_in_dim3A_1599 : vector<16xi1>, vector<16xi32>
      %swap3A_1601 = arith.constant 32 : index
      %swap3A_1602 = tpu.vector_load %arg11[%swap3A_1601] {strides = array<i32>} : memref<64xi32, #tpu.memory_space<vmem>>, vector<16xi32>,
      %swap3A_1603 = vector.shape_cast %swap3A_1602 : vector<16xi32> to vector<16xi32>
      %swap3A_1604 = vector.shape_cast %select_n3A_1600 : vector<16xi32> to vector<16xi32>
      tpu.vector_store %arg11[%swap3A_1601], %swap3A_1604 {strides = array<i32>} : memref<64xi32, #tpu.memory_space<vmem>>, vector<16xi32>,
      %get3A_1605 = arith.constant 880 : index
      %get3A_1606 = tpu.vector_load %arg7[%get3A_1605] {strides = array<i32>} : memref<896xi32, #tpu.memory_space<vmem>>, vector<16xi32>,
      %get3A_1607 = vector.shape_cast %get3A_1606 : vector<16xi32> to vector<16xi32>
      %sub3A_1608 = vector.broadcast %mul3A_26 : i32 to vector<16xi32>
      %sub3A_1609 = arith.subi %get3A_1607, %sub3A_1608 : vector<16xi32>
      %ge3A_1610 = arith.constant 0 : i32
      %ge3A_1611 = vector.broadcast %ge3A_1610 : i32 to vector<16xi32>
      %ge3A_1612 = arith.cmpi sge, %sub3A_1609, %ge3A_1611 : vector<16xi32>
      %lt3A_1613 = arith.constant 12544 : i32
      %lt3A_1614 = vector.broadcast %lt3A_1613 : i32 to vector<16xi32>
      %lt3A_1615 = arith.cmpi slt, %sub3A_1609, %lt3A_1614 : vector<16xi32>
      %and3A_1616 = arith.andi %ge3A_1612, %lt3A_1615 : vector<16xi1>
      %jit3A_1617 = arith.constant 12544 : i32
      %broadcast_in_dim3A_1618 = vector.broadcast %jit3A_1617 : i32 to vector<16xi32>
      %select_n3A_1619 = arith.select %and3A_1616, %sub3A_1609, %broadcast_in_dim3A_1618 : vector<16xi1>, vector<16xi32>
      %swap3A_1620 = arith.constant 48 : index
      %swap3A_1621 = tpu.vector_load %arg11[%swap3A_1620] {strides = array<i32>} : memref<64xi32, #tpu.memory_space<vmem>>, vector<16xi32>,
      %swap3A_1622 = vector.shape_cast %swap3A_1621 : vector<16xi32> to vector<16xi32>
      %swap3A_1623 = vector.shape_cast %select_n3A_1619 : vector<16xi32> to vector<16xi32>
      tpu.vector_store %arg11[%swap3A_1620], %swap3A_1623 {strides = array<i32>} : memref<64xi32, #tpu.memory_space<vmem>>, vector<16xi32>,
      %dma_start3A_1624 = arith.constant 832 : i32
      %dma_start3A_1625 = tpu.memref_slice %arg8[%dma_start3A_1624] : memref<896xi32, #tpu.memory_space<vmem>> -> memref<64xi32, #tpu.memory_space<vmem>>
      %dma_start3A_1626 = arith.constant 0 : i32
      %dma_start3A_1627 = arith.constant 0 : i32
      %dma_start3A_1628 = tpu.memref_slice %arg2[%dma_start3A_1626, %dma_start3A_1627] : memref<100000x128xf32, #tpu.memory_space<hbm>> -> memref<100000x128xf32, #tpu.memory_space<hbm>>
      tpu.enqueue_indirect_dma source(%dma_start3A_1628 : memref<100000x128xf32, #tpu.memory_space<hbm>>) target(%arg12 : memref<64x128xf32, #tpu.memory_space<vmem>>) offsets(%dma_start3A_1625 : memref<64xi32, #tpu.memory_space<vmem>>) semaphore(%arg20 : memref<!tpu.dma_semaphore, #tpu.memory_space<semaphore_mem>>)
      %dma_wait3A_1629 = arith.constant 768 : i32
      %dma_wait3A_1630 = tpu.memref_slice %arg8[%dma_wait3A_1629] : memref<896xi32, #tpu.memory_space<vmem>> -> memref<64xi32, #tpu.memory_space<vmem>>
      %dma_wait3A_1631 = arith.constant 0 : i32
      %dma_wait3A_1632 = arith.constant 0 : i32
      %dma_wait3A_1633 = tpu.memref_slice %arg2[%dma_wait3A_1631, %dma_wait3A_1632] : memref<100000x128xf32, #tpu.memory_space<hbm>> -> memref<100000x128xf32, #tpu.memory_space<hbm>>
      tpu.wait_indirect_dma semaphore(%arg19 : memref<!tpu.dma_semaphore, #tpu.memory_space<semaphore_mem>>) src(%dma_wait3A_1633 : memref<100000x128xf32, #tpu.memory_space<hbm>>) dst(%arg10 : memref<64x128xf32, #tpu.memory_space<vmem>>)
      %dma_start3A_1634 = arith.constant 0 : i32
      %dma_start3A_1635 = arith.constant 0 : i32
      %dma_start3A_1636 = tpu.memref_slice %arg17[%dma_start3A_1634, %dma_start3A_1635] : memref<12800x128xf32, #tpu.memory_space<vmem_shared>> -> memref<12800x128xf32, #tpu.memory_space<vmem_shared>>
      tpu.enqueue_indirect_dma source(%arg10 : memref<64x128xf32, #tpu.memory_space<vmem>>) target(%dma_start3A_1636 : memref<12800x128xf32, #tpu.memory_space<vmem_shared>>) offsets(%arg9 : memref<64xi32, #tpu.memory_space<vmem>>) semaphore(%arg21 : memref<!tpu.dma_semaphore, #tpu.memory_space<semaphore_mem>>) {add = true}
      %dma_start3A_1637 = arith.constant 0 : i32
      %dma_start3A_1638 = tpu.memref_slice %arg18[%dma_start3A_1637] : memref<12800xf32, #tpu.memory_space<vmem_shared>> -> memref<12800xf32, #tpu.memory_space<vmem_shared>>
      tpu.enqueue_indirect_dma source(%arg13 : memref<64xf32, #tpu.memory_space<vmem>>) target(%dma_start3A_1638 : memref<12800xf32, #tpu.memory_space<vmem_shared>>) offsets(%arg9 : memref<64xi32, #tpu.memory_space<vmem>>) semaphore(%arg22 : memref<!tpu.dma_semaphore, #tpu.memory_space<semaphore_mem>>) {add = true}
      %dma_wait3A_1639 = arith.constant 0 : i32
      %dma_wait3A_1640 = arith.constant 0 : i32
      %dma_wait3A_1641 = tpu.memref_slice %arg17[%dma_wait3A_1639, %dma_wait3A_1640] : memref<12800x128xf32, #tpu.memory_space<vmem_shared>> -> memref<12800x128xf32, #tpu.memory_space<vmem_shared>>
      tpu.wait_indirect_dma semaphore(%arg21 : memref<!tpu.dma_semaphore, #tpu.memory_space<semaphore_mem>>) src(%arg10 : memref<64x128xf32, #tpu.memory_space<vmem>>) dst(%dma_wait3A_1641 : memref<12800x128xf32, #tpu.memory_space<vmem_shared>>)
      %dma_wait3A_1642 = arith.constant 0 : i32
      %dma_wait3A_1643 = tpu.memref_slice %arg18[%dma_wait3A_1642] : memref<12800xf32, #tpu.memory_space<vmem_shared>> -> memref<12800xf32, #tpu.memory_space<vmem_shared>>
      tpu.wait_indirect_dma semaphore(%arg22 : memref<!tpu.dma_semaphore, #tpu.memory_space<semaphore_mem>>) src(%arg13 : memref<64xf32, #tpu.memory_space<vmem>>) dst(%dma_wait3A_1643 : memref<12800xf32, #tpu.memory_space<vmem_shared>>)
      %dma_wait3A_1644 = arith.constant 832 : i32
      %dma_wait3A_1645 = tpu.memref_slice %arg8[%dma_wait3A_1644] : memref<896xi32, #tpu.memory_space<vmem>> -> memref<64xi32, #tpu.memory_space<vmem>>
      %dma_wait3A_1646 = arith.constant 0 : i32
      %dma_wait3A_1647 = arith.constant 0 : i32
      %dma_wait3A_1648 = tpu.memref_slice %arg2[%dma_wait3A_1646, %dma_wait3A_1647] : memref<100000x128xf32, #tpu.memory_space<hbm>> -> memref<100000x128xf32, #tpu.memory_space<hbm>>
      tpu.wait_indirect_dma semaphore(%arg20 : memref<!tpu.dma_semaphore, #tpu.memory_space<semaphore_mem>>) src(%dma_wait3A_1648 : memref<100000x128xf32, #tpu.memory_space<hbm>>) dst(%arg12 : memref<64x128xf32, #tpu.memory_space<vmem>>)
      %dma_start3A_1649 = arith.constant 0 : i32
      %dma_start3A_1650 = arith.constant 0 : i32
      %dma_start3A_1651 = tpu.memref_slice %arg17[%dma_start3A_1649, %dma_start3A_1650] : memref<12800x128xf32, #tpu.memory_space<vmem_shared>> -> memref<12800x128xf32, #tpu.memory_space<vmem_shared>>
      tpu.enqueue_indirect_dma source(%arg12 : memref<64x128xf32, #tpu.memory_space<vmem>>) target(%dma_start3A_1651 : memref<12800x128xf32, #tpu.memory_space<vmem_shared>>) offsets(%arg11 : memref<64xi32, #tpu.memory_space<vmem>>) semaphore(%arg21 : memref<!tpu.dma_semaphore, #tpu.memory_space<semaphore_mem>>) {add = true}
      %dma_start3A_1652 = arith.constant 0 : i32
      %dma_start3A_1653 = tpu.memref_slice %arg18[%dma_start3A_1652] : memref<12800xf32, #tpu.memory_space<vmem_shared>> -> memref<12800xf32, #tpu.memory_space<vmem_shared>>
      tpu.enqueue_indirect_dma source(%arg13 : memref<64xf32, #tpu.memory_space<vmem>>) target(%dma_start3A_1653 : memref<12800xf32, #tpu.memory_space<vmem_shared>>) offsets(%arg11 : memref<64xi32, #tpu.memory_space<vmem>>) semaphore(%arg22 : memref<!tpu.dma_semaphore, #tpu.memory_space<semaphore_mem>>) {add = true}
      %dma_wait3A_1654 = arith.constant 0 : i32
      %dma_wait3A_1655 = arith.constant 0 : i32
      %dma_wait3A_1656 = tpu.memref_slice %arg17[%dma_wait3A_1654, %dma_wait3A_1655] : memref<12800x128xf32, #tpu.memory_space<vmem_shared>> -> memref<12800x128xf32, #tpu.memory_space<vmem_shared>>
      tpu.wait_indirect_dma semaphore(%arg21 : memref<!tpu.dma_semaphore, #tpu.memory_space<semaphore_mem>>) src(%arg12 : memref<64x128xf32, #tpu.memory_space<vmem>>) dst(%dma_wait3A_1656 : memref<12800x128xf32, #tpu.memory_space<vmem_shared>>)
      %dma_wait3A_1657 = arith.constant 0 : i32
      %dma_wait3A_1658 = tpu.memref_slice %arg18[%dma_wait3A_1657] : memref<12800xf32, #tpu.memory_space<vmem_shared>> -> memref<12800xf32, #tpu.memory_space<vmem_shared>>
      tpu.wait_indirect_dma semaphore(%arg22 : memref<!tpu.dma_semaphore, #tpu.memory_space<semaphore_mem>>) src(%arg13 : memref<64xf32, #tpu.memory_space<vmem>>) dst(%dma_wait3A_1658 : memref<12800xf32, #tpu.memory_space<vmem_shared>>)
      %scan3A_1659 = arith.constant 0 : i32
      scf.yield %scan3A_1659 : i32
    }
    %scan3A_155 = arith.constant 14 : i32
    %barrier3A_156 = arith.constant 0 : index
    tpu.barrier barrier_id(%barrier3A_156)
    %mul3A_157 = arith.constant 784 : i32
    %mul3A_158 = arith.muli %arg1, %mul3A_157 : i32
    %mul3A_159 = arith.constant 784 : i32
    %mul3A_160 = arith.muli %arg1, %mul3A_159 : i32
    %add3A_161 = arith.addi %mul3A_26, %mul3A_160 : i32
    "tpu.region"() ({
      %run_scoped3A = tpu.sem_alloc : memref<!tpu.dma_semaphore, #tpu.memory_space<semaphore_mem>>
      %dma_start3A = arith.constant 0 : i32
      %dma_start3A_316 = tpu.memref_slice %arg5[%add3A_161, %dma_start3A] : memref<50176x128xf32, #tpu.memory_space<hbm>> -> memref<784x128xf32, #tpu.memory_space<hbm>>
      %dma_start3A_317 = arith.constant 0 : i32
      %dma_start3A_318 = tpu.memref_slice %arg17[%mul3A_158, %dma_start3A_317] : memref<12800x128xf32, #tpu.memory_space<vmem_shared>> -> memref<784x128xf32, #tpu.memory_space<vmem_shared>>
      tpu.enqueue_dma source(%dma_start3A_318 : memref<784x128xf32, #tpu.memory_space<vmem_shared>>) target(%dma_start3A_316 : memref<784x128xf32, #tpu.memory_space<hbm>>) target_semaphore(%run_scoped3A : memref<!tpu.dma_semaphore, #tpu.memory_space<semaphore_mem>>)
      %dma_wait3A = arith.constant 0 : i32
      %dma_wait3A_319 = tpu.memref_slice %arg5[%add3A_161, %dma_wait3A] : memref<50176x128xf32, #tpu.memory_space<hbm>> -> memref<784x128xf32, #tpu.memory_space<hbm>>
      %dma_wait3A_320 = arith.constant 0 : i32
      %dma_wait3A_321 = tpu.memref_slice %arg17[%mul3A_158, %dma_wait3A_320] : memref<12800x128xf32, #tpu.memory_space<vmem_shared>> -> memref<784x128xf32, #tpu.memory_space<vmem_shared>>
      tpu.wait_dma2 semaphore(%run_scoped3A : memref<!tpu.dma_semaphore, #tpu.memory_space<semaphore_mem>>) src(%dma_wait3A_321 : memref<784x128xf32, #tpu.memory_space<vmem_shared>>) dst(%dma_wait3A_319 : memref<784x128xf32, #tpu.memory_space<hbm>>)
      tpu.yield
    }) : () -> ()
    %mul3A_162 = arith.constant 784 : i32
    %mul3A_163 = arith.muli %arg1, %mul3A_162 : i32
    "tpu.region"() ({
      %run_scoped3A = tpu.sem_alloc : memref<!tpu.dma_semaphore, #tpu.memory_space<semaphore_mem>>
      %dma_start3A = tpu.memref_slice %arg18[%mul3A_163] : memref<12800xf32, #tpu.memory_space<vmem_shared>> -> memref<784xf32, #tpu.memory_space<vmem_shared>>
      %dma_start3A_316 = tpu.memref_slice %arg18[%mul3A_163] : memref<12800xf32, #tpu.memory_space<vmem_shared>> -> memref<784xf32, #tpu.memory_space<vmem_shared>>
      tpu.enqueue_dma source(%dma_start3A_316 : memref<784xf32, #tpu.memory_space<vmem_shared>>) target(%arg16 : memref<784xf32, #tpu.memory_space<vmem>>) target_semaphore(%run_scoped3A : memref<!tpu.dma_semaphore, #tpu.memory_space<semaphore_mem>>)
      %dma_wait3A = tpu.memref_slice %arg18[%mul3A_163] : memref<12800xf32, #tpu.memory_space<vmem_shared>> -> memref<784xf32, #tpu.memory_space<vmem_shared>>
      %dma_wait3A_317 = tpu.memref_slice %arg18[%mul3A_163] : memref<12800xf32, #tpu.memory_space<vmem_shared>> -> memref<784xf32, #tpu.memory_space<vmem_shared>>
      tpu.wait_dma2 semaphore(%run_scoped3A : memref<!tpu.dma_semaphore, #tpu.memory_space<semaphore_mem>>) src(%dma_wait3A_317 : memref<784xf32, #tpu.memory_space<vmem_shared>>) dst(%arg16 : memref<784xf32, #tpu.memory_space<vmem>>)
      tpu.yield
    }) : () -> ()
    %mul3A_164 = arith.constant 784 : i32
    %mul3A_165 = arith.muli %arg1, %mul3A_164 : i32
    %add3A_166 = arith.addi %mul3A_26, %mul3A_165 : i32
    "tpu.region"() ({
      %run_scoped3A = tpu.sem_alloc : memref<!tpu.dma_semaphore, #tpu.memory_space<semaphore_mem>>
      %dma_start3A = tpu.memref_slice %arg6[%add3A_166] : memref<50176xf32, #tpu.memory_space<hbm>> -> memref<784xf32, #tpu.memory_space<hbm>>
      %dma_start3A_316 = tpu.memref_slice %arg6[%add3A_166] : memref<50176xf32, #tpu.memory_space<hbm>> -> memref<784xf32, #tpu.memory_space<hbm>>
      tpu.enqueue_dma source(%arg16 : memref<784xf32, #tpu.memory_space<vmem>>) target(%dma_start3A_316 : memref<784xf32, #tpu.memory_space<hbm>>) target_semaphore(%run_scoped3A : memref<!tpu.dma_semaphore, #tpu.memory_space<semaphore_mem>>)
      %dma_wait3A = tpu.memref_slice %arg6[%add3A_166] : memref<50176xf32, #tpu.memory_space<hbm>> -> memref<784xf32, #tpu.memory_space<hbm>>
      %dma_wait3A_317 = tpu.memref_slice %arg6[%add3A_166] : memref<50176xf32, #tpu.memory_space<hbm>> -> memref<784xf32, #tpu.memory_space<hbm>>
      tpu.wait_dma2 semaphore(%run_scoped3A : memref<!tpu.dma_semaphore, #tpu.memory_space<semaphore_mem>>) src(%arg16 : memref<784xf32, #tpu.memory_space<vmem>>) dst(%dma_wait3A_317 : memref<784xf32, #tpu.memory_space<hbm>>)
      tpu.yield
    }) : () -> ()
    %barrier3A_167 = arith.constant 0 : index
    tpu.barrier barrier_id(%barrier3A_167)
    %mul3A_168 = arith.constant 2 : i32
    %mul3A_169 = arith.muli %arg0, %mul3A_168 : i32
    %add3A_170 = arith.constant 1 : i32
    %add3A_171 = arith.addi %mul3A_169, %add3A_170 : i32
    %mul3A_172 = arith.constant 12544 : i32
    %mul3A_173 = arith.muli %add3A_171, %mul3A_172 : i32
    %mul3A_174 = arith.constant 20 : i32
    %mul3A_175 = arith.muli %arg1, %mul3A_174 : i32
    %add3A_176 = arith.constant 0 : i32
    %add3A_177 = arith.addi %mul3A_175, %add3A_176 : i32
    %mul3A_178 = arith.constant 40 : i32
    %mul3A_179 = arith.muli %add3A_177, %mul3A_178 : i32
    "tpu.region"() ({
      %run_scoped3A = tpu.sem_alloc : memref<!tpu.dma_semaphore, #tpu.memory_space<semaphore_mem>>
      %dma_start3A = arith.constant 0 : i32
      %dma_start3A_316 = tpu.memref_slice %arg17[%mul3A_179, %dma_start3A] : memref<12800x128xf32, #tpu.memory_space<vmem_shared>> -> memref<40x128xf32, #tpu.memory_space<vmem_shared>>
      %dma_start3A_317 = arith.constant 0 : i32
      %dma_start3A_318 = tpu.memref_slice %arg17[%mul3A_179, %dma_start3A_317] : memref<12800x128xf32, #tpu.memory_space<vmem_shared>> -> memref<40x128xf32, #tpu.memory_space<vmem_shared>>
      tpu.enqueue_dma source(%arg14 : memref<40x128xf32, #tpu.memory_space<vmem>>) target(%dma_start3A_318 : memref<40x128xf32, #tpu.memory_space<vmem_shared>>) target_semaphore(%run_scoped3A : memref<!tpu.dma_semaphore, #tpu.memory_space<semaphore_mem>>)
      %dma_wait3A = arith.constant 0 : i32
      %dma_wait3A_319 = tpu.memref_slice %arg17[%mul3A_179, %dma_wait3A] : memref<12800x128xf32, #tpu.memory_space<vmem_shared>> -> memref<40x128xf32, #tpu.memory_space<vmem_shared>>
      %dma_wait3A_320 = arith.constant 0 : i32
      %dma_wait3A_321 = tpu.memref_slice %arg17[%mul3A_179, %dma_wait3A_320] : memref<12800x128xf32, #tpu.memory_space<vmem_shared>> -> memref<40x128xf32, #tpu.memory_space<vmem_shared>>
      tpu.wait_dma2 semaphore(%run_scoped3A : memref<!tpu.dma_semaphore, #tpu.memory_space<semaphore_mem>>) src(%arg14 : memref<40x128xf32, #tpu.memory_space<vmem>>) dst(%dma_wait3A_321 : memref<40x128xf32, #tpu.memory_space<vmem_shared>>)
      tpu.yield
    }) : () -> ()
    %mul3A_180 = arith.constant 20 : i32
    %mul3A_181 = arith.muli %arg1, %mul3A_180 : i32
    %add3A_182 = arith.constant 1 : i32
    %add3A_183 = arith.addi %mul3A_181, %add3A_182 : i32
    %mul3A_184 = arith.constant 40 : i32
    %mul3A_185 = arith.muli %add3A_183, %mul3A_184 : i32
    "tpu.region"() ({
      %run_scoped3A = tpu.sem_alloc : memref<!tpu.dma_semaphore, #tpu.memory_space<semaphore_mem>>
      %dma_start3A = arith.constant 0 : i32
      %dma_start3A_316 = tpu.memref_slice %arg17[%mul3A_185, %dma_start3A] : memref<12800x128xf32, #tpu.memory_space<vmem_shared>> -> memref<40x128xf32, #tpu.memory_space<vmem_shared>>
      %dma_start3A_317 = arith.constant 0 : i32
      %dma_start3A_318 = tpu.memref_slice %arg17[%mul3A_185, %dma_start3A_317] : memref<12800x128xf32, #tpu.memory_space<vmem_shared>> -> memref<40x128xf32, #tpu.memory_space<vmem_shared>>
      tpu.enqueue_dma source(%arg14 : memref<40x128xf32, #tpu.memory_space<vmem>>) target(%dma_start3A_318 : memref<40x128xf32, #tpu.memory_space<vmem_shared>>) target_semaphore(%run_scoped3A : memref<!tpu.dma_semaphore, #tpu.memory_space<semaphore_mem>>)
      %dma_wait3A = arith.constant 0 : i32
      %dma_wait3A_319 = tpu.memref_slice %arg17[%mul3A_185, %dma_wait3A] : memref<12800x128xf32, #tpu.memory_space<vmem_shared>> -> memref<40x128xf32, #tpu.memory_space<vmem_shared>>
      %dma_wait3A_320 = arith.constant 0 : i32
      %dma_wait3A_321 = tpu.memref_slice %arg17[%mul3A_185, %dma_wait3A_320] : memref<12800x128xf32, #tpu.memory_space<vmem_shared>> -> memref<40x128xf32, #tpu.memory_space<vmem_shared>>
      tpu.wait_dma2 semaphore(%run_scoped3A : memref<!tpu.dma_semaphore, #tpu.memory_space<semaphore_mem>>) src(%arg14 : memref<40x128xf32, #tpu.memory_space<vmem>>) dst(%dma_wait3A_321 : memref<40x128xf32, #tpu.memory_space<vmem_shared>>)
      tpu.yield
    }) : () -> ()
    %mul3A_186 = arith.constant 20 : i32
    %mul3A_187 = arith.muli %arg1, %mul3A_186 : i32
    %add3A_188 = arith.constant 2 : i32
    %add3A_189 = arith.addi %mul3A_187, %add3A_188 : i32
    %mul3A_190 = arith.constant 40 : i32
    %mul3A_191 = arith.muli %add3A_189, %mul3A_190 : i32
    "tpu.region"() ({
      %run_scoped3A = tpu.sem_alloc : memref<!tpu.dma_semaphore, #tpu.memory_space<semaphore_mem>>
      %dma_start3A = arith.constant 0 : i32
      %dma_start3A_316 = tpu.memref_slice %arg17[%mul3A_191, %dma_start3A] : memref<12800x128xf32, #tpu.memory_space<vmem_shared>> -> memref<40x128xf32, #tpu.memory_space<vmem_shared>>
      %dma_start3A_317 = arith.constant 0 : i32
      %dma_start3A_318 = tpu.memref_slice %arg17[%mul3A_191, %dma_start3A_317] : memref<12800x128xf32, #tpu.memory_space<vmem_shared>> -> memref<40x128xf32, #tpu.memory_space<vmem_shared>>
      tpu.enqueue_dma source(%arg14 : memref<40x128xf32, #tpu.memory_space<vmem>>) target(%dma_start3A_318 : memref<40x128xf32, #tpu.memory_space<vmem_shared>>) target_semaphore(%run_scoped3A : memref<!tpu.dma_semaphore, #tpu.memory_space<semaphore_mem>>)
      %dma_wait3A = arith.constant 0 : i32
      %dma_wait3A_319 = tpu.memref_slice %arg17[%mul3A_191, %dma_wait3A] : memref<12800x128xf32, #tpu.memory_space<vmem_shared>> -> memref<40x128xf32, #tpu.memory_space<vmem_shared>>
      %dma_wait3A_320 = arith.constant 0 : i32
      %dma_wait3A_321 = tpu.memref_slice %arg17[%mul3A_191, %dma_wait3A_320] : memref<12800x128xf32, #tpu.memory_space<vmem_shared>> -> memref<40x128xf32, #tpu.memory_space<vmem_shared>>
      tpu.wait_dma2 semaphore(%run_scoped3A : memref<!tpu.dma_semaphore, #tpu.memory_space<semaphore_mem>>) src(%arg14 : memref<40x128xf32, #tpu.memory_space<vmem>>) dst(%dma_wait3A_321 : memref<40x128xf32, #tpu.memory_space<vmem_shared>>)
      tpu.yield
    }) : () -> ()
    %mul3A_192 = arith.constant 20 : i32
    %mul3A_193 = arith.muli %arg1, %mul3A_192 : i32
    %add3A_194 = arith.constant 3 : i32
    %add3A_195 = arith.addi %mul3A_193, %add3A_194 : i32
    %mul3A_196 = arith.constant 40 : i32
    %mul3A_197 = arith.muli %add3A_195, %mul3A_196 : i32
    "tpu.region"() ({
      %run_scoped3A = tpu.sem_alloc : memref<!tpu.dma_semaphore, #tpu.memory_space<semaphore_mem>>
      %dma_start3A = arith.constant 0 : i32
      %dma_start3A_316 = tpu.memref_slice %arg17[%mul3A_197, %dma_start3A] : memref<12800x128xf32, #tpu.memory_space<vmem_shared>> -> memref<40x128xf32, #tpu.memory_space<vmem_shared>>
      %dma_start3A_317 = arith.constant 0 : i32
      %dma_start3A_318 = tpu.memref_slice %arg17[%mul3A_197, %dma_start3A_317] : memref<12800x128xf32, #tpu.memory_space<vmem_shared>> -> memref<40x128xf32, #tpu.memory_space<vmem_shared>>
      tpu.enqueue_dma source(%arg14 : memref<40x128xf32, #tpu.memory_space<vmem>>) target(%dma_start3A_318 : memref<40x128xf32, #tpu.memory_space<vmem_shared>>) target_semaphore(%run_scoped3A : memref<!tpu.dma_semaphore, #tpu.memory_space<semaphore_mem>>)
      %dma_wait3A = arith.constant 0 : i32
      %dma_wait3A_319 = tpu.memref_slice %arg17[%mul3A_197, %dma_wait3A] : memref<12800x128xf32, #tpu.memory_space<vmem_shared>> -> memref<40x128xf32, #tpu.memory_space<vmem_shared>>
      %dma_wait3A_320 = arith.constant 0 : i32
      %dma_wait3A_321 = tpu.memref_slice %arg17[%mul3A_197, %dma_wait3A_320] : memref<12800x128xf32, #tpu.memory_space<vmem_shared>> -> memref<40x128xf32, #tpu.memory_space<vmem_shared>>
      tpu.wait_dma2 semaphore(%run_scoped3A : memref<!tpu.dma_semaphore, #tpu.memory_space<semaphore_mem>>) src(%arg14 : memref<40x128xf32, #tpu.memory_space<vmem>>) dst(%dma_wait3A_321 : memref<40x128xf32, #tpu.memory_space<vmem_shared>>)
      tpu.yield
    }) : () -> ()
    %mul3A_198 = arith.constant 20 : i32
    %mul3A_199 = arith.muli %arg1, %mul3A_198 : i32
    %add3A_200 = arith.constant 4 : i32
    %add3A_201 = arith.addi %mul3A_199, %add3A_200 : i32
    %mul3A_202 = arith.constant 40 : i32
    %mul3A_203 = arith.muli %add3A_201, %mul3A_202 : i32
    "tpu.region"() ({
      %run_scoped3A = tpu.sem_alloc : memref<!tpu.dma_semaphore, #tpu.memory_space<semaphore_mem>>
      %dma_start3A = arith.constant 0 : i32
      %dma_start3A_316 = tpu.memref_slice %arg17[%mul3A_203, %dma_start3A] : memref<12800x128xf32, #tpu.memory_space<vmem_shared>> -> memref<40x128xf32, #tpu.memory_space<vmem_shared>>
      %dma_start3A_317 = arith.constant 0 : i32
      %dma_start3A_318 = tpu.memref_slice %arg17[%mul3A_203, %dma_start3A_317] : memref<12800x128xf32, #tpu.memory_space<vmem_shared>> -> memref<40x128xf32, #tpu.memory_space<vmem_shared>>
      tpu.enqueue_dma source(%arg14 : memref<40x128xf32, #tpu.memory_space<vmem>>) target(%dma_start3A_318 : memref<40x128xf32, #tpu.memory_space<vmem_shared>>) target_semaphore(%run_scoped3A : memref<!tpu.dma_semaphore, #tpu.memory_space<semaphore_mem>>)
      %dma_wait3A = arith.constant 0 : i32
      %dma_wait3A_319 = tpu.memref_slice %arg17[%mul3A_203, %dma_wait3A] : memref<12800x128xf32, #tpu.memory_space<vmem_shared>> -> memref<40x128xf32, #tpu.memory_space<vmem_shared>>
      %dma_wait3A_320 = arith.constant 0 : i32
      %dma_wait3A_321 = tpu.memref_slice %arg17[%mul3A_203, %dma_wait3A_320] : memref<12800x128xf32, #tpu.memory_space<vmem_shared>> -> memref<40x128xf32, #tpu.memory_space<vmem_shared>>
      tpu.wait_dma2 semaphore(%run_scoped3A : memref<!tpu.dma_semaphore, #tpu.memory_space<semaphore_mem>>) src(%arg14 : memref<40x128xf32, #tpu.memory_space<vmem>>) dst(%dma_wait3A_321 : memref<40x128xf32, #tpu.memory_space<vmem_shared>>)
      tpu.yield
    }) : () -> ()
    %mul3A_204 = arith.constant 20 : i32
    %mul3A_205 = arith.muli %arg1, %mul3A_204 : i32
    %add3A_206 = arith.constant 5 : i32
    %add3A_207 = arith.addi %mul3A_205, %add3A_206 : i32
    %mul3A_208 = arith.constant 40 : i32
    %mul3A_209 = arith.muli %add3A_207, %mul3A_208 : i32
    "tpu.region"() ({
      %run_scoped3A = tpu.sem_alloc : memref<!tpu.dma_semaphore, #tpu.memory_space<semaphore_mem>>
      %dma_start3A = arith.constant 0 : i32
      %dma_start3A_316 = tpu.memref_slice %arg17[%mul3A_209, %dma_start3A] : memref<12800x128xf32, #tpu.memory_space<vmem_shared>> -> memref<40x128xf32, #tpu.memory_space<vmem_shared>>
      %dma_start3A_317 = arith.constant 0 : i32
      %dma_start3A_318 = tpu.memref_slice %arg17[%mul3A_209, %dma_start3A_317] : memref<12800x128xf32, #tpu.memory_space<vmem_shared>> -> memref<40x128xf32, #tpu.memory_space<vmem_shared>>
      tpu.enqueue_dma source(%arg14 : memref<40x128xf32, #tpu.memory_space<vmem>>) target(%dma_start3A_318 : memref<40x128xf32, #tpu.memory_space<vmem_shared>>) target_semaphore(%run_scoped3A : memref<!tpu.dma_semaphore, #tpu.memory_space<semaphore_mem>>)
      %dma_wait3A = arith.constant 0 : i32
      %dma_wait3A_319 = tpu.memref_slice %arg17[%mul3A_209, %dma_wait3A] : memref<12800x128xf32, #tpu.memory_space<vmem_shared>> -> memref<40x128xf32, #tpu.memory_space<vmem_shared>>
      %dma_wait3A_320 = arith.constant 0 : i32
      %dma_wait3A_321 = tpu.memref_slice %arg17[%mul3A_209, %dma_wait3A_320] : memref<12800x128xf32, #tpu.memory_space<vmem_shared>> -> memref<40x128xf32, #tpu.memory_space<vmem_shared>>
      tpu.wait_dma2 semaphore(%run_scoped3A : memref<!tpu.dma_semaphore, #tpu.memory_space<semaphore_mem>>) src(%arg14 : memref<40x128xf32, #tpu.memory_space<vmem>>) dst(%dma_wait3A_321 : memref<40x128xf32, #tpu.memory_space<vmem_shared>>)
      tpu.yield
    }) : () -> ()
    %mul3A_210 = arith.constant 20 : i32
    %mul3A_211 = arith.muli %arg1, %mul3A_210 : i32
    %add3A_212 = arith.constant 6 : i32
    %add3A_213 = arith.addi %mul3A_211, %add3A_212 : i32
    %mul3A_214 = arith.constant 40 : i32
    %mul3A_215 = arith.muli %add3A_213, %mul3A_214 : i32
    "tpu.region"() ({
      %run_scoped3A = tpu.sem_alloc : memref<!tpu.dma_semaphore, #tpu.memory_space<semaphore_mem>>
      %dma_start3A = arith.constant 0 : i32
      %dma_start3A_316 = tpu.memref_slice %arg17[%mul3A_215, %dma_start3A] : memref<12800x128xf32, #tpu.memory_space<vmem_shared>> -> memref<40x128xf32, #tpu.memory_space<vmem_shared>>
      %dma_start3A_317 = arith.constant 0 : i32
      %dma_start3A_318 = tpu.memref_slice %arg17[%mul3A_215, %dma_start3A_317] : memref<12800x128xf32, #tpu.memory_space<vmem_shared>> -> memref<40x128xf32, #tpu.memory_space<vmem_shared>>
      tpu.enqueue_dma source(%arg14 : memref<40x128xf32, #tpu.memory_space<vmem>>) target(%dma_start3A_318 : memref<40x128xf32, #tpu.memory_space<vmem_shared>>) target_semaphore(%run_scoped3A : memref<!tpu.dma_semaphore, #tpu.memory_space<semaphore_mem>>)
      %dma_wait3A = arith.constant 0 : i32
      %dma_wait3A_319 = tpu.memref_slice %arg17[%mul3A_215, %dma_wait3A] : memref<12800x128xf32, #tpu.memory_space<vmem_shared>> -> memref<40x128xf32, #tpu.memory_space<vmem_shared>>
      %dma_wait3A_320 = arith.constant 0 : i32
      %dma_wait3A_321 = tpu.memref_slice %arg17[%mul3A_215, %dma_wait3A_320] : memref<12800x128xf32, #tpu.memory_space<vmem_shared>> -> memref<40x128xf32, #tpu.memory_space<vmem_shared>>
      tpu.wait_dma2 semaphore(%run_scoped3A : memref<!tpu.dma_semaphore, #tpu.memory_space<semaphore_mem>>) src(%arg14 : memref<40x128xf32, #tpu.memory_space<vmem>>) dst(%dma_wait3A_321 : memref<40x128xf32, #tpu.memory_space<vmem_shared>>)
      tpu.yield
    }) : () -> ()
    %mul3A_216 = arith.constant 20 : i32
    %mul3A_217 = arith.muli %arg1, %mul3A_216 : i32
    %add3A_218 = arith.constant 7 : i32
    %add3A_219 = arith.addi %mul3A_217, %add3A_218 : i32
    %mul3A_220 = arith.constant 40 : i32
    %mul3A_221 = arith.muli %add3A_219, %mul3A_220 : i32
    "tpu.region"() ({
      %run_scoped3A = tpu.sem_alloc : memref<!tpu.dma_semaphore, #tpu.memory_space<semaphore_mem>>
      %dma_start3A = arith.constant 0 : i32
      %dma_start3A_316 = tpu.memref_slice %arg17[%mul3A_221, %dma_start3A] : memref<12800x128xf32, #tpu.memory_space<vmem_shared>> -> memref<40x128xf32, #tpu.memory_space<vmem_shared>>
      %dma_start3A_317 = arith.constant 0 : i32
      %dma_start3A_318 = tpu.memref_slice %arg17[%mul3A_221, %dma_start3A_317] : memref<12800x128xf32, #tpu.memory_space<vmem_shared>> -> memref<40x128xf32, #tpu.memory_space<vmem_shared>>
      tpu.enqueue_dma source(%arg14 : memref<40x128xf32, #tpu.memory_space<vmem>>) target(%dma_start3A_318 : memref<40x128xf32, #tpu.memory_space<vmem_shared>>) target_semaphore(%run_scoped3A : memref<!tpu.dma_semaphore, #tpu.memory_space<semaphore_mem>>)
      %dma_wait3A = arith.constant 0 : i32
      %dma_wait3A_319 = tpu.memref_slice %arg17[%mul3A_221, %dma_wait3A] : memref<12800x128xf32, #tpu.memory_space<vmem_shared>> -> memref<40x128xf32, #tpu.memory_space<vmem_shared>>
      %dma_wait3A_320 = arith.constant 0 : i32
      %dma_wait3A_321 = tpu.memref_slice %arg17[%mul3A_221, %dma_wait3A_320] : memref<12800x128xf32, #tpu.memory_space<vmem_shared>> -> memref<40x128xf32, #tpu.memory_space<vmem_shared>>
      tpu.wait_dma2 semaphore(%run_scoped3A : memref<!tpu.dma_semaphore, #tpu.memory_space<semaphore_mem>>) src(%arg14 : memref<40x128xf32, #tpu.memory_space<vmem>>) dst(%dma_wait3A_321 : memref<40x128xf32, #tpu.memory_space<vmem_shared>>)
      tpu.yield
    }) : () -> ()
    %mul3A_222 = arith.constant 20 : i32
    %mul3A_223 = arith.muli %arg1, %mul3A_222 : i32
    %add3A_224 = arith.constant 8 : i32
    %add3A_225 = arith.addi %mul3A_223, %add3A_224 : i32
    %mul3A_226 = arith.constant 40 : i32
    %mul3A_227 = arith.muli %add3A_225, %mul3A_226 : i32
    "tpu.region"() ({
      %run_scoped3A = tpu.sem_alloc : memref<!tpu.dma_semaphore, #tpu.memory_space<semaphore_mem>>
      %dma_start3A = arith.constant 0 : i32
      %dma_start3A_316 = tpu.memref_slice %arg17[%mul3A_227, %dma_start3A] : memref<12800x128xf32, #tpu.memory_space<vmem_shared>> -> memref<40x128xf32, #tpu.memory_space<vmem_shared>>
      %dma_start3A_317 = arith.constant 0 : i32
      %dma_start3A_318 = tpu.memref_slice %arg17[%mul3A_227, %dma_start3A_317] : memref<12800x128xf32, #tpu.memory_space<vmem_shared>> -> memref<40x128xf32, #tpu.memory_space<vmem_shared>>
      tpu.enqueue_dma source(%arg14 : memref<40x128xf32, #tpu.memory_space<vmem>>) target(%dma_start3A_318 : memref<40x128xf32, #tpu.memory_space<vmem_shared>>) target_semaphore(%run_scoped3A : memref<!tpu.dma_semaphore, #tpu.memory_space<semaphore_mem>>)
      %dma_wait3A = arith.constant 0 : i32
      %dma_wait3A_319 = tpu.memref_slice %arg17[%mul3A_227, %dma_wait3A] : memref<12800x128xf32, #tpu.memory_space<vmem_shared>> -> memref<40x128xf32, #tpu.memory_space<vmem_shared>>
      %dma_wait3A_320 = arith.constant 0 : i32
      %dma_wait3A_321 = tpu.memref_slice %arg17[%mul3A_227, %dma_wait3A_320] : memref<12800x128xf32, #tpu.memory_space<vmem_shared>> -> memref<40x128xf32, #tpu.memory_space<vmem_shared>>
      tpu.wait_dma2 semaphore(%run_scoped3A : memref<!tpu.dma_semaphore, #tpu.memory_space<semaphore_mem>>) src(%arg14 : memref<40x128xf32, #tpu.memory_space<vmem>>) dst(%dma_wait3A_321 : memref<40x128xf32, #tpu.memory_space<vmem_shared>>)
      tpu.yield
    }) : () -> ()
    %mul3A_228 = arith.constant 20 : i32
    %mul3A_229 = arith.muli %arg1, %mul3A_228 : i32
    %add3A_230 = arith.constant 9 : i32
    %add3A_231 = arith.addi %mul3A_229, %add3A_230 : i32
    %mul3A_232 = arith.constant 40 : i32
    %mul3A_233 = arith.muli %add3A_231, %mul3A_232 : i32
    "tpu.region"() ({
      %run_scoped3A = tpu.sem_alloc : memref<!tpu.dma_semaphore, #tpu.memory_space<semaphore_mem>>
      %dma_start3A = arith.constant 0 : i32
      %dma_start3A_316 = tpu.memref_slice %arg17[%mul3A_233, %dma_start3A] : memref<12800x128xf32, #tpu.memory_space<vmem_shared>> -> memref<40x128xf32, #tpu.memory_space<vmem_shared>>
      %dma_start3A_317 = arith.constant 0 : i32
      %dma_start3A_318 = tpu.memref_slice %arg17[%mul3A_233, %dma_start3A_317] : memref<12800x128xf32, #tpu.memory_space<vmem_shared>> -> memref<40x128xf32, #tpu.memory_space<vmem_shared>>
      tpu.enqueue_dma source(%arg14 : memref<40x128xf32, #tpu.memory_space<vmem>>) target(%dma_start3A_318 : memref<40x128xf32, #tpu.memory_space<vmem_shared>>) target_semaphore(%run_scoped3A : memref<!tpu.dma_semaphore, #tpu.memory_space<semaphore_mem>>)
      %dma_wait3A = arith.constant 0 : i32
      %dma_wait3A_319 = tpu.memref_slice %arg17[%mul3A_233, %dma_wait3A] : memref<12800x128xf32, #tpu.memory_space<vmem_shared>> -> memref<40x128xf32, #tpu.memory_space<vmem_shared>>
      %dma_wait3A_320 = arith.constant 0 : i32
      %dma_wait3A_321 = tpu.memref_slice %arg17[%mul3A_233, %dma_wait3A_320] : memref<12800x128xf32, #tpu.memory_space<vmem_shared>> -> memref<40x128xf32, #tpu.memory_space<vmem_shared>>
      tpu.wait_dma2 semaphore(%run_scoped3A : memref<!tpu.dma_semaphore, #tpu.memory_space<semaphore_mem>>) src(%arg14 : memref<40x128xf32, #tpu.memory_space<vmem>>) dst(%dma_wait3A_321 : memref<40x128xf32, #tpu.memory_space<vmem_shared>>)
      tpu.yield
    }) : () -> ()
    %mul3A_234 = arith.constant 20 : i32
    %mul3A_235 = arith.muli %arg1, %mul3A_234 : i32
    %add3A_236 = arith.constant 10 : i32
    %add3A_237 = arith.addi %mul3A_235, %add3A_236 : i32
    %mul3A_238 = arith.constant 40 : i32
    %mul3A_239 = arith.muli %add3A_237, %mul3A_238 : i32
    "tpu.region"() ({
      %run_scoped3A = tpu.sem_alloc : memref<!tpu.dma_semaphore, #tpu.memory_space<semaphore_mem>>
      %dma_start3A = arith.constant 0 : i32
      %dma_start3A_316 = tpu.memref_slice %arg17[%mul3A_239, %dma_start3A] : memref<12800x128xf32, #tpu.memory_space<vmem_shared>> -> memref<40x128xf32, #tpu.memory_space<vmem_shared>>
      %dma_start3A_317 = arith.constant 0 : i32
      %dma_start3A_318 = tpu.memref_slice %arg17[%mul3A_239, %dma_start3A_317] : memref<12800x128xf32, #tpu.memory_space<vmem_shared>> -> memref<40x128xf32, #tpu.memory_space<vmem_shared>>
      tpu.enqueue_dma source(%arg14 : memref<40x128xf32, #tpu.memory_space<vmem>>) target(%dma_start3A_318 : memref<40x128xf32, #tpu.memory_space<vmem_shared>>) target_semaphore(%run_scoped3A : memref<!tpu.dma_semaphore, #tpu.memory_space<semaphore_mem>>)
      %dma_wait3A = arith.constant 0 : i32
      %dma_wait3A_319 = tpu.memref_slice %arg17[%mul3A_239, %dma_wait3A] : memref<12800x128xf32, #tpu.memory_space<vmem_shared>> -> memref<40x128xf32, #tpu.memory_space<vmem_shared>>
      %dma_wait3A_320 = arith.constant 0 : i32
      %dma_wait3A_321 = tpu.memref_slice %arg17[%mul3A_239, %dma_wait3A_320] : memref<12800x128xf32, #tpu.memory_space<vmem_shared>> -> memref<40x128xf32, #tpu.memory_space<vmem_shared>>
      tpu.wait_dma2 semaphore(%run_scoped3A : memref<!tpu.dma_semaphore, #tpu.memory_space<semaphore_mem>>) src(%arg14 : memref<40x128xf32, #tpu.memory_space<vmem>>) dst(%dma_wait3A_321 : memref<40x128xf32, #tpu.memory_space<vmem_shared>>)
      tpu.yield
    }) : () -> ()
    %mul3A_240 = arith.constant 20 : i32
    %mul3A_241 = arith.muli %arg1, %mul3A_240 : i32
    %add3A_242 = arith.constant 11 : i32
    %add3A_243 = arith.addi %mul3A_241, %add3A_242 : i32
    %mul3A_244 = arith.constant 40 : i32
    %mul3A_245 = arith.muli %add3A_243, %mul3A_244 : i32
    "tpu.region"() ({
      %run_scoped3A = tpu.sem_alloc : memref<!tpu.dma_semaphore, #tpu.memory_space<semaphore_mem>>
      %dma_start3A = arith.constant 0 : i32
      %dma_start3A_316 = tpu.memref_slice %arg17[%mul3A_245, %dma_start3A] : memref<12800x128xf32, #tpu.memory_space<vmem_shared>> -> memref<40x128xf32, #tpu.memory_space<vmem_shared>>
      %dma_start3A_317 = arith.constant 0 : i32
      %dma_start3A_318 = tpu.memref_slice %arg17[%mul3A_245, %dma_start3A_317] : memref<12800x128xf32, #tpu.memory_space<vmem_shared>> -> memref<40x128xf32, #tpu.memory_space<vmem_shared>>
      tpu.enqueue_dma source(%arg14 : memref<40x128xf32, #tpu.memory_space<vmem>>) target(%dma_start3A_318 : memref<40x128xf32, #tpu.memory_space<vmem_shared>>) target_semaphore(%run_scoped3A : memref<!tpu.dma_semaphore, #tpu.memory_space<semaphore_mem>>)
      %dma_wait3A = arith.constant 0 : i32
      %dma_wait3A_319 = tpu.memref_slice %arg17[%mul3A_245, %dma_wait3A] : memref<12800x128xf32, #tpu.memory_space<vmem_shared>> -> memref<40x128xf32, #tpu.memory_space<vmem_shared>>
      %dma_wait3A_320 = arith.constant 0 : i32
      %dma_wait3A_321 = tpu.memref_slice %arg17[%mul3A_245, %dma_wait3A_320] : memref<12800x128xf32, #tpu.memory_space<vmem_shared>> -> memref<40x128xf32, #tpu.memory_space<vmem_shared>>
      tpu.wait_dma2 semaphore(%run_scoped3A : memref<!tpu.dma_semaphore, #tpu.memory_space<semaphore_mem>>) src(%arg14 : memref<40x128xf32, #tpu.memory_space<vmem>>) dst(%dma_wait3A_321 : memref<40x128xf32, #tpu.memory_space<vmem_shared>>)
      tpu.yield
    }) : () -> ()
    %mul3A_246 = arith.constant 20 : i32
    %mul3A_247 = arith.muli %arg1, %mul3A_246 : i32
    %add3A_248 = arith.constant 12 : i32
    %add3A_249 = arith.addi %mul3A_247, %add3A_248 : i32
    %mul3A_250 = arith.constant 40 : i32
    %mul3A_251 = arith.muli %add3A_249, %mul3A_250 : i32
    "tpu.region"() ({
      %run_scoped3A = tpu.sem_alloc : memref<!tpu.dma_semaphore, #tpu.memory_space<semaphore_mem>>
      %dma_start3A = arith.constant 0 : i32
      %dma_start3A_316 = tpu.memref_slice %arg17[%mul3A_251, %dma_start3A] : memref<12800x128xf32, #tpu.memory_space<vmem_shared>> -> memref<40x128xf32, #tpu.memory_space<vmem_shared>>
      %dma_start3A_317 = arith.constant 0 : i32
      %dma_start3A_318 = tpu.memref_slice %arg17[%mul3A_251, %dma_start3A_317] : memref<12800x128xf32, #tpu.memory_space<vmem_shared>> -> memref<40x128xf32, #tpu.memory_space<vmem_shared>>
      tpu.enqueue_dma source(%arg14 : memref<40x128xf32, #tpu.memory_space<vmem>>) target(%dma_start3A_318 : memref<40x128xf32, #tpu.memory_space<vmem_shared>>) target_semaphore(%run_scoped3A : memref<!tpu.dma_semaphore, #tpu.memory_space<semaphore_mem>>)
      %dma_wait3A = arith.constant 0 : i32
      %dma_wait3A_319 = tpu.memref_slice %arg17[%mul3A_251, %dma_wait3A] : memref<12800x128xf32, #tpu.memory_space<vmem_shared>> -> memref<40x128xf32, #tpu.memory_space<vmem_shared>>
      %dma_wait3A_320 = arith.constant 0 : i32
      %dma_wait3A_321 = tpu.memref_slice %arg17[%mul3A_251, %dma_wait3A_320] : memref<12800x128xf32, #tpu.memory_space<vmem_shared>> -> memref<40x128xf32, #tpu.memory_space<vmem_shared>>
      tpu.wait_dma2 semaphore(%run_scoped3A : memref<!tpu.dma_semaphore, #tpu.memory_space<semaphore_mem>>) src(%arg14 : memref<40x128xf32, #tpu.memory_space<vmem>>) dst(%dma_wait3A_321 : memref<40x128xf32, #tpu.memory_space<vmem_shared>>)
      tpu.yield
    }) : () -> ()
    %mul3A_252 = arith.constant 20 : i32
    %mul3A_253 = arith.muli %arg1, %mul3A_252 : i32
    %add3A_254 = arith.constant 13 : i32
    %add3A_255 = arith.addi %mul3A_253, %add3A_254 : i32
    %mul3A_256 = arith.constant 40 : i32
    %mul3A_257 = arith.muli %add3A_255, %mul3A_256 : i32
    "tpu.region"() ({
      %run_scoped3A = tpu.sem_alloc : memref<!tpu.dma_semaphore, #tpu.memory_space<semaphore_mem>>
      %dma_start3A = arith.constant 0 : i32
      %dma_start3A_316 = tpu.memref_slice %arg17[%mul3A_257, %dma_start3A] : memref<12800x128xf32, #tpu.memory_space<vmem_shared>> -> memref<40x128xf32, #tpu.memory_space<vmem_shared>>
      %dma_start3A_317 = arith.constant 0 : i32
      %dma_start3A_318 = tpu.memref_slice %arg17[%mul3A_257, %dma_start3A_317] : memref<12800x128xf32, #tpu.memory_space<vmem_shared>> -> memref<40x128xf32, #tpu.memory_space<vmem_shared>>
      tpu.enqueue_dma source(%arg14 : memref<40x128xf32, #tpu.memory_space<vmem>>) target(%dma_start3A_318 : memref<40x128xf32, #tpu.memory_space<vmem_shared>>) target_semaphore(%run_scoped3A : memref<!tpu.dma_semaphore, #tpu.memory_space<semaphore_mem>>)
      %dma_wait3A = arith.constant 0 : i32
      %dma_wait3A_319 = tpu.memref_slice %arg17[%mul3A_257, %dma_wait3A] : memref<12800x128xf32, #tpu.memory_space<vmem_shared>> -> memref<40x128xf32, #tpu.memory_space<vmem_shared>>
      %dma_wait3A_320 = arith.constant 0 : i32
      %dma_wait3A_321 = tpu.memref_slice %arg17[%mul3A_257, %dma_wait3A_320] : memref<12800x128xf32, #tpu.memory_space<vmem_shared>> -> memref<40x128xf32, #tpu.memory_space<vmem_shared>>
      tpu.wait_dma2 semaphore(%run_scoped3A : memref<!tpu.dma_semaphore, #tpu.memory_space<semaphore_mem>>) src(%arg14 : memref<40x128xf32, #tpu.memory_space<vmem>>) dst(%dma_wait3A_321 : memref<40x128xf32, #tpu.memory_space<vmem_shared>>)
      tpu.yield
    }) : () -> ()
    %mul3A_258 = arith.constant 20 : i32
    %mul3A_259 = arith.muli %arg1, %mul3A_258 : i32
    %add3A_260 = arith.constant 14 : i32
    %add3A_261 = arith.addi %mul3A_259, %add3A_260 : i32
    %mul3A_262 = arith.constant 40 : i32
    %mul3A_263 = arith.muli %add3A_261, %mul3A_262 : i32
    "tpu.region"() ({
      %run_scoped3A = tpu.sem_alloc : memref<!tpu.dma_semaphore, #tpu.memory_space<semaphore_mem>>
      %dma_start3A = arith.constant 0 : i32
      %dma_start3A_316 = tpu.memref_slice %arg17[%mul3A_263, %dma_start3A] : memref<12800x128xf32, #tpu.memory_space<vmem_shared>> -> memref<40x128xf32, #tpu.memory_space<vmem_shared>>
      %dma_start3A_317 = arith.constant 0 : i32
      %dma_start3A_318 = tpu.memref_slice %arg17[%mul3A_263, %dma_start3A_317] : memref<12800x128xf32, #tpu.memory_space<vmem_shared>> -> memref<40x128xf32, #tpu.memory_space<vmem_shared>>
      tpu.enqueue_dma source(%arg14 : memref<40x128xf32, #tpu.memory_space<vmem>>) target(%dma_start3A_318 : memref<40x128xf32, #tpu.memory_space<vmem_shared>>) target_semaphore(%run_scoped3A : memref<!tpu.dma_semaphore, #tpu.memory_space<semaphore_mem>>)
      %dma_wait3A = arith.constant 0 : i32
      %dma_wait3A_319 = tpu.memref_slice %arg17[%mul3A_263, %dma_wait3A] : memref<12800x128xf32, #tpu.memory_space<vmem_shared>> -> memref<40x128xf32, #tpu.memory_space<vmem_shared>>
      %dma_wait3A_320 = arith.constant 0 : i32
      %dma_wait3A_321 = tpu.memref_slice %arg17[%mul3A_263, %dma_wait3A_320] : memref<12800x128xf32, #tpu.memory_space<vmem_shared>> -> memref<40x128xf32, #tpu.memory_space<vmem_shared>>
      tpu.wait_dma2 semaphore(%run_scoped3A : memref<!tpu.dma_semaphore, #tpu.memory_space<semaphore_mem>>) src(%arg14 : memref<40x128xf32, #tpu.memory_space<vmem>>) dst(%dma_wait3A_321 : memref<40x128xf32, #tpu.memory_space<vmem_shared>>)
      tpu.yield
    }) : () -> ()
    %mul3A_264 = arith.constant 20 : i32
    %mul3A_265 = arith.muli %arg1, %mul3A_264 : i32
    %add3A_266 = arith.constant 15 : i32
    %add3A_267 = arith.addi %mul3A_265, %add3A_266 : i32
    %mul3A_268 = arith.constant 40 : i32
    %mul3A_269 = arith.muli %add3A_267, %mul3A_268 : i32
    "tpu.region"() ({
      %run_scoped3A = tpu.sem_alloc : memref<!tpu.dma_semaphore, #tpu.memory_space<semaphore_mem>>
      %dma_start3A = arith.constant 0 : i32
      %dma_start3A_316 = tpu.memref_slice %arg17[%mul3A_269, %dma_start3A] : memref<12800x128xf32, #tpu.memory_space<vmem_shared>> -> memref<40x128xf32, #tpu.memory_space<vmem_shared>>
      %dma_start3A_317 = arith.constant 0 : i32
      %dma_start3A_318 = tpu.memref_slice %arg17[%mul3A_269, %dma_start3A_317] : memref<12800x128xf32, #tpu.memory_space<vmem_shared>> -> memref<40x128xf32, #tpu.memory_space<vmem_shared>>
      tpu.enqueue_dma source(%arg14 : memref<40x128xf32, #tpu.memory_space<vmem>>) target(%dma_start3A_318 : memref<40x128xf32, #tpu.memory_space<vmem_shared>>) target_semaphore(%run_scoped3A : memref<!tpu.dma_semaphore, #tpu.memory_space<semaphore_mem>>)
      %dma_wait3A = arith.constant 0 : i32
      %dma_wait3A_319 = tpu.memref_slice %arg17[%mul3A_269, %dma_wait3A] : memref<12800x128xf32, #tpu.memory_space<vmem_shared>> -> memref<40x128xf32, #tpu.memory_space<vmem_shared>>
      %dma_wait3A_320 = arith.constant 0 : i32
      %dma_wait3A_321 = tpu.memref_slice %arg17[%mul3A_269, %dma_wait3A_320] : memref<12800x128xf32, #tpu.memory_space<vmem_shared>> -> memref<40x128xf32, #tpu.memory_space<vmem_shared>>
      tpu.wait_dma2 semaphore(%run_scoped3A : memref<!tpu.dma_semaphore, #tpu.memory_space<semaphore_mem>>) src(%arg14 : memref<40x128xf32, #tpu.memory_space<vmem>>) dst(%dma_wait3A_321 : memref<40x128xf32, #tpu.memory_space<vmem_shared>>)
      tpu.yield
    }) : () -> ()
    %mul3A_270 = arith.constant 20 : i32
    %mul3A_271 = arith.muli %arg1, %mul3A_270 : i32
    %add3A_272 = arith.constant 16 : i32
    %add3A_273 = arith.addi %mul3A_271, %add3A_272 : i32
    %mul3A_274 = arith.constant 40 : i32
    %mul3A_275 = arith.muli %add3A_273, %mul3A_274 : i32
    "tpu.region"() ({
      %run_scoped3A = tpu.sem_alloc : memref<!tpu.dma_semaphore, #tpu.memory_space<semaphore_mem>>
      %dma_start3A = arith.constant 0 : i32
      %dma_start3A_316 = tpu.memref_slice %arg17[%mul3A_275, %dma_start3A] : memref<12800x128xf32, #tpu.memory_space<vmem_shared>> -> memref<40x128xf32, #tpu.memory_space<vmem_shared>>
      %dma_start3A_317 = arith.constant 0 : i32
      %dma_start3A_318 = tpu.memref_slice %arg17[%mul3A_275, %dma_start3A_317] : memref<12800x128xf32, #tpu.memory_space<vmem_shared>> -> memref<40x128xf32, #tpu.memory_space<vmem_shared>>
      tpu.enqueue_dma source(%arg14 : memref<40x128xf32, #tpu.memory_space<vmem>>) target(%dma_start3A_318 : memref<40x128xf32, #tpu.memory_space<vmem_shared>>) target_semaphore(%run_scoped3A : memref<!tpu.dma_semaphore, #tpu.memory_space<semaphore_mem>>)
      %dma_wait3A = arith.constant 0 : i32
      %dma_wait3A_319 = tpu.memref_slice %arg17[%mul3A_275, %dma_wait3A] : memref<12800x128xf32, #tpu.memory_space<vmem_shared>> -> memref<40x128xf32, #tpu.memory_space<vmem_shared>>
      %dma_wait3A_320 = arith.constant 0 : i32
      %dma_wait3A_321 = tpu.memref_slice %arg17[%mul3A_275, %dma_wait3A_320] : memref<12800x128xf32, #tpu.memory_space<vmem_shared>> -> memref<40x128xf32, #tpu.memory_space<vmem_shared>>
      tpu.wait_dma2 semaphore(%run_scoped3A : memref<!tpu.dma_semaphore, #tpu.memory_space<semaphore_mem>>) src(%arg14 : memref<40x128xf32, #tpu.memory_space<vmem>>) dst(%dma_wait3A_321 : memref<40x128xf32, #tpu.memory_space<vmem_shared>>)
      tpu.yield
    }) : () -> ()
    %mul3A_276 = arith.constant 20 : i32
    %mul3A_277 = arith.muli %arg1, %mul3A_276 : i32
    %add3A_278 = arith.constant 17 : i32
    %add3A_279 = arith.addi %mul3A_277, %add3A_278 : i32
    %mul3A_280 = arith.constant 40 : i32
    %mul3A_281 = arith.muli %add3A_279, %mul3A_280 : i32
    "tpu.region"() ({
      %run_scoped3A = tpu.sem_alloc : memref<!tpu.dma_semaphore, #tpu.memory_space<semaphore_mem>>
      %dma_start3A = arith.constant 0 : i32
      %dma_start3A_316 = tpu.memref_slice %arg17[%mul3A_281, %dma_start3A] : memref<12800x128xf32, #tpu.memory_space<vmem_shared>> -> memref<40x128xf32, #tpu.memory_space<vmem_shared>>
      %dma_start3A_317 = arith.constant 0 : i32
      %dma_start3A_318 = tpu.memref_slice %arg17[%mul3A_281, %dma_start3A_317] : memref<12800x128xf32, #tpu.memory_space<vmem_shared>> -> memref<40x128xf32, #tpu.memory_space<vmem_shared>>
      tpu.enqueue_dma source(%arg14 : memref<40x128xf32, #tpu.memory_space<vmem>>) target(%dma_start3A_318 : memref<40x128xf32, #tpu.memory_space<vmem_shared>>) target_semaphore(%run_scoped3A : memref<!tpu.dma_semaphore, #tpu.memory_space<semaphore_mem>>)
      %dma_wait3A = arith.constant 0 : i32
      %dma_wait3A_319 = tpu.memref_slice %arg17[%mul3A_281, %dma_wait3A] : memref<12800x128xf32, #tpu.memory_space<vmem_shared>> -> memref<40x128xf32, #tpu.memory_space<vmem_shared>>
      %dma_wait3A_320 = arith.constant 0 : i32
      %dma_wait3A_321 = tpu.memref_slice %arg17[%mul3A_281, %dma_wait3A_320] : memref<12800x128xf32, #tpu.memory_space<vmem_shared>> -> memref<40x128xf32, #tpu.memory_space<vmem_shared>>
      tpu.wait_dma2 semaphore(%run_scoped3A : memref<!tpu.dma_semaphore, #tpu.memory_space<semaphore_mem>>) src(%arg14 : memref<40x128xf32, #tpu.memory_space<vmem>>) dst(%dma_wait3A_321 : memref<40x128xf32, #tpu.memory_space<vmem_shared>>)
      tpu.yield
    }) : () -> ()
    %mul3A_282 = arith.constant 20 : i32
    %mul3A_283 = arith.muli %arg1, %mul3A_282 : i32
    %add3A_284 = arith.constant 18 : i32
    %add3A_285 = arith.addi %mul3A_283, %add3A_284 : i32
    %mul3A_286 = arith.constant 40 : i32
    %mul3A_287 = arith.muli %add3A_285, %mul3A_286 : i32
    "tpu.region"() ({
      %run_scoped3A = tpu.sem_alloc : memref<!tpu.dma_semaphore, #tpu.memory_space<semaphore_mem>>
      %dma_start3A = arith.constant 0 : i32
      %dma_start3A_316 = tpu.memref_slice %arg17[%mul3A_287, %dma_start3A] : memref<12800x128xf32, #tpu.memory_space<vmem_shared>> -> memref<40x128xf32, #tpu.memory_space<vmem_shared>>
      %dma_start3A_317 = arith.constant 0 : i32
      %dma_start3A_318 = tpu.memref_slice %arg17[%mul3A_287, %dma_start3A_317] : memref<12800x128xf32, #tpu.memory_space<vmem_shared>> -> memref<40x128xf32, #tpu.memory_space<vmem_shared>>
      tpu.enqueue_dma source(%arg14 : memref<40x128xf32, #tpu.memory_space<vmem>>) target(%dma_start3A_318 : memref<40x128xf32, #tpu.memory_space<vmem_shared>>) target_semaphore(%run_scoped3A : memref<!tpu.dma_semaphore, #tpu.memory_space<semaphore_mem>>)
      %dma_wait3A = arith.constant 0 : i32
      %dma_wait3A_319 = tpu.memref_slice %arg17[%mul3A_287, %dma_wait3A] : memref<12800x128xf32, #tpu.memory_space<vmem_shared>> -> memref<40x128xf32, #tpu.memory_space<vmem_shared>>
      %dma_wait3A_320 = arith.constant 0 : i32
      %dma_wait3A_321 = tpu.memref_slice %arg17[%mul3A_287, %dma_wait3A_320] : memref<12800x128xf32, #tpu.memory_space<vmem_shared>> -> memref<40x128xf32, #tpu.memory_space<vmem_shared>>
      tpu.wait_dma2 semaphore(%run_scoped3A : memref<!tpu.dma_semaphore, #tpu.memory_space<semaphore_mem>>) src(%arg14 : memref<40x128xf32, #tpu.memory_space<vmem>>) dst(%dma_wait3A_321 : memref<40x128xf32, #tpu.memory_space<vmem_shared>>)
      tpu.yield
    }) : () -> ()
    %mul3A_288 = arith.constant 20 : i32
    %mul3A_289 = arith.muli %arg1, %mul3A_288 : i32
    %add3A_290 = arith.constant 19 : i32
    %add3A_291 = arith.addi %mul3A_289, %add3A_290 : i32
    %mul3A_292 = arith.constant 40 : i32
    %mul3A_293 = arith.muli %add3A_291, %mul3A_292 : i32
    "tpu.region"() ({
      %run_scoped3A = tpu.sem_alloc : memref<!tpu.dma_semaphore, #tpu.memory_space<semaphore_mem>>
      %dma_start3A = arith.constant 0 : i32
      %dma_start3A_316 = tpu.memref_slice %arg17[%mul3A_293, %dma_start3A] : memref<12800x128xf32, #tpu.memory_space<vmem_shared>> -> memref<40x128xf32, #tpu.memory_space<vmem_shared>>
      %dma_start3A_317 = arith.constant 0 : i32
      %dma_start3A_318 = tpu.memref_slice %arg17[%mul3A_293, %dma_start3A_317] : memref<12800x128xf32, #tpu.memory_space<vmem_shared>> -> memref<40x128xf32, #tpu.memory_space<vmem_shared>>
      tpu.enqueue_dma source(%arg14 : memref<40x128xf32, #tpu.memory_space<vmem>>) target(%dma_start3A_318 : memref<40x128xf32, #tpu.memory_space<vmem_shared>>) target_semaphore(%run_scoped3A : memref<!tpu.dma_semaphore, #tpu.memory_space<semaphore_mem>>)
      %dma_wait3A = arith.constant 0 : i32
      %dma_wait3A_319 = tpu.memref_slice %arg17[%mul3A_293, %dma_wait3A] : memref<12800x128xf32, #tpu.memory_space<vmem_shared>> -> memref<40x128xf32, #tpu.memory_space<vmem_shared>>
      %dma_wait3A_320 = arith.constant 0 : i32
      %dma_wait3A_321 = tpu.memref_slice %arg17[%mul3A_293, %dma_wait3A_320] : memref<12800x128xf32, #tpu.memory_space<vmem_shared>> -> memref<40x128xf32, #tpu.memory_space<vmem_shared>>
      tpu.wait_dma2 semaphore(%run_scoped3A : memref<!tpu.dma_semaphore, #tpu.memory_space<semaphore_mem>>) src(%arg14 : memref<40x128xf32, #tpu.memory_space<vmem>>) dst(%dma_wait3A_321 : memref<40x128xf32, #tpu.memory_space<vmem_shared>>)
      tpu.yield
    }) : () -> ()
    %mul3A_294 = arith.constant 800 : i32
    %mul3A_295 = arith.muli %arg1, %mul3A_294 : i32
    "tpu.region"() ({
      %run_scoped3A = tpu.sem_alloc : memref<!tpu.dma_semaphore, #tpu.memory_space<semaphore_mem>>
      %dma_start3A = tpu.memref_slice %arg18[%mul3A_295] : memref<12800xf32, #tpu.memory_space<vmem_shared>> -> memref<800xf32, #tpu.memory_space<vmem_shared>>
      %dma_start3A_316 = tpu.memref_slice %arg18[%mul3A_295] : memref<12800xf32, #tpu.memory_space<vmem_shared>> -> memref<800xf32, #tpu.memory_space<vmem_shared>>
      tpu.enqueue_dma source(%arg15 : memref<800xf32, #tpu.memory_space<vmem>>) target(%dma_start3A_316 : memref<800xf32, #tpu.memory_space<vmem_shared>>) target_semaphore(%run_scoped3A : memref<!tpu.dma_semaphore, #tpu.memory_space<semaphore_mem>>)
      %dma_wait3A = tpu.memref_slice %arg18[%mul3A_295] : memref<12800xf32, #tpu.memory_space<vmem_shared>> -> memref<800xf32, #tpu.memory_space<vmem_shared>>
      %dma_wait3A_317 = tpu.memref_slice %arg18[%mul3A_295] : memref<12800xf32, #tpu.memory_space<vmem_shared>> -> memref<800xf32, #tpu.memory_space<vmem_shared>>
      tpu.wait_dma2 semaphore(%run_scoped3A : memref<!tpu.dma_semaphore, #tpu.memory_space<semaphore_mem>>) src(%arg15 : memref<800xf32, #tpu.memory_space<vmem>>) dst(%dma_wait3A_317 : memref<800xf32, #tpu.memory_space<vmem_shared>>)
      tpu.yield
    }) : () -> ()
    %barrier3A_296 = arith.constant 0 : index
    tpu.barrier barrier_id(%barrier3A_296)
    %scan3A_297 = arith.constant 0 : i32
    %scan3A_298 = arith.constant 0 : i32
    %scan3A_299 = arith.constant 14 : i32
    %scan3A_300 = arith.addi %scan3A_298, %scan3A_299 : i32
    %scan3A_301 = arith.constant 1 : i32
    %scan3A_302 = scf.for %scan3A_316 = %scan3A_298 to %scan3A_300 step %scan3A_301 iter_args(%scan3A_317 = %scan3A_297) -> (i32)  : i32 {
      %mul3A_318 = arith.constant 196 : i32
      %mul3A_319 = arith.muli %arg1, %mul3A_318 : i32
      %mul3A_320 = arith.constant 14 : i32
      %mul3A_321 = arith.muli %scan3A_316, %mul3A_320 : i32
      %add3A_322 = arith.addi %mul3A_319, %mul3A_321 : i32
      %mul3A_323 = arith.constant 64 : i32
      %mul3A_324 = arith.muli %add3A_322, %mul3A_323 : i32
      "tpu.region"() ({
        %run_scoped3A = tpu.sem_alloc : memref<!tpu.dma_semaphore, #tpu.memory_space<semaphore_mem>>
        %dma_start3A_1660 = tpu.memref_slice %arg4[%mul3A_324] : memref<200704xi32, #tpu.memory_space<hbm>> -> memref<896xi32, #tpu.memory_space<hbm>>
        %dma_start3A_1661 = tpu.memref_slice %arg4[%mul3A_324] : memref<200704xi32, #tpu.memory_space<hbm>> -> memref<896xi32, #tpu.memory_space<hbm>>
        tpu.enqueue_dma source(%dma_start3A_1661 : memref<896xi32, #tpu.memory_space<hbm>>) target(%arg7 : memref<896xi32, #tpu.memory_space<vmem>>) target_semaphore(%run_scoped3A : memref<!tpu.dma_semaphore, #tpu.memory_space<semaphore_mem>>)
        %dma_wait3A_1662 = tpu.memref_slice %arg4[%mul3A_324] : memref<200704xi32, #tpu.memory_space<hbm>> -> memref<896xi32, #tpu.memory_space<hbm>>
        %dma_wait3A_1663 = tpu.memref_slice %arg4[%mul3A_324] : memref<200704xi32, #tpu.memory_space<hbm>> -> memref<896xi32, #tpu.memory_space<hbm>>
        tpu.wait_dma2 semaphore(%run_scoped3A : memref<!tpu.dma_semaphore, #tpu.memory_space<semaphore_mem>>) src(%dma_wait3A_1663 : memref<896xi32, #tpu.memory_space<hbm>>) dst(%arg7 : memref<896xi32, #tpu.memory_space<vmem>>)
        tpu.yield
      }) : () -> ()
      "tpu.region"() ({
        %run_scoped3A = tpu.sem_alloc : memref<!tpu.dma_semaphore, #tpu.memory_space<semaphore_mem>>
        %dma_start3A_1660 = tpu.memref_slice %arg3[%mul3A_324] : memref<200704xi32, #tpu.memory_space<hbm>> -> memref<896xi32, #tpu.memory_space<hbm>>
        %dma_start3A_1661 = tpu.memref_slice %arg3[%mul3A_324] : memref<200704xi32, #tpu.memory_space<hbm>> -> memref<896xi32, #tpu.memory_space<hbm>>
        tpu.enqueue_dma source(%dma_start3A_1661 : memref<896xi32, #tpu.memory_space<hbm>>) target(%arg8 : memref<896xi32, #tpu.memory_space<vmem>>) target_semaphore(%run_scoped3A : memref<!tpu.dma_semaphore, #tpu.memory_space<semaphore_mem>>)
        %dma_wait3A_1662 = tpu.memref_slice %arg3[%mul3A_324] : memref<200704xi32, #tpu.memory_space<hbm>> -> memref<896xi32, #tpu.memory_space<hbm>>
        %dma_wait3A_1663 = tpu.memref_slice %arg3[%mul3A_324] : memref<200704xi32, #tpu.memory_space<hbm>> -> memref<896xi32, #tpu.memory_space<hbm>>
        tpu.wait_dma2 semaphore(%run_scoped3A : memref<!tpu.dma_semaphore, #tpu.memory_space<semaphore_mem>>) src(%dma_wait3A_1663 : memref<896xi32, #tpu.memory_space<hbm>>) dst(%arg8 : memref<896xi32, #tpu.memory_space<vmem>>)
        tpu.yield
      }) : () -> ()
      %get3A = arith.constant 0 : index
      %get3A_325 = tpu.vector_load %arg7[%get3A] {strides = array<i32>} : memref<896xi32, #tpu.memory_space<vmem>>, vector<16xi32>,
      %get3A_326 = vector.shape_cast %get3A_325 : vector<16xi32> to vector<16xi32>
      %sub3A = vector.broadcast %mul3A_173 : i32 to vector<16xi32>
      %sub3A_327 = arith.subi %get3A_326, %sub3A : vector<16xi32>
      %ge3A = arith.constant 0 : i32
      %ge3A_328 = vector.broadcast %ge3A : i32 to vector<16xi32>
      %ge3A_329 = arith.cmpi sge, %sub3A_327, %ge3A_328 : vector<16xi32>
      %lt3A = arith.constant 12544 : i32
      %lt3A_330 = vector.broadcast %lt3A : i32 to vector<16xi32>
      %lt3A_331 = arith.cmpi slt, %sub3A_327, %lt3A_330 : vector<16xi32>
      %and3A = arith.andi %ge3A_329, %lt3A_331 : vector<16xi1>
      %jit3A = arith.constant 12544 : i32
      %broadcast_in_dim3A_332 = vector.broadcast %jit3A : i32 to vector<16xi32>
      %select_n3A = arith.select %and3A, %sub3A_327, %broadcast_in_dim3A_332 : vector<16xi1>, vector<16xi32>
      %swap3A = arith.constant 0 : index
      %swap3A_333 = tpu.vector_load %arg9[%swap3A] {strides = array<i32>} : memref<64xi32, #tpu.memory_space<vmem>>, vector<16xi32>,
      %swap3A_334 = vector.shape_cast %swap3A_333 : vector<16xi32> to vector<16xi32>
      %swap3A_335 = vector.shape_cast %select_n3A : vector<16xi32> to vector<16xi32>
      tpu.vector_store %arg9[%swap3A], %swap3A_335 {strides = array<i32>} : memref<64xi32, #tpu.memory_space<vmem>>, vector<16xi32>,
      %get3A_336 = arith.constant 16 : index
      %get3A_337 = tpu.vector_load %arg7[%get3A_336] {strides = array<i32>} : memref<896xi32, #tpu.memory_space<vmem>>, vector<16xi32>,
      %get3A_338 = vector.shape_cast %get3A_337 : vector<16xi32> to vector<16xi32>
      %sub3A_339 = vector.broadcast %mul3A_173 : i32 to vector<16xi32>
      %sub3A_340 = arith.subi %get3A_338, %sub3A_339 : vector<16xi32>
      %ge3A_341 = arith.constant 0 : i32
      %ge3A_342 = vector.broadcast %ge3A_341 : i32 to vector<16xi32>
      %ge3A_343 = arith.cmpi sge, %sub3A_340, %ge3A_342 : vector<16xi32>
      %lt3A_344 = arith.constant 12544 : i32
      %lt3A_345 = vector.broadcast %lt3A_344 : i32 to vector<16xi32>
      %lt3A_346 = arith.cmpi slt, %sub3A_340, %lt3A_345 : vector<16xi32>
      %and3A_347 = arith.andi %ge3A_343, %lt3A_346 : vector<16xi1>
      %jit3A_348 = arith.constant 12544 : i32
      %broadcast_in_dim3A_349 = vector.broadcast %jit3A_348 : i32 to vector<16xi32>
      %select_n3A_350 = arith.select %and3A_347, %sub3A_340, %broadcast_in_dim3A_349 : vector<16xi1>, vector<16xi32>
      %swap3A_351 = arith.constant 16 : index
      %swap3A_352 = tpu.vector_load %arg9[%swap3A_351] {strides = array<i32>} : memref<64xi32, #tpu.memory_space<vmem>>, vector<16xi32>,
      %swap3A_353 = vector.shape_cast %swap3A_352 : vector<16xi32> to vector<16xi32>
      %swap3A_354 = vector.shape_cast %select_n3A_350 : vector<16xi32> to vector<16xi32>
      tpu.vector_store %arg9[%swap3A_351], %swap3A_354 {strides = array<i32>} : memref<64xi32, #tpu.memory_space<vmem>>, vector<16xi32>,
      %get3A_355 = arith.constant 32 : index
      %get3A_356 = tpu.vector_load %arg7[%get3A_355] {strides = array<i32>} : memref<896xi32, #tpu.memory_space<vmem>>, vector<16xi32>,
      %get3A_357 = vector.shape_cast %get3A_356 : vector<16xi32> to vector<16xi32>
      %sub3A_358 = vector.broadcast %mul3A_173 : i32 to vector<16xi32>
      %sub3A_359 = arith.subi %get3A_357, %sub3A_358 : vector<16xi32>
      %ge3A_360 = arith.constant 0 : i32
      %ge3A_361 = vector.broadcast %ge3A_360 : i32 to vector<16xi32>
      %ge3A_362 = arith.cmpi sge, %sub3A_359, %ge3A_361 : vector<16xi32>
      %lt3A_363 = arith.constant 12544 : i32
      %lt3A_364 = vector.broadcast %lt3A_363 : i32 to vector<16xi32>
      %lt3A_365 = arith.cmpi slt, %sub3A_359, %lt3A_364 : vector<16xi32>
      %and3A_366 = arith.andi %ge3A_362, %lt3A_365 : vector<16xi1>
      %jit3A_367 = arith.constant 12544 : i32
      %broadcast_in_dim3A_368 = vector.broadcast %jit3A_367 : i32 to vector<16xi32>
      %select_n3A_369 = arith.select %and3A_366, %sub3A_359, %broadcast_in_dim3A_368 : vector<16xi1>, vector<16xi32>
      %swap3A_370 = arith.constant 32 : index
      %swap3A_371 = tpu.vector_load %arg9[%swap3A_370] {strides = array<i32>} : memref<64xi32, #tpu.memory_space<vmem>>, vector<16xi32>,
      %swap3A_372 = vector.shape_cast %swap3A_371 : vector<16xi32> to vector<16xi32>
      %swap3A_373 = vector.shape_cast %select_n3A_369 : vector<16xi32> to vector<16xi32>
      tpu.vector_store %arg9[%swap3A_370], %swap3A_373 {strides = array<i32>} : memref<64xi32, #tpu.memory_space<vmem>>, vector<16xi32>,
      %get3A_374 = arith.constant 48 : index
      %get3A_375 = tpu.vector_load %arg7[%get3A_374] {strides = array<i32>} : memref<896xi32, #tpu.memory_space<vmem>>, vector<16xi32>,
      %get3A_376 = vector.shape_cast %get3A_375 : vector<16xi32> to vector<16xi32>
      %sub3A_377 = vector.broadcast %mul3A_173 : i32 to vector<16xi32>
      %sub3A_378 = arith.subi %get3A_376, %sub3A_377 : vector<16xi32>
      %ge3A_379 = arith.constant 0 : i32
      %ge3A_380 = vector.broadcast %ge3A_379 : i32 to vector<16xi32>
      %ge3A_381 = arith.cmpi sge, %sub3A_378, %ge3A_380 : vector<16xi32>
      %lt3A_382 = arith.constant 12544 : i32
      %lt3A_383 = vector.broadcast %lt3A_382 : i32 to vector<16xi32>
      %lt3A_384 = arith.cmpi slt, %sub3A_378, %lt3A_383 : vector<16xi32>
      %and3A_385 = arith.andi %ge3A_381, %lt3A_384 : vector<16xi1>
      %jit3A_386 = arith.constant 12544 : i32
      %broadcast_in_dim3A_387 = vector.broadcast %jit3A_386 : i32 to vector<16xi32>
      %select_n3A_388 = arith.select %and3A_385, %sub3A_378, %broadcast_in_dim3A_387 : vector<16xi1>, vector<16xi32>
      %swap3A_389 = arith.constant 48 : index
      %swap3A_390 = tpu.vector_load %arg9[%swap3A_389] {strides = array<i32>} : memref<64xi32, #tpu.memory_space<vmem>>, vector<16xi32>,
      %swap3A_391 = vector.shape_cast %swap3A_390 : vector<16xi32> to vector<16xi32>
      %swap3A_392 = vector.shape_cast %select_n3A_388 : vector<16xi32> to vector<16xi32>
      tpu.vector_store %arg9[%swap3A_389], %swap3A_392 {strides = array<i32>} : memref<64xi32, #tpu.memory_space<vmem>>, vector<16xi32>,
      %dma_start3A = arith.constant 0 : i32
      %dma_start3A_393 = tpu.memref_slice %arg8[%dma_start3A] : memref<896xi32, #tpu.memory_space<vmem>> -> memref<64xi32, #tpu.memory_space<vmem>>
      %dma_start3A_394 = arith.constant 0 : i32
      %dma_start3A_395 = arith.constant 0 : i32
      %dma_start3A_396 = tpu.memref_slice %arg2[%dma_start3A_394, %dma_start3A_395] : memref<100000x128xf32, #tpu.memory_space<hbm>> -> memref<100000x128xf32, #tpu.memory_space<hbm>>
      tpu.enqueue_indirect_dma source(%dma_start3A_396 : memref<100000x128xf32, #tpu.memory_space<hbm>>) target(%arg10 : memref<64x128xf32, #tpu.memory_space<vmem>>) offsets(%dma_start3A_393 : memref<64xi32, #tpu.memory_space<vmem>>) semaphore(%arg19 : memref<!tpu.dma_semaphore, #tpu.memory_space<semaphore_mem>>)
      %get3A_397 = arith.constant 64 : index
      %get3A_398 = tpu.vector_load %arg7[%get3A_397] {strides = array<i32>} : memref<896xi32, #tpu.memory_space<vmem>>, vector<16xi32>,
      %get3A_399 = vector.shape_cast %get3A_398 : vector<16xi32> to vector<16xi32>
      %sub3A_400 = vector.broadcast %mul3A_173 : i32 to vector<16xi32>
      %sub3A_401 = arith.subi %get3A_399, %sub3A_400 : vector<16xi32>
      %ge3A_402 = arith.constant 0 : i32
      %ge3A_403 = vector.broadcast %ge3A_402 : i32 to vector<16xi32>
      %ge3A_404 = arith.cmpi sge, %sub3A_401, %ge3A_403 : vector<16xi32>
      %lt3A_405 = arith.constant 12544 : i32
      %lt3A_406 = vector.broadcast %lt3A_405 : i32 to vector<16xi32>
      %lt3A_407 = arith.cmpi slt, %sub3A_401, %lt3A_406 : vector<16xi32>
      %and3A_408 = arith.andi %ge3A_404, %lt3A_407 : vector<16xi1>
      %jit3A_409 = arith.constant 12544 : i32
      %broadcast_in_dim3A_410 = vector.broadcast %jit3A_409 : i32 to vector<16xi32>
      %select_n3A_411 = arith.select %and3A_408, %sub3A_401, %broadcast_in_dim3A_410 : vector<16xi1>, vector<16xi32>
      %swap3A_412 = arith.constant 0 : index
      %swap3A_413 = tpu.vector_load %arg11[%swap3A_412] {strides = array<i32>} : memref<64xi32, #tpu.memory_space<vmem>>, vector<16xi32>,
      %swap3A_414 = vector.shape_cast %swap3A_413 : vector<16xi32> to vector<16xi32>
      %swap3A_415 = vector.shape_cast %select_n3A_411 : vector<16xi32> to vector<16xi32>
      tpu.vector_store %arg11[%swap3A_412], %swap3A_415 {strides = array<i32>} : memref<64xi32, #tpu.memory_space<vmem>>, vector<16xi32>,
      %get3A_416 = arith.constant 80 : index
      %get3A_417 = tpu.vector_load %arg7[%get3A_416] {strides = array<i32>} : memref<896xi32, #tpu.memory_space<vmem>>, vector<16xi32>,
      %get3A_418 = vector.shape_cast %get3A_417 : vector<16xi32> to vector<16xi32>
      %sub3A_419 = vector.broadcast %mul3A_173 : i32 to vector<16xi32>
      %sub3A_420 = arith.subi %get3A_418, %sub3A_419 : vector<16xi32>
      %ge3A_421 = arith.constant 0 : i32
      %ge3A_422 = vector.broadcast %ge3A_421 : i32 to vector<16xi32>
      %ge3A_423 = arith.cmpi sge, %sub3A_420, %ge3A_422 : vector<16xi32>
      %lt3A_424 = arith.constant 12544 : i32
      %lt3A_425 = vector.broadcast %lt3A_424 : i32 to vector<16xi32>
      %lt3A_426 = arith.cmpi slt, %sub3A_420, %lt3A_425 : vector<16xi32>
      %and3A_427 = arith.andi %ge3A_423, %lt3A_426 : vector<16xi1>
      %jit3A_428 = arith.constant 12544 : i32
      %broadcast_in_dim3A_429 = vector.broadcast %jit3A_428 : i32 to vector<16xi32>
      %select_n3A_430 = arith.select %and3A_427, %sub3A_420, %broadcast_in_dim3A_429 : vector<16xi1>, vector<16xi32>
      %swap3A_431 = arith.constant 16 : index
      %swap3A_432 = tpu.vector_load %arg11[%swap3A_431] {strides = array<i32>} : memref<64xi32, #tpu.memory_space<vmem>>, vector<16xi32>,
      %swap3A_433 = vector.shape_cast %swap3A_432 : vector<16xi32> to vector<16xi32>
      %swap3A_434 = vector.shape_cast %select_n3A_430 : vector<16xi32> to vector<16xi32>
      tpu.vector_store %arg11[%swap3A_431], %swap3A_434 {strides = array<i32>} : memref<64xi32, #tpu.memory_space<vmem>>, vector<16xi32>,
      %get3A_435 = arith.constant 96 : index
      %get3A_436 = tpu.vector_load %arg7[%get3A_435] {strides = array<i32>} : memref<896xi32, #tpu.memory_space<vmem>>, vector<16xi32>,
      %get3A_437 = vector.shape_cast %get3A_436 : vector<16xi32> to vector<16xi32>
      %sub3A_438 = vector.broadcast %mul3A_173 : i32 to vector<16xi32>
      %sub3A_439 = arith.subi %get3A_437, %sub3A_438 : vector<16xi32>
      %ge3A_440 = arith.constant 0 : i32
      %ge3A_441 = vector.broadcast %ge3A_440 : i32 to vector<16xi32>
      %ge3A_442 = arith.cmpi sge, %sub3A_439, %ge3A_441 : vector<16xi32>
      %lt3A_443 = arith.constant 12544 : i32
      %lt3A_444 = vector.broadcast %lt3A_443 : i32 to vector<16xi32>
      %lt3A_445 = arith.cmpi slt, %sub3A_439, %lt3A_444 : vector<16xi32>
      %and3A_446 = arith.andi %ge3A_442, %lt3A_445 : vector<16xi1>
      %jit3A_447 = arith.constant 12544 : i32
      %broadcast_in_dim3A_448 = vector.broadcast %jit3A_447 : i32 to vector<16xi32>
      %select_n3A_449 = arith.select %and3A_446, %sub3A_439, %broadcast_in_dim3A_448 : vector<16xi1>, vector<16xi32>
      %swap3A_450 = arith.constant 32 : index
      %swap3A_451 = tpu.vector_load %arg11[%swap3A_450] {strides = array<i32>} : memref<64xi32, #tpu.memory_space<vmem>>, vector<16xi32>,
      %swap3A_452 = vector.shape_cast %swap3A_451 : vector<16xi32> to vector<16xi32>
      %swap3A_453 = vector.shape_cast %select_n3A_449 : vector<16xi32> to vector<16xi32>
      tpu.vector_store %arg11[%swap3A_450], %swap3A_453 {strides = array<i32>} : memref<64xi32, #tpu.memory_space<vmem>>, vector<16xi32>,
      %get3A_454 = arith.constant 112 : index
      %get3A_455 = tpu.vector_load %arg7[%get3A_454] {strides = array<i32>} : memref<896xi32, #tpu.memory_space<vmem>>, vector<16xi32>,
      %get3A_456 = vector.shape_cast %get3A_455 : vector<16xi32> to vector<16xi32>
      %sub3A_457 = vector.broadcast %mul3A_173 : i32 to vector<16xi32>
      %sub3A_458 = arith.subi %get3A_456, %sub3A_457 : vector<16xi32>
      %ge3A_459 = arith.constant 0 : i32
      %ge3A_460 = vector.broadcast %ge3A_459 : i32 to vector<16xi32>
      %ge3A_461 = arith.cmpi sge, %sub3A_458, %ge3A_460 : vector<16xi32>
      %lt3A_462 = arith.constant 12544 : i32
      %lt3A_463 = vector.broadcast %lt3A_462 : i32 to vector<16xi32>
      %lt3A_464 = arith.cmpi slt, %sub3A_458, %lt3A_463 : vector<16xi32>
      %and3A_465 = arith.andi %ge3A_461, %lt3A_464 : vector<16xi1>
      %jit3A_466 = arith.constant 12544 : i32
      %broadcast_in_dim3A_467 = vector.broadcast %jit3A_466 : i32 to vector<16xi32>
      %select_n3A_468 = arith.select %and3A_465, %sub3A_458, %broadcast_in_dim3A_467 : vector<16xi1>, vector<16xi32>
      %swap3A_469 = arith.constant 48 : index
      %swap3A_470 = tpu.vector_load %arg11[%swap3A_469] {strides = array<i32>} : memref<64xi32, #tpu.memory_space<vmem>>, vector<16xi32>,
      %swap3A_471 = vector.shape_cast %swap3A_470 : vector<16xi32> to vector<16xi32>
      %swap3A_472 = vector.shape_cast %select_n3A_468 : vector<16xi32> to vector<16xi32>
      tpu.vector_store %arg11[%swap3A_469], %swap3A_472 {strides = array<i32>} : memref<64xi32, #tpu.memory_space<vmem>>, vector<16xi32>,
      %dma_start3A_473 = arith.constant 64 : i32
      %dma_start3A_474 = tpu.memref_slice %arg8[%dma_start3A_473] : memref<896xi32, #tpu.memory_space<vmem>> -> memref<64xi32, #tpu.memory_space<vmem>>
      %dma_start3A_475 = arith.constant 0 : i32
      %dma_start3A_476 = arith.constant 0 : i32
      %dma_start3A_477 = tpu.memref_slice %arg2[%dma_start3A_475, %dma_start3A_476] : memref<100000x128xf32, #tpu.memory_space<hbm>> -> memref<100000x128xf32, #tpu.memory_space<hbm>>
      tpu.enqueue_indirect_dma source(%dma_start3A_477 : memref<100000x128xf32, #tpu.memory_space<hbm>>) target(%arg12 : memref<64x128xf32, #tpu.memory_space<vmem>>) offsets(%dma_start3A_474 : memref<64xi32, #tpu.memory_space<vmem>>) semaphore(%arg20 : memref<!tpu.dma_semaphore, #tpu.memory_space<semaphore_mem>>)
      %dma_wait3A = arith.constant 0 : i32
      %dma_wait3A_478 = tpu.memref_slice %arg8[%dma_wait3A] : memref<896xi32, #tpu.memory_space<vmem>> -> memref<64xi32, #tpu.memory_space<vmem>>
      %dma_wait3A_479 = arith.constant 0 : i32
      %dma_wait3A_480 = arith.constant 0 : i32
      %dma_wait3A_481 = tpu.memref_slice %arg2[%dma_wait3A_479, %dma_wait3A_480] : memref<100000x128xf32, #tpu.memory_space<hbm>> -> memref<100000x128xf32, #tpu.memory_space<hbm>>
      tpu.wait_indirect_dma semaphore(%arg19 : memref<!tpu.dma_semaphore, #tpu.memory_space<semaphore_mem>>) src(%dma_wait3A_481 : memref<100000x128xf32, #tpu.memory_space<hbm>>) dst(%arg10 : memref<64x128xf32, #tpu.memory_space<vmem>>)
      %dma_start3A_482 = arith.constant 0 : i32
      %dma_start3A_483 = arith.constant 0 : i32
      %dma_start3A_484 = tpu.memref_slice %arg17[%dma_start3A_482, %dma_start3A_483] : memref<12800x128xf32, #tpu.memory_space<vmem_shared>> -> memref<12800x128xf32, #tpu.memory_space<vmem_shared>>
      tpu.enqueue_indirect_dma source(%arg10 : memref<64x128xf32, #tpu.memory_space<vmem>>) target(%dma_start3A_484 : memref<12800x128xf32, #tpu.memory_space<vmem_shared>>) offsets(%arg9 : memref<64xi32, #tpu.memory_space<vmem>>) semaphore(%arg21 : memref<!tpu.dma_semaphore, #tpu.memory_space<semaphore_mem>>) {add = true}
      %dma_start3A_485 = arith.constant 0 : i32
      %dma_start3A_486 = tpu.memref_slice %arg18[%dma_start3A_485] : memref<12800xf32, #tpu.memory_space<vmem_shared>> -> memref<12800xf32, #tpu.memory_space<vmem_shared>>
      tpu.enqueue_indirect_dma source(%arg13 : memref<64xf32, #tpu.memory_space<vmem>>) target(%dma_start3A_486 : memref<12800xf32, #tpu.memory_space<vmem_shared>>) offsets(%arg9 : memref<64xi32, #tpu.memory_space<vmem>>) semaphore(%arg22 : memref<!tpu.dma_semaphore, #tpu.memory_space<semaphore_mem>>) {add = true}
      %dma_wait3A_487 = arith.constant 0 : i32
      %dma_wait3A_488 = arith.constant 0 : i32
      %dma_wait3A_489 = tpu.memref_slice %arg17[%dma_wait3A_487, %dma_wait3A_488] : memref<12800x128xf32, #tpu.memory_space<vmem_shared>> -> memref<12800x128xf32, #tpu.memory_space<vmem_shared>>
      tpu.wait_indirect_dma semaphore(%arg21 : memref<!tpu.dma_semaphore, #tpu.memory_space<semaphore_mem>>) src(%arg10 : memref<64x128xf32, #tpu.memory_space<vmem>>) dst(%dma_wait3A_489 : memref<12800x128xf32, #tpu.memory_space<vmem_shared>>)
      %dma_wait3A_490 = arith.constant 0 : i32
      %dma_wait3A_491 = tpu.memref_slice %arg18[%dma_wait3A_490] : memref<12800xf32, #tpu.memory_space<vmem_shared>> -> memref<12800xf32, #tpu.memory_space<vmem_shared>>
      tpu.wait_indirect_dma semaphore(%arg22 : memref<!tpu.dma_semaphore, #tpu.memory_space<semaphore_mem>>) src(%arg13 : memref<64xf32, #tpu.memory_space<vmem>>) dst(%dma_wait3A_491 : memref<12800xf32, #tpu.memory_space<vmem_shared>>)
      %get3A_492 = arith.constant 128 : index
      %get3A_493 = tpu.vector_load %arg7[%get3A_492] {strides = array<i32>} : memref<896xi32, #tpu.memory_space<vmem>>, vector<16xi32>,
      %get3A_494 = vector.shape_cast %get3A_493 : vector<16xi32> to vector<16xi32>
      %sub3A_495 = vector.broadcast %mul3A_173 : i32 to vector<16xi32>
      %sub3A_496 = arith.subi %get3A_494, %sub3A_495 : vector<16xi32>
      %ge3A_497 = arith.constant 0 : i32
      %ge3A_498 = vector.broadcast %ge3A_497 : i32 to vector<16xi32>
      %ge3A_499 = arith.cmpi sge, %sub3A_496, %ge3A_498 : vector<16xi32>
      %lt3A_500 = arith.constant 12544 : i32
      %lt3A_501 = vector.broadcast %lt3A_500 : i32 to vector<16xi32>
      %lt3A_502 = arith.cmpi slt, %sub3A_496, %lt3A_501 : vector<16xi32>
      %and3A_503 = arith.andi %ge3A_499, %lt3A_502 : vector<16xi1>
      %jit3A_504 = arith.constant 12544 : i32
      %broadcast_in_dim3A_505 = vector.broadcast %jit3A_504 : i32 to vector<16xi32>
      %select_n3A_506 = arith.select %and3A_503, %sub3A_496, %broadcast_in_dim3A_505 : vector<16xi1>, vector<16xi32>
      %swap3A_507 = arith.constant 0 : index
      %swap3A_508 = tpu.vector_load %arg9[%swap3A_507] {strides = array<i32>} : memref<64xi32, #tpu.memory_space<vmem>>, vector<16xi32>,
      %swap3A_509 = vector.shape_cast %swap3A_508 : vector<16xi32> to vector<16xi32>
      %swap3A_510 = vector.shape_cast %select_n3A_506 : vector<16xi32> to vector<16xi32>
      tpu.vector_store %arg9[%swap3A_507], %swap3A_510 {strides = array<i32>} : memref<64xi32, #tpu.memory_space<vmem>>, vector<16xi32>,
      %get3A_511 = arith.constant 144 : index
      %get3A_512 = tpu.vector_load %arg7[%get3A_511] {strides = array<i32>} : memref<896xi32, #tpu.memory_space<vmem>>, vector<16xi32>,
      %get3A_513 = vector.shape_cast %get3A_512 : vector<16xi32> to vector<16xi32>
      %sub3A_514 = vector.broadcast %mul3A_173 : i32 to vector<16xi32>
      %sub3A_515 = arith.subi %get3A_513, %sub3A_514 : vector<16xi32>
      %ge3A_516 = arith.constant 0 : i32
      %ge3A_517 = vector.broadcast %ge3A_516 : i32 to vector<16xi32>
      %ge3A_518 = arith.cmpi sge, %sub3A_515, %ge3A_517 : vector<16xi32>
      %lt3A_519 = arith.constant 12544 : i32
      %lt3A_520 = vector.broadcast %lt3A_519 : i32 to vector<16xi32>
      %lt3A_521 = arith.cmpi slt, %sub3A_515, %lt3A_520 : vector<16xi32>
      %and3A_522 = arith.andi %ge3A_518, %lt3A_521 : vector<16xi1>
      %jit3A_523 = arith.constant 12544 : i32
      %broadcast_in_dim3A_524 = vector.broadcast %jit3A_523 : i32 to vector<16xi32>
      %select_n3A_525 = arith.select %and3A_522, %sub3A_515, %broadcast_in_dim3A_524 : vector<16xi1>, vector<16xi32>
      %swap3A_526 = arith.constant 16 : index
      %swap3A_527 = tpu.vector_load %arg9[%swap3A_526] {strides = array<i32>} : memref<64xi32, #tpu.memory_space<vmem>>, vector<16xi32>,
      %swap3A_528 = vector.shape_cast %swap3A_527 : vector<16xi32> to vector<16xi32>
      %swap3A_529 = vector.shape_cast %select_n3A_525 : vector<16xi32> to vector<16xi32>
      tpu.vector_store %arg9[%swap3A_526], %swap3A_529 {strides = array<i32>} : memref<64xi32, #tpu.memory_space<vmem>>, vector<16xi32>,
      %get3A_530 = arith.constant 160 : index
      %get3A_531 = tpu.vector_load %arg7[%get3A_530] {strides = array<i32>} : memref<896xi32, #tpu.memory_space<vmem>>, vector<16xi32>,
      %get3A_532 = vector.shape_cast %get3A_531 : vector<16xi32> to vector<16xi32>
      %sub3A_533 = vector.broadcast %mul3A_173 : i32 to vector<16xi32>
      %sub3A_534 = arith.subi %get3A_532, %sub3A_533 : vector<16xi32>
      %ge3A_535 = arith.constant 0 : i32
      %ge3A_536 = vector.broadcast %ge3A_535 : i32 to vector<16xi32>
      %ge3A_537 = arith.cmpi sge, %sub3A_534, %ge3A_536 : vector<16xi32>
      %lt3A_538 = arith.constant 12544 : i32
      %lt3A_539 = vector.broadcast %lt3A_538 : i32 to vector<16xi32>
      %lt3A_540 = arith.cmpi slt, %sub3A_534, %lt3A_539 : vector<16xi32>
      %and3A_541 = arith.andi %ge3A_537, %lt3A_540 : vector<16xi1>
      %jit3A_542 = arith.constant 12544 : i32
      %broadcast_in_dim3A_543 = vector.broadcast %jit3A_542 : i32 to vector<16xi32>
      %select_n3A_544 = arith.select %and3A_541, %sub3A_534, %broadcast_in_dim3A_543 : vector<16xi1>, vector<16xi32>
      %swap3A_545 = arith.constant 32 : index
      %swap3A_546 = tpu.vector_load %arg9[%swap3A_545] {strides = array<i32>} : memref<64xi32, #tpu.memory_space<vmem>>, vector<16xi32>,
      %swap3A_547 = vector.shape_cast %swap3A_546 : vector<16xi32> to vector<16xi32>
      %swap3A_548 = vector.shape_cast %select_n3A_544 : vector<16xi32> to vector<16xi32>
      tpu.vector_store %arg9[%swap3A_545], %swap3A_548 {strides = array<i32>} : memref<64xi32, #tpu.memory_space<vmem>>, vector<16xi32>,
      %get3A_549 = arith.constant 176 : index
      %get3A_550 = tpu.vector_load %arg7[%get3A_549] {strides = array<i32>} : memref<896xi32, #tpu.memory_space<vmem>>, vector<16xi32>,
      %get3A_551 = vector.shape_cast %get3A_550 : vector<16xi32> to vector<16xi32>
      %sub3A_552 = vector.broadcast %mul3A_173 : i32 to vector<16xi32>
      %sub3A_553 = arith.subi %get3A_551, %sub3A_552 : vector<16xi32>
      %ge3A_554 = arith.constant 0 : i32
      %ge3A_555 = vector.broadcast %ge3A_554 : i32 to vector<16xi32>
      %ge3A_556 = arith.cmpi sge, %sub3A_553, %ge3A_555 : vector<16xi32>
      %lt3A_557 = arith.constant 12544 : i32
      %lt3A_558 = vector.broadcast %lt3A_557 : i32 to vector<16xi32>
      %lt3A_559 = arith.cmpi slt, %sub3A_553, %lt3A_558 : vector<16xi32>
      %and3A_560 = arith.andi %ge3A_556, %lt3A_559 : vector<16xi1>
      %jit3A_561 = arith.constant 12544 : i32
      %broadcast_in_dim3A_562 = vector.broadcast %jit3A_561 : i32 to vector<16xi32>
      %select_n3A_563 = arith.select %and3A_560, %sub3A_553, %broadcast_in_dim3A_562 : vector<16xi1>, vector<16xi32>
      %swap3A_564 = arith.constant 48 : index
      %swap3A_565 = tpu.vector_load %arg9[%swap3A_564] {strides = array<i32>} : memref<64xi32, #tpu.memory_space<vmem>>, vector<16xi32>,
      %swap3A_566 = vector.shape_cast %swap3A_565 : vector<16xi32> to vector<16xi32>
      %swap3A_567 = vector.shape_cast %select_n3A_563 : vector<16xi32> to vector<16xi32>
      tpu.vector_store %arg9[%swap3A_564], %swap3A_567 {strides = array<i32>} : memref<64xi32, #tpu.memory_space<vmem>>, vector<16xi32>,
      %dma_start3A_568 = arith.constant 128 : i32
      %dma_start3A_569 = tpu.memref_slice %arg8[%dma_start3A_568] : memref<896xi32, #tpu.memory_space<vmem>> -> memref<64xi32, #tpu.memory_space<vmem>>
      %dma_start3A_570 = arith.constant 0 : i32
      %dma_start3A_571 = arith.constant 0 : i32
      %dma_start3A_572 = tpu.memref_slice %arg2[%dma_start3A_570, %dma_start3A_571] : memref<100000x128xf32, #tpu.memory_space<hbm>> -> memref<100000x128xf32, #tpu.memory_space<hbm>>
      tpu.enqueue_indirect_dma source(%dma_start3A_572 : memref<100000x128xf32, #tpu.memory_space<hbm>>) target(%arg10 : memref<64x128xf32, #tpu.memory_space<vmem>>) offsets(%dma_start3A_569 : memref<64xi32, #tpu.memory_space<vmem>>) semaphore(%arg19 : memref<!tpu.dma_semaphore, #tpu.memory_space<semaphore_mem>>)
      %dma_wait3A_573 = arith.constant 64 : i32
      %dma_wait3A_574 = tpu.memref_slice %arg8[%dma_wait3A_573] : memref<896xi32, #tpu.memory_space<vmem>> -> memref<64xi32, #tpu.memory_space<vmem>>
      %dma_wait3A_575 = arith.constant 0 : i32
      %dma_wait3A_576 = arith.constant 0 : i32
      %dma_wait3A_577 = tpu.memref_slice %arg2[%dma_wait3A_575, %dma_wait3A_576] : memref<100000x128xf32, #tpu.memory_space<hbm>> -> memref<100000x128xf32, #tpu.memory_space<hbm>>
      tpu.wait_indirect_dma semaphore(%arg20 : memref<!tpu.dma_semaphore, #tpu.memory_space<semaphore_mem>>) src(%dma_wait3A_577 : memref<100000x128xf32, #tpu.memory_space<hbm>>) dst(%arg12 : memref<64x128xf32, #tpu.memory_space<vmem>>)
      %dma_start3A_578 = arith.constant 0 : i32
      %dma_start3A_579 = arith.constant 0 : i32
      %dma_start3A_580 = tpu.memref_slice %arg17[%dma_start3A_578, %dma_start3A_579] : memref<12800x128xf32, #tpu.memory_space<vmem_shared>> -> memref<12800x128xf32, #tpu.memory_space<vmem_shared>>
      tpu.enqueue_indirect_dma source(%arg12 : memref<64x128xf32, #tpu.memory_space<vmem>>) target(%dma_start3A_580 : memref<12800x128xf32, #tpu.memory_space<vmem_shared>>) offsets(%arg11 : memref<64xi32, #tpu.memory_space<vmem>>) semaphore(%arg21 : memref<!tpu.dma_semaphore, #tpu.memory_space<semaphore_mem>>) {add = true}
      %dma_start3A_581 = arith.constant 0 : i32
      %dma_start3A_582 = tpu.memref_slice %arg18[%dma_start3A_581] : memref<12800xf32, #tpu.memory_space<vmem_shared>> -> memref<12800xf32, #tpu.memory_space<vmem_shared>>
      tpu.enqueue_indirect_dma source(%arg13 : memref<64xf32, #tpu.memory_space<vmem>>) target(%dma_start3A_582 : memref<12800xf32, #tpu.memory_space<vmem_shared>>) offsets(%arg11 : memref<64xi32, #tpu.memory_space<vmem>>) semaphore(%arg22 : memref<!tpu.dma_semaphore, #tpu.memory_space<semaphore_mem>>) {add = true}
      %dma_wait3A_583 = arith.constant 0 : i32
      %dma_wait3A_584 = arith.constant 0 : i32
      %dma_wait3A_585 = tpu.memref_slice %arg17[%dma_wait3A_583, %dma_wait3A_584] : memref<12800x128xf32, #tpu.memory_space<vmem_shared>> -> memref<12800x128xf32, #tpu.memory_space<vmem_shared>>
      tpu.wait_indirect_dma semaphore(%arg21 : memref<!tpu.dma_semaphore, #tpu.memory_space<semaphore_mem>>) src(%arg12 : memref<64x128xf32, #tpu.memory_space<vmem>>) dst(%dma_wait3A_585 : memref<12800x128xf32, #tpu.memory_space<vmem_shared>>)
      %dma_wait3A_586 = arith.constant 0 : i32
      %dma_wait3A_587 = tpu.memref_slice %arg18[%dma_wait3A_586] : memref<12800xf32, #tpu.memory_space<vmem_shared>> -> memref<12800xf32, #tpu.memory_space<vmem_shared>>
      tpu.wait_indirect_dma semaphore(%arg22 : memref<!tpu.dma_semaphore, #tpu.memory_space<semaphore_mem>>) src(%arg13 : memref<64xf32, #tpu.memory_space<vmem>>) dst(%dma_wait3A_587 : memref<12800xf32, #tpu.memory_space<vmem_shared>>)
      %get3A_588 = arith.constant 192 : index
      %get3A_589 = tpu.vector_load %arg7[%get3A_588] {strides = array<i32>} : memref<896xi32, #tpu.memory_space<vmem>>, vector<16xi32>,
      %get3A_590 = vector.shape_cast %get3A_589 : vector<16xi32> to vector<16xi32>
      %sub3A_591 = vector.broadcast %mul3A_173 : i32 to vector<16xi32>
      %sub3A_592 = arith.subi %get3A_590, %sub3A_591 : vector<16xi32>
      %ge3A_593 = arith.constant 0 : i32
      %ge3A_594 = vector.broadcast %ge3A_593 : i32 to vector<16xi32>
      %ge3A_595 = arith.cmpi sge, %sub3A_592, %ge3A_594 : vector<16xi32>
      %lt3A_596 = arith.constant 12544 : i32
      %lt3A_597 = vector.broadcast %lt3A_596 : i32 to vector<16xi32>
      %lt3A_598 = arith.cmpi slt, %sub3A_592, %lt3A_597 : vector<16xi32>
      %and3A_599 = arith.andi %ge3A_595, %lt3A_598 : vector<16xi1>
      %jit3A_600 = arith.constant 12544 : i32
      %broadcast_in_dim3A_601 = vector.broadcast %jit3A_600 : i32 to vector<16xi32>
      %select_n3A_602 = arith.select %and3A_599, %sub3A_592, %broadcast_in_dim3A_601 : vector<16xi1>, vector<16xi32>
      %swap3A_603 = arith.constant 0 : index
      %swap3A_604 = tpu.vector_load %arg11[%swap3A_603] {strides = array<i32>} : memref<64xi32, #tpu.memory_space<vmem>>, vector<16xi32>,
      %swap3A_605 = vector.shape_cast %swap3A_604 : vector<16xi32> to vector<16xi32>
      %swap3A_606 = vector.shape_cast %select_n3A_602 : vector<16xi32> to vector<16xi32>
      tpu.vector_store %arg11[%swap3A_603], %swap3A_606 {strides = array<i32>} : memref<64xi32, #tpu.memory_space<vmem>>, vector<16xi32>,
      %get3A_607 = arith.constant 208 : index
      %get3A_608 = tpu.vector_load %arg7[%get3A_607] {strides = array<i32>} : memref<896xi32, #tpu.memory_space<vmem>>, vector<16xi32>,
      %get3A_609 = vector.shape_cast %get3A_608 : vector<16xi32> to vector<16xi32>
      %sub3A_610 = vector.broadcast %mul3A_173 : i32 to vector<16xi32>
      %sub3A_611 = arith.subi %get3A_609, %sub3A_610 : vector<16xi32>
      %ge3A_612 = arith.constant 0 : i32
      %ge3A_613 = vector.broadcast %ge3A_612 : i32 to vector<16xi32>
      %ge3A_614 = arith.cmpi sge, %sub3A_611, %ge3A_613 : vector<16xi32>
      %lt3A_615 = arith.constant 12544 : i32
      %lt3A_616 = vector.broadcast %lt3A_615 : i32 to vector<16xi32>
      %lt3A_617 = arith.cmpi slt, %sub3A_611, %lt3A_616 : vector<16xi32>
      %and3A_618 = arith.andi %ge3A_614, %lt3A_617 : vector<16xi1>
      %jit3A_619 = arith.constant 12544 : i32
      %broadcast_in_dim3A_620 = vector.broadcast %jit3A_619 : i32 to vector<16xi32>
      %select_n3A_621 = arith.select %and3A_618, %sub3A_611, %broadcast_in_dim3A_620 : vector<16xi1>, vector<16xi32>
      %swap3A_622 = arith.constant 16 : index
      %swap3A_623 = tpu.vector_load %arg11[%swap3A_622] {strides = array<i32>} : memref<64xi32, #tpu.memory_space<vmem>>, vector<16xi32>,
      %swap3A_624 = vector.shape_cast %swap3A_623 : vector<16xi32> to vector<16xi32>
      %swap3A_625 = vector.shape_cast %select_n3A_621 : vector<16xi32> to vector<16xi32>
      tpu.vector_store %arg11[%swap3A_622], %swap3A_625 {strides = array<i32>} : memref<64xi32, #tpu.memory_space<vmem>>, vector<16xi32>,
      %get3A_626 = arith.constant 224 : index
      %get3A_627 = tpu.vector_load %arg7[%get3A_626] {strides = array<i32>} : memref<896xi32, #tpu.memory_space<vmem>>, vector<16xi32>,
      %get3A_628 = vector.shape_cast %get3A_627 : vector<16xi32> to vector<16xi32>
      %sub3A_629 = vector.broadcast %mul3A_173 : i32 to vector<16xi32>
      %sub3A_630 = arith.subi %get3A_628, %sub3A_629 : vector<16xi32>
      %ge3A_631 = arith.constant 0 : i32
      %ge3A_632 = vector.broadcast %ge3A_631 : i32 to vector<16xi32>
      %ge3A_633 = arith.cmpi sge, %sub3A_630, %ge3A_632 : vector<16xi32>
      %lt3A_634 = arith.constant 12544 : i32
      %lt3A_635 = vector.broadcast %lt3A_634 : i32 to vector<16xi32>
      %lt3A_636 = arith.cmpi slt, %sub3A_630, %lt3A_635 : vector<16xi32>
      %and3A_637 = arith.andi %ge3A_633, %lt3A_636 : vector<16xi1>
      %jit3A_638 = arith.constant 12544 : i32
      %broadcast_in_dim3A_639 = vector.broadcast %jit3A_638 : i32 to vector<16xi32>
      %select_n3A_640 = arith.select %and3A_637, %sub3A_630, %broadcast_in_dim3A_639 : vector<16xi1>, vector<16xi32>
      %swap3A_641 = arith.constant 32 : index
      %swap3A_642 = tpu.vector_load %arg11[%swap3A_641] {strides = array<i32>} : memref<64xi32, #tpu.memory_space<vmem>>, vector<16xi32>,
      %swap3A_643 = vector.shape_cast %swap3A_642 : vector<16xi32> to vector<16xi32>
      %swap3A_644 = vector.shape_cast %select_n3A_640 : vector<16xi32> to vector<16xi32>
      tpu.vector_store %arg11[%swap3A_641], %swap3A_644 {strides = array<i32>} : memref<64xi32, #tpu.memory_space<vmem>>, vector<16xi32>,
      %get3A_645 = arith.constant 240 : index
      %get3A_646 = tpu.vector_load %arg7[%get3A_645] {strides = array<i32>} : memref<896xi32, #tpu.memory_space<vmem>>, vector<16xi32>,
      %get3A_647 = vector.shape_cast %get3A_646 : vector<16xi32> to vector<16xi32>
      %sub3A_648 = vector.broadcast %mul3A_173 : i32 to vector<16xi32>
      %sub3A_649 = arith.subi %get3A_647, %sub3A_648 : vector<16xi32>
      %ge3A_650 = arith.constant 0 : i32
      %ge3A_651 = vector.broadcast %ge3A_650 : i32 to vector<16xi32>
      %ge3A_652 = arith.cmpi sge, %sub3A_649, %ge3A_651 : vector<16xi32>
      %lt3A_653 = arith.constant 12544 : i32
      %lt3A_654 = vector.broadcast %lt3A_653 : i32 to vector<16xi32>
      %lt3A_655 = arith.cmpi slt, %sub3A_649, %lt3A_654 : vector<16xi32>
      %and3A_656 = arith.andi %ge3A_652, %lt3A_655 : vector<16xi1>
      %jit3A_657 = arith.constant 12544 : i32
      %broadcast_in_dim3A_658 = vector.broadcast %jit3A_657 : i32 to vector<16xi32>
      %select_n3A_659 = arith.select %and3A_656, %sub3A_649, %broadcast_in_dim3A_658 : vector<16xi1>, vector<16xi32>
      %swap3A_660 = arith.constant 48 : index
      %swap3A_661 = tpu.vector_load %arg11[%swap3A_660] {strides = array<i32>} : memref<64xi32, #tpu.memory_space<vmem>>, vector<16xi32>,
      %swap3A_662 = vector.shape_cast %swap3A_661 : vector<16xi32> to vector<16xi32>
      %swap3A_663 = vector.shape_cast %select_n3A_659 : vector<16xi32> to vector<16xi32>
      tpu.vector_store %arg11[%swap3A_660], %swap3A_663 {strides = array<i32>} : memref<64xi32, #tpu.memory_space<vmem>>, vector<16xi32>,
      %dma_start3A_664 = arith.constant 192 : i32
      %dma_start3A_665 = tpu.memref_slice %arg8[%dma_start3A_664] : memref<896xi32, #tpu.memory_space<vmem>> -> memref<64xi32, #tpu.memory_space<vmem>>
      %dma_start3A_666 = arith.constant 0 : i32
      %dma_start3A_667 = arith.constant 0 : i32
      %dma_start3A_668 = tpu.memref_slice %arg2[%dma_start3A_666, %dma_start3A_667] : memref<100000x128xf32, #tpu.memory_space<hbm>> -> memref<100000x128xf32, #tpu.memory_space<hbm>>
      tpu.enqueue_indirect_dma source(%dma_start3A_668 : memref<100000x128xf32, #tpu.memory_space<hbm>>) target(%arg12 : memref<64x128xf32, #tpu.memory_space<vmem>>) offsets(%dma_start3A_665 : memref<64xi32, #tpu.memory_space<vmem>>) semaphore(%arg20 : memref<!tpu.dma_semaphore, #tpu.memory_space<semaphore_mem>>)
      %dma_wait3A_669 = arith.constant 128 : i32
      %dma_wait3A_670 = tpu.memref_slice %arg8[%dma_wait3A_669] : memref<896xi32, #tpu.memory_space<vmem>> -> memref<64xi32, #tpu.memory_space<vmem>>
      %dma_wait3A_671 = arith.constant 0 : i32
      %dma_wait3A_672 = arith.constant 0 : i32
      %dma_wait3A_673 = tpu.memref_slice %arg2[%dma_wait3A_671, %dma_wait3A_672] : memref<100000x128xf32, #tpu.memory_space<hbm>> -> memref<100000x128xf32, #tpu.memory_space<hbm>>
      tpu.wait_indirect_dma semaphore(%arg19 : memref<!tpu.dma_semaphore, #tpu.memory_space<semaphore_mem>>) src(%dma_wait3A_673 : memref<100000x128xf32, #tpu.memory_space<hbm>>) dst(%arg10 : memref<64x128xf32, #tpu.memory_space<vmem>>)
      %dma_start3A_674 = arith.constant 0 : i32
      %dma_start3A_675 = arith.constant 0 : i32
      %dma_start3A_676 = tpu.memref_slice %arg17[%dma_start3A_674, %dma_start3A_675] : memref<12800x128xf32, #tpu.memory_space<vmem_shared>> -> memref<12800x128xf32, #tpu.memory_space<vmem_shared>>
      tpu.enqueue_indirect_dma source(%arg10 : memref<64x128xf32, #tpu.memory_space<vmem>>) target(%dma_start3A_676 : memref<12800x128xf32, #tpu.memory_space<vmem_shared>>) offsets(%arg9 : memref<64xi32, #tpu.memory_space<vmem>>) semaphore(%arg21 : memref<!tpu.dma_semaphore, #tpu.memory_space<semaphore_mem>>) {add = true}
      %dma_start3A_677 = arith.constant 0 : i32
      %dma_start3A_678 = tpu.memref_slice %arg18[%dma_start3A_677] : memref<12800xf32, #tpu.memory_space<vmem_shared>> -> memref<12800xf32, #tpu.memory_space<vmem_shared>>
      tpu.enqueue_indirect_dma source(%arg13 : memref<64xf32, #tpu.memory_space<vmem>>) target(%dma_start3A_678 : memref<12800xf32, #tpu.memory_space<vmem_shared>>) offsets(%arg9 : memref<64xi32, #tpu.memory_space<vmem>>) semaphore(%arg22 : memref<!tpu.dma_semaphore, #tpu.memory_space<semaphore_mem>>) {add = true}
      %dma_wait3A_679 = arith.constant 0 : i32
      %dma_wait3A_680 = arith.constant 0 : i32
      %dma_wait3A_681 = tpu.memref_slice %arg17[%dma_wait3A_679, %dma_wait3A_680] : memref<12800x128xf32, #tpu.memory_space<vmem_shared>> -> memref<12800x128xf32, #tpu.memory_space<vmem_shared>>
      tpu.wait_indirect_dma semaphore(%arg21 : memref<!tpu.dma_semaphore, #tpu.memory_space<semaphore_mem>>) src(%arg10 : memref<64x128xf32, #tpu.memory_space<vmem>>) dst(%dma_wait3A_681 : memref<12800x128xf32, #tpu.memory_space<vmem_shared>>)
      %dma_wait3A_682 = arith.constant 0 : i32
      %dma_wait3A_683 = tpu.memref_slice %arg18[%dma_wait3A_682] : memref<12800xf32, #tpu.memory_space<vmem_shared>> -> memref<12800xf32, #tpu.memory_space<vmem_shared>>
      tpu.wait_indirect_dma semaphore(%arg22 : memref<!tpu.dma_semaphore, #tpu.memory_space<semaphore_mem>>) src(%arg13 : memref<64xf32, #tpu.memory_space<vmem>>) dst(%dma_wait3A_683 : memref<12800xf32, #tpu.memory_space<vmem_shared>>)
      %get3A_684 = arith.constant 256 : index
      %get3A_685 = tpu.vector_load %arg7[%get3A_684] {strides = array<i32>} : memref<896xi32, #tpu.memory_space<vmem>>, vector<16xi32>,
      %get3A_686 = vector.shape_cast %get3A_685 : vector<16xi32> to vector<16xi32>
      %sub3A_687 = vector.broadcast %mul3A_173 : i32 to vector<16xi32>
      %sub3A_688 = arith.subi %get3A_686, %sub3A_687 : vector<16xi32>
      %ge3A_689 = arith.constant 0 : i32
      %ge3A_690 = vector.broadcast %ge3A_689 : i32 to vector<16xi32>
      %ge3A_691 = arith.cmpi sge, %sub3A_688, %ge3A_690 : vector<16xi32>
      %lt3A_692 = arith.constant 12544 : i32
      %lt3A_693 = vector.broadcast %lt3A_692 : i32 to vector<16xi32>
      %lt3A_694 = arith.cmpi slt, %sub3A_688, %lt3A_693 : vector<16xi32>
      %and3A_695 = arith.andi %ge3A_691, %lt3A_694 : vector<16xi1>
      %jit3A_696 = arith.constant 12544 : i32
      %broadcast_in_dim3A_697 = vector.broadcast %jit3A_696 : i32 to vector<16xi32>
      %select_n3A_698 = arith.select %and3A_695, %sub3A_688, %broadcast_in_dim3A_697 : vector<16xi1>, vector<16xi32>
      %swap3A_699 = arith.constant 0 : index
      %swap3A_700 = tpu.vector_load %arg9[%swap3A_699] {strides = array<i32>} : memref<64xi32, #tpu.memory_space<vmem>>, vector<16xi32>,
      %swap3A_701 = vector.shape_cast %swap3A_700 : vector<16xi32> to vector<16xi32>
      %swap3A_702 = vector.shape_cast %select_n3A_698 : vector<16xi32> to vector<16xi32>
      tpu.vector_store %arg9[%swap3A_699], %swap3A_702 {strides = array<i32>} : memref<64xi32, #tpu.memory_space<vmem>>, vector<16xi32>,
      %get3A_703 = arith.constant 272 : index
      %get3A_704 = tpu.vector_load %arg7[%get3A_703] {strides = array<i32>} : memref<896xi32, #tpu.memory_space<vmem>>, vector<16xi32>,
      %get3A_705 = vector.shape_cast %get3A_704 : vector<16xi32> to vector<16xi32>
      %sub3A_706 = vector.broadcast %mul3A_173 : i32 to vector<16xi32>
      %sub3A_707 = arith.subi %get3A_705, %sub3A_706 : vector<16xi32>
      %ge3A_708 = arith.constant 0 : i32
      %ge3A_709 = vector.broadcast %ge3A_708 : i32 to vector<16xi32>
      %ge3A_710 = arith.cmpi sge, %sub3A_707, %ge3A_709 : vector<16xi32>
      %lt3A_711 = arith.constant 12544 : i32
      %lt3A_712 = vector.broadcast %lt3A_711 : i32 to vector<16xi32>
      %lt3A_713 = arith.cmpi slt, %sub3A_707, %lt3A_712 : vector<16xi32>
      %and3A_714 = arith.andi %ge3A_710, %lt3A_713 : vector<16xi1>
      %jit3A_715 = arith.constant 12544 : i32
      %broadcast_in_dim3A_716 = vector.broadcast %jit3A_715 : i32 to vector<16xi32>
      %select_n3A_717 = arith.select %and3A_714, %sub3A_707, %broadcast_in_dim3A_716 : vector<16xi1>, vector<16xi32>
      %swap3A_718 = arith.constant 16 : index
      %swap3A_719 = tpu.vector_load %arg9[%swap3A_718] {strides = array<i32>} : memref<64xi32, #tpu.memory_space<vmem>>, vector<16xi32>,
      %swap3A_720 = vector.shape_cast %swap3A_719 : vector<16xi32> to vector<16xi32>
      %swap3A_721 = vector.shape_cast %select_n3A_717 : vector<16xi32> to vector<16xi32>
      tpu.vector_store %arg9[%swap3A_718], %swap3A_721 {strides = array<i32>} : memref<64xi32, #tpu.memory_space<vmem>>, vector<16xi32>,
      %get3A_722 = arith.constant 288 : index
      %get3A_723 = tpu.vector_load %arg7[%get3A_722] {strides = array<i32>} : memref<896xi32, #tpu.memory_space<vmem>>, vector<16xi32>,
      %get3A_724 = vector.shape_cast %get3A_723 : vector<16xi32> to vector<16xi32>
      %sub3A_725 = vector.broadcast %mul3A_173 : i32 to vector<16xi32>
      %sub3A_726 = arith.subi %get3A_724, %sub3A_725 : vector<16xi32>
      %ge3A_727 = arith.constant 0 : i32
      %ge3A_728 = vector.broadcast %ge3A_727 : i32 to vector<16xi32>
      %ge3A_729 = arith.cmpi sge, %sub3A_726, %ge3A_728 : vector<16xi32>
      %lt3A_730 = arith.constant 12544 : i32
      %lt3A_731 = vector.broadcast %lt3A_730 : i32 to vector<16xi32>
      %lt3A_732 = arith.cmpi slt, %sub3A_726, %lt3A_731 : vector<16xi32>
      %and3A_733 = arith.andi %ge3A_729, %lt3A_732 : vector<16xi1>
      %jit3A_734 = arith.constant 12544 : i32
      %broadcast_in_dim3A_735 = vector.broadcast %jit3A_734 : i32 to vector<16xi32>
      %select_n3A_736 = arith.select %and3A_733, %sub3A_726, %broadcast_in_dim3A_735 : vector<16xi1>, vector<16xi32>
      %swap3A_737 = arith.constant 32 : index
      %swap3A_738 = tpu.vector_load %arg9[%swap3A_737] {strides = array<i32>} : memref<64xi32, #tpu.memory_space<vmem>>, vector<16xi32>,
      %swap3A_739 = vector.shape_cast %swap3A_738 : vector<16xi32> to vector<16xi32>
      %swap3A_740 = vector.shape_cast %select_n3A_736 : vector<16xi32> to vector<16xi32>
      tpu.vector_store %arg9[%swap3A_737], %swap3A_740 {strides = array<i32>} : memref<64xi32, #tpu.memory_space<vmem>>, vector<16xi32>,
      %get3A_741 = arith.constant 304 : index
      %get3A_742 = tpu.vector_load %arg7[%get3A_741] {strides = array<i32>} : memref<896xi32, #tpu.memory_space<vmem>>, vector<16xi32>,
      %get3A_743 = vector.shape_cast %get3A_742 : vector<16xi32> to vector<16xi32>
      %sub3A_744 = vector.broadcast %mul3A_173 : i32 to vector<16xi32>
      %sub3A_745 = arith.subi %get3A_743, %sub3A_744 : vector<16xi32>
      %ge3A_746 = arith.constant 0 : i32
      %ge3A_747 = vector.broadcast %ge3A_746 : i32 to vector<16xi32>
      %ge3A_748 = arith.cmpi sge, %sub3A_745, %ge3A_747 : vector<16xi32>
      %lt3A_749 = arith.constant 12544 : i32
      %lt3A_750 = vector.broadcast %lt3A_749 : i32 to vector<16xi32>
      %lt3A_751 = arith.cmpi slt, %sub3A_745, %lt3A_750 : vector<16xi32>
      %and3A_752 = arith.andi %ge3A_748, %lt3A_751 : vector<16xi1>
      %jit3A_753 = arith.constant 12544 : i32
      %broadcast_in_dim3A_754 = vector.broadcast %jit3A_753 : i32 to vector<16xi32>
      %select_n3A_755 = arith.select %and3A_752, %sub3A_745, %broadcast_in_dim3A_754 : vector<16xi1>, vector<16xi32>
      %swap3A_756 = arith.constant 48 : index
      %swap3A_757 = tpu.vector_load %arg9[%swap3A_756] {strides = array<i32>} : memref<64xi32, #tpu.memory_space<vmem>>, vector<16xi32>,
      %swap3A_758 = vector.shape_cast %swap3A_757 : vector<16xi32> to vector<16xi32>
      %swap3A_759 = vector.shape_cast %select_n3A_755 : vector<16xi32> to vector<16xi32>
      tpu.vector_store %arg9[%swap3A_756], %swap3A_759 {strides = array<i32>} : memref<64xi32, #tpu.memory_space<vmem>>, vector<16xi32>,
      %dma_start3A_760 = arith.constant 256 : i32
      %dma_start3A_761 = tpu.memref_slice %arg8[%dma_start3A_760] : memref<896xi32, #tpu.memory_space<vmem>> -> memref<64xi32, #tpu.memory_space<vmem>>
      %dma_start3A_762 = arith.constant 0 : i32
      %dma_start3A_763 = arith.constant 0 : i32
      %dma_start3A_764 = tpu.memref_slice %arg2[%dma_start3A_762, %dma_start3A_763] : memref<100000x128xf32, #tpu.memory_space<hbm>> -> memref<100000x128xf32, #tpu.memory_space<hbm>>
      tpu.enqueue_indirect_dma source(%dma_start3A_764 : memref<100000x128xf32, #tpu.memory_space<hbm>>) target(%arg10 : memref<64x128xf32, #tpu.memory_space<vmem>>) offsets(%dma_start3A_761 : memref<64xi32, #tpu.memory_space<vmem>>) semaphore(%arg19 : memref<!tpu.dma_semaphore, #tpu.memory_space<semaphore_mem>>)
      %dma_wait3A_765 = arith.constant 192 : i32
      %dma_wait3A_766 = tpu.memref_slice %arg8[%dma_wait3A_765] : memref<896xi32, #tpu.memory_space<vmem>> -> memref<64xi32, #tpu.memory_space<vmem>>
      %dma_wait3A_767 = arith.constant 0 : i32
      %dma_wait3A_768 = arith.constant 0 : i32
      %dma_wait3A_769 = tpu.memref_slice %arg2[%dma_wait3A_767, %dma_wait3A_768] : memref<100000x128xf32, #tpu.memory_space<hbm>> -> memref<100000x128xf32, #tpu.memory_space<hbm>>
      tpu.wait_indirect_dma semaphore(%arg20 : memref<!tpu.dma_semaphore, #tpu.memory_space<semaphore_mem>>) src(%dma_wait3A_769 : memref<100000x128xf32, #tpu.memory_space<hbm>>) dst(%arg12 : memref<64x128xf32, #tpu.memory_space<vmem>>)
      %dma_start3A_770 = arith.constant 0 : i32
      %dma_start3A_771 = arith.constant 0 : i32
      %dma_start3A_772 = tpu.memref_slice %arg17[%dma_start3A_770, %dma_start3A_771] : memref<12800x128xf32, #tpu.memory_space<vmem_shared>> -> memref<12800x128xf32, #tpu.memory_space<vmem_shared>>
      tpu.enqueue_indirect_dma source(%arg12 : memref<64x128xf32, #tpu.memory_space<vmem>>) target(%dma_start3A_772 : memref<12800x128xf32, #tpu.memory_space<vmem_shared>>) offsets(%arg11 : memref<64xi32, #tpu.memory_space<vmem>>) semaphore(%arg21 : memref<!tpu.dma_semaphore, #tpu.memory_space<semaphore_mem>>) {add = true}
      %dma_start3A_773 = arith.constant 0 : i32
      %dma_start3A_774 = tpu.memref_slice %arg18[%dma_start3A_773] : memref<12800xf32, #tpu.memory_space<vmem_shared>> -> memref<12800xf32, #tpu.memory_space<vmem_shared>>
      tpu.enqueue_indirect_dma source(%arg13 : memref<64xf32, #tpu.memory_space<vmem>>) target(%dma_start3A_774 : memref<12800xf32, #tpu.memory_space<vmem_shared>>) offsets(%arg11 : memref<64xi32, #tpu.memory_space<vmem>>) semaphore(%arg22 : memref<!tpu.dma_semaphore, #tpu.memory_space<semaphore_mem>>) {add = true}
      %dma_wait3A_775 = arith.constant 0 : i32
      %dma_wait3A_776 = arith.constant 0 : i32
      %dma_wait3A_777 = tpu.memref_slice %arg17[%dma_wait3A_775, %dma_wait3A_776] : memref<12800x128xf32, #tpu.memory_space<vmem_shared>> -> memref<12800x128xf32, #tpu.memory_space<vmem_shared>>
      tpu.wait_indirect_dma semaphore(%arg21 : memref<!tpu.dma_semaphore, #tpu.memory_space<semaphore_mem>>) src(%arg12 : memref<64x128xf32, #tpu.memory_space<vmem>>) dst(%dma_wait3A_777 : memref<12800x128xf32, #tpu.memory_space<vmem_shared>>)
      %dma_wait3A_778 = arith.constant 0 : i32
      %dma_wait3A_779 = tpu.memref_slice %arg18[%dma_wait3A_778] : memref<12800xf32, #tpu.memory_space<vmem_shared>> -> memref<12800xf32, #tpu.memory_space<vmem_shared>>
      tpu.wait_indirect_dma semaphore(%arg22 : memref<!tpu.dma_semaphore, #tpu.memory_space<semaphore_mem>>) src(%arg13 : memref<64xf32, #tpu.memory_space<vmem>>) dst(%dma_wait3A_779 : memref<12800xf32, #tpu.memory_space<vmem_shared>>)
      %get3A_780 = arith.constant 320 : index
      %get3A_781 = tpu.vector_load %arg7[%get3A_780] {strides = array<i32>} : memref<896xi32, #tpu.memory_space<vmem>>, vector<16xi32>,
      %get3A_782 = vector.shape_cast %get3A_781 : vector<16xi32> to vector<16xi32>
      %sub3A_783 = vector.broadcast %mul3A_173 : i32 to vector<16xi32>
      %sub3A_784 = arith.subi %get3A_782, %sub3A_783 : vector<16xi32>
      %ge3A_785 = arith.constant 0 : i32
      %ge3A_786 = vector.broadcast %ge3A_785 : i32 to vector<16xi32>
      %ge3A_787 = arith.cmpi sge, %sub3A_784, %ge3A_786 : vector<16xi32>
      %lt3A_788 = arith.constant 12544 : i32
      %lt3A_789 = vector.broadcast %lt3A_788 : i32 to vector<16xi32>
      %lt3A_790 = arith.cmpi slt, %sub3A_784, %lt3A_789 : vector<16xi32>
      %and3A_791 = arith.andi %ge3A_787, %lt3A_790 : vector<16xi1>
      %jit3A_792 = arith.constant 12544 : i32
      %broadcast_in_dim3A_793 = vector.broadcast %jit3A_792 : i32 to vector<16xi32>
      %select_n3A_794 = arith.select %and3A_791, %sub3A_784, %broadcast_in_dim3A_793 : vector<16xi1>, vector<16xi32>
      %swap3A_795 = arith.constant 0 : index
      %swap3A_796 = tpu.vector_load %arg11[%swap3A_795] {strides = array<i32>} : memref<64xi32, #tpu.memory_space<vmem>>, vector<16xi32>,
      %swap3A_797 = vector.shape_cast %swap3A_796 : vector<16xi32> to vector<16xi32>
      %swap3A_798 = vector.shape_cast %select_n3A_794 : vector<16xi32> to vector<16xi32>
      tpu.vector_store %arg11[%swap3A_795], %swap3A_798 {strides = array<i32>} : memref<64xi32, #tpu.memory_space<vmem>>, vector<16xi32>,
      %get3A_799 = arith.constant 336 : index
      %get3A_800 = tpu.vector_load %arg7[%get3A_799] {strides = array<i32>} : memref<896xi32, #tpu.memory_space<vmem>>, vector<16xi32>,
      %get3A_801 = vector.shape_cast %get3A_800 : vector<16xi32> to vector<16xi32>
      %sub3A_802 = vector.broadcast %mul3A_173 : i32 to vector<16xi32>
      %sub3A_803 = arith.subi %get3A_801, %sub3A_802 : vector<16xi32>
      %ge3A_804 = arith.constant 0 : i32
      %ge3A_805 = vector.broadcast %ge3A_804 : i32 to vector<16xi32>
      %ge3A_806 = arith.cmpi sge, %sub3A_803, %ge3A_805 : vector<16xi32>
      %lt3A_807 = arith.constant 12544 : i32
      %lt3A_808 = vector.broadcast %lt3A_807 : i32 to vector<16xi32>
      %lt3A_809 = arith.cmpi slt, %sub3A_803, %lt3A_808 : vector<16xi32>
      %and3A_810 = arith.andi %ge3A_806, %lt3A_809 : vector<16xi1>
      %jit3A_811 = arith.constant 12544 : i32
      %broadcast_in_dim3A_812 = vector.broadcast %jit3A_811 : i32 to vector<16xi32>
      %select_n3A_813 = arith.select %and3A_810, %sub3A_803, %broadcast_in_dim3A_812 : vector<16xi1>, vector<16xi32>
      %swap3A_814 = arith.constant 16 : index
      %swap3A_815 = tpu.vector_load %arg11[%swap3A_814] {strides = array<i32>} : memref<64xi32, #tpu.memory_space<vmem>>, vector<16xi32>,
      %swap3A_816 = vector.shape_cast %swap3A_815 : vector<16xi32> to vector<16xi32>
      %swap3A_817 = vector.shape_cast %select_n3A_813 : vector<16xi32> to vector<16xi32>
      tpu.vector_store %arg11[%swap3A_814], %swap3A_817 {strides = array<i32>} : memref<64xi32, #tpu.memory_space<vmem>>, vector<16xi32>,
      %get3A_818 = arith.constant 352 : index
      %get3A_819 = tpu.vector_load %arg7[%get3A_818] {strides = array<i32>} : memref<896xi32, #tpu.memory_space<vmem>>, vector<16xi32>,
      %get3A_820 = vector.shape_cast %get3A_819 : vector<16xi32> to vector<16xi32>
      %sub3A_821 = vector.broadcast %mul3A_173 : i32 to vector<16xi32>
      %sub3A_822 = arith.subi %get3A_820, %sub3A_821 : vector<16xi32>
      %ge3A_823 = arith.constant 0 : i32
      %ge3A_824 = vector.broadcast %ge3A_823 : i32 to vector<16xi32>
      %ge3A_825 = arith.cmpi sge, %sub3A_822, %ge3A_824 : vector<16xi32>
      %lt3A_826 = arith.constant 12544 : i32
      %lt3A_827 = vector.broadcast %lt3A_826 : i32 to vector<16xi32>
      %lt3A_828 = arith.cmpi slt, %sub3A_822, %lt3A_827 : vector<16xi32>
      %and3A_829 = arith.andi %ge3A_825, %lt3A_828 : vector<16xi1>
      %jit3A_830 = arith.constant 12544 : i32
      %broadcast_in_dim3A_831 = vector.broadcast %jit3A_830 : i32 to vector<16xi32>
      %select_n3A_832 = arith.select %and3A_829, %sub3A_822, %broadcast_in_dim3A_831 : vector<16xi1>, vector<16xi32>
      %swap3A_833 = arith.constant 32 : index
      %swap3A_834 = tpu.vector_load %arg11[%swap3A_833] {strides = array<i32>} : memref<64xi32, #tpu.memory_space<vmem>>, vector<16xi32>,
      %swap3A_835 = vector.shape_cast %swap3A_834 : vector<16xi32> to vector<16xi32>
      %swap3A_836 = vector.shape_cast %select_n3A_832 : vector<16xi32> to vector<16xi32>
      tpu.vector_store %arg11[%swap3A_833], %swap3A_836 {strides = array<i32>} : memref<64xi32, #tpu.memory_space<vmem>>, vector<16xi32>,
      %get3A_837 = arith.constant 368 : index
      %get3A_838 = tpu.vector_load %arg7[%get3A_837] {strides = array<i32>} : memref<896xi32, #tpu.memory_space<vmem>>, vector<16xi32>,
      %get3A_839 = vector.shape_cast %get3A_838 : vector<16xi32> to vector<16xi32>
      %sub3A_840 = vector.broadcast %mul3A_173 : i32 to vector<16xi32>
      %sub3A_841 = arith.subi %get3A_839, %sub3A_840 : vector<16xi32>
      %ge3A_842 = arith.constant 0 : i32
      %ge3A_843 = vector.broadcast %ge3A_842 : i32 to vector<16xi32>
      %ge3A_844 = arith.cmpi sge, %sub3A_841, %ge3A_843 : vector<16xi32>
      %lt3A_845 = arith.constant 12544 : i32
      %lt3A_846 = vector.broadcast %lt3A_845 : i32 to vector<16xi32>
      %lt3A_847 = arith.cmpi slt, %sub3A_841, %lt3A_846 : vector<16xi32>
      %and3A_848 = arith.andi %ge3A_844, %lt3A_847 : vector<16xi1>
      %jit3A_849 = arith.constant 12544 : i32
      %broadcast_in_dim3A_850 = vector.broadcast %jit3A_849 : i32 to vector<16xi32>
      %select_n3A_851 = arith.select %and3A_848, %sub3A_841, %broadcast_in_dim3A_850 : vector<16xi1>, vector<16xi32>
      %swap3A_852 = arith.constant 48 : index
      %swap3A_853 = tpu.vector_load %arg11[%swap3A_852] {strides = array<i32>} : memref<64xi32, #tpu.memory_space<vmem>>, vector<16xi32>,
      %swap3A_854 = vector.shape_cast %swap3A_853 : vector<16xi32> to vector<16xi32>
      %swap3A_855 = vector.shape_cast %select_n3A_851 : vector<16xi32> to vector<16xi32>
      tpu.vector_store %arg11[%swap3A_852], %swap3A_855 {strides = array<i32>} : memref<64xi32, #tpu.memory_space<vmem>>, vector<16xi32>,
      %dma_start3A_856 = arith.constant 320 : i32
      %dma_start3A_857 = tpu.memref_slice %arg8[%dma_start3A_856] : memref<896xi32, #tpu.memory_space<vmem>> -> memref<64xi32, #tpu.memory_space<vmem>>
      %dma_start3A_858 = arith.constant 0 : i32
      %dma_start3A_859 = arith.constant 0 : i32
      %dma_start3A_860 = tpu.memref_slice %arg2[%dma_start3A_858, %dma_start3A_859] : memref<100000x128xf32, #tpu.memory_space<hbm>> -> memref<100000x128xf32, #tpu.memory_space<hbm>>
      tpu.enqueue_indirect_dma source(%dma_start3A_860 : memref<100000x128xf32, #tpu.memory_space<hbm>>) target(%arg12 : memref<64x128xf32, #tpu.memory_space<vmem>>) offsets(%dma_start3A_857 : memref<64xi32, #tpu.memory_space<vmem>>) semaphore(%arg20 : memref<!tpu.dma_semaphore, #tpu.memory_space<semaphore_mem>>)
      %dma_wait3A_861 = arith.constant 256 : i32
      %dma_wait3A_862 = tpu.memref_slice %arg8[%dma_wait3A_861] : memref<896xi32, #tpu.memory_space<vmem>> -> memref<64xi32, #tpu.memory_space<vmem>>
      %dma_wait3A_863 = arith.constant 0 : i32
      %dma_wait3A_864 = arith.constant 0 : i32
      %dma_wait3A_865 = tpu.memref_slice %arg2[%dma_wait3A_863, %dma_wait3A_864] : memref<100000x128xf32, #tpu.memory_space<hbm>> -> memref<100000x128xf32, #tpu.memory_space<hbm>>
      tpu.wait_indirect_dma semaphore(%arg19 : memref<!tpu.dma_semaphore, #tpu.memory_space<semaphore_mem>>) src(%dma_wait3A_865 : memref<100000x128xf32, #tpu.memory_space<hbm>>) dst(%arg10 : memref<64x128xf32, #tpu.memory_space<vmem>>)
      %dma_start3A_866 = arith.constant 0 : i32
      %dma_start3A_867 = arith.constant 0 : i32
      %dma_start3A_868 = tpu.memref_slice %arg17[%dma_start3A_866, %dma_start3A_867] : memref<12800x128xf32, #tpu.memory_space<vmem_shared>> -> memref<12800x128xf32, #tpu.memory_space<vmem_shared>>
      tpu.enqueue_indirect_dma source(%arg10 : memref<64x128xf32, #tpu.memory_space<vmem>>) target(%dma_start3A_868 : memref<12800x128xf32, #tpu.memory_space<vmem_shared>>) offsets(%arg9 : memref<64xi32, #tpu.memory_space<vmem>>) semaphore(%arg21 : memref<!tpu.dma_semaphore, #tpu.memory_space<semaphore_mem>>) {add = true}
      %dma_start3A_869 = arith.constant 0 : i32
      %dma_start3A_870 = tpu.memref_slice %arg18[%dma_start3A_869] : memref<12800xf32, #tpu.memory_space<vmem_shared>> -> memref<12800xf32, #tpu.memory_space<vmem_shared>>
      tpu.enqueue_indirect_dma source(%arg13 : memref<64xf32, #tpu.memory_space<vmem>>) target(%dma_start3A_870 : memref<12800xf32, #tpu.memory_space<vmem_shared>>) offsets(%arg9 : memref<64xi32, #tpu.memory_space<vmem>>) semaphore(%arg22 : memref<!tpu.dma_semaphore, #tpu.memory_space<semaphore_mem>>) {add = true}
      %dma_wait3A_871 = arith.constant 0 : i32
      %dma_wait3A_872 = arith.constant 0 : i32
      %dma_wait3A_873 = tpu.memref_slice %arg17[%dma_wait3A_871, %dma_wait3A_872] : memref<12800x128xf32, #tpu.memory_space<vmem_shared>> -> memref<12800x128xf32, #tpu.memory_space<vmem_shared>>
      tpu.wait_indirect_dma semaphore(%arg21 : memref<!tpu.dma_semaphore, #tpu.memory_space<semaphore_mem>>) src(%arg10 : memref<64x128xf32, #tpu.memory_space<vmem>>) dst(%dma_wait3A_873 : memref<12800x128xf32, #tpu.memory_space<vmem_shared>>)
      %dma_wait3A_874 = arith.constant 0 : i32
      %dma_wait3A_875 = tpu.memref_slice %arg18[%dma_wait3A_874] : memref<12800xf32, #tpu.memory_space<vmem_shared>> -> memref<12800xf32, #tpu.memory_space<vmem_shared>>
      tpu.wait_indirect_dma semaphore(%arg22 : memref<!tpu.dma_semaphore, #tpu.memory_space<semaphore_mem>>) src(%arg13 : memref<64xf32, #tpu.memory_space<vmem>>) dst(%dma_wait3A_875 : memref<12800xf32, #tpu.memory_space<vmem_shared>>)
      %get3A_876 = arith.constant 384 : index
      %get3A_877 = tpu.vector_load %arg7[%get3A_876] {strides = array<i32>} : memref<896xi32, #tpu.memory_space<vmem>>, vector<16xi32>,
      %get3A_878 = vector.shape_cast %get3A_877 : vector<16xi32> to vector<16xi32>
      %sub3A_879 = vector.broadcast %mul3A_173 : i32 to vector<16xi32>
      %sub3A_880 = arith.subi %get3A_878, %sub3A_879 : vector<16xi32>
      %ge3A_881 = arith.constant 0 : i32
      %ge3A_882 = vector.broadcast %ge3A_881 : i32 to vector<16xi32>
      %ge3A_883 = arith.cmpi sge, %sub3A_880, %ge3A_882 : vector<16xi32>
      %lt3A_884 = arith.constant 12544 : i32
      %lt3A_885 = vector.broadcast %lt3A_884 : i32 to vector<16xi32>
      %lt3A_886 = arith.cmpi slt, %sub3A_880, %lt3A_885 : vector<16xi32>
      %and3A_887 = arith.andi %ge3A_883, %lt3A_886 : vector<16xi1>
      %jit3A_888 = arith.constant 12544 : i32
      %broadcast_in_dim3A_889 = vector.broadcast %jit3A_888 : i32 to vector<16xi32>
      %select_n3A_890 = arith.select %and3A_887, %sub3A_880, %broadcast_in_dim3A_889 : vector<16xi1>, vector<16xi32>
      %swap3A_891 = arith.constant 0 : index
      %swap3A_892 = tpu.vector_load %arg9[%swap3A_891] {strides = array<i32>} : memref<64xi32, #tpu.memory_space<vmem>>, vector<16xi32>,
      %swap3A_893 = vector.shape_cast %swap3A_892 : vector<16xi32> to vector<16xi32>
      %swap3A_894 = vector.shape_cast %select_n3A_890 : vector<16xi32> to vector<16xi32>
      tpu.vector_store %arg9[%swap3A_891], %swap3A_894 {strides = array<i32>} : memref<64xi32, #tpu.memory_space<vmem>>, vector<16xi32>,
      %get3A_895 = arith.constant 400 : index
      %get3A_896 = tpu.vector_load %arg7[%get3A_895] {strides = array<i32>} : memref<896xi32, #tpu.memory_space<vmem>>, vector<16xi32>,
      %get3A_897 = vector.shape_cast %get3A_896 : vector<16xi32> to vector<16xi32>
      %sub3A_898 = vector.broadcast %mul3A_173 : i32 to vector<16xi32>
      %sub3A_899 = arith.subi %get3A_897, %sub3A_898 : vector<16xi32>
      %ge3A_900 = arith.constant 0 : i32
      %ge3A_901 = vector.broadcast %ge3A_900 : i32 to vector<16xi32>
      %ge3A_902 = arith.cmpi sge, %sub3A_899, %ge3A_901 : vector<16xi32>
      %lt3A_903 = arith.constant 12544 : i32
      %lt3A_904 = vector.broadcast %lt3A_903 : i32 to vector<16xi32>
      %lt3A_905 = arith.cmpi slt, %sub3A_899, %lt3A_904 : vector<16xi32>
      %and3A_906 = arith.andi %ge3A_902, %lt3A_905 : vector<16xi1>
      %jit3A_907 = arith.constant 12544 : i32
      %broadcast_in_dim3A_908 = vector.broadcast %jit3A_907 : i32 to vector<16xi32>
      %select_n3A_909 = arith.select %and3A_906, %sub3A_899, %broadcast_in_dim3A_908 : vector<16xi1>, vector<16xi32>
      %swap3A_910 = arith.constant 16 : index
      %swap3A_911 = tpu.vector_load %arg9[%swap3A_910] {strides = array<i32>} : memref<64xi32, #tpu.memory_space<vmem>>, vector<16xi32>,
      %swap3A_912 = vector.shape_cast %swap3A_911 : vector<16xi32> to vector<16xi32>
      %swap3A_913 = vector.shape_cast %select_n3A_909 : vector<16xi32> to vector<16xi32>
      tpu.vector_store %arg9[%swap3A_910], %swap3A_913 {strides = array<i32>} : memref<64xi32, #tpu.memory_space<vmem>>, vector<16xi32>,
      %get3A_914 = arith.constant 416 : index
      %get3A_915 = tpu.vector_load %arg7[%get3A_914] {strides = array<i32>} : memref<896xi32, #tpu.memory_space<vmem>>, vector<16xi32>,
      %get3A_916 = vector.shape_cast %get3A_915 : vector<16xi32> to vector<16xi32>
      %sub3A_917 = vector.broadcast %mul3A_173 : i32 to vector<16xi32>
      %sub3A_918 = arith.subi %get3A_916, %sub3A_917 : vector<16xi32>
      %ge3A_919 = arith.constant 0 : i32
      %ge3A_920 = vector.broadcast %ge3A_919 : i32 to vector<16xi32>
      %ge3A_921 = arith.cmpi sge, %sub3A_918, %ge3A_920 : vector<16xi32>
      %lt3A_922 = arith.constant 12544 : i32
      %lt3A_923 = vector.broadcast %lt3A_922 : i32 to vector<16xi32>
      %lt3A_924 = arith.cmpi slt, %sub3A_918, %lt3A_923 : vector<16xi32>
      %and3A_925 = arith.andi %ge3A_921, %lt3A_924 : vector<16xi1>
      %jit3A_926 = arith.constant 12544 : i32
      %broadcast_in_dim3A_927 = vector.broadcast %jit3A_926 : i32 to vector<16xi32>
      %select_n3A_928 = arith.select %and3A_925, %sub3A_918, %broadcast_in_dim3A_927 : vector<16xi1>, vector<16xi32>
      %swap3A_929 = arith.constant 32 : index
      %swap3A_930 = tpu.vector_load %arg9[%swap3A_929] {strides = array<i32>} : memref<64xi32, #tpu.memory_space<vmem>>, vector<16xi32>,
      %swap3A_931 = vector.shape_cast %swap3A_930 : vector<16xi32> to vector<16xi32>
      %swap3A_932 = vector.shape_cast %select_n3A_928 : vector<16xi32> to vector<16xi32>
      tpu.vector_store %arg9[%swap3A_929], %swap3A_932 {strides = array<i32>} : memref<64xi32, #tpu.memory_space<vmem>>, vector<16xi32>,
      %get3A_933 = arith.constant 432 : index
      %get3A_934 = tpu.vector_load %arg7[%get3A_933] {strides = array<i32>} : memref<896xi32, #tpu.memory_space<vmem>>, vector<16xi32>,
      %get3A_935 = vector.shape_cast %get3A_934 : vector<16xi32> to vector<16xi32>
      %sub3A_936 = vector.broadcast %mul3A_173 : i32 to vector<16xi32>
      %sub3A_937 = arith.subi %get3A_935, %sub3A_936 : vector<16xi32>
      %ge3A_938 = arith.constant 0 : i32
      %ge3A_939 = vector.broadcast %ge3A_938 : i32 to vector<16xi32>
      %ge3A_940 = arith.cmpi sge, %sub3A_937, %ge3A_939 : vector<16xi32>
      %lt3A_941 = arith.constant 12544 : i32
      %lt3A_942 = vector.broadcast %lt3A_941 : i32 to vector<16xi32>
      %lt3A_943 = arith.cmpi slt, %sub3A_937, %lt3A_942 : vector<16xi32>
      %and3A_944 = arith.andi %ge3A_940, %lt3A_943 : vector<16xi1>
      %jit3A_945 = arith.constant 12544 : i32
      %broadcast_in_dim3A_946 = vector.broadcast %jit3A_945 : i32 to vector<16xi32>
      %select_n3A_947 = arith.select %and3A_944, %sub3A_937, %broadcast_in_dim3A_946 : vector<16xi1>, vector<16xi32>
      %swap3A_948 = arith.constant 48 : index
      %swap3A_949 = tpu.vector_load %arg9[%swap3A_948] {strides = array<i32>} : memref<64xi32, #tpu.memory_space<vmem>>, vector<16xi32>,
      %swap3A_950 = vector.shape_cast %swap3A_949 : vector<16xi32> to vector<16xi32>
      %swap3A_951 = vector.shape_cast %select_n3A_947 : vector<16xi32> to vector<16xi32>
      tpu.vector_store %arg9[%swap3A_948], %swap3A_951 {strides = array<i32>} : memref<64xi32, #tpu.memory_space<vmem>>, vector<16xi32>,
      %dma_start3A_952 = arith.constant 384 : i32
      %dma_start3A_953 = tpu.memref_slice %arg8[%dma_start3A_952] : memref<896xi32, #tpu.memory_space<vmem>> -> memref<64xi32, #tpu.memory_space<vmem>>
      %dma_start3A_954 = arith.constant 0 : i32
      %dma_start3A_955 = arith.constant 0 : i32
      %dma_start3A_956 = tpu.memref_slice %arg2[%dma_start3A_954, %dma_start3A_955] : memref<100000x128xf32, #tpu.memory_space<hbm>> -> memref<100000x128xf32, #tpu.memory_space<hbm>>
      tpu.enqueue_indirect_dma source(%dma_start3A_956 : memref<100000x128xf32, #tpu.memory_space<hbm>>) target(%arg10 : memref<64x128xf32, #tpu.memory_space<vmem>>) offsets(%dma_start3A_953 : memref<64xi32, #tpu.memory_space<vmem>>) semaphore(%arg19 : memref<!tpu.dma_semaphore, #tpu.memory_space<semaphore_mem>>)
      %dma_wait3A_957 = arith.constant 320 : i32
      %dma_wait3A_958 = tpu.memref_slice %arg8[%dma_wait3A_957] : memref<896xi32, #tpu.memory_space<vmem>> -> memref<64xi32, #tpu.memory_space<vmem>>
      %dma_wait3A_959 = arith.constant 0 : i32
      %dma_wait3A_960 = arith.constant 0 : i32
      %dma_wait3A_961 = tpu.memref_slice %arg2[%dma_wait3A_959, %dma_wait3A_960] : memref<100000x128xf32, #tpu.memory_space<hbm>> -> memref<100000x128xf32, #tpu.memory_space<hbm>>
      tpu.wait_indirect_dma semaphore(%arg20 : memref<!tpu.dma_semaphore, #tpu.memory_space<semaphore_mem>>) src(%dma_wait3A_961 : memref<100000x128xf32, #tpu.memory_space<hbm>>) dst(%arg12 : memref<64x128xf32, #tpu.memory_space<vmem>>)
      %dma_start3A_962 = arith.constant 0 : i32
      %dma_start3A_963 = arith.constant 0 : i32
      %dma_start3A_964 = tpu.memref_slice %arg17[%dma_start3A_962, %dma_start3A_963] : memref<12800x128xf32, #tpu.memory_space<vmem_shared>> -> memref<12800x128xf32, #tpu.memory_space<vmem_shared>>
      tpu.enqueue_indirect_dma source(%arg12 : memref<64x128xf32, #tpu.memory_space<vmem>>) target(%dma_start3A_964 : memref<12800x128xf32, #tpu.memory_space<vmem_shared>>) offsets(%arg11 : memref<64xi32, #tpu.memory_space<vmem>>) semaphore(%arg21 : memref<!tpu.dma_semaphore, #tpu.memory_space<semaphore_mem>>) {add = true}
      %dma_start3A_965 = arith.constant 0 : i32
      %dma_start3A_966 = tpu.memref_slice %arg18[%dma_start3A_965] : memref<12800xf32, #tpu.memory_space<vmem_shared>> -> memref<12800xf32, #tpu.memory_space<vmem_shared>>
      tpu.enqueue_indirect_dma source(%arg13 : memref<64xf32, #tpu.memory_space<vmem>>) target(%dma_start3A_966 : memref<12800xf32, #tpu.memory_space<vmem_shared>>) offsets(%arg11 : memref<64xi32, #tpu.memory_space<vmem>>) semaphore(%arg22 : memref<!tpu.dma_semaphore, #tpu.memory_space<semaphore_mem>>) {add = true}
      %dma_wait3A_967 = arith.constant 0 : i32
      %dma_wait3A_968 = arith.constant 0 : i32
      %dma_wait3A_969 = tpu.memref_slice %arg17[%dma_wait3A_967, %dma_wait3A_968] : memref<12800x128xf32, #tpu.memory_space<vmem_shared>> -> memref<12800x128xf32, #tpu.memory_space<vmem_shared>>
      tpu.wait_indirect_dma semaphore(%arg21 : memref<!tpu.dma_semaphore, #tpu.memory_space<semaphore_mem>>) src(%arg12 : memref<64x128xf32, #tpu.memory_space<vmem>>) dst(%dma_wait3A_969 : memref<12800x128xf32, #tpu.memory_space<vmem_shared>>)
      %dma_wait3A_970 = arith.constant 0 : i32
      %dma_wait3A_971 = tpu.memref_slice %arg18[%dma_wait3A_970] : memref<12800xf32, #tpu.memory_space<vmem_shared>> -> memref<12800xf32, #tpu.memory_space<vmem_shared>>
      tpu.wait_indirect_dma semaphore(%arg22 : memref<!tpu.dma_semaphore, #tpu.memory_space<semaphore_mem>>) src(%arg13 : memref<64xf32, #tpu.memory_space<vmem>>) dst(%dma_wait3A_971 : memref<12800xf32, #tpu.memory_space<vmem_shared>>)
      %get3A_972 = arith.constant 448 : index
      %get3A_973 = tpu.vector_load %arg7[%get3A_972] {strides = array<i32>} : memref<896xi32, #tpu.memory_space<vmem>>, vector<16xi32>,
      %get3A_974 = vector.shape_cast %get3A_973 : vector<16xi32> to vector<16xi32>
      %sub3A_975 = vector.broadcast %mul3A_173 : i32 to vector<16xi32>
      %sub3A_976 = arith.subi %get3A_974, %sub3A_975 : vector<16xi32>
      %ge3A_977 = arith.constant 0 : i32
      %ge3A_978 = vector.broadcast %ge3A_977 : i32 to vector<16xi32>
      %ge3A_979 = arith.cmpi sge, %sub3A_976, %ge3A_978 : vector<16xi32>
      %lt3A_980 = arith.constant 12544 : i32
      %lt3A_981 = vector.broadcast %lt3A_980 : i32 to vector<16xi32>
      %lt3A_982 = arith.cmpi slt, %sub3A_976, %lt3A_981 : vector<16xi32>
      %and3A_983 = arith.andi %ge3A_979, %lt3A_982 : vector<16xi1>
      %jit3A_984 = arith.constant 12544 : i32
      %broadcast_in_dim3A_985 = vector.broadcast %jit3A_984 : i32 to vector<16xi32>
      %select_n3A_986 = arith.select %and3A_983, %sub3A_976, %broadcast_in_dim3A_985 : vector<16xi1>, vector<16xi32>
      %swap3A_987 = arith.constant 0 : index
      %swap3A_988 = tpu.vector_load %arg11[%swap3A_987] {strides = array<i32>} : memref<64xi32, #tpu.memory_space<vmem>>, vector<16xi32>,
      %swap3A_989 = vector.shape_cast %swap3A_988 : vector<16xi32> to vector<16xi32>
      %swap3A_990 = vector.shape_cast %select_n3A_986 : vector<16xi32> to vector<16xi32>
      tpu.vector_store %arg11[%swap3A_987], %swap3A_990 {strides = array<i32>} : memref<64xi32, #tpu.memory_space<vmem>>, vector<16xi32>,
      %get3A_991 = arith.constant 464 : index
      %get3A_992 = tpu.vector_load %arg7[%get3A_991] {strides = array<i32>} : memref<896xi32, #tpu.memory_space<vmem>>, vector<16xi32>,
      %get3A_993 = vector.shape_cast %get3A_992 : vector<16xi32> to vector<16xi32>
      %sub3A_994 = vector.broadcast %mul3A_173 : i32 to vector<16xi32>
      %sub3A_995 = arith.subi %get3A_993, %sub3A_994 : vector<16xi32>
      %ge3A_996 = arith.constant 0 : i32
      %ge3A_997 = vector.broadcast %ge3A_996 : i32 to vector<16xi32>
      %ge3A_998 = arith.cmpi sge, %sub3A_995, %ge3A_997 : vector<16xi32>
      %lt3A_999 = arith.constant 12544 : i32
      %lt3A_1000 = vector.broadcast %lt3A_999 : i32 to vector<16xi32>
      %lt3A_1001 = arith.cmpi slt, %sub3A_995, %lt3A_1000 : vector<16xi32>
      %and3A_1002 = arith.andi %ge3A_998, %lt3A_1001 : vector<16xi1>
      %jit3A_1003 = arith.constant 12544 : i32
      %broadcast_in_dim3A_1004 = vector.broadcast %jit3A_1003 : i32 to vector<16xi32>
      %select_n3A_1005 = arith.select %and3A_1002, %sub3A_995, %broadcast_in_dim3A_1004 : vector<16xi1>, vector<16xi32>
      %swap3A_1006 = arith.constant 16 : index
      %swap3A_1007 = tpu.vector_load %arg11[%swap3A_1006] {strides = array<i32>} : memref<64xi32, #tpu.memory_space<vmem>>, vector<16xi32>,
      %swap3A_1008 = vector.shape_cast %swap3A_1007 : vector<16xi32> to vector<16xi32>
      %swap3A_1009 = vector.shape_cast %select_n3A_1005 : vector<16xi32> to vector<16xi32>
      tpu.vector_store %arg11[%swap3A_1006], %swap3A_1009 {strides = array<i32>} : memref<64xi32, #tpu.memory_space<vmem>>, vector<16xi32>,
      %get3A_1010 = arith.constant 480 : index
      %get3A_1011 = tpu.vector_load %arg7[%get3A_1010] {strides = array<i32>} : memref<896xi32, #tpu.memory_space<vmem>>, vector<16xi32>,
      %get3A_1012 = vector.shape_cast %get3A_1011 : vector<16xi32> to vector<16xi32>
      %sub3A_1013 = vector.broadcast %mul3A_173 : i32 to vector<16xi32>
      %sub3A_1014 = arith.subi %get3A_1012, %sub3A_1013 : vector<16xi32>
      %ge3A_1015 = arith.constant 0 : i32
      %ge3A_1016 = vector.broadcast %ge3A_1015 : i32 to vector<16xi32>
      %ge3A_1017 = arith.cmpi sge, %sub3A_1014, %ge3A_1016 : vector<16xi32>
      %lt3A_1018 = arith.constant 12544 : i32
      %lt3A_1019 = vector.broadcast %lt3A_1018 : i32 to vector<16xi32>
      %lt3A_1020 = arith.cmpi slt, %sub3A_1014, %lt3A_1019 : vector<16xi32>
      %and3A_1021 = arith.andi %ge3A_1017, %lt3A_1020 : vector<16xi1>
      %jit3A_1022 = arith.constant 12544 : i32
      %broadcast_in_dim3A_1023 = vector.broadcast %jit3A_1022 : i32 to vector<16xi32>
      %select_n3A_1024 = arith.select %and3A_1021, %sub3A_1014, %broadcast_in_dim3A_1023 : vector<16xi1>, vector<16xi32>
      %swap3A_1025 = arith.constant 32 : index
      %swap3A_1026 = tpu.vector_load %arg11[%swap3A_1025] {strides = array<i32>} : memref<64xi32, #tpu.memory_space<vmem>>, vector<16xi32>,
      %swap3A_1027 = vector.shape_cast %swap3A_1026 : vector<16xi32> to vector<16xi32>
      %swap3A_1028 = vector.shape_cast %select_n3A_1024 : vector<16xi32> to vector<16xi32>
      tpu.vector_store %arg11[%swap3A_1025], %swap3A_1028 {strides = array<i32>} : memref<64xi32, #tpu.memory_space<vmem>>, vector<16xi32>,
      %get3A_1029 = arith.constant 496 : index
      %get3A_1030 = tpu.vector_load %arg7[%get3A_1029] {strides = array<i32>} : memref<896xi32, #tpu.memory_space<vmem>>, vector<16xi32>,
      %get3A_1031 = vector.shape_cast %get3A_1030 : vector<16xi32> to vector<16xi32>
      %sub3A_1032 = vector.broadcast %mul3A_173 : i32 to vector<16xi32>
      %sub3A_1033 = arith.subi %get3A_1031, %sub3A_1032 : vector<16xi32>
      %ge3A_1034 = arith.constant 0 : i32
      %ge3A_1035 = vector.broadcast %ge3A_1034 : i32 to vector<16xi32>
      %ge3A_1036 = arith.cmpi sge, %sub3A_1033, %ge3A_1035 : vector<16xi32>
      %lt3A_1037 = arith.constant 12544 : i32
      %lt3A_1038 = vector.broadcast %lt3A_1037 : i32 to vector<16xi32>
      %lt3A_1039 = arith.cmpi slt, %sub3A_1033, %lt3A_1038 : vector<16xi32>
      %and3A_1040 = arith.andi %ge3A_1036, %lt3A_1039 : vector<16xi1>
      %jit3A_1041 = arith.constant 12544 : i32
      %broadcast_in_dim3A_1042 = vector.broadcast %jit3A_1041 : i32 to vector<16xi32>
      %select_n3A_1043 = arith.select %and3A_1040, %sub3A_1033, %broadcast_in_dim3A_1042 : vector<16xi1>, vector<16xi32>
      %swap3A_1044 = arith.constant 48 : index
      %swap3A_1045 = tpu.vector_load %arg11[%swap3A_1044] {strides = array<i32>} : memref<64xi32, #tpu.memory_space<vmem>>, vector<16xi32>,
      %swap3A_1046 = vector.shape_cast %swap3A_1045 : vector<16xi32> to vector<16xi32>
      %swap3A_1047 = vector.shape_cast %select_n3A_1043 : vector<16xi32> to vector<16xi32>
      tpu.vector_store %arg11[%swap3A_1044], %swap3A_1047 {strides = array<i32>} : memref<64xi32, #tpu.memory_space<vmem>>, vector<16xi32>,
      %dma_start3A_1048 = arith.constant 448 : i32
      %dma_start3A_1049 = tpu.memref_slice %arg8[%dma_start3A_1048] : memref<896xi32, #tpu.memory_space<vmem>> -> memref<64xi32, #tpu.memory_space<vmem>>
      %dma_start3A_1050 = arith.constant 0 : i32
      %dma_start3A_1051 = arith.constant 0 : i32
      %dma_start3A_1052 = tpu.memref_slice %arg2[%dma_start3A_1050, %dma_start3A_1051] : memref<100000x128xf32, #tpu.memory_space<hbm>> -> memref<100000x128xf32, #tpu.memory_space<hbm>>
      tpu.enqueue_indirect_dma source(%dma_start3A_1052 : memref<100000x128xf32, #tpu.memory_space<hbm>>) target(%arg12 : memref<64x128xf32, #tpu.memory_space<vmem>>) offsets(%dma_start3A_1049 : memref<64xi32, #tpu.memory_space<vmem>>) semaphore(%arg20 : memref<!tpu.dma_semaphore, #tpu.memory_space<semaphore_mem>>)
      %dma_wait3A_1053 = arith.constant 384 : i32
      %dma_wait3A_1054 = tpu.memref_slice %arg8[%dma_wait3A_1053] : memref<896xi32, #tpu.memory_space<vmem>> -> memref<64xi32, #tpu.memory_space<vmem>>
      %dma_wait3A_1055 = arith.constant 0 : i32
      %dma_wait3A_1056 = arith.constant 0 : i32
      %dma_wait3A_1057 = tpu.memref_slice %arg2[%dma_wait3A_1055, %dma_wait3A_1056] : memref<100000x128xf32, #tpu.memory_space<hbm>> -> memref<100000x128xf32, #tpu.memory_space<hbm>>
      tpu.wait_indirect_dma semaphore(%arg19 : memref<!tpu.dma_semaphore, #tpu.memory_space<semaphore_mem>>) src(%dma_wait3A_1057 : memref<100000x128xf32, #tpu.memory_space<hbm>>) dst(%arg10 : memref<64x128xf32, #tpu.memory_space<vmem>>)
      %dma_start3A_1058 = arith.constant 0 : i32
      %dma_start3A_1059 = arith.constant 0 : i32
      %dma_start3A_1060 = tpu.memref_slice %arg17[%dma_start3A_1058, %dma_start3A_1059] : memref<12800x128xf32, #tpu.memory_space<vmem_shared>> -> memref<12800x128xf32, #tpu.memory_space<vmem_shared>>
      tpu.enqueue_indirect_dma source(%arg10 : memref<64x128xf32, #tpu.memory_space<vmem>>) target(%dma_start3A_1060 : memref<12800x128xf32, #tpu.memory_space<vmem_shared>>) offsets(%arg9 : memref<64xi32, #tpu.memory_space<vmem>>) semaphore(%arg21 : memref<!tpu.dma_semaphore, #tpu.memory_space<semaphore_mem>>) {add = true}
      %dma_start3A_1061 = arith.constant 0 : i32
      %dma_start3A_1062 = tpu.memref_slice %arg18[%dma_start3A_1061] : memref<12800xf32, #tpu.memory_space<vmem_shared>> -> memref<12800xf32, #tpu.memory_space<vmem_shared>>
      tpu.enqueue_indirect_dma source(%arg13 : memref<64xf32, #tpu.memory_space<vmem>>) target(%dma_start3A_1062 : memref<12800xf32, #tpu.memory_space<vmem_shared>>) offsets(%arg9 : memref<64xi32, #tpu.memory_space<vmem>>) semaphore(%arg22 : memref<!tpu.dma_semaphore, #tpu.memory_space<semaphore_mem>>) {add = true}
      %dma_wait3A_1063 = arith.constant 0 : i32
      %dma_wait3A_1064 = arith.constant 0 : i32
      %dma_wait3A_1065 = tpu.memref_slice %arg17[%dma_wait3A_1063, %dma_wait3A_1064] : memref<12800x128xf32, #tpu.memory_space<vmem_shared>> -> memref<12800x128xf32, #tpu.memory_space<vmem_shared>>
      tpu.wait_indirect_dma semaphore(%arg21 : memref<!tpu.dma_semaphore, #tpu.memory_space<semaphore_mem>>) src(%arg10 : memref<64x128xf32, #tpu.memory_space<vmem>>) dst(%dma_wait3A_1065 : memref<12800x128xf32, #tpu.memory_space<vmem_shared>>)
      %dma_wait3A_1066 = arith.constant 0 : i32
      %dma_wait3A_1067 = tpu.memref_slice %arg18[%dma_wait3A_1066] : memref<12800xf32, #tpu.memory_space<vmem_shared>> -> memref<12800xf32, #tpu.memory_space<vmem_shared>>
      tpu.wait_indirect_dma semaphore(%arg22 : memref<!tpu.dma_semaphore, #tpu.memory_space<semaphore_mem>>) src(%arg13 : memref<64xf32, #tpu.memory_space<vmem>>) dst(%dma_wait3A_1067 : memref<12800xf32, #tpu.memory_space<vmem_shared>>)
      %get3A_1068 = arith.constant 512 : index
      %get3A_1069 = tpu.vector_load %arg7[%get3A_1068] {strides = array<i32>} : memref<896xi32, #tpu.memory_space<vmem>>, vector<16xi32>,
      %get3A_1070 = vector.shape_cast %get3A_1069 : vector<16xi32> to vector<16xi32>
      %sub3A_1071 = vector.broadcast %mul3A_173 : i32 to vector<16xi32>
      %sub3A_1072 = arith.subi %get3A_1070, %sub3A_1071 : vector<16xi32>
      %ge3A_1073 = arith.constant 0 : i32
      %ge3A_1074 = vector.broadcast %ge3A_1073 : i32 to vector<16xi32>
      %ge3A_1075 = arith.cmpi sge, %sub3A_1072, %ge3A_1074 : vector<16xi32>
      %lt3A_1076 = arith.constant 12544 : i32
      %lt3A_1077 = vector.broadcast %lt3A_1076 : i32 to vector<16xi32>
      %lt3A_1078 = arith.cmpi slt, %sub3A_1072, %lt3A_1077 : vector<16xi32>
      %and3A_1079 = arith.andi %ge3A_1075, %lt3A_1078 : vector<16xi1>
      %jit3A_1080 = arith.constant 12544 : i32
      %broadcast_in_dim3A_1081 = vector.broadcast %jit3A_1080 : i32 to vector<16xi32>
      %select_n3A_1082 = arith.select %and3A_1079, %sub3A_1072, %broadcast_in_dim3A_1081 : vector<16xi1>, vector<16xi32>
      %swap3A_1083 = arith.constant 0 : index
      %swap3A_1084 = tpu.vector_load %arg9[%swap3A_1083] {strides = array<i32>} : memref<64xi32, #tpu.memory_space<vmem>>, vector<16xi32>,
      %swap3A_1085 = vector.shape_cast %swap3A_1084 : vector<16xi32> to vector<16xi32>
      %swap3A_1086 = vector.shape_cast %select_n3A_1082 : vector<16xi32> to vector<16xi32>
      tpu.vector_store %arg9[%swap3A_1083], %swap3A_1086 {strides = array<i32>} : memref<64xi32, #tpu.memory_space<vmem>>, vector<16xi32>,
      %get3A_1087 = arith.constant 528 : index
      %get3A_1088 = tpu.vector_load %arg7[%get3A_1087] {strides = array<i32>} : memref<896xi32, #tpu.memory_space<vmem>>, vector<16xi32>,
      %get3A_1089 = vector.shape_cast %get3A_1088 : vector<16xi32> to vector<16xi32>
      %sub3A_1090 = vector.broadcast %mul3A_173 : i32 to vector<16xi32>
      %sub3A_1091 = arith.subi %get3A_1089, %sub3A_1090 : vector<16xi32>
      %ge3A_1092 = arith.constant 0 : i32
      %ge3A_1093 = vector.broadcast %ge3A_1092 : i32 to vector<16xi32>
      %ge3A_1094 = arith.cmpi sge, %sub3A_1091, %ge3A_1093 : vector<16xi32>
      %lt3A_1095 = arith.constant 12544 : i32
      %lt3A_1096 = vector.broadcast %lt3A_1095 : i32 to vector<16xi32>
      %lt3A_1097 = arith.cmpi slt, %sub3A_1091, %lt3A_1096 : vector<16xi32>
      %and3A_1098 = arith.andi %ge3A_1094, %lt3A_1097 : vector<16xi1>
      %jit3A_1099 = arith.constant 12544 : i32
      %broadcast_in_dim3A_1100 = vector.broadcast %jit3A_1099 : i32 to vector<16xi32>
      %select_n3A_1101 = arith.select %and3A_1098, %sub3A_1091, %broadcast_in_dim3A_1100 : vector<16xi1>, vector<16xi32>
      %swap3A_1102 = arith.constant 16 : index
      %swap3A_1103 = tpu.vector_load %arg9[%swap3A_1102] {strides = array<i32>} : memref<64xi32, #tpu.memory_space<vmem>>, vector<16xi32>,
      %swap3A_1104 = vector.shape_cast %swap3A_1103 : vector<16xi32> to vector<16xi32>
      %swap3A_1105 = vector.shape_cast %select_n3A_1101 : vector<16xi32> to vector<16xi32>
      tpu.vector_store %arg9[%swap3A_1102], %swap3A_1105 {strides = array<i32>} : memref<64xi32, #tpu.memory_space<vmem>>, vector<16xi32>,
      %get3A_1106 = arith.constant 544 : index
      %get3A_1107 = tpu.vector_load %arg7[%get3A_1106] {strides = array<i32>} : memref<896xi32, #tpu.memory_space<vmem>>, vector<16xi32>,
      %get3A_1108 = vector.shape_cast %get3A_1107 : vector<16xi32> to vector<16xi32>
      %sub3A_1109 = vector.broadcast %mul3A_173 : i32 to vector<16xi32>
      %sub3A_1110 = arith.subi %get3A_1108, %sub3A_1109 : vector<16xi32>
      %ge3A_1111 = arith.constant 0 : i32
      %ge3A_1112 = vector.broadcast %ge3A_1111 : i32 to vector<16xi32>
      %ge3A_1113 = arith.cmpi sge, %sub3A_1110, %ge3A_1112 : vector<16xi32>
      %lt3A_1114 = arith.constant 12544 : i32
      %lt3A_1115 = vector.broadcast %lt3A_1114 : i32 to vector<16xi32>
      %lt3A_1116 = arith.cmpi slt, %sub3A_1110, %lt3A_1115 : vector<16xi32>
      %and3A_1117 = arith.andi %ge3A_1113, %lt3A_1116 : vector<16xi1>
      %jit3A_1118 = arith.constant 12544 : i32
      %broadcast_in_dim3A_1119 = vector.broadcast %jit3A_1118 : i32 to vector<16xi32>
      %select_n3A_1120 = arith.select %and3A_1117, %sub3A_1110, %broadcast_in_dim3A_1119 : vector<16xi1>, vector<16xi32>
      %swap3A_1121 = arith.constant 32 : index
      %swap3A_1122 = tpu.vector_load %arg9[%swap3A_1121] {strides = array<i32>} : memref<64xi32, #tpu.memory_space<vmem>>, vector<16xi32>,
      %swap3A_1123 = vector.shape_cast %swap3A_1122 : vector<16xi32> to vector<16xi32>
      %swap3A_1124 = vector.shape_cast %select_n3A_1120 : vector<16xi32> to vector<16xi32>
      tpu.vector_store %arg9[%swap3A_1121], %swap3A_1124 {strides = array<i32>} : memref<64xi32, #tpu.memory_space<vmem>>, vector<16xi32>,
      %get3A_1125 = arith.constant 560 : index
      %get3A_1126 = tpu.vector_load %arg7[%get3A_1125] {strides = array<i32>} : memref<896xi32, #tpu.memory_space<vmem>>, vector<16xi32>,
      %get3A_1127 = vector.shape_cast %get3A_1126 : vector<16xi32> to vector<16xi32>
      %sub3A_1128 = vector.broadcast %mul3A_173 : i32 to vector<16xi32>
      %sub3A_1129 = arith.subi %get3A_1127, %sub3A_1128 : vector<16xi32>
      %ge3A_1130 = arith.constant 0 : i32
      %ge3A_1131 = vector.broadcast %ge3A_1130 : i32 to vector<16xi32>
      %ge3A_1132 = arith.cmpi sge, %sub3A_1129, %ge3A_1131 : vector<16xi32>
      %lt3A_1133 = arith.constant 12544 : i32
      %lt3A_1134 = vector.broadcast %lt3A_1133 : i32 to vector<16xi32>
      %lt3A_1135 = arith.cmpi slt, %sub3A_1129, %lt3A_1134 : vector<16xi32>
      %and3A_1136 = arith.andi %ge3A_1132, %lt3A_1135 : vector<16xi1>
      %jit3A_1137 = arith.constant 12544 : i32
      %broadcast_in_dim3A_1138 = vector.broadcast %jit3A_1137 : i32 to vector<16xi32>
      %select_n3A_1139 = arith.select %and3A_1136, %sub3A_1129, %broadcast_in_dim3A_1138 : vector<16xi1>, vector<16xi32>
      %swap3A_1140 = arith.constant 48 : index
      %swap3A_1141 = tpu.vector_load %arg9[%swap3A_1140] {strides = array<i32>} : memref<64xi32, #tpu.memory_space<vmem>>, vector<16xi32>,
      %swap3A_1142 = vector.shape_cast %swap3A_1141 : vector<16xi32> to vector<16xi32>
      %swap3A_1143 = vector.shape_cast %select_n3A_1139 : vector<16xi32> to vector<16xi32>
      tpu.vector_store %arg9[%swap3A_1140], %swap3A_1143 {strides = array<i32>} : memref<64xi32, #tpu.memory_space<vmem>>, vector<16xi32>,
      %dma_start3A_1144 = arith.constant 512 : i32
      %dma_start3A_1145 = tpu.memref_slice %arg8[%dma_start3A_1144] : memref<896xi32, #tpu.memory_space<vmem>> -> memref<64xi32, #tpu.memory_space<vmem>>
      %dma_start3A_1146 = arith.constant 0 : i32
      %dma_start3A_1147 = arith.constant 0 : i32
      %dma_start3A_1148 = tpu.memref_slice %arg2[%dma_start3A_1146, %dma_start3A_1147] : memref<100000x128xf32, #tpu.memory_space<hbm>> -> memref<100000x128xf32, #tpu.memory_space<hbm>>
      tpu.enqueue_indirect_dma source(%dma_start3A_1148 : memref<100000x128xf32, #tpu.memory_space<hbm>>) target(%arg10 : memref<64x128xf32, #tpu.memory_space<vmem>>) offsets(%dma_start3A_1145 : memref<64xi32, #tpu.memory_space<vmem>>) semaphore(%arg19 : memref<!tpu.dma_semaphore, #tpu.memory_space<semaphore_mem>>)
      %dma_wait3A_1149 = arith.constant 448 : i32
      %dma_wait3A_1150 = tpu.memref_slice %arg8[%dma_wait3A_1149] : memref<896xi32, #tpu.memory_space<vmem>> -> memref<64xi32, #tpu.memory_space<vmem>>
      %dma_wait3A_1151 = arith.constant 0 : i32
      %dma_wait3A_1152 = arith.constant 0 : i32
      %dma_wait3A_1153 = tpu.memref_slice %arg2[%dma_wait3A_1151, %dma_wait3A_1152] : memref<100000x128xf32, #tpu.memory_space<hbm>> -> memref<100000x128xf32, #tpu.memory_space<hbm>>
      tpu.wait_indirect_dma semaphore(%arg20 : memref<!tpu.dma_semaphore, #tpu.memory_space<semaphore_mem>>) src(%dma_wait3A_1153 : memref<100000x128xf32, #tpu.memory_space<hbm>>) dst(%arg12 : memref<64x128xf32, #tpu.memory_space<vmem>>)
      %dma_start3A_1154 = arith.constant 0 : i32
      %dma_start3A_1155 = arith.constant 0 : i32
      %dma_start3A_1156 = tpu.memref_slice %arg17[%dma_start3A_1154, %dma_start3A_1155] : memref<12800x128xf32, #tpu.memory_space<vmem_shared>> -> memref<12800x128xf32, #tpu.memory_space<vmem_shared>>
      tpu.enqueue_indirect_dma source(%arg12 : memref<64x128xf32, #tpu.memory_space<vmem>>) target(%dma_start3A_1156 : memref<12800x128xf32, #tpu.memory_space<vmem_shared>>) offsets(%arg11 : memref<64xi32, #tpu.memory_space<vmem>>) semaphore(%arg21 : memref<!tpu.dma_semaphore, #tpu.memory_space<semaphore_mem>>) {add = true}
      %dma_start3A_1157 = arith.constant 0 : i32
      %dma_start3A_1158 = tpu.memref_slice %arg18[%dma_start3A_1157] : memref<12800xf32, #tpu.memory_space<vmem_shared>> -> memref<12800xf32, #tpu.memory_space<vmem_shared>>
      tpu.enqueue_indirect_dma source(%arg13 : memref<64xf32, #tpu.memory_space<vmem>>) target(%dma_start3A_1158 : memref<12800xf32, #tpu.memory_space<vmem_shared>>) offsets(%arg11 : memref<64xi32, #tpu.memory_space<vmem>>) semaphore(%arg22 : memref<!tpu.dma_semaphore, #tpu.memory_space<semaphore_mem>>) {add = true}
      %dma_wait3A_1159 = arith.constant 0 : i32
      %dma_wait3A_1160 = arith.constant 0 : i32
      %dma_wait3A_1161 = tpu.memref_slice %arg17[%dma_wait3A_1159, %dma_wait3A_1160] : memref<12800x128xf32, #tpu.memory_space<vmem_shared>> -> memref<12800x128xf32, #tpu.memory_space<vmem_shared>>
      tpu.wait_indirect_dma semaphore(%arg21 : memref<!tpu.dma_semaphore, #tpu.memory_space<semaphore_mem>>) src(%arg12 : memref<64x128xf32, #tpu.memory_space<vmem>>) dst(%dma_wait3A_1161 : memref<12800x128xf32, #tpu.memory_space<vmem_shared>>)
      %dma_wait3A_1162 = arith.constant 0 : i32
      %dma_wait3A_1163 = tpu.memref_slice %arg18[%dma_wait3A_1162] : memref<12800xf32, #tpu.memory_space<vmem_shared>> -> memref<12800xf32, #tpu.memory_space<vmem_shared>>
      tpu.wait_indirect_dma semaphore(%arg22 : memref<!tpu.dma_semaphore, #tpu.memory_space<semaphore_mem>>) src(%arg13 : memref<64xf32, #tpu.memory_space<vmem>>) dst(%dma_wait3A_1163 : memref<12800xf32, #tpu.memory_space<vmem_shared>>)
      %get3A_1164 = arith.constant 576 : index
      %get3A_1165 = tpu.vector_load %arg7[%get3A_1164] {strides = array<i32>} : memref<896xi32, #tpu.memory_space<vmem>>, vector<16xi32>,
      %get3A_1166 = vector.shape_cast %get3A_1165 : vector<16xi32> to vector<16xi32>
      %sub3A_1167 = vector.broadcast %mul3A_173 : i32 to vector<16xi32>
      %sub3A_1168 = arith.subi %get3A_1166, %sub3A_1167 : vector<16xi32>
      %ge3A_1169 = arith.constant 0 : i32
      %ge3A_1170 = vector.broadcast %ge3A_1169 : i32 to vector<16xi32>
      %ge3A_1171 = arith.cmpi sge, %sub3A_1168, %ge3A_1170 : vector<16xi32>
      %lt3A_1172 = arith.constant 12544 : i32
      %lt3A_1173 = vector.broadcast %lt3A_1172 : i32 to vector<16xi32>
      %lt3A_1174 = arith.cmpi slt, %sub3A_1168, %lt3A_1173 : vector<16xi32>
      %and3A_1175 = arith.andi %ge3A_1171, %lt3A_1174 : vector<16xi1>
      %jit3A_1176 = arith.constant 12544 : i32
      %broadcast_in_dim3A_1177 = vector.broadcast %jit3A_1176 : i32 to vector<16xi32>
      %select_n3A_1178 = arith.select %and3A_1175, %sub3A_1168, %broadcast_in_dim3A_1177 : vector<16xi1>, vector<16xi32>
      %swap3A_1179 = arith.constant 0 : index
      %swap3A_1180 = tpu.vector_load %arg11[%swap3A_1179] {strides = array<i32>} : memref<64xi32, #tpu.memory_space<vmem>>, vector<16xi32>,
      %swap3A_1181 = vector.shape_cast %swap3A_1180 : vector<16xi32> to vector<16xi32>
      %swap3A_1182 = vector.shape_cast %select_n3A_1178 : vector<16xi32> to vector<16xi32>
      tpu.vector_store %arg11[%swap3A_1179], %swap3A_1182 {strides = array<i32>} : memref<64xi32, #tpu.memory_space<vmem>>, vector<16xi32>,
      %get3A_1183 = arith.constant 592 : index
      %get3A_1184 = tpu.vector_load %arg7[%get3A_1183] {strides = array<i32>} : memref<896xi32, #tpu.memory_space<vmem>>, vector<16xi32>,
      %get3A_1185 = vector.shape_cast %get3A_1184 : vector<16xi32> to vector<16xi32>
      %sub3A_1186 = vector.broadcast %mul3A_173 : i32 to vector<16xi32>
      %sub3A_1187 = arith.subi %get3A_1185, %sub3A_1186 : vector<16xi32>
      %ge3A_1188 = arith.constant 0 : i32
      %ge3A_1189 = vector.broadcast %ge3A_1188 : i32 to vector<16xi32>
      %ge3A_1190 = arith.cmpi sge, %sub3A_1187, %ge3A_1189 : vector<16xi32>
      %lt3A_1191 = arith.constant 12544 : i32
      %lt3A_1192 = vector.broadcast %lt3A_1191 : i32 to vector<16xi32>
      %lt3A_1193 = arith.cmpi slt, %sub3A_1187, %lt3A_1192 : vector<16xi32>
      %and3A_1194 = arith.andi %ge3A_1190, %lt3A_1193 : vector<16xi1>
      %jit3A_1195 = arith.constant 12544 : i32
      %broadcast_in_dim3A_1196 = vector.broadcast %jit3A_1195 : i32 to vector<16xi32>
      %select_n3A_1197 = arith.select %and3A_1194, %sub3A_1187, %broadcast_in_dim3A_1196 : vector<16xi1>, vector<16xi32>
      %swap3A_1198 = arith.constant 16 : index
      %swap3A_1199 = tpu.vector_load %arg11[%swap3A_1198] {strides = array<i32>} : memref<64xi32, #tpu.memory_space<vmem>>, vector<16xi32>,
      %swap3A_1200 = vector.shape_cast %swap3A_1199 : vector<16xi32> to vector<16xi32>
      %swap3A_1201 = vector.shape_cast %select_n3A_1197 : vector<16xi32> to vector<16xi32>
      tpu.vector_store %arg11[%swap3A_1198], %swap3A_1201 {strides = array<i32>} : memref<64xi32, #tpu.memory_space<vmem>>, vector<16xi32>,
      %get3A_1202 = arith.constant 608 : index
      %get3A_1203 = tpu.vector_load %arg7[%get3A_1202] {strides = array<i32>} : memref<896xi32, #tpu.memory_space<vmem>>, vector<16xi32>,
      %get3A_1204 = vector.shape_cast %get3A_1203 : vector<16xi32> to vector<16xi32>
      %sub3A_1205 = vector.broadcast %mul3A_173 : i32 to vector<16xi32>
      %sub3A_1206 = arith.subi %get3A_1204, %sub3A_1205 : vector<16xi32>
      %ge3A_1207 = arith.constant 0 : i32
      %ge3A_1208 = vector.broadcast %ge3A_1207 : i32 to vector<16xi32>
      %ge3A_1209 = arith.cmpi sge, %sub3A_1206, %ge3A_1208 : vector<16xi32>
      %lt3A_1210 = arith.constant 12544 : i32
      %lt3A_1211 = vector.broadcast %lt3A_1210 : i32 to vector<16xi32>
      %lt3A_1212 = arith.cmpi slt, %sub3A_1206, %lt3A_1211 : vector<16xi32>
      %and3A_1213 = arith.andi %ge3A_1209, %lt3A_1212 : vector<16xi1>
      %jit3A_1214 = arith.constant 12544 : i32
      %broadcast_in_dim3A_1215 = vector.broadcast %jit3A_1214 : i32 to vector<16xi32>
      %select_n3A_1216 = arith.select %and3A_1213, %sub3A_1206, %broadcast_in_dim3A_1215 : vector<16xi1>, vector<16xi32>
      %swap3A_1217 = arith.constant 32 : index
      %swap3A_1218 = tpu.vector_load %arg11[%swap3A_1217] {strides = array<i32>} : memref<64xi32, #tpu.memory_space<vmem>>, vector<16xi32>,
      %swap3A_1219 = vector.shape_cast %swap3A_1218 : vector<16xi32> to vector<16xi32>
      %swap3A_1220 = vector.shape_cast %select_n3A_1216 : vector<16xi32> to vector<16xi32>
      tpu.vector_store %arg11[%swap3A_1217], %swap3A_1220 {strides = array<i32>} : memref<64xi32, #tpu.memory_space<vmem>>, vector<16xi32>,
      %get3A_1221 = arith.constant 624 : index
      %get3A_1222 = tpu.vector_load %arg7[%get3A_1221] {strides = array<i32>} : memref<896xi32, #tpu.memory_space<vmem>>, vector<16xi32>,
      %get3A_1223 = vector.shape_cast %get3A_1222 : vector<16xi32> to vector<16xi32>
      %sub3A_1224 = vector.broadcast %mul3A_173 : i32 to vector<16xi32>
      %sub3A_1225 = arith.subi %get3A_1223, %sub3A_1224 : vector<16xi32>
      %ge3A_1226 = arith.constant 0 : i32
      %ge3A_1227 = vector.broadcast %ge3A_1226 : i32 to vector<16xi32>
      %ge3A_1228 = arith.cmpi sge, %sub3A_1225, %ge3A_1227 : vector<16xi32>
      %lt3A_1229 = arith.constant 12544 : i32
      %lt3A_1230 = vector.broadcast %lt3A_1229 : i32 to vector<16xi32>
      %lt3A_1231 = arith.cmpi slt, %sub3A_1225, %lt3A_1230 : vector<16xi32>
      %and3A_1232 = arith.andi %ge3A_1228, %lt3A_1231 : vector<16xi1>
      %jit3A_1233 = arith.constant 12544 : i32
      %broadcast_in_dim3A_1234 = vector.broadcast %jit3A_1233 : i32 to vector<16xi32>
      %select_n3A_1235 = arith.select %and3A_1232, %sub3A_1225, %broadcast_in_dim3A_1234 : vector<16xi1>, vector<16xi32>
      %swap3A_1236 = arith.constant 48 : index
      %swap3A_1237 = tpu.vector_load %arg11[%swap3A_1236] {strides = array<i32>} : memref<64xi32, #tpu.memory_space<vmem>>, vector<16xi32>,
      %swap3A_1238 = vector.shape_cast %swap3A_1237 : vector<16xi32> to vector<16xi32>
      %swap3A_1239 = vector.shape_cast %select_n3A_1235 : vector<16xi32> to vector<16xi32>
      tpu.vector_store %arg11[%swap3A_1236], %swap3A_1239 {strides = array<i32>} : memref<64xi32, #tpu.memory_space<vmem>>, vector<16xi32>,
      %dma_start3A_1240 = arith.constant 576 : i32
      %dma_start3A_1241 = tpu.memref_slice %arg8[%dma_start3A_1240] : memref<896xi32, #tpu.memory_space<vmem>> -> memref<64xi32, #tpu.memory_space<vmem>>
      %dma_start3A_1242 = arith.constant 0 : i32
      %dma_start3A_1243 = arith.constant 0 : i32
      %dma_start3A_1244 = tpu.memref_slice %arg2[%dma_start3A_1242, %dma_start3A_1243] : memref<100000x128xf32, #tpu.memory_space<hbm>> -> memref<100000x128xf32, #tpu.memory_space<hbm>>
      tpu.enqueue_indirect_dma source(%dma_start3A_1244 : memref<100000x128xf32, #tpu.memory_space<hbm>>) target(%arg12 : memref<64x128xf32, #tpu.memory_space<vmem>>) offsets(%dma_start3A_1241 : memref<64xi32, #tpu.memory_space<vmem>>) semaphore(%arg20 : memref<!tpu.dma_semaphore, #tpu.memory_space<semaphore_mem>>)
      %dma_wait3A_1245 = arith.constant 512 : i32
      %dma_wait3A_1246 = tpu.memref_slice %arg8[%dma_wait3A_1245] : memref<896xi32, #tpu.memory_space<vmem>> -> memref<64xi32, #tpu.memory_space<vmem>>
      %dma_wait3A_1247 = arith.constant 0 : i32
      %dma_wait3A_1248 = arith.constant 0 : i32
      %dma_wait3A_1249 = tpu.memref_slice %arg2[%dma_wait3A_1247, %dma_wait3A_1248] : memref<100000x128xf32, #tpu.memory_space<hbm>> -> memref<100000x128xf32, #tpu.memory_space<hbm>>
      tpu.wait_indirect_dma semaphore(%arg19 : memref<!tpu.dma_semaphore, #tpu.memory_space<semaphore_mem>>) src(%dma_wait3A_1249 : memref<100000x128xf32, #tpu.memory_space<hbm>>) dst(%arg10 : memref<64x128xf32, #tpu.memory_space<vmem>>)
      %dma_start3A_1250 = arith.constant 0 : i32
      %dma_start3A_1251 = arith.constant 0 : i32
      %dma_start3A_1252 = tpu.memref_slice %arg17[%dma_start3A_1250, %dma_start3A_1251] : memref<12800x128xf32, #tpu.memory_space<vmem_shared>> -> memref<12800x128xf32, #tpu.memory_space<vmem_shared>>
      tpu.enqueue_indirect_dma source(%arg10 : memref<64x128xf32, #tpu.memory_space<vmem>>) target(%dma_start3A_1252 : memref<12800x128xf32, #tpu.memory_space<vmem_shared>>) offsets(%arg9 : memref<64xi32, #tpu.memory_space<vmem>>) semaphore(%arg21 : memref<!tpu.dma_semaphore, #tpu.memory_space<semaphore_mem>>) {add = true}
      %dma_start3A_1253 = arith.constant 0 : i32
      %dma_start3A_1254 = tpu.memref_slice %arg18[%dma_start3A_1253] : memref<12800xf32, #tpu.memory_space<vmem_shared>> -> memref<12800xf32, #tpu.memory_space<vmem_shared>>
      tpu.enqueue_indirect_dma source(%arg13 : memref<64xf32, #tpu.memory_space<vmem>>) target(%dma_start3A_1254 : memref<12800xf32, #tpu.memory_space<vmem_shared>>) offsets(%arg9 : memref<64xi32, #tpu.memory_space<vmem>>) semaphore(%arg22 : memref<!tpu.dma_semaphore, #tpu.memory_space<semaphore_mem>>) {add = true}
      %dma_wait3A_1255 = arith.constant 0 : i32
      %dma_wait3A_1256 = arith.constant 0 : i32
      %dma_wait3A_1257 = tpu.memref_slice %arg17[%dma_wait3A_1255, %dma_wait3A_1256] : memref<12800x128xf32, #tpu.memory_space<vmem_shared>> -> memref<12800x128xf32, #tpu.memory_space<vmem_shared>>
      tpu.wait_indirect_dma semaphore(%arg21 : memref<!tpu.dma_semaphore, #tpu.memory_space<semaphore_mem>>) src(%arg10 : memref<64x128xf32, #tpu.memory_space<vmem>>) dst(%dma_wait3A_1257 : memref<12800x128xf32, #tpu.memory_space<vmem_shared>>)
      %dma_wait3A_1258 = arith.constant 0 : i32
      %dma_wait3A_1259 = tpu.memref_slice %arg18[%dma_wait3A_1258] : memref<12800xf32, #tpu.memory_space<vmem_shared>> -> memref<12800xf32, #tpu.memory_space<vmem_shared>>
      tpu.wait_indirect_dma semaphore(%arg22 : memref<!tpu.dma_semaphore, #tpu.memory_space<semaphore_mem>>) src(%arg13 : memref<64xf32, #tpu.memory_space<vmem>>) dst(%dma_wait3A_1259 : memref<12800xf32, #tpu.memory_space<vmem_shared>>)
      %get3A_1260 = arith.constant 640 : index
      %get3A_1261 = tpu.vector_load %arg7[%get3A_1260] {strides = array<i32>} : memref<896xi32, #tpu.memory_space<vmem>>, vector<16xi32>,
      %get3A_1262 = vector.shape_cast %get3A_1261 : vector<16xi32> to vector<16xi32>
      %sub3A_1263 = vector.broadcast %mul3A_173 : i32 to vector<16xi32>
      %sub3A_1264 = arith.subi %get3A_1262, %sub3A_1263 : vector<16xi32>
      %ge3A_1265 = arith.constant 0 : i32
      %ge3A_1266 = vector.broadcast %ge3A_1265 : i32 to vector<16xi32>
      %ge3A_1267 = arith.cmpi sge, %sub3A_1264, %ge3A_1266 : vector<16xi32>
      %lt3A_1268 = arith.constant 12544 : i32
      %lt3A_1269 = vector.broadcast %lt3A_1268 : i32 to vector<16xi32>
      %lt3A_1270 = arith.cmpi slt, %sub3A_1264, %lt3A_1269 : vector<16xi32>
      %and3A_1271 = arith.andi %ge3A_1267, %lt3A_1270 : vector<16xi1>
      %jit3A_1272 = arith.constant 12544 : i32
      %broadcast_in_dim3A_1273 = vector.broadcast %jit3A_1272 : i32 to vector<16xi32>
      %select_n3A_1274 = arith.select %and3A_1271, %sub3A_1264, %broadcast_in_dim3A_1273 : vector<16xi1>, vector<16xi32>
      %swap3A_1275 = arith.constant 0 : index
      %swap3A_1276 = tpu.vector_load %arg9[%swap3A_1275] {strides = array<i32>} : memref<64xi32, #tpu.memory_space<vmem>>, vector<16xi32>,
      %swap3A_1277 = vector.shape_cast %swap3A_1276 : vector<16xi32> to vector<16xi32>
      %swap3A_1278 = vector.shape_cast %select_n3A_1274 : vector<16xi32> to vector<16xi32>
      tpu.vector_store %arg9[%swap3A_1275], %swap3A_1278 {strides = array<i32>} : memref<64xi32, #tpu.memory_space<vmem>>, vector<16xi32>,
      %get3A_1279 = arith.constant 656 : index
      %get3A_1280 = tpu.vector_load %arg7[%get3A_1279] {strides = array<i32>} : memref<896xi32, #tpu.memory_space<vmem>>, vector<16xi32>,
      %get3A_1281 = vector.shape_cast %get3A_1280 : vector<16xi32> to vector<16xi32>
      %sub3A_1282 = vector.broadcast %mul3A_173 : i32 to vector<16xi32>
      %sub3A_1283 = arith.subi %get3A_1281, %sub3A_1282 : vector<16xi32>
      %ge3A_1284 = arith.constant 0 : i32
      %ge3A_1285 = vector.broadcast %ge3A_1284 : i32 to vector<16xi32>
      %ge3A_1286 = arith.cmpi sge, %sub3A_1283, %ge3A_1285 : vector<16xi32>
      %lt3A_1287 = arith.constant 12544 : i32
      %lt3A_1288 = vector.broadcast %lt3A_1287 : i32 to vector<16xi32>
      %lt3A_1289 = arith.cmpi slt, %sub3A_1283, %lt3A_1288 : vector<16xi32>
      %and3A_1290 = arith.andi %ge3A_1286, %lt3A_1289 : vector<16xi1>
      %jit3A_1291 = arith.constant 12544 : i32
      %broadcast_in_dim3A_1292 = vector.broadcast %jit3A_1291 : i32 to vector<16xi32>
      %select_n3A_1293 = arith.select %and3A_1290, %sub3A_1283, %broadcast_in_dim3A_1292 : vector<16xi1>, vector<16xi32>
      %swap3A_1294 = arith.constant 16 : index
      %swap3A_1295 = tpu.vector_load %arg9[%swap3A_1294] {strides = array<i32>} : memref<64xi32, #tpu.memory_space<vmem>>, vector<16xi32>,
      %swap3A_1296 = vector.shape_cast %swap3A_1295 : vector<16xi32> to vector<16xi32>
      %swap3A_1297 = vector.shape_cast %select_n3A_1293 : vector<16xi32> to vector<16xi32>
      tpu.vector_store %arg9[%swap3A_1294], %swap3A_1297 {strides = array<i32>} : memref<64xi32, #tpu.memory_space<vmem>>, vector<16xi32>,
      %get3A_1298 = arith.constant 672 : index
      %get3A_1299 = tpu.vector_load %arg7[%get3A_1298] {strides = array<i32>} : memref<896xi32, #tpu.memory_space<vmem>>, vector<16xi32>,
      %get3A_1300 = vector.shape_cast %get3A_1299 : vector<16xi32> to vector<16xi32>
      %sub3A_1301 = vector.broadcast %mul3A_173 : i32 to vector<16xi32>
      %sub3A_1302 = arith.subi %get3A_1300, %sub3A_1301 : vector<16xi32>
      %ge3A_1303 = arith.constant 0 : i32
      %ge3A_1304 = vector.broadcast %ge3A_1303 : i32 to vector<16xi32>
      %ge3A_1305 = arith.cmpi sge, %sub3A_1302, %ge3A_1304 : vector<16xi32>
      %lt3A_1306 = arith.constant 12544 : i32
      %lt3A_1307 = vector.broadcast %lt3A_1306 : i32 to vector<16xi32>
      %lt3A_1308 = arith.cmpi slt, %sub3A_1302, %lt3A_1307 : vector<16xi32>
      %and3A_1309 = arith.andi %ge3A_1305, %lt3A_1308 : vector<16xi1>
      %jit3A_1310 = arith.constant 12544 : i32
      %broadcast_in_dim3A_1311 = vector.broadcast %jit3A_1310 : i32 to vector<16xi32>
      %select_n3A_1312 = arith.select %and3A_1309, %sub3A_1302, %broadcast_in_dim3A_1311 : vector<16xi1>, vector<16xi32>
      %swap3A_1313 = arith.constant 32 : index
      %swap3A_1314 = tpu.vector_load %arg9[%swap3A_1313] {strides = array<i32>} : memref<64xi32, #tpu.memory_space<vmem>>, vector<16xi32>,
      %swap3A_1315 = vector.shape_cast %swap3A_1314 : vector<16xi32> to vector<16xi32>
      %swap3A_1316 = vector.shape_cast %select_n3A_1312 : vector<16xi32> to vector<16xi32>
      tpu.vector_store %arg9[%swap3A_1313], %swap3A_1316 {strides = array<i32>} : memref<64xi32, #tpu.memory_space<vmem>>, vector<16xi32>,
      %get3A_1317 = arith.constant 688 : index
      %get3A_1318 = tpu.vector_load %arg7[%get3A_1317] {strides = array<i32>} : memref<896xi32, #tpu.memory_space<vmem>>, vector<16xi32>,
      %get3A_1319 = vector.shape_cast %get3A_1318 : vector<16xi32> to vector<16xi32>
      %sub3A_1320 = vector.broadcast %mul3A_173 : i32 to vector<16xi32>
      %sub3A_1321 = arith.subi %get3A_1319, %sub3A_1320 : vector<16xi32>
      %ge3A_1322 = arith.constant 0 : i32
      %ge3A_1323 = vector.broadcast %ge3A_1322 : i32 to vector<16xi32>
      %ge3A_1324 = arith.cmpi sge, %sub3A_1321, %ge3A_1323 : vector<16xi32>
      %lt3A_1325 = arith.constant 12544 : i32
      %lt3A_1326 = vector.broadcast %lt3A_1325 : i32 to vector<16xi32>
      %lt3A_1327 = arith.cmpi slt, %sub3A_1321, %lt3A_1326 : vector<16xi32>
      %and3A_1328 = arith.andi %ge3A_1324, %lt3A_1327 : vector<16xi1>
      %jit3A_1329 = arith.constant 12544 : i32
      %broadcast_in_dim3A_1330 = vector.broadcast %jit3A_1329 : i32 to vector<16xi32>
      %select_n3A_1331 = arith.select %and3A_1328, %sub3A_1321, %broadcast_in_dim3A_1330 : vector<16xi1>, vector<16xi32>
      %swap3A_1332 = arith.constant 48 : index
      %swap3A_1333 = tpu.vector_load %arg9[%swap3A_1332] {strides = array<i32>} : memref<64xi32, #tpu.memory_space<vmem>>, vector<16xi32>,
      %swap3A_1334 = vector.shape_cast %swap3A_1333 : vector<16xi32> to vector<16xi32>
      %swap3A_1335 = vector.shape_cast %select_n3A_1331 : vector<16xi32> to vector<16xi32>
      tpu.vector_store %arg9[%swap3A_1332], %swap3A_1335 {strides = array<i32>} : memref<64xi32, #tpu.memory_space<vmem>>, vector<16xi32>,
      %dma_start3A_1336 = arith.constant 640 : i32
      %dma_start3A_1337 = tpu.memref_slice %arg8[%dma_start3A_1336] : memref<896xi32, #tpu.memory_space<vmem>> -> memref<64xi32, #tpu.memory_space<vmem>>
      %dma_start3A_1338 = arith.constant 0 : i32
      %dma_start3A_1339 = arith.constant 0 : i32
      %dma_start3A_1340 = tpu.memref_slice %arg2[%dma_start3A_1338, %dma_start3A_1339] : memref<100000x128xf32, #tpu.memory_space<hbm>> -> memref<100000x128xf32, #tpu.memory_space<hbm>>
      tpu.enqueue_indirect_dma source(%dma_start3A_1340 : memref<100000x128xf32, #tpu.memory_space<hbm>>) target(%arg10 : memref<64x128xf32, #tpu.memory_space<vmem>>) offsets(%dma_start3A_1337 : memref<64xi32, #tpu.memory_space<vmem>>) semaphore(%arg19 : memref<!tpu.dma_semaphore, #tpu.memory_space<semaphore_mem>>)
      %dma_wait3A_1341 = arith.constant 576 : i32
      %dma_wait3A_1342 = tpu.memref_slice %arg8[%dma_wait3A_1341] : memref<896xi32, #tpu.memory_space<vmem>> -> memref<64xi32, #tpu.memory_space<vmem>>
      %dma_wait3A_1343 = arith.constant 0 : i32
      %dma_wait3A_1344 = arith.constant 0 : i32
      %dma_wait3A_1345 = tpu.memref_slice %arg2[%dma_wait3A_1343, %dma_wait3A_1344] : memref<100000x128xf32, #tpu.memory_space<hbm>> -> memref<100000x128xf32, #tpu.memory_space<hbm>>
      tpu.wait_indirect_dma semaphore(%arg20 : memref<!tpu.dma_semaphore, #tpu.memory_space<semaphore_mem>>) src(%dma_wait3A_1345 : memref<100000x128xf32, #tpu.memory_space<hbm>>) dst(%arg12 : memref<64x128xf32, #tpu.memory_space<vmem>>)
      %dma_start3A_1346 = arith.constant 0 : i32
      %dma_start3A_1347 = arith.constant 0 : i32
      %dma_start3A_1348 = tpu.memref_slice %arg17[%dma_start3A_1346, %dma_start3A_1347] : memref<12800x128xf32, #tpu.memory_space<vmem_shared>> -> memref<12800x128xf32, #tpu.memory_space<vmem_shared>>
      tpu.enqueue_indirect_dma source(%arg12 : memref<64x128xf32, #tpu.memory_space<vmem>>) target(%dma_start3A_1348 : memref<12800x128xf32, #tpu.memory_space<vmem_shared>>) offsets(%arg11 : memref<64xi32, #tpu.memory_space<vmem>>) semaphore(%arg21 : memref<!tpu.dma_semaphore, #tpu.memory_space<semaphore_mem>>) {add = true}
      %dma_start3A_1349 = arith.constant 0 : i32
      %dma_start3A_1350 = tpu.memref_slice %arg18[%dma_start3A_1349] : memref<12800xf32, #tpu.memory_space<vmem_shared>> -> memref<12800xf32, #tpu.memory_space<vmem_shared>>
      tpu.enqueue_indirect_dma source(%arg13 : memref<64xf32, #tpu.memory_space<vmem>>) target(%dma_start3A_1350 : memref<12800xf32, #tpu.memory_space<vmem_shared>>) offsets(%arg11 : memref<64xi32, #tpu.memory_space<vmem>>) semaphore(%arg22 : memref<!tpu.dma_semaphore, #tpu.memory_space<semaphore_mem>>) {add = true}
      %dma_wait3A_1351 = arith.constant 0 : i32
      %dma_wait3A_1352 = arith.constant 0 : i32
      %dma_wait3A_1353 = tpu.memref_slice %arg17[%dma_wait3A_1351, %dma_wait3A_1352] : memref<12800x128xf32, #tpu.memory_space<vmem_shared>> -> memref<12800x128xf32, #tpu.memory_space<vmem_shared>>
      tpu.wait_indirect_dma semaphore(%arg21 : memref<!tpu.dma_semaphore, #tpu.memory_space<semaphore_mem>>) src(%arg12 : memref<64x128xf32, #tpu.memory_space<vmem>>) dst(%dma_wait3A_1353 : memref<12800x128xf32, #tpu.memory_space<vmem_shared>>)
      %dma_wait3A_1354 = arith.constant 0 : i32
      %dma_wait3A_1355 = tpu.memref_slice %arg18[%dma_wait3A_1354] : memref<12800xf32, #tpu.memory_space<vmem_shared>> -> memref<12800xf32, #tpu.memory_space<vmem_shared>>
      tpu.wait_indirect_dma semaphore(%arg22 : memref<!tpu.dma_semaphore, #tpu.memory_space<semaphore_mem>>) src(%arg13 : memref<64xf32, #tpu.memory_space<vmem>>) dst(%dma_wait3A_1355 : memref<12800xf32, #tpu.memory_space<vmem_shared>>)
      %get3A_1356 = arith.constant 704 : index
      %get3A_1357 = tpu.vector_load %arg7[%get3A_1356] {strides = array<i32>} : memref<896xi32, #tpu.memory_space<vmem>>, vector<16xi32>,
      %get3A_1358 = vector.shape_cast %get3A_1357 : vector<16xi32> to vector<16xi32>
      %sub3A_1359 = vector.broadcast %mul3A_173 : i32 to vector<16xi32>
      %sub3A_1360 = arith.subi %get3A_1358, %sub3A_1359 : vector<16xi32>
      %ge3A_1361 = arith.constant 0 : i32
      %ge3A_1362 = vector.broadcast %ge3A_1361 : i32 to vector<16xi32>
      %ge3A_1363 = arith.cmpi sge, %sub3A_1360, %ge3A_1362 : vector<16xi32>
      %lt3A_1364 = arith.constant 12544 : i32
      %lt3A_1365 = vector.broadcast %lt3A_1364 : i32 to vector<16xi32>
      %lt3A_1366 = arith.cmpi slt, %sub3A_1360, %lt3A_1365 : vector<16xi32>
      %and3A_1367 = arith.andi %ge3A_1363, %lt3A_1366 : vector<16xi1>
      %jit3A_1368 = arith.constant 12544 : i32
      %broadcast_in_dim3A_1369 = vector.broadcast %jit3A_1368 : i32 to vector<16xi32>
      %select_n3A_1370 = arith.select %and3A_1367, %sub3A_1360, %broadcast_in_dim3A_1369 : vector<16xi1>, vector<16xi32>
      %swap3A_1371 = arith.constant 0 : index
      %swap3A_1372 = tpu.vector_load %arg11[%swap3A_1371] {strides = array<i32>} : memref<64xi32, #tpu.memory_space<vmem>>, vector<16xi32>,
      %swap3A_1373 = vector.shape_cast %swap3A_1372 : vector<16xi32> to vector<16xi32>
      %swap3A_1374 = vector.shape_cast %select_n3A_1370 : vector<16xi32> to vector<16xi32>
      tpu.vector_store %arg11[%swap3A_1371], %swap3A_1374 {strides = array<i32>} : memref<64xi32, #tpu.memory_space<vmem>>, vector<16xi32>,
      %get3A_1375 = arith.constant 720 : index
      %get3A_1376 = tpu.vector_load %arg7[%get3A_1375] {strides = array<i32>} : memref<896xi32, #tpu.memory_space<vmem>>, vector<16xi32>,
      %get3A_1377 = vector.shape_cast %get3A_1376 : vector<16xi32> to vector<16xi32>
      %sub3A_1378 = vector.broadcast %mul3A_173 : i32 to vector<16xi32>
      %sub3A_1379 = arith.subi %get3A_1377, %sub3A_1378 : vector<16xi32>
      %ge3A_1380 = arith.constant 0 : i32
      %ge3A_1381 = vector.broadcast %ge3A_1380 : i32 to vector<16xi32>
      %ge3A_1382 = arith.cmpi sge, %sub3A_1379, %ge3A_1381 : vector<16xi32>
      %lt3A_1383 = arith.constant 12544 : i32
      %lt3A_1384 = vector.broadcast %lt3A_1383 : i32 to vector<16xi32>
      %lt3A_1385 = arith.cmpi slt, %sub3A_1379, %lt3A_1384 : vector<16xi32>
      %and3A_1386 = arith.andi %ge3A_1382, %lt3A_1385 : vector<16xi1>
      %jit3A_1387 = arith.constant 12544 : i32
      %broadcast_in_dim3A_1388 = vector.broadcast %jit3A_1387 : i32 to vector<16xi32>
      %select_n3A_1389 = arith.select %and3A_1386, %sub3A_1379, %broadcast_in_dim3A_1388 : vector<16xi1>, vector<16xi32>
      %swap3A_1390 = arith.constant 16 : index
      %swap3A_1391 = tpu.vector_load %arg11[%swap3A_1390] {strides = array<i32>} : memref<64xi32, #tpu.memory_space<vmem>>, vector<16xi32>,
      %swap3A_1392 = vector.shape_cast %swap3A_1391 : vector<16xi32> to vector<16xi32>
      %swap3A_1393 = vector.shape_cast %select_n3A_1389 : vector<16xi32> to vector<16xi32>
      tpu.vector_store %arg11[%swap3A_1390], %swap3A_1393 {strides = array<i32>} : memref<64xi32, #tpu.memory_space<vmem>>, vector<16xi32>,
      %get3A_1394 = arith.constant 736 : index
      %get3A_1395 = tpu.vector_load %arg7[%get3A_1394] {strides = array<i32>} : memref<896xi32, #tpu.memory_space<vmem>>, vector<16xi32>,
      %get3A_1396 = vector.shape_cast %get3A_1395 : vector<16xi32> to vector<16xi32>
      %sub3A_1397 = vector.broadcast %mul3A_173 : i32 to vector<16xi32>
      %sub3A_1398 = arith.subi %get3A_1396, %sub3A_1397 : vector<16xi32>
      %ge3A_1399 = arith.constant 0 : i32
      %ge3A_1400 = vector.broadcast %ge3A_1399 : i32 to vector<16xi32>
      %ge3A_1401 = arith.cmpi sge, %sub3A_1398, %ge3A_1400 : vector<16xi32>
      %lt3A_1402 = arith.constant 12544 : i32
      %lt3A_1403 = vector.broadcast %lt3A_1402 : i32 to vector<16xi32>
      %lt3A_1404 = arith.cmpi slt, %sub3A_1398, %lt3A_1403 : vector<16xi32>
      %and3A_1405 = arith.andi %ge3A_1401, %lt3A_1404 : vector<16xi1>
      %jit3A_1406 = arith.constant 12544 : i32
      %broadcast_in_dim3A_1407 = vector.broadcast %jit3A_1406 : i32 to vector<16xi32>
      %select_n3A_1408 = arith.select %and3A_1405, %sub3A_1398, %broadcast_in_dim3A_1407 : vector<16xi1>, vector<16xi32>
      %swap3A_1409 = arith.constant 32 : index
      %swap3A_1410 = tpu.vector_load %arg11[%swap3A_1409] {strides = array<i32>} : memref<64xi32, #tpu.memory_space<vmem>>, vector<16xi32>,
      %swap3A_1411 = vector.shape_cast %swap3A_1410 : vector<16xi32> to vector<16xi32>
      %swap3A_1412 = vector.shape_cast %select_n3A_1408 : vector<16xi32> to vector<16xi32>
      tpu.vector_store %arg11[%swap3A_1409], %swap3A_1412 {strides = array<i32>} : memref<64xi32, #tpu.memory_space<vmem>>, vector<16xi32>,
      %get3A_1413 = arith.constant 752 : index
      %get3A_1414 = tpu.vector_load %arg7[%get3A_1413] {strides = array<i32>} : memref<896xi32, #tpu.memory_space<vmem>>, vector<16xi32>,
      %get3A_1415 = vector.shape_cast %get3A_1414 : vector<16xi32> to vector<16xi32>
      %sub3A_1416 = vector.broadcast %mul3A_173 : i32 to vector<16xi32>
      %sub3A_1417 = arith.subi %get3A_1415, %sub3A_1416 : vector<16xi32>
      %ge3A_1418 = arith.constant 0 : i32
      %ge3A_1419 = vector.broadcast %ge3A_1418 : i32 to vector<16xi32>
      %ge3A_1420 = arith.cmpi sge, %sub3A_1417, %ge3A_1419 : vector<16xi32>
      %lt3A_1421 = arith.constant 12544 : i32
      %lt3A_1422 = vector.broadcast %lt3A_1421 : i32 to vector<16xi32>
      %lt3A_1423 = arith.cmpi slt, %sub3A_1417, %lt3A_1422 : vector<16xi32>
      %and3A_1424 = arith.andi %ge3A_1420, %lt3A_1423 : vector<16xi1>
      %jit3A_1425 = arith.constant 12544 : i32
      %broadcast_in_dim3A_1426 = vector.broadcast %jit3A_1425 : i32 to vector<16xi32>
      %select_n3A_1427 = arith.select %and3A_1424, %sub3A_1417, %broadcast_in_dim3A_1426 : vector<16xi1>, vector<16xi32>
      %swap3A_1428 = arith.constant 48 : index
      %swap3A_1429 = tpu.vector_load %arg11[%swap3A_1428] {strides = array<i32>} : memref<64xi32, #tpu.memory_space<vmem>>, vector<16xi32>,
      %swap3A_1430 = vector.shape_cast %swap3A_1429 : vector<16xi32> to vector<16xi32>
      %swap3A_1431 = vector.shape_cast %select_n3A_1427 : vector<16xi32> to vector<16xi32>
      tpu.vector_store %arg11[%swap3A_1428], %swap3A_1431 {strides = array<i32>} : memref<64xi32, #tpu.memory_space<vmem>>, vector<16xi32>,
      %dma_start3A_1432 = arith.constant 704 : i32
      %dma_start3A_1433 = tpu.memref_slice %arg8[%dma_start3A_1432] : memref<896xi32, #tpu.memory_space<vmem>> -> memref<64xi32, #tpu.memory_space<vmem>>
      %dma_start3A_1434 = arith.constant 0 : i32
      %dma_start3A_1435 = arith.constant 0 : i32
      %dma_start3A_1436 = tpu.memref_slice %arg2[%dma_start3A_1434, %dma_start3A_1435] : memref<100000x128xf32, #tpu.memory_space<hbm>> -> memref<100000x128xf32, #tpu.memory_space<hbm>>
      tpu.enqueue_indirect_dma source(%dma_start3A_1436 : memref<100000x128xf32, #tpu.memory_space<hbm>>) target(%arg12 : memref<64x128xf32, #tpu.memory_space<vmem>>) offsets(%dma_start3A_1433 : memref<64xi32, #tpu.memory_space<vmem>>) semaphore(%arg20 : memref<!tpu.dma_semaphore, #tpu.memory_space<semaphore_mem>>)
      %dma_wait3A_1437 = arith.constant 640 : i32
      %dma_wait3A_1438 = tpu.memref_slice %arg8[%dma_wait3A_1437] : memref<896xi32, #tpu.memory_space<vmem>> -> memref<64xi32, #tpu.memory_space<vmem>>
      %dma_wait3A_1439 = arith.constant 0 : i32
      %dma_wait3A_1440 = arith.constant 0 : i32
      %dma_wait3A_1441 = tpu.memref_slice %arg2[%dma_wait3A_1439, %dma_wait3A_1440] : memref<100000x128xf32, #tpu.memory_space<hbm>> -> memref<100000x128xf32, #tpu.memory_space<hbm>>
      tpu.wait_indirect_dma semaphore(%arg19 : memref<!tpu.dma_semaphore, #tpu.memory_space<semaphore_mem>>) src(%dma_wait3A_1441 : memref<100000x128xf32, #tpu.memory_space<hbm>>) dst(%arg10 : memref<64x128xf32, #tpu.memory_space<vmem>>)
      %dma_start3A_1442 = arith.constant 0 : i32
      %dma_start3A_1443 = arith.constant 0 : i32
      %dma_start3A_1444 = tpu.memref_slice %arg17[%dma_start3A_1442, %dma_start3A_1443] : memref<12800x128xf32, #tpu.memory_space<vmem_shared>> -> memref<12800x128xf32, #tpu.memory_space<vmem_shared>>
      tpu.enqueue_indirect_dma source(%arg10 : memref<64x128xf32, #tpu.memory_space<vmem>>) target(%dma_start3A_1444 : memref<12800x128xf32, #tpu.memory_space<vmem_shared>>) offsets(%arg9 : memref<64xi32, #tpu.memory_space<vmem>>) semaphore(%arg21 : memref<!tpu.dma_semaphore, #tpu.memory_space<semaphore_mem>>) {add = true}
      %dma_start3A_1445 = arith.constant 0 : i32
      %dma_start3A_1446 = tpu.memref_slice %arg18[%dma_start3A_1445] : memref<12800xf32, #tpu.memory_space<vmem_shared>> -> memref<12800xf32, #tpu.memory_space<vmem_shared>>
      tpu.enqueue_indirect_dma source(%arg13 : memref<64xf32, #tpu.memory_space<vmem>>) target(%dma_start3A_1446 : memref<12800xf32, #tpu.memory_space<vmem_shared>>) offsets(%arg9 : memref<64xi32, #tpu.memory_space<vmem>>) semaphore(%arg22 : memref<!tpu.dma_semaphore, #tpu.memory_space<semaphore_mem>>) {add = true}
      %dma_wait3A_1447 = arith.constant 0 : i32
      %dma_wait3A_1448 = arith.constant 0 : i32
      %dma_wait3A_1449 = tpu.memref_slice %arg17[%dma_wait3A_1447, %dma_wait3A_1448] : memref<12800x128xf32, #tpu.memory_space<vmem_shared>> -> memref<12800x128xf32, #tpu.memory_space<vmem_shared>>
      tpu.wait_indirect_dma semaphore(%arg21 : memref<!tpu.dma_semaphore, #tpu.memory_space<semaphore_mem>>) src(%arg10 : memref<64x128xf32, #tpu.memory_space<vmem>>) dst(%dma_wait3A_1449 : memref<12800x128xf32, #tpu.memory_space<vmem_shared>>)
      %dma_wait3A_1450 = arith.constant 0 : i32
      %dma_wait3A_1451 = tpu.memref_slice %arg18[%dma_wait3A_1450] : memref<12800xf32, #tpu.memory_space<vmem_shared>> -> memref<12800xf32, #tpu.memory_space<vmem_shared>>
      tpu.wait_indirect_dma semaphore(%arg22 : memref<!tpu.dma_semaphore, #tpu.memory_space<semaphore_mem>>) src(%arg13 : memref<64xf32, #tpu.memory_space<vmem>>) dst(%dma_wait3A_1451 : memref<12800xf32, #tpu.memory_space<vmem_shared>>)
      %get3A_1452 = arith.constant 768 : index
      %get3A_1453 = tpu.vector_load %arg7[%get3A_1452] {strides = array<i32>} : memref<896xi32, #tpu.memory_space<vmem>>, vector<16xi32>,
      %get3A_1454 = vector.shape_cast %get3A_1453 : vector<16xi32> to vector<16xi32>
      %sub3A_1455 = vector.broadcast %mul3A_173 : i32 to vector<16xi32>
      %sub3A_1456 = arith.subi %get3A_1454, %sub3A_1455 : vector<16xi32>
      %ge3A_1457 = arith.constant 0 : i32
      %ge3A_1458 = vector.broadcast %ge3A_1457 : i32 to vector<16xi32>
      %ge3A_1459 = arith.cmpi sge, %sub3A_1456, %ge3A_1458 : vector<16xi32>
      %lt3A_1460 = arith.constant 12544 : i32
      %lt3A_1461 = vector.broadcast %lt3A_1460 : i32 to vector<16xi32>
      %lt3A_1462 = arith.cmpi slt, %sub3A_1456, %lt3A_1461 : vector<16xi32>
      %and3A_1463 = arith.andi %ge3A_1459, %lt3A_1462 : vector<16xi1>
      %jit3A_1464 = arith.constant 12544 : i32
      %broadcast_in_dim3A_1465 = vector.broadcast %jit3A_1464 : i32 to vector<16xi32>
      %select_n3A_1466 = arith.select %and3A_1463, %sub3A_1456, %broadcast_in_dim3A_1465 : vector<16xi1>, vector<16xi32>
      %swap3A_1467 = arith.constant 0 : index
      %swap3A_1468 = tpu.vector_load %arg9[%swap3A_1467] {strides = array<i32>} : memref<64xi32, #tpu.memory_space<vmem>>, vector<16xi32>,
      %swap3A_1469 = vector.shape_cast %swap3A_1468 : vector<16xi32> to vector<16xi32>
      %swap3A_1470 = vector.shape_cast %select_n3A_1466 : vector<16xi32> to vector<16xi32>
      tpu.vector_store %arg9[%swap3A_1467], %swap3A_1470 {strides = array<i32>} : memref<64xi32, #tpu.memory_space<vmem>>, vector<16xi32>,
      %get3A_1471 = arith.constant 784 : index
      %get3A_1472 = tpu.vector_load %arg7[%get3A_1471] {strides = array<i32>} : memref<896xi32, #tpu.memory_space<vmem>>, vector<16xi32>,
      %get3A_1473 = vector.shape_cast %get3A_1472 : vector<16xi32> to vector<16xi32>
      %sub3A_1474 = vector.broadcast %mul3A_173 : i32 to vector<16xi32>
      %sub3A_1475 = arith.subi %get3A_1473, %sub3A_1474 : vector<16xi32>
      %ge3A_1476 = arith.constant 0 : i32
      %ge3A_1477 = vector.broadcast %ge3A_1476 : i32 to vector<16xi32>
      %ge3A_1478 = arith.cmpi sge, %sub3A_1475, %ge3A_1477 : vector<16xi32>
      %lt3A_1479 = arith.constant 12544 : i32
      %lt3A_1480 = vector.broadcast %lt3A_1479 : i32 to vector<16xi32>
      %lt3A_1481 = arith.cmpi slt, %sub3A_1475, %lt3A_1480 : vector<16xi32>
      %and3A_1482 = arith.andi %ge3A_1478, %lt3A_1481 : vector<16xi1>
      %jit3A_1483 = arith.constant 12544 : i32
      %broadcast_in_dim3A_1484 = vector.broadcast %jit3A_1483 : i32 to vector<16xi32>
      %select_n3A_1485 = arith.select %and3A_1482, %sub3A_1475, %broadcast_in_dim3A_1484 : vector<16xi1>, vector<16xi32>
      %swap3A_1486 = arith.constant 16 : index
      %swap3A_1487 = tpu.vector_load %arg9[%swap3A_1486] {strides = array<i32>} : memref<64xi32, #tpu.memory_space<vmem>>, vector<16xi32>,
      %swap3A_1488 = vector.shape_cast %swap3A_1487 : vector<16xi32> to vector<16xi32>
      %swap3A_1489 = vector.shape_cast %select_n3A_1485 : vector<16xi32> to vector<16xi32>
      tpu.vector_store %arg9[%swap3A_1486], %swap3A_1489 {strides = array<i32>} : memref<64xi32, #tpu.memory_space<vmem>>, vector<16xi32>,
      %get3A_1490 = arith.constant 800 : index
      %get3A_1491 = tpu.vector_load %arg7[%get3A_1490] {strides = array<i32>} : memref<896xi32, #tpu.memory_space<vmem>>, vector<16xi32>,
      %get3A_1492 = vector.shape_cast %get3A_1491 : vector<16xi32> to vector<16xi32>
      %sub3A_1493 = vector.broadcast %mul3A_173 : i32 to vector<16xi32>
      %sub3A_1494 = arith.subi %get3A_1492, %sub3A_1493 : vector<16xi32>
      %ge3A_1495 = arith.constant 0 : i32
      %ge3A_1496 = vector.broadcast %ge3A_1495 : i32 to vector<16xi32>
      %ge3A_1497 = arith.cmpi sge, %sub3A_1494, %ge3A_1496 : vector<16xi32>
      %lt3A_1498 = arith.constant 12544 : i32
      %lt3A_1499 = vector.broadcast %lt3A_1498 : i32 to vector<16xi32>
      %lt3A_1500 = arith.cmpi slt, %sub3A_1494, %lt3A_1499 : vector<16xi32>
      %and3A_1501 = arith.andi %ge3A_1497, %lt3A_1500 : vector<16xi1>
      %jit3A_1502 = arith.constant 12544 : i32
      %broadcast_in_dim3A_1503 = vector.broadcast %jit3A_1502 : i32 to vector<16xi32>
      %select_n3A_1504 = arith.select %and3A_1501, %sub3A_1494, %broadcast_in_dim3A_1503 : vector<16xi1>, vector<16xi32>
      %swap3A_1505 = arith.constant 32 : index
      %swap3A_1506 = tpu.vector_load %arg9[%swap3A_1505] {strides = array<i32>} : memref<64xi32, #tpu.memory_space<vmem>>, vector<16xi32>,
      %swap3A_1507 = vector.shape_cast %swap3A_1506 : vector<16xi32> to vector<16xi32>
      %swap3A_1508 = vector.shape_cast %select_n3A_1504 : vector<16xi32> to vector<16xi32>
      tpu.vector_store %arg9[%swap3A_1505], %swap3A_1508 {strides = array<i32>} : memref<64xi32, #tpu.memory_space<vmem>>, vector<16xi32>,
      %get3A_1509 = arith.constant 816 : index
      %get3A_1510 = tpu.vector_load %arg7[%get3A_1509] {strides = array<i32>} : memref<896xi32, #tpu.memory_space<vmem>>, vector<16xi32>,
      %get3A_1511 = vector.shape_cast %get3A_1510 : vector<16xi32> to vector<16xi32>
      %sub3A_1512 = vector.broadcast %mul3A_173 : i32 to vector<16xi32>
      %sub3A_1513 = arith.subi %get3A_1511, %sub3A_1512 : vector<16xi32>
      %ge3A_1514 = arith.constant 0 : i32
      %ge3A_1515 = vector.broadcast %ge3A_1514 : i32 to vector<16xi32>
      %ge3A_1516 = arith.cmpi sge, %sub3A_1513, %ge3A_1515 : vector<16xi32>
      %lt3A_1517 = arith.constant 12544 : i32
      %lt3A_1518 = vector.broadcast %lt3A_1517 : i32 to vector<16xi32>
      %lt3A_1519 = arith.cmpi slt, %sub3A_1513, %lt3A_1518 : vector<16xi32>
      %and3A_1520 = arith.andi %ge3A_1516, %lt3A_1519 : vector<16xi1>
      %jit3A_1521 = arith.constant 12544 : i32
      %broadcast_in_dim3A_1522 = vector.broadcast %jit3A_1521 : i32 to vector<16xi32>
      %select_n3A_1523 = arith.select %and3A_1520, %sub3A_1513, %broadcast_in_dim3A_1522 : vector<16xi1>, vector<16xi32>
      %swap3A_1524 = arith.constant 48 : index
      %swap3A_1525 = tpu.vector_load %arg9[%swap3A_1524] {strides = array<i32>} : memref<64xi32, #tpu.memory_space<vmem>>, vector<16xi32>,
      %swap3A_1526 = vector.shape_cast %swap3A_1525 : vector<16xi32> to vector<16xi32>
      %swap3A_1527 = vector.shape_cast %select_n3A_1523 : vector<16xi32> to vector<16xi32>
      tpu.vector_store %arg9[%swap3A_1524], %swap3A_1527 {strides = array<i32>} : memref<64xi32, #tpu.memory_space<vmem>>, vector<16xi32>,
      %dma_start3A_1528 = arith.constant 768 : i32
      %dma_start3A_1529 = tpu.memref_slice %arg8[%dma_start3A_1528] : memref<896xi32, #tpu.memory_space<vmem>> -> memref<64xi32, #tpu.memory_space<vmem>>
      %dma_start3A_1530 = arith.constant 0 : i32
      %dma_start3A_1531 = arith.constant 0 : i32
      %dma_start3A_1532 = tpu.memref_slice %arg2[%dma_start3A_1530, %dma_start3A_1531] : memref<100000x128xf32, #tpu.memory_space<hbm>> -> memref<100000x128xf32, #tpu.memory_space<hbm>>
      tpu.enqueue_indirect_dma source(%dma_start3A_1532 : memref<100000x128xf32, #tpu.memory_space<hbm>>) target(%arg10 : memref<64x128xf32, #tpu.memory_space<vmem>>) offsets(%dma_start3A_1529 : memref<64xi32, #tpu.memory_space<vmem>>) semaphore(%arg19 : memref<!tpu.dma_semaphore, #tpu.memory_space<semaphore_mem>>)
      %dma_wait3A_1533 = arith.constant 704 : i32
      %dma_wait3A_1534 = tpu.memref_slice %arg8[%dma_wait3A_1533] : memref<896xi32, #tpu.memory_space<vmem>> -> memref<64xi32, #tpu.memory_space<vmem>>
      %dma_wait3A_1535 = arith.constant 0 : i32
      %dma_wait3A_1536 = arith.constant 0 : i32
      %dma_wait3A_1537 = tpu.memref_slice %arg2[%dma_wait3A_1535, %dma_wait3A_1536] : memref<100000x128xf32, #tpu.memory_space<hbm>> -> memref<100000x128xf32, #tpu.memory_space<hbm>>
      tpu.wait_indirect_dma semaphore(%arg20 : memref<!tpu.dma_semaphore, #tpu.memory_space<semaphore_mem>>) src(%dma_wait3A_1537 : memref<100000x128xf32, #tpu.memory_space<hbm>>) dst(%arg12 : memref<64x128xf32, #tpu.memory_space<vmem>>)
      %dma_start3A_1538 = arith.constant 0 : i32
      %dma_start3A_1539 = arith.constant 0 : i32
      %dma_start3A_1540 = tpu.memref_slice %arg17[%dma_start3A_1538, %dma_start3A_1539] : memref<12800x128xf32, #tpu.memory_space<vmem_shared>> -> memref<12800x128xf32, #tpu.memory_space<vmem_shared>>
      tpu.enqueue_indirect_dma source(%arg12 : memref<64x128xf32, #tpu.memory_space<vmem>>) target(%dma_start3A_1540 : memref<12800x128xf32, #tpu.memory_space<vmem_shared>>) offsets(%arg11 : memref<64xi32, #tpu.memory_space<vmem>>) semaphore(%arg21 : memref<!tpu.dma_semaphore, #tpu.memory_space<semaphore_mem>>) {add = true}
      %dma_start3A_1541 = arith.constant 0 : i32
      %dma_start3A_1542 = tpu.memref_slice %arg18[%dma_start3A_1541] : memref<12800xf32, #tpu.memory_space<vmem_shared>> -> memref<12800xf32, #tpu.memory_space<vmem_shared>>
      tpu.enqueue_indirect_dma source(%arg13 : memref<64xf32, #tpu.memory_space<vmem>>) target(%dma_start3A_1542 : memref<12800xf32, #tpu.memory_space<vmem_shared>>) offsets(%arg11 : memref<64xi32, #tpu.memory_space<vmem>>) semaphore(%arg22 : memref<!tpu.dma_semaphore, #tpu.memory_space<semaphore_mem>>) {add = true}
      %dma_wait3A_1543 = arith.constant 0 : i32
      %dma_wait3A_1544 = arith.constant 0 : i32
      %dma_wait3A_1545 = tpu.memref_slice %arg17[%dma_wait3A_1543, %dma_wait3A_1544] : memref<12800x128xf32, #tpu.memory_space<vmem_shared>> -> memref<12800x128xf32, #tpu.memory_space<vmem_shared>>
      tpu.wait_indirect_dma semaphore(%arg21 : memref<!tpu.dma_semaphore, #tpu.memory_space<semaphore_mem>>) src(%arg12 : memref<64x128xf32, #tpu.memory_space<vmem>>) dst(%dma_wait3A_1545 : memref<12800x128xf32, #tpu.memory_space<vmem_shared>>)
      %dma_wait3A_1546 = arith.constant 0 : i32
      %dma_wait3A_1547 = tpu.memref_slice %arg18[%dma_wait3A_1546] : memref<12800xf32, #tpu.memory_space<vmem_shared>> -> memref<12800xf32, #tpu.memory_space<vmem_shared>>
      tpu.wait_indirect_dma semaphore(%arg22 : memref<!tpu.dma_semaphore, #tpu.memory_space<semaphore_mem>>) src(%arg13 : memref<64xf32, #tpu.memory_space<vmem>>) dst(%dma_wait3A_1547 : memref<12800xf32, #tpu.memory_space<vmem_shared>>)
      %get3A_1548 = arith.constant 832 : index
      %get3A_1549 = tpu.vector_load %arg7[%get3A_1548] {strides = array<i32>} : memref<896xi32, #tpu.memory_space<vmem>>, vector<16xi32>,
      %get3A_1550 = vector.shape_cast %get3A_1549 : vector<16xi32> to vector<16xi32>
      %sub3A_1551 = vector.broadcast %mul3A_173 : i32 to vector<16xi32>
      %sub3A_1552 = arith.subi %get3A_1550, %sub3A_1551 : vector<16xi32>
      %ge3A_1553 = arith.constant 0 : i32
      %ge3A_1554 = vector.broadcast %ge3A_1553 : i32 to vector<16xi32>
      %ge3A_1555 = arith.cmpi sge, %sub3A_1552, %ge3A_1554 : vector<16xi32>
      %lt3A_1556 = arith.constant 12544 : i32
      %lt3A_1557 = vector.broadcast %lt3A_1556 : i32 to vector<16xi32>
      %lt3A_1558 = arith.cmpi slt, %sub3A_1552, %lt3A_1557 : vector<16xi32>
      %and3A_1559 = arith.andi %ge3A_1555, %lt3A_1558 : vector<16xi1>
      %jit3A_1560 = arith.constant 12544 : i32
      %broadcast_in_dim3A_1561 = vector.broadcast %jit3A_1560 : i32 to vector<16xi32>
      %select_n3A_1562 = arith.select %and3A_1559, %sub3A_1552, %broadcast_in_dim3A_1561 : vector<16xi1>, vector<16xi32>
      %swap3A_1563 = arith.constant 0 : index
      %swap3A_1564 = tpu.vector_load %arg11[%swap3A_1563] {strides = array<i32>} : memref<64xi32, #tpu.memory_space<vmem>>, vector<16xi32>,
      %swap3A_1565 = vector.shape_cast %swap3A_1564 : vector<16xi32> to vector<16xi32>
      %swap3A_1566 = vector.shape_cast %select_n3A_1562 : vector<16xi32> to vector<16xi32>
      tpu.vector_store %arg11[%swap3A_1563], %swap3A_1566 {strides = array<i32>} : memref<64xi32, #tpu.memory_space<vmem>>, vector<16xi32>,
      %get3A_1567 = arith.constant 848 : index
      %get3A_1568 = tpu.vector_load %arg7[%get3A_1567] {strides = array<i32>} : memref<896xi32, #tpu.memory_space<vmem>>, vector<16xi32>,
      %get3A_1569 = vector.shape_cast %get3A_1568 : vector<16xi32> to vector<16xi32>
      %sub3A_1570 = vector.broadcast %mul3A_173 : i32 to vector<16xi32>
      %sub3A_1571 = arith.subi %get3A_1569, %sub3A_1570 : vector<16xi32>
      %ge3A_1572 = arith.constant 0 : i32
      %ge3A_1573 = vector.broadcast %ge3A_1572 : i32 to vector<16xi32>
      %ge3A_1574 = arith.cmpi sge, %sub3A_1571, %ge3A_1573 : vector<16xi32>
      %lt3A_1575 = arith.constant 12544 : i32
      %lt3A_1576 = vector.broadcast %lt3A_1575 : i32 to vector<16xi32>
      %lt3A_1577 = arith.cmpi slt, %sub3A_1571, %lt3A_1576 : vector<16xi32>
      %and3A_1578 = arith.andi %ge3A_1574, %lt3A_1577 : vector<16xi1>
      %jit3A_1579 = arith.constant 12544 : i32
      %broadcast_in_dim3A_1580 = vector.broadcast %jit3A_1579 : i32 to vector<16xi32>
      %select_n3A_1581 = arith.select %and3A_1578, %sub3A_1571, %broadcast_in_dim3A_1580 : vector<16xi1>, vector<16xi32>
      %swap3A_1582 = arith.constant 16 : index
      %swap3A_1583 = tpu.vector_load %arg11[%swap3A_1582] {strides = array<i32>} : memref<64xi32, #tpu.memory_space<vmem>>, vector<16xi32>,
      %swap3A_1584 = vector.shape_cast %swap3A_1583 : vector<16xi32> to vector<16xi32>
      %swap3A_1585 = vector.shape_cast %select_n3A_1581 : vector<16xi32> to vector<16xi32>
      tpu.vector_store %arg11[%swap3A_1582], %swap3A_1585 {strides = array<i32>} : memref<64xi32, #tpu.memory_space<vmem>>, vector<16xi32>,
      %get3A_1586 = arith.constant 864 : index
      %get3A_1587 = tpu.vector_load %arg7[%get3A_1586] {strides = array<i32>} : memref<896xi32, #tpu.memory_space<vmem>>, vector<16xi32>,
      %get3A_1588 = vector.shape_cast %get3A_1587 : vector<16xi32> to vector<16xi32>
      %sub3A_1589 = vector.broadcast %mul3A_173 : i32 to vector<16xi32>
      %sub3A_1590 = arith.subi %get3A_1588, %sub3A_1589 : vector<16xi32>
      %ge3A_1591 = arith.constant 0 : i32
      %ge3A_1592 = vector.broadcast %ge3A_1591 : i32 to vector<16xi32>
      %ge3A_1593 = arith.cmpi sge, %sub3A_1590, %ge3A_1592 : vector<16xi32>
      %lt3A_1594 = arith.constant 12544 : i32
      %lt3A_1595 = vector.broadcast %lt3A_1594 : i32 to vector<16xi32>
      %lt3A_1596 = arith.cmpi slt, %sub3A_1590, %lt3A_1595 : vector<16xi32>
      %and3A_1597 = arith.andi %ge3A_1593, %lt3A_1596 : vector<16xi1>
      %jit3A_1598 = arith.constant 12544 : i32
      %broadcast_in_dim3A_1599 = vector.broadcast %jit3A_1598 : i32 to vector<16xi32>
      %select_n3A_1600 = arith.select %and3A_1597, %sub3A_1590, %broadcast_in_dim3A_1599 : vector<16xi1>, vector<16xi32>
      %swap3A_1601 = arith.constant 32 : index
      %swap3A_1602 = tpu.vector_load %arg11[%swap3A_1601] {strides = array<i32>} : memref<64xi32, #tpu.memory_space<vmem>>, vector<16xi32>,
      %swap3A_1603 = vector.shape_cast %swap3A_1602 : vector<16xi32> to vector<16xi32>
      %swap3A_1604 = vector.shape_cast %select_n3A_1600 : vector<16xi32> to vector<16xi32>
      tpu.vector_store %arg11[%swap3A_1601], %swap3A_1604 {strides = array<i32>} : memref<64xi32, #tpu.memory_space<vmem>>, vector<16xi32>,
      %get3A_1605 = arith.constant 880 : index
      %get3A_1606 = tpu.vector_load %arg7[%get3A_1605] {strides = array<i32>} : memref<896xi32, #tpu.memory_space<vmem>>, vector<16xi32>,
      %get3A_1607 = vector.shape_cast %get3A_1606 : vector<16xi32> to vector<16xi32>
      %sub3A_1608 = vector.broadcast %mul3A_173 : i32 to vector<16xi32>
      %sub3A_1609 = arith.subi %get3A_1607, %sub3A_1608 : vector<16xi32>
      %ge3A_1610 = arith.constant 0 : i32
      %ge3A_1611 = vector.broadcast %ge3A_1610 : i32 to vector<16xi32>
      %ge3A_1612 = arith.cmpi sge, %sub3A_1609, %ge3A_1611 : vector<16xi32>
      %lt3A_1613 = arith.constant 12544 : i32
      %lt3A_1614 = vector.broadcast %lt3A_1613 : i32 to vector<16xi32>
      %lt3A_1615 = arith.cmpi slt, %sub3A_1609, %lt3A_1614 : vector<16xi32>
      %and3A_1616 = arith.andi %ge3A_1612, %lt3A_1615 : vector<16xi1>
      %jit3A_1617 = arith.constant 12544 : i32
      %broadcast_in_dim3A_1618 = vector.broadcast %jit3A_1617 : i32 to vector<16xi32>
      %select_n3A_1619 = arith.select %and3A_1616, %sub3A_1609, %broadcast_in_dim3A_1618 : vector<16xi1>, vector<16xi32>
      %swap3A_1620 = arith.constant 48 : index
      %swap3A_1621 = tpu.vector_load %arg11[%swap3A_1620] {strides = array<i32>} : memref<64xi32, #tpu.memory_space<vmem>>, vector<16xi32>,
      %swap3A_1622 = vector.shape_cast %swap3A_1621 : vector<16xi32> to vector<16xi32>
      %swap3A_1623 = vector.shape_cast %select_n3A_1619 : vector<16xi32> to vector<16xi32>
      tpu.vector_store %arg11[%swap3A_1620], %swap3A_1623 {strides = array<i32>} : memref<64xi32, #tpu.memory_space<vmem>>, vector<16xi32>,
      %dma_start3A_1624 = arith.constant 832 : i32
      %dma_start3A_1625 = tpu.memref_slice %arg8[%dma_start3A_1624] : memref<896xi32, #tpu.memory_space<vmem>> -> memref<64xi32, #tpu.memory_space<vmem>>
      %dma_start3A_1626 = arith.constant 0 : i32
      %dma_start3A_1627 = arith.constant 0 : i32
      %dma_start3A_1628 = tpu.memref_slice %arg2[%dma_start3A_1626, %dma_start3A_1627] : memref<100000x128xf32, #tpu.memory_space<hbm>> -> memref<100000x128xf32, #tpu.memory_space<hbm>>
      tpu.enqueue_indirect_dma source(%dma_start3A_1628 : memref<100000x128xf32, #tpu.memory_space<hbm>>) target(%arg12 : memref<64x128xf32, #tpu.memory_space<vmem>>) offsets(%dma_start3A_1625 : memref<64xi32, #tpu.memory_space<vmem>>) semaphore(%arg20 : memref<!tpu.dma_semaphore, #tpu.memory_space<semaphore_mem>>)
      %dma_wait3A_1629 = arith.constant 768 : i32
      %dma_wait3A_1630 = tpu.memref_slice %arg8[%dma_wait3A_1629] : memref<896xi32, #tpu.memory_space<vmem>> -> memref<64xi32, #tpu.memory_space<vmem>>
      %dma_wait3A_1631 = arith.constant 0 : i32
      %dma_wait3A_1632 = arith.constant 0 : i32
      %dma_wait3A_1633 = tpu.memref_slice %arg2[%dma_wait3A_1631, %dma_wait3A_1632] : memref<100000x128xf32, #tpu.memory_space<hbm>> -> memref<100000x128xf32, #tpu.memory_space<hbm>>
      tpu.wait_indirect_dma semaphore(%arg19 : memref<!tpu.dma_semaphore, #tpu.memory_space<semaphore_mem>>) src(%dma_wait3A_1633 : memref<100000x128xf32, #tpu.memory_space<hbm>>) dst(%arg10 : memref<64x128xf32, #tpu.memory_space<vmem>>)
      %dma_start3A_1634 = arith.constant 0 : i32
      %dma_start3A_1635 = arith.constant 0 : i32
      %dma_start3A_1636 = tpu.memref_slice %arg17[%dma_start3A_1634, %dma_start3A_1635] : memref<12800x128xf32, #tpu.memory_space<vmem_shared>> -> memref<12800x128xf32, #tpu.memory_space<vmem_shared>>
      tpu.enqueue_indirect_dma source(%arg10 : memref<64x128xf32, #tpu.memory_space<vmem>>) target(%dma_start3A_1636 : memref<12800x128xf32, #tpu.memory_space<vmem_shared>>) offsets(%arg9 : memref<64xi32, #tpu.memory_space<vmem>>) semaphore(%arg21 : memref<!tpu.dma_semaphore, #tpu.memory_space<semaphore_mem>>) {add = true}
      %dma_start3A_1637 = arith.constant 0 : i32
      %dma_start3A_1638 = tpu.memref_slice %arg18[%dma_start3A_1637] : memref<12800xf32, #tpu.memory_space<vmem_shared>> -> memref<12800xf32, #tpu.memory_space<vmem_shared>>
      tpu.enqueue_indirect_dma source(%arg13 : memref<64xf32, #tpu.memory_space<vmem>>) target(%dma_start3A_1638 : memref<12800xf32, #tpu.memory_space<vmem_shared>>) offsets(%arg9 : memref<64xi32, #tpu.memory_space<vmem>>) semaphore(%arg22 : memref<!tpu.dma_semaphore, #tpu.memory_space<semaphore_mem>>) {add = true}
      %dma_wait3A_1639 = arith.constant 0 : i32
      %dma_wait3A_1640 = arith.constant 0 : i32
      %dma_wait3A_1641 = tpu.memref_slice %arg17[%dma_wait3A_1639, %dma_wait3A_1640] : memref<12800x128xf32, #tpu.memory_space<vmem_shared>> -> memref<12800x128xf32, #tpu.memory_space<vmem_shared>>
      tpu.wait_indirect_dma semaphore(%arg21 : memref<!tpu.dma_semaphore, #tpu.memory_space<semaphore_mem>>) src(%arg10 : memref<64x128xf32, #tpu.memory_space<vmem>>) dst(%dma_wait3A_1641 : memref<12800x128xf32, #tpu.memory_space<vmem_shared>>)
      %dma_wait3A_1642 = arith.constant 0 : i32
      %dma_wait3A_1643 = tpu.memref_slice %arg18[%dma_wait3A_1642] : memref<12800xf32, #tpu.memory_space<vmem_shared>> -> memref<12800xf32, #tpu.memory_space<vmem_shared>>
      tpu.wait_indirect_dma semaphore(%arg22 : memref<!tpu.dma_semaphore, #tpu.memory_space<semaphore_mem>>) src(%arg13 : memref<64xf32, #tpu.memory_space<vmem>>) dst(%dma_wait3A_1643 : memref<12800xf32, #tpu.memory_space<vmem_shared>>)
      %dma_wait3A_1644 = arith.constant 832 : i32
      %dma_wait3A_1645 = tpu.memref_slice %arg8[%dma_wait3A_1644] : memref<896xi32, #tpu.memory_space<vmem>> -> memref<64xi32, #tpu.memory_space<vmem>>
      %dma_wait3A_1646 = arith.constant 0 : i32
      %dma_wait3A_1647 = arith.constant 0 : i32
      %dma_wait3A_1648 = tpu.memref_slice %arg2[%dma_wait3A_1646, %dma_wait3A_1647] : memref<100000x128xf32, #tpu.memory_space<hbm>> -> memref<100000x128xf32, #tpu.memory_space<hbm>>
      tpu.wait_indirect_dma semaphore(%arg20 : memref<!tpu.dma_semaphore, #tpu.memory_space<semaphore_mem>>) src(%dma_wait3A_1648 : memref<100000x128xf32, #tpu.memory_space<hbm>>) dst(%arg12 : memref<64x128xf32, #tpu.memory_space<vmem>>)
      %dma_start3A_1649 = arith.constant 0 : i32
      %dma_start3A_1650 = arith.constant 0 : i32
      %dma_start3A_1651 = tpu.memref_slice %arg17[%dma_start3A_1649, %dma_start3A_1650] : memref<12800x128xf32, #tpu.memory_space<vmem_shared>> -> memref<12800x128xf32, #tpu.memory_space<vmem_shared>>
      tpu.enqueue_indirect_dma source(%arg12 : memref<64x128xf32, #tpu.memory_space<vmem>>) target(%dma_start3A_1651 : memref<12800x128xf32, #tpu.memory_space<vmem_shared>>) offsets(%arg11 : memref<64xi32, #tpu.memory_space<vmem>>) semaphore(%arg21 : memref<!tpu.dma_semaphore, #tpu.memory_space<semaphore_mem>>) {add = true}
      %dma_start3A_1652 = arith.constant 0 : i32
      %dma_start3A_1653 = tpu.memref_slice %arg18[%dma_start3A_1652] : memref<12800xf32, #tpu.memory_space<vmem_shared>> -> memref<12800xf32, #tpu.memory_space<vmem_shared>>
      tpu.enqueue_indirect_dma source(%arg13 : memref<64xf32, #tpu.memory_space<vmem>>) target(%dma_start3A_1653 : memref<12800xf32, #tpu.memory_space<vmem_shared>>) offsets(%arg11 : memref<64xi32, #tpu.memory_space<vmem>>) semaphore(%arg22 : memref<!tpu.dma_semaphore, #tpu.memory_space<semaphore_mem>>) {add = true}
      %dma_wait3A_1654 = arith.constant 0 : i32
      %dma_wait3A_1655 = arith.constant 0 : i32
      %dma_wait3A_1656 = tpu.memref_slice %arg17[%dma_wait3A_1654, %dma_wait3A_1655] : memref<12800x128xf32, #tpu.memory_space<vmem_shared>> -> memref<12800x128xf32, #tpu.memory_space<vmem_shared>>
      tpu.wait_indirect_dma semaphore(%arg21 : memref<!tpu.dma_semaphore, #tpu.memory_space<semaphore_mem>>) src(%arg12 : memref<64x128xf32, #tpu.memory_space<vmem>>) dst(%dma_wait3A_1656 : memref<12800x128xf32, #tpu.memory_space<vmem_shared>>)
      %dma_wait3A_1657 = arith.constant 0 : i32
      %dma_wait3A_1658 = tpu.memref_slice %arg18[%dma_wait3A_1657] : memref<12800xf32, #tpu.memory_space<vmem_shared>> -> memref<12800xf32, #tpu.memory_space<vmem_shared>>
      tpu.wait_indirect_dma semaphore(%arg22 : memref<!tpu.dma_semaphore, #tpu.memory_space<semaphore_mem>>) src(%arg13 : memref<64xf32, #tpu.memory_space<vmem>>) dst(%dma_wait3A_1658 : memref<12800xf32, #tpu.memory_space<vmem_shared>>)
      %scan3A_1659 = arith.constant 0 : i32
      scf.yield %scan3A_1659 : i32
    }
    %scan3A_303 = arith.constant 14 : i32
    %barrier3A_304 = arith.constant 0 : index
    tpu.barrier barrier_id(%barrier3A_304)
    %mul3A_305 = arith.constant 784 : i32
    %mul3A_306 = arith.muli %arg1, %mul3A_305 : i32
    %mul3A_307 = arith.constant 784 : i32
    %mul3A_308 = arith.muli %arg1, %mul3A_307 : i32
    %add3A_309 = arith.addi %mul3A_173, %mul3A_308 : i32
    "tpu.region"() ({
      %run_scoped3A = tpu.sem_alloc : memref<!tpu.dma_semaphore, #tpu.memory_space<semaphore_mem>>
      %dma_start3A = arith.constant 0 : i32
      %dma_start3A_316 = tpu.memref_slice %arg5[%add3A_309, %dma_start3A] : memref<50176x128xf32, #tpu.memory_space<hbm>> -> memref<784x128xf32, #tpu.memory_space<hbm>>
      %dma_start3A_317 = arith.constant 0 : i32
      %dma_start3A_318 = tpu.memref_slice %arg17[%mul3A_306, %dma_start3A_317] : memref<12800x128xf32, #tpu.memory_space<vmem_shared>> -> memref<784x128xf32, #tpu.memory_space<vmem_shared>>
      tpu.enqueue_dma source(%dma_start3A_318 : memref<784x128xf32, #tpu.memory_space<vmem_shared>>) target(%dma_start3A_316 : memref<784x128xf32, #tpu.memory_space<hbm>>) target_semaphore(%run_scoped3A : memref<!tpu.dma_semaphore, #tpu.memory_space<semaphore_mem>>)
      %dma_wait3A = arith.constant 0 : i32
      %dma_wait3A_319 = tpu.memref_slice %arg5[%add3A_309, %dma_wait3A] : memref<50176x128xf32, #tpu.memory_space<hbm>> -> memref<784x128xf32, #tpu.memory_space<hbm>>
      %dma_wait3A_320 = arith.constant 0 : i32
      %dma_wait3A_321 = tpu.memref_slice %arg17[%mul3A_306, %dma_wait3A_320] : memref<12800x128xf32, #tpu.memory_space<vmem_shared>> -> memref<784x128xf32, #tpu.memory_space<vmem_shared>>
      tpu.wait_dma2 semaphore(%run_scoped3A : memref<!tpu.dma_semaphore, #tpu.memory_space<semaphore_mem>>) src(%dma_wait3A_321 : memref<784x128xf32, #tpu.memory_space<vmem_shared>>) dst(%dma_wait3A_319 : memref<784x128xf32, #tpu.memory_space<hbm>>)
      tpu.yield
    }) : () -> ()
    %mul3A_310 = arith.constant 784 : i32
    %mul3A_311 = arith.muli %arg1, %mul3A_310 : i32
    "tpu.region"() ({
      %run_scoped3A = tpu.sem_alloc : memref<!tpu.dma_semaphore, #tpu.memory_space<semaphore_mem>>
      %dma_start3A = tpu.memref_slice %arg18[%mul3A_311] : memref<12800xf32, #tpu.memory_space<vmem_shared>> -> memref<784xf32, #tpu.memory_space<vmem_shared>>
      %dma_start3A_316 = tpu.memref_slice %arg18[%mul3A_311] : memref<12800xf32, #tpu.memory_space<vmem_shared>> -> memref<784xf32, #tpu.memory_space<vmem_shared>>
      tpu.enqueue_dma source(%dma_start3A_316 : memref<784xf32, #tpu.memory_space<vmem_shared>>) target(%arg16 : memref<784xf32, #tpu.memory_space<vmem>>) target_semaphore(%run_scoped3A : memref<!tpu.dma_semaphore, #tpu.memory_space<semaphore_mem>>)
      %dma_wait3A = tpu.memref_slice %arg18[%mul3A_311] : memref<12800xf32, #tpu.memory_space<vmem_shared>> -> memref<784xf32, #tpu.memory_space<vmem_shared>>
      %dma_wait3A_317 = tpu.memref_slice %arg18[%mul3A_311] : memref<12800xf32, #tpu.memory_space<vmem_shared>> -> memref<784xf32, #tpu.memory_space<vmem_shared>>
      tpu.wait_dma2 semaphore(%run_scoped3A : memref<!tpu.dma_semaphore, #tpu.memory_space<semaphore_mem>>) src(%dma_wait3A_317 : memref<784xf32, #tpu.memory_space<vmem_shared>>) dst(%arg16 : memref<784xf32, #tpu.memory_space<vmem>>)
      tpu.yield
    }) : () -> ()
    %mul3A_312 = arith.constant 784 : i32
    %mul3A_313 = arith.muli %arg1, %mul3A_312 : i32
    %add3A_314 = arith.addi %mul3A_173, %mul3A_313 : i32
    "tpu.region"() ({
      %run_scoped3A = tpu.sem_alloc : memref<!tpu.dma_semaphore, #tpu.memory_space<semaphore_mem>>
      %dma_start3A = tpu.memref_slice %arg6[%add3A_314] : memref<50176xf32, #tpu.memory_space<hbm>> -> memref<784xf32, #tpu.memory_space<hbm>>
      %dma_start3A_316 = tpu.memref_slice %arg6[%add3A_314] : memref<50176xf32, #tpu.memory_space<hbm>> -> memref<784xf32, #tpu.memory_space<hbm>>
      tpu.enqueue_dma source(%arg16 : memref<784xf32, #tpu.memory_space<vmem>>) target(%dma_start3A_316 : memref<784xf32, #tpu.memory_space<hbm>>) target_semaphore(%run_scoped3A : memref<!tpu.dma_semaphore, #tpu.memory_space<semaphore_mem>>)
      %dma_wait3A = tpu.memref_slice %arg6[%add3A_314] : memref<50176xf32, #tpu.memory_space<hbm>> -> memref<784xf32, #tpu.memory_space<hbm>>
      %dma_wait3A_317 = tpu.memref_slice %arg6[%add3A_314] : memref<50176xf32, #tpu.memory_space<hbm>> -> memref<784xf32, #tpu.memory_space<hbm>>
      tpu.wait_dma2 semaphore(%run_scoped3A : memref<!tpu.dma_semaphore, #tpu.memory_space<semaphore_mem>>) src(%arg16 : memref<784xf32, #tpu.memory_space<vmem>>) dst(%dma_wait3A_317 : memref<784xf32, #tpu.memory_space<hbm>>)
      tpu.yield
    }) : () -> ()
    %barrier3A_315 = arith.constant 0 : index
    tpu.barrier barrier_id(%barrier3A_315)
    return
  }
}

module attributes {stable_mosaic.version = 14 : i64} {
  func.func @_tc2_body(%arg0: i32, %arg1: memref<400x4xf32, #tpu.memory_space<vmem>>, %arg2: memref<1x1x400xi32, #tpu.memory_space<vmem>>, %arg3: memref<8x128xf32, #tpu.memory_space<vmem>>, %arg4: memref<2000x4xf32, #tpu.memory_space<vmem>>) attributes {dimension_semantics = [#tpu.dimension_semantics<arbitrary>], iteration_bounds = array<i64: 125>, scalar_prefetch = 0 : i64, scratch_operands = 0 : i64, tpu.core_type = #tpu.core_type<tc>, window_params = [{transform_indices = @transform_0, window_bounds = array<i64: 400, 4>}, {transform_indices = @transform_1, window_bounds = array<i64: 1, 1, 400>}, {pipeline_mode = #tpu.pipeline_mode<synchronous>, transform_indices = @transform_2, window_bounds = array<i64: 8, 128>}, {pipeline_mode = #tpu.pipeline_mode<synchronous>, transform_indices = @transform_3, window_bounds = array<i64: 2000, 4>}]} {
    %get3A = arith.constant 0 : index
    %get3A_0 = arith.constant 0 : index
    %get3A_1 = vector.load %arg3[%get3A, %get3A_0] : memref<8x128xf32, #tpu.memory_space<vmem>>, vector<1x4xf32>
    %get3A_2 = arith.constant 0 : index
    %get3A_3 = arith.constant 0 : index
    %get3A_4 = vector.load %arg1[%get3A_2, %get3A_3] : memref<400x4xf32, #tpu.memory_space<vmem>>, vector<400x4xf32>
    %sub3A = vector.broadcast %get3A_1 : vector<1x4xf32> to vector<400x4xf32>
    %sub3A_5 = arith.subf %get3A_4, %sub3A : vector<400x4xf32>
    %exp3A = math.exp %sub3A_5 : vector<400x4xf32>
    %get3A_6 = arith.constant 0 : index
    %get3A_7 = arith.constant 0 : index
    %get3A_8 = arith.constant 0 : index
    %get3A_9 = vector.load %arg2[%get3A_6, %get3A_7, %get3A_8] : memref<1x1x400xi32, #tpu.memory_space<vmem>>, vector<1x1x400xi32>
    %get3A_10 = vector.shape_cast %get3A_9 : vector<1x1x400xi32> to vector<400xi32>
    %iota3A = tpu.iota {dimensions = array<i32: 0>} : vector<2000x400xi32>
    %broadcast_in_dim3A = vector.shape_cast %get3A_10 : vector<400xi32> to vector<1x400xi32>
    %eq3A = vector.broadcast %broadcast_in_dim3A : vector<1x400xi32> to vector<2000x400xi32>
    %eq3A_11 = arith.cmpi eq, %eq3A, %iota3A : vector<2000x400xi32>
    %jit3A = arith.constant 1.000000e+00 : f32
    %jit3A_12 = arith.constant 0.000000e+00 : f32
    %broadcast_in_dim3A_13 = vector.broadcast %jit3A : f32 to vector<2000x400xf32>
    %broadcast_in_dim3A_14 = vector.broadcast %jit3A_12 : f32 to vector<2000x400xf32>
    %select_n3A = arith.select %eq3A_11, %broadcast_in_dim3A_13, %broadcast_in_dim3A_14 : vector<2000x400xi1>, vector<2000x400xf32>
    %dot_general3A = arith.constant dense<0.000000e+00> : vector<2000x4xf32>
    %dot_general3A_15 = tpu.matmul %select_n3A, %exp3A, %dot_general3A {dimension_numbers = #tpu.dot_dimension_numbers<[1], [0], [0], [1], [0, 0, 1, 1], [], []>, transpose_lhs_hint = false} : vector<2000x400xf32>, vector<400x4xf32>, vector<2000x4xf32> -> vector<2000x4xf32>
    %eq3A_16 = arith.constant 0 : i32
    %eq3A_17 = arith.cmpi eq, %arg0, %eq3A_16 : i32
    %convert_element_type3A = arith.extui %eq3A_17 : i1 to i32
    %cond3A = arith.constant 0 : i32
    %cond3A_18 = arith.cmpi ne, %convert_element_type3A, %cond3A : i32
    scf.if %cond3A_18 {
      %broadcast_in_dim3A_24 = arith.constant 0.000000e+00 : f32
      %broadcast_in_dim3A_25 = vector.broadcast %broadcast_in_dim3A_24 : f32 to vector<2000x4xf32>
      %swap3A_26 = arith.constant 0 : index
      %swap3A_27 = arith.constant 0 : index
      %swap3A_28 = vector.load %arg4[%swap3A_26, %swap3A_27] : memref<2000x4xf32, #tpu.memory_space<vmem>>, vector<2000x4xf32>
      tpu.vector_store %arg4[%swap3A_26, %swap3A_27], %broadcast_in_dim3A_25 {strides = array<i32>} : memref<2000x4xf32, #tpu.memory_space<vmem>>, vector<2000x4xf32>,
    } else {
    }
    %get3A_19 = arith.constant 0 : index
    %get3A_20 = arith.constant 0 : index
    %get3A_21 = vector.load %arg4[%get3A_19, %get3A_20] : memref<2000x4xf32, #tpu.memory_space<vmem>>, vector<2000x4xf32>
    %add3A = arith.addf %get3A_21, %dot_general3A_15 : vector<2000x4xf32>
    %swap3A = arith.constant 0 : index
    %swap3A_22 = arith.constant 0 : index
    %swap3A_23 = vector.load %arg4[%swap3A, %swap3A_22] : memref<2000x4xf32, #tpu.memory_space<vmem>>, vector<2000x4xf32>
    tpu.vector_store %arg4[%swap3A, %swap3A_22], %add3A {strides = array<i32>} : memref<2000x4xf32, #tpu.memory_space<vmem>>, vector<2000x4xf32>,
    return
  }
  func.func @transform_0(%arg0: i32) -> (i32, i32) {
    %c0_i32 = arith.constant 0 : i32
    %c0_i32_0 = arith.constant 0 : i32
    return %arg0, %c0_i32 : i32, i32
  }
  func.func @transform_1(%arg0: i32) -> (i32, i32, i32) {
    %c0_i32 = arith.constant 0 : i32
    %c0_i32_0 = arith.constant 0 : i32
    %c0_i32_1 = arith.constant 0 : i32
    return %arg0, %c0_i32, %c0_i32_0 : i32, i32, i32
  }
  func.func @transform_2(%arg0: i32) -> (i32, i32) {
    %c0_i32 = arith.constant 0 : i32
    %c0_i32_0 = arith.constant 0 : i32
    %c0_i32_1 = arith.constant 0 : i32
    return %c0_i32, %c0_i32_0 : i32, i32
  }
  func.func @transform_3(%arg0: i32) -> (i32, i32) {
    %c0_i32 = arith.constant 0 : i32
    %c0_i32_0 = arith.constant 0 : i32
    %c0_i32_1 = arith.constant 0 : i32
    return %c0_i32, %c0_i32_0 : i32, i32
  }
}

module attributes {stable_mosaic.version = 14 : i64} {
  func.func @_tc1_body(%arg0: i32, %arg1: memref<400x128xf32, #tpu.memory_space<vmem>>, %arg2: memref<400x1xf32, #tpu.memory_space<vmem>>, %arg3: memref<400x128xf32, #tpu.memory_space<vmem>>, %arg4: memref<128x128xf32, #tpu.memory_space<vmem>>, %arg5: memref<8x128xf32, #tpu.memory_space<vmem>>, %arg6: memref<128x256xf32, #tpu.memory_space<vmem>>, %arg7: memref<8x256xf32, #tpu.memory_space<vmem>>, %arg8: memref<256x128xf32, #tpu.memory_space<vmem>>, %arg9: memref<8x128xf32, #tpu.memory_space<vmem>>, %arg10: memref<400x128xf32, #tpu.memory_space<vmem>>, %arg11: memref<400x4xf32, #tpu.memory_space<vmem>>, %arg12: memref<8x128xf32, #tpu.memory_space<vmem>>) attributes {dimension_semantics = [#tpu.dimension_semantics<arbitrary>], iteration_bounds = array<i64: 125>, scalar_prefetch = 0 : i64, scratch_operands = 0 : i64, tpu.core_type = #tpu.core_type<tc>, window_params = [{transform_indices = @transform_0, window_bounds = array<i64: 400, 128>}, {transform_indices = @transform_1, window_bounds = array<i64: 400, 1>}, {transform_indices = @transform_2, window_bounds = array<i64: 400, 128>}, {pipeline_mode = #tpu.pipeline_mode<synchronous>, transform_indices = @transform_3, window_bounds = array<i64: 128, 128>}, {pipeline_mode = #tpu.pipeline_mode<synchronous>, transform_indices = @transform_4, window_bounds = array<i64: 8, 128>}, {pipeline_mode = #tpu.pipeline_mode<synchronous>, transform_indices = @transform_5, window_bounds = array<i64: 128, 256>}, {pipeline_mode = #tpu.pipeline_mode<synchronous>, transform_indices = @transform_6, window_bounds = array<i64: 8, 256>}, {pipeline_mode = #tpu.pipeline_mode<synchronous>, transform_indices = @transform_7, window_bounds = array<i64: 256, 128>}, {pipeline_mode = #tpu.pipeline_mode<synchronous>, transform_indices = @transform_8, window_bounds = array<i64: 8, 128>}, {transform_indices = @transform_9, window_bounds = array<i64: 400, 128>}, {transform_indices = @transform_10, window_bounds = array<i64: 400, 4>}, {pipeline_mode = #tpu.pipeline_mode<synchronous>, transform_indices = @transform_11, window_bounds = array<i64: 8, 128>}]} {
    %get3A = arith.constant 0 : index
    %get3A_0 = arith.constant 0 : index
    %get3A_1 = vector.load %arg2[%get3A, %get3A_0] : memref<400x1xf32, #tpu.memory_space<vmem>>, vector<400x1xf32>
    %max3A = arith.constant 1.000000e+00 : f32
    %max3A_2 = vector.broadcast %max3A : f32 to vector<400x1xf32>
    %max3A_3 = arith.maximumf %get3A_1, %max3A_2 : vector<400x1xf32>
    %div3A = arith.constant 1.000000e+00 : f32
    %div3A_4 = vector.broadcast %div3A : f32 to vector<400x1xf32>
    %div3A_5 = arith.divf %div3A_4, %max3A_3 : vector<400x1xf32>
    %get3A_6 = arith.constant 0 : index
    %get3A_7 = arith.constant 0 : index
    %get3A_8 = vector.load %arg1[%get3A_6, %get3A_7] : memref<400x128xf32, #tpu.memory_space<vmem>>, vector<400x128xf32>
    %mul3A = vector.broadcast %div3A_5 : vector<400x1xf32> to vector<400x128xf32>
    %mul3A_9 = arith.mulf %get3A_8, %mul3A : vector<400x128xf32>
    %get3A_10 = arith.constant 0 : index
    %get3A_11 = arith.constant 0 : index
    %get3A_12 = vector.load %arg4[%get3A_10, %get3A_11] : memref<128x128xf32, #tpu.memory_space<vmem>>, vector<128x128xf32>
    %dot_general3A = arith.constant dense<0.000000e+00> : vector<400x128xf32>
    %dot_general3A_13 = tpu.matmul %mul3A_9, %get3A_12, %dot_general3A {dimension_numbers = #tpu.dot_dimension_numbers<[1], [0], [0], [1], [0, 0, 1, 1], [], []>, transpose_lhs_hint = false} : vector<400x128xf32>, vector<128x128xf32>, vector<400x128xf32> -> vector<400x128xf32>
    %get3A_14 = arith.constant 0 : index
    %get3A_15 = arith.constant 0 : index
    %get3A_16 = vector.load %arg5[%get3A_14, %get3A_15] : memref<8x128xf32, #tpu.memory_space<vmem>>, vector<1x128xf32>
    %add3A = vector.broadcast %get3A_16 : vector<1x128xf32> to vector<400x128xf32>
    %add3A_17 = arith.addf %dot_general3A_13, %add3A : vector<400x128xf32>
    %get3A_18 = arith.constant 0 : index
    %get3A_19 = arith.constant 0 : index
    %get3A_20 = vector.load %arg3[%get3A_18, %get3A_19] : memref<400x128xf32, #tpu.memory_space<vmem>>, vector<400x128xf32>
    %max3A_21 = arith.constant 0.000000e+00 : f32
    %max3A_22 = vector.broadcast %max3A_21 : f32 to vector<400x128xf32>
    %max3A_23 = arith.maximumf %add3A_17, %max3A_22 : vector<400x128xf32>
    %add3A_24 = arith.addf %get3A_20, %max3A_23 : vector<400x128xf32>
    %swap3A = arith.constant 0 : index
    %swap3A_25 = arith.constant 0 : index
    %swap3A_26 = vector.load %arg10[%swap3A, %swap3A_25] : memref<400x128xf32, #tpu.memory_space<vmem>>, vector<400x128xf32>
    tpu.vector_store %arg10[%swap3A, %swap3A_25], %add3A_24 {strides = array<i32>} : memref<400x128xf32, #tpu.memory_space<vmem>>, vector<400x128xf32>,
    %get3A_27 = arith.constant 0 : index
    %get3A_28 = arith.constant 0 : index
    %get3A_29 = vector.load %arg6[%get3A_27, %get3A_28] : memref<128x256xf32, #tpu.memory_space<vmem>>, vector<128x256xf32>
    %dot_general3A_30 = arith.constant dense<0.000000e+00> : vector<400x256xf32>
    %dot_general3A_31 = tpu.matmul %add3A_24, %get3A_29, %dot_general3A_30 {dimension_numbers = #tpu.dot_dimension_numbers<[1], [0], [0], [1], [0, 0, 1, 1], [], []>, transpose_lhs_hint = false} : vector<400x128xf32>, vector<128x256xf32>, vector<400x256xf32> -> vector<400x256xf32>
    %get3A_32 = arith.constant 0 : index
    %get3A_33 = arith.constant 0 : index
    %get3A_34 = vector.load %arg7[%get3A_32, %get3A_33] : memref<8x256xf32, #tpu.memory_space<vmem>>, vector<1x256xf32>
    %add3A_35 = vector.broadcast %get3A_34 : vector<1x256xf32> to vector<400x256xf32>
    %add3A_36 = arith.addf %dot_general3A_31, %add3A_35 : vector<400x256xf32>
    %max3A_37 = arith.constant 0.000000e+00 : f32
    %max3A_38 = vector.broadcast %max3A_37 : f32 to vector<400x256xf32>
    %max3A_39 = arith.maximumf %add3A_36, %max3A_38 : vector<400x256xf32>
    %get3A_40 = arith.constant 0 : index
    %get3A_41 = arith.constant 0 : index
    %get3A_42 = vector.load %arg8[%get3A_40, %get3A_41] : memref<256x128xf32, #tpu.memory_space<vmem>>, vector<256x128xf32>
    %dot_general3A_43 = arith.constant dense<0.000000e+00> : vector<400x128xf32>
    %dot_general3A_44 = tpu.matmul %max3A_39, %get3A_42, %dot_general3A_43 {dimension_numbers = #tpu.dot_dimension_numbers<[1], [0], [0], [1], [0, 0, 1, 1], [], []>, transpose_lhs_hint = false} : vector<400x256xf32>, vector<256x128xf32>, vector<400x128xf32> -> vector<400x128xf32>
    %slice3A = vector.extract_strided_slice %dot_general3A_44 {offsets = [0, 0], sizes = [400, 4], strides = [1, 1]} : vector<400x128xf32> to vector<400x4xf32>
    %get3A_45 = arith.constant 0 : index
    %get3A_46 = arith.constant 0 : index
    %get3A_47 = vector.load %arg9[%get3A_45, %get3A_46] : memref<8x128xf32, #tpu.memory_space<vmem>>, vector<1x4xf32>
    %add3A_48 = vector.broadcast %get3A_47 : vector<1x4xf32> to vector<400x4xf32>
    %add3A_49 = arith.addf %slice3A, %add3A_48 : vector<400x4xf32>
    %swap3A_50 = arith.constant 0 : index
    %swap3A_51 = arith.constant 0 : index
    %swap3A_52 = vector.load %arg11[%swap3A_50, %swap3A_51] : memref<400x4xf32, #tpu.memory_space<vmem>>, vector<400x4xf32>
    tpu.vector_store %arg11[%swap3A_50, %swap3A_51], %add3A_49 {strides = array<i32>} : memref<400x4xf32, #tpu.memory_space<vmem>>, vector<400x4xf32>,
    %reduce_max3A = arith.constant dense<0xFF800000> : vector<4xf32>
    %reduce_max3A_53 = vector.multi_reduction <maximumf>, %add3A_49, %reduce_max3A [0] : vector<400x4xf32> to vector<4xf32>
    %broadcast_in_dim3A = vector.shape_cast %reduce_max3A_53 : vector<4xf32> to vector<1x4xf32>
    %eq3A = arith.constant 0 : i32
    %eq3A_54 = arith.cmpi eq, %arg0, %eq3A : i32
    %convert_element_type3A = arith.extui %eq3A_54 : i1 to i32
    %cond3A = arith.constant 0 : i32
    %cond3A_55 = arith.cmpi ne, %convert_element_type3A, %cond3A : i32
    scf.if %cond3A_55 {
      %broadcast_in_dim3A_63 = arith.constant 0xFF800000 : f32
      %broadcast_in_dim3A_64 = vector.broadcast %broadcast_in_dim3A_63 : f32 to vector<8x128xf32>
      %swap3A_65 = arith.constant 0 : index
      %swap3A_66 = arith.constant 0 : index
      %swap3A_67 = vector.load %arg12[%swap3A_65, %swap3A_66] : memref<8x128xf32, #tpu.memory_space<vmem>>, vector<8x128xf32>
      tpu.vector_store %arg12[%swap3A_65, %swap3A_66], %broadcast_in_dim3A_64 {strides = array<i32>} : memref<8x128xf32, #tpu.memory_space<vmem>>, vector<8x128xf32>,
    } else {
    }
    %get3A_56 = arith.constant 0 : index
    %get3A_57 = arith.constant 0 : index
    %get3A_58 = vector.load %arg12[%get3A_56, %get3A_57] : memref<8x128xf32, #tpu.memory_space<vmem>>, vector<1x4xf32>
    %max3A_59 = arith.maximumf %get3A_58, %broadcast_in_dim3A : vector<1x4xf32>
    %swap3A_60 = arith.constant 0 : index
    %swap3A_61 = arith.constant 0 : index
    %swap3A_62 = vector.load %arg12[%swap3A_60, %swap3A_61] : memref<8x128xf32, #tpu.memory_space<vmem>>, vector<1x4xf32>
    tpu.vector_store %arg12[%swap3A_60, %swap3A_61], %max3A_59 {strides = array<i32>} : memref<8x128xf32, #tpu.memory_space<vmem>>, vector<1x4xf32>,
    return
  }
  func.func @transform_0(%arg0: i32) -> (i32, i32) {
    %c0_i32 = arith.constant 0 : i32
    %c0_i32_0 = arith.constant 0 : i32
    return %arg0, %c0_i32 : i32, i32
  }
  func.func @transform_1(%arg0: i32) -> (i32, i32) {
    %c0_i32 = arith.constant 0 : i32
    %c0_i32_0 = arith.constant 0 : i32
    return %arg0, %c0_i32 : i32, i32
  }
  func.func @transform_2(%arg0: i32) -> (i32, i32) {
    %c0_i32 = arith.constant 0 : i32
    %c0_i32_0 = arith.constant 0 : i32
    return %arg0, %c0_i32 : i32, i32
  }
  func.func @transform_3(%arg0: i32) -> (i32, i32) {
    %c0_i32 = arith.constant 0 : i32
    %c0_i32_0 = arith.constant 0 : i32
    %c0_i32_1 = arith.constant 0 : i32
    return %c0_i32, %c0_i32_0 : i32, i32
  }
  func.func @transform_4(%arg0: i32) -> (i32, i32) {
    %c0_i32 = arith.constant 0 : i32
    %c0_i32_0 = arith.constant 0 : i32
    %c0_i32_1 = arith.constant 0 : i32
    return %c0_i32, %c0_i32_0 : i32, i32
  }
  func.func @transform_5(%arg0: i32) -> (i32, i32) {
    %c0_i32 = arith.constant 0 : i32
    %c0_i32_0 = arith.constant 0 : i32
    %c0_i32_1 = arith.constant 0 : i32
    return %c0_i32, %c0_i32_0 : i32, i32
  }
  func.func @transform_6(%arg0: i32) -> (i32, i32) {
    %c0_i32 = arith.constant 0 : i32
    %c0_i32_0 = arith.constant 0 : i32
    %c0_i32_1 = arith.constant 0 : i32
    return %c0_i32, %c0_i32_0 : i32, i32
  }
  func.func @transform_7(%arg0: i32) -> (i32, i32) {
    %c0_i32 = arith.constant 0 : i32
    %c0_i32_0 = arith.constant 0 : i32
    %c0_i32_1 = arith.constant 0 : i32
    return %c0_i32, %c0_i32_0 : i32, i32
  }
  func.func @transform_8(%arg0: i32) -> (i32, i32) {
    %c0_i32 = arith.constant 0 : i32
    %c0_i32_0 = arith.constant 0 : i32
    %c0_i32_1 = arith.constant 0 : i32
    return %c0_i32, %c0_i32_0 : i32, i32
  }
  func.func @transform_9(%arg0: i32) -> (i32, i32) {
    %c0_i32 = arith.constant 0 : i32
    %c0_i32_0 = arith.constant 0 : i32
    return %arg0, %c0_i32 : i32, i32
  }
  func.func @transform_10(%arg0: i32) -> (i32, i32) {
    %c0_i32 = arith.constant 0 : i32
    %c0_i32_0 = arith.constant 0 : i32
    return %arg0, %c0_i32 : i32, i32
  }
  func.func @transform_11(%arg0: i32) -> (i32, i32) {
    %c0_i32 = arith.constant 0 : i32
    %c0_i32_0 = arith.constant 0 : i32
    %c0_i32_1 = arith.constant 0 : i32
    return %c0_i32, %c0_i32_0 : i32, i32
  }
}

module attributes {stable_mosaic.version = 14 : i64} {
  func.func @_tc3_body(%arg0: i32, %arg1: memref<400x4xf32, #tpu.memory_space<vmem>>, %arg2: memref<1x1x400xi32, #tpu.memory_space<vmem>>, %arg3: memref<8x128xf32, #tpu.memory_space<vmem>>, %arg4: memref<2000x4xf32, #tpu.memory_space<vmem>>, %arg5: memref<400x128xf32, #tpu.memory_space<vmem>>, %arg6: memref<8x128xf32, #tpu.memory_space<vmem>>, %arg7: memref<400x4xf32, #tpu.memory_space<vmem>>, %arg8: memref<2000x128xf32, #tpu.memory_space<vmem>>) attributes {dimension_semantics = [#tpu.dimension_semantics<arbitrary>], iteration_bounds = array<i64: 125>, scalar_prefetch = 0 : i64, scratch_operands = 0 : i64, tpu.core_type = #tpu.core_type<tc>, window_params = [{transform_indices = @transform_0, window_bounds = array<i64: 400, 4>}, {transform_indices = @transform_1, window_bounds = array<i64: 1, 1, 400>}, {pipeline_mode = #tpu.pipeline_mode<synchronous>, transform_indices = @transform_2, window_bounds = array<i64: 8, 128>}, {pipeline_mode = #tpu.pipeline_mode<synchronous>, transform_indices = @transform_3, window_bounds = array<i64: 2000, 4>}, {transform_indices = @transform_4, window_bounds = array<i64: 400, 128>}, {pipeline_mode = #tpu.pipeline_mode<synchronous>, transform_indices = @transform_5, window_bounds = array<i64: 8, 128>}, {transform_indices = @transform_6, window_bounds = array<i64: 400, 4>}, {pipeline_mode = #tpu.pipeline_mode<synchronous>, transform_indices = @transform_7, window_bounds = array<i64: 2000, 128>}]} {
    %get3A = arith.constant 0 : index
    %get3A_0 = arith.constant 0 : index
    %get3A_1 = vector.load %arg3[%get3A, %get3A_0] : memref<8x128xf32, #tpu.memory_space<vmem>>, vector<1x4xf32>
    %get3A_2 = arith.constant 0 : index
    %get3A_3 = arith.constant 0 : index
    %get3A_4 = vector.load %arg1[%get3A_2, %get3A_3] : memref<400x4xf32, #tpu.memory_space<vmem>>, vector<400x4xf32>
    %sub3A = vector.broadcast %get3A_1 : vector<1x4xf32> to vector<400x4xf32>
    %sub3A_5 = arith.subf %get3A_4, %sub3A : vector<400x4xf32>
    %exp3A = math.exp %sub3A_5 : vector<400x4xf32>
    %get3A_6 = arith.constant 0 : index
    %get3A_7 = arith.constant 0 : index
    %get3A_8 = arith.constant 0 : index
    %get3A_9 = vector.load %arg2[%get3A_6, %get3A_7, %get3A_8] : memref<1x1x400xi32, #tpu.memory_space<vmem>>, vector<1x1x400xi32>
    %get3A_10 = vector.shape_cast %get3A_9 : vector<1x1x400xi32> to vector<400xi32>
    %iota3A = tpu.iota {dimensions = array<i32: 1>} : vector<400x2000xi32>
    %broadcast_in_dim3A = vector.shape_cast %get3A_10 : vector<400xi32> to vector<400x1xi32>
    %eq3A = vector.broadcast %broadcast_in_dim3A : vector<400x1xi32> to vector<400x2000xi32>
    %eq3A_11 = arith.cmpi eq, %eq3A, %iota3A : vector<400x2000xi32>
    %jit3A = arith.constant 1.000000e+00 : f32
    %jit3A_12 = arith.constant 0.000000e+00 : f32
    %broadcast_in_dim3A_13 = vector.broadcast %jit3A : f32 to vector<400x2000xf32>
    %broadcast_in_dim3A_14 = vector.broadcast %jit3A_12 : f32 to vector<400x2000xf32>
    %select_n3A = arith.select %eq3A_11, %broadcast_in_dim3A_13, %broadcast_in_dim3A_14 : vector<400x2000xi1>, vector<400x2000xf32>
    %get3A_15 = arith.constant 0 : index
    %get3A_16 = arith.constant 0 : index
    %get3A_17 = vector.load %arg4[%get3A_15, %get3A_16] : memref<2000x4xf32, #tpu.memory_space<vmem>>, vector<2000x4xf32>
    %dot_general3A = arith.constant dense<0.000000e+00> : vector<400x4xf32>
    %dot_general3A_18 = tpu.matmul %select_n3A, %get3A_17, %dot_general3A {dimension_numbers = #tpu.dot_dimension_numbers<[1], [0], [0], [1], [0, 0, 1, 1], [], []>, transpose_lhs_hint = false} : vector<400x2000xf32>, vector<2000x4xf32>, vector<400x4xf32> -> vector<400x4xf32>
    %add3A = arith.constant 1.000000e-16 : f32
    %add3A_19 = vector.broadcast %add3A : f32 to vector<400x4xf32>
    %add3A_20 = arith.addf %dot_general3A_18, %add3A_19 : vector<400x4xf32>
    %div3A = arith.divf %exp3A, %add3A_20 : vector<400x4xf32>
    %swap3A = arith.constant 0 : index
    %swap3A_21 = arith.constant 0 : index
    %swap3A_22 = vector.load %arg7[%swap3A, %swap3A_21] : memref<400x4xf32, #tpu.memory_space<vmem>>, vector<400x4xf32>
    tpu.vector_store %arg7[%swap3A, %swap3A_21], %div3A {strides = array<i32>} : memref<400x4xf32, #tpu.memory_space<vmem>>, vector<400x4xf32>,
    %get3A_23 = arith.constant 0 : index
    %get3A_24 = arith.constant 0 : index
    %get3A_25 = vector.load %arg6[%get3A_23, %get3A_24] : memref<8x128xf32, #tpu.memory_space<vmem>>, vector<4x128xf32>
    %dot_general3A_26 = arith.constant dense<0.000000e+00> : vector<400x128xf32>
    %dot_general3A_27 = tpu.matmul %div3A, %get3A_25, %dot_general3A_26 {dimension_numbers = #tpu.dot_dimension_numbers<[1], [0], [0], [1], [0, 0, 1, 1], [], []>, transpose_lhs_hint = false} : vector<400x4xf32>, vector<4x128xf32>, vector<400x128xf32> -> vector<400x128xf32>
    %get3A_28 = arith.constant 0 : index
    %get3A_29 = arith.constant 0 : index
    %get3A_30 = vector.load %arg5[%get3A_28, %get3A_29] : memref<400x128xf32, #tpu.memory_space<vmem>>, vector<400x128xf32>
    %mul3A = arith.mulf %get3A_30, %dot_general3A_27 : vector<400x128xf32>
    %iota3A_31 = tpu.iota {dimensions = array<i32: 0>} : vector<2000x400xi32>
    %broadcast_in_dim3A_32 = vector.shape_cast %get3A_10 : vector<400xi32> to vector<1x400xi32>
    %eq3A_33 = vector.broadcast %broadcast_in_dim3A_32 : vector<1x400xi32> to vector<2000x400xi32>
    %eq3A_34 = arith.cmpi eq, %eq3A_33, %iota3A_31 : vector<2000x400xi32>
    %jit3A_35 = arith.constant 1.000000e+00 : f32
    %jit3A_36 = arith.constant 0.000000e+00 : f32
    %broadcast_in_dim3A_37 = vector.broadcast %jit3A_35 : f32 to vector<2000x400xf32>
    %broadcast_in_dim3A_38 = vector.broadcast %jit3A_36 : f32 to vector<2000x400xf32>
    %select_n3A_39 = arith.select %eq3A_34, %broadcast_in_dim3A_37, %broadcast_in_dim3A_38 : vector<2000x400xi1>, vector<2000x400xf32>
    %dot_general3A_40 = arith.constant dense<0.000000e+00> : vector<2000x128xf32>
    %dot_general3A_41 = tpu.matmul %select_n3A_39, %mul3A, %dot_general3A_40 {dimension_numbers = #tpu.dot_dimension_numbers<[1], [0], [0], [1], [0, 0, 1, 1], [], []>, transpose_lhs_hint = false} : vector<2000x400xf32>, vector<400x128xf32>, vector<2000x128xf32> -> vector<2000x128xf32>
    %eq3A_42 = arith.constant 0 : i32
    %eq3A_43 = arith.cmpi eq, %arg0, %eq3A_42 : i32
    %convert_element_type3A = arith.extui %eq3A_43 : i1 to i32
    %cond3A = arith.constant 0 : i32
    %cond3A_44 = arith.cmpi ne, %convert_element_type3A, %cond3A : i32
    scf.if %cond3A_44 {
      %broadcast_in_dim3A_52 = arith.constant 0.000000e+00 : f32
      %broadcast_in_dim3A_53 = vector.broadcast %broadcast_in_dim3A_52 : f32 to vector<2000x128xf32>
      %swap3A_54 = arith.constant 0 : index
      %swap3A_55 = arith.constant 0 : index
      %swap3A_56 = vector.load %arg8[%swap3A_54, %swap3A_55] : memref<2000x128xf32, #tpu.memory_space<vmem>>, vector<2000x128xf32>
      tpu.vector_store %arg8[%swap3A_54, %swap3A_55], %broadcast_in_dim3A_53 {strides = array<i32>} : memref<2000x128xf32, #tpu.memory_space<vmem>>, vector<2000x128xf32>,
    } else {
    }
    %get3A_45 = arith.constant 0 : index
    %get3A_46 = arith.constant 0 : index
    %get3A_47 = vector.load %arg8[%get3A_45, %get3A_46] : memref<2000x128xf32, #tpu.memory_space<vmem>>, vector<2000x128xf32>
    %add3A_48 = arith.addf %get3A_47, %dot_general3A_41 : vector<2000x128xf32>
    %swap3A_49 = arith.constant 0 : index
    %swap3A_50 = arith.constant 0 : index
    %swap3A_51 = vector.load %arg8[%swap3A_49, %swap3A_50] : memref<2000x128xf32, #tpu.memory_space<vmem>>, vector<2000x128xf32>
    tpu.vector_store %arg8[%swap3A_49, %swap3A_50], %add3A_48 {strides = array<i32>} : memref<2000x128xf32, #tpu.memory_space<vmem>>, vector<2000x128xf32>,
    return
  }
  func.func @transform_0(%arg0: i32) -> (i32, i32) {
    %c0_i32 = arith.constant 0 : i32
    %c0_i32_0 = arith.constant 0 : i32
    return %arg0, %c0_i32 : i32, i32
  }
  func.func @transform_1(%arg0: i32) -> (i32, i32, i32) {
    %c0_i32 = arith.constant 0 : i32
    %c0_i32_0 = arith.constant 0 : i32
    %c0_i32_1 = arith.constant 0 : i32
    return %arg0, %c0_i32, %c0_i32_0 : i32, i32, i32
  }
  func.func @transform_2(%arg0: i32) -> (i32, i32) {
    %c0_i32 = arith.constant 0 : i32
    %c0_i32_0 = arith.constant 0 : i32
    %c0_i32_1 = arith.constant 0 : i32
    return %c0_i32, %c0_i32_0 : i32, i32
  }
  func.func @transform_3(%arg0: i32) -> (i32, i32) {
    %c0_i32 = arith.constant 0 : i32
    %c0_i32_0 = arith.constant 0 : i32
    %c0_i32_1 = arith.constant 0 : i32
    return %c0_i32, %c0_i32_0 : i32, i32
  }
  func.func @transform_4(%arg0: i32) -> (i32, i32) {
    %c0_i32 = arith.constant 0 : i32
    %c0_i32_0 = arith.constant 0 : i32
    return %arg0, %c0_i32 : i32, i32
  }
  func.func @transform_5(%arg0: i32) -> (i32, i32) {
    %c0_i32 = arith.constant 0 : i32
    %c0_i32_0 = arith.constant 0 : i32
    %c0_i32_1 = arith.constant 0 : i32
    return %c0_i32, %c0_i32_0 : i32, i32
  }
  func.func @transform_6(%arg0: i32) -> (i32, i32) {
    %c0_i32 = arith.constant 0 : i32
    %c0_i32_0 = arith.constant 0 : i32
    return %arg0, %c0_i32 : i32, i32
  }
  func.func @transform_7(%arg0: i32) -> (i32, i32) {
    %c0_i32 = arith.constant 0 : i32
    %c0_i32_0 = arith.constant 0 : i32
    %c0_i32_1 = arith.constant 0 : i32
    return %c0_i32, %c0_i32_0 : i32, i32
  }
}

</mosaic_0001>

<sc_bundles>
// kernel: kernel.6.cloned.1.call-start
scs
__scs_entry_jumppad:
0x0: {  	(pc) =	sbr.rel $0x88, $3  }
0x1: {  	(tag) =	ssettag $0x0;
	lr =	simm.s32 $0x1  }
0x2: {  	[smem:$0x3F97] =	sst lr;
	_ =	strace $0xD0000000  }
0x3: {  	_ = 	snop  }
0x4: {  	_ = 	snop  }
0x5: {  	_ = 	snop  }
0x6: {  	_ = 	snop  }
0x7: {  	_ = 	snop  }
__scs_overlays_trampoline_lowered:
0x8: {  	[smem:$0x3FA6] =	sst s0  }
0x9: {  	[smem:$0x3FA7] =	sst s1  }
0xa: {  	[smem:$0x3FA8] =	sst s2  }
0xb: {  	[smem:$0x3FA9] =	sst s3  }
0xc: {  	[smem:$0x3FAA] =	sst s4  }
0xd: {  	[smem:$0x3FAB] =	sst s5  }
0xe: {  	[smem:$0x3FAC] =	sst s6  }
0xf: {  	[smem:$0x3FAD] =	sst s7  }
0x10: {  	[smem:$0x3FAE] =	sst s8  }
0x11: {  	[smem:$0x3FAF] =	sst s9;
	s0 =	simm.s32 @!p0 $0x0  }
0x12: {  	s1 =	sld [smem:$0x3F95];
	s0 =	simm.s32 @p0 $0x1  }
0x13: {  	[smem:$0x3FB0] =	sst s0;
	s0 =	simm.s32 @!p1 $0x0  }
0x14: {  	s2 =	sld [smem:$0x3F94];
	s0 =	simm.s32 @p1 $0x1  }
0x15: {  	[smem:$0x3FB1] =	sst s0;
	s0 =	simm.s32 @!p2 $0x0  }
0x16: {  	s3 =	sld [smem:$0x3FDB];
	s0 =	simm.s32 @p2 $0x1  }
0x17: {  	s4 =	simm.s32 $0x1BF5;
	[smem:$0x3FB3] =	sst s0  }
0x18: {  	s0 =	sld [smem:$0x3F96];
	_ =	swait.ge [sflag:s4], $0x0  }
0x19: {  	s7 =	sld [smem:$0x3F97]  }
0x1a: {  	s8 =	sadd.s32 $0xFFFFE003, lr  }
0x1b: {  	s9 =	sadd.s32 $0xFFFFFEF7, lr;
	s5 =	simm.s32 $0xFFFFFFFF;
	p2 =	slt.u32 s8, $0xFFFFF086  }
0x1c: {  	p1 =	slt.u32 s9, $0xF7A;
	s5 =	simm.s32 @!p2 $0x0  }
0x1d: {  	s5 =	simm.s32 @p1 $0x1;
	p0 =	seq.s32 s7, s2  }
0x1e: {  	s7 =	smul.u32 @!p0 $0xF7A, s2;
	p2 =	seq.s32 @!p0 s5, $0x0  }
0x1f: {  	s9 =	smul.u32 $0xF7A, s1;
	s8 =	simm.s32 @!p0 $0x1BF5;
	p2 =	por !p2, p0  }
0x20: {  	[sflag:s8] =	ssyncset.s32 @!p0 $0xFFFFF086;
	s6 =	sadd.s32 @!p0 s3, s7;
	s7 =	simm.s32 @!p0 $0x108  }
0x21: {  	s3 =	sadd.s32 s3, s9;
	s6 =	sadd.s32 @!p0 $0x88, s6;
	s7 =	simm.s32 @p2 $0x1082  }
0x22: {  	[simem:s7], [sflag:s8] =	dma.local @!p0 [hbm:s6], $0xF7A  }
0x23: {  	s9 =	sor.u32 $0xD0000000, s2;
	s6 =	simm.s32 $0x108;
	_ =	swait.ge @!p0 [sflag:s8], $0x0  }
0x24: {  	s3 =	sadd.s32 $0x88, s3;
	s6 =	simm.s32 @!p1 $0x1082;
	[sflag:s4] =	ssyncset.s32 $0xFFFFF086  }
0x25: {  	[simem:s6], [sflag:s4] =	dma.local [hbm:s3], $0xF7A  }
0x26: {  	[smem:$0x3F97] =	sst s1;
	(tag) =	ssettag s2;
	_ =	strace s9  }
0x27: {  	s1 =	sld [smem:$0x3FA7]  }
0x28: {  	s2 =	sld [smem:$0x3FA8]  }
0x29: {  	s4 =	sld [smem:$0x3FAA]  }
0x2a: {  	p0 =	seq.s32 s5, $0x0;
	s5 =	sld [smem:$0x3FAB]  }
0x2b: {  	s6 =	sld [smem:$0x3FAC]  }
0x2c: {  	s7 =	sld [smem:$0x3FAD]  }
0x2d: {  	s3 =	simm.s32 $0x108;
	s8 =	sld [smem:$0x3FAE]  }
0x2e: {  	s3 =	simm.s32 @!p0 $0x1082;
	s9 =	sld [smem:$0x3FAF]  }
0x2f: {  	lr =	sadd.s32 s0, s3;
	s0 =	sld [smem:$0x3FA6]  }
0x30: {  	s3 =	sld [smem:$0x3FA9]  }
0x31: {  	[smem:$0x3FB2] =	sst s10  }
0x32: {  	s10 =	sld [smem:$0x3FB0];
	_ =	sdelay $0x3  }
0x33: {  	p0 =	seq.s32 s10, $0x1;
	s10 =	sld [smem:$0x3FB2];
	_ =	sdelay $0x3  }
0x34: {  	[smem:$0x3FB2] =	sst s10  }
0x35: {  	s10 =	sld [smem:$0x3FB1];
	_ =	sdelay $0x3  }
0x36: {  	p1 =	seq.s32 s10, $0x1;
	s10 =	sld [smem:$0x3FB2];
	_ =	sdelay $0x3  }
0x37: {  	[smem:$0x3FB2] =	sst s10  }
0x38: {  	s10 =	sld [smem:$0x3FB3]  }
0x39: {  	_ = 	snop;
	(pc) =	sbr.ind lr, $3  }
0x3a: {  	_ = 	snop  }
0x3b: {  	_ = 	snop  }
0x3c: {  	p2 =	seq.s32 s10, $0x1;
	s10 =	sld [smem:$0x3FB2]  }
0x3d: {  	_ =	shalt  }
0x3e: {  	_ =	shalt  }
0x3f: {  	_ =	shalt  }
0x40: {  	_ =	shalt  }
0x41: {  	_ =	shalt  }
0x42: {  	_ =	shalt  }
0x43: {  	_ =	shalt  }
0x44: {  	_ =	shalt  }
0x45: {  	_ =	shalt  }
0x46: {  	_ =	shalt  }
0x47: {  	_ =	shalt  }
0x48: {  	_ =	shalt  }
0x49: {  	_ =	shalt  }
0x4a: {  	_ =	shalt  }
0x4b: {  	_ =	shalt  }
0x4c: {  	_ =	shalt  }
0x4d: {  	_ =	shalt  }
0x4e: {  	_ =	shalt  }
0x4f: {  	_ =	shalt  }
0x50: {  	_ =	shalt  }
0x51: {  	_ =	shalt  }
0x52: {  	_ =	shalt  }
0x53: {  	_ =	shalt  }
0x54: {  	_ =	shalt  }
0x55: {  	_ =	shalt  }
0x56: {  	_ =	shalt  }
0x57: {  	_ =	shalt  }
0x58: {  	_ =	shalt  }
0x59: {  	_ =	shalt  }
0x5a: {  	_ =	shalt  }
0x5b: {  	_ =	shalt  }
0x5c: {  	_ =	shalt  }
0x5d: {  	_ =	shalt  }
0x5e: {  	_ =	shalt  }
0x5f: {  	_ =	shalt  }
0x60: {  	_ =	shalt  }
0x61: {  	_ =	shalt  }
0x62: {  	_ =	shalt  }
0x63: {  	_ =	shalt  }
0x64: {  	_ =	shalt  }
0x65: {  	_ =	shalt  }
0x66: {  	_ =	shalt  }
0x67: {  	_ =	shalt  }
0x68: {  	_ =	shalt  }
0x69: {  	_ =	shalt  }
0x6a: {  	_ =	shalt  }
0x6b: {  	_ =	shalt  }
0x6c: {  	_ =	shalt  }
0x6d: {  	_ =	shalt  }
0x6e: {  	_ =	shalt  }
0x6f: {  	_ =	shalt  }
0x70: {  	_ =	shalt  }
0x71: {  	_ =	shalt  }
0x72: {  	_ =	shalt  }
0x73: {  	_ =	shalt  }
0x74: {  	_ =	shalt  }
0x75: {  	_ =	shalt  }
0x76: {  	_ =	shalt  }
0x77: {  	_ =	shalt  }
0x78: {  	_ =	shalt  }
0x79: {  	_ =	shalt  }
0x7a: {  	_ =	shalt  }
0x7b: {  	_ =	shalt  }
0x7c: {  	_ =	shalt  }
0x7d: {  	_ =	shalt  }
0x7e: {  	_ =	shalt  }
0x7f: {  	_ =	shalt  }
0x80: {  	_ =	shalt  }
0x81: {  	_ =	shalt  }
0x82: {  	_ =	shalt  }
0x83: {  	_ =	shalt  }
0x84: {  	_ =	shalt  }
0x85: {  	_ =	shalt  }
0x86: {  	_ =	shalt  }
0x87: {  	_ =	shalt  }
.Lfunc_end0:
.L_simem_size_0:
called_computation_lowered:
.L_overlay_start_0:
0x88: {  	s2 =	sld [smem:$0x3FD9]  }
0x89: {  	s3 =	sld [smem:$0x3FFE];
	_ =	sdelay $0x1  }
0x8a: {  	s1 =	srdreg.scid  }
0x8b: {  	s0 =	sand.u32 $0x1, s1  }
0x8c: {  	s14 =	sshll.u32 s0, $0xA;
	s2 =	sadd.s32 s3, s2  }
0x8d: {  	s2 =	sadd.s32 s2, s14  }
0x8e: {  	[smem:$0x3FBE] =	sst s2  }
0x8f: {  	_ = 	snop  }
0x90: {  	s2 =	sld [smem:$0x3FD0];
	_ =	sdelay $0x2  }
0x91: {  	s4 =	simm.s32 $0xA;
	s5 =	simm.s32 $0x10;
	s15 =	sld [smem:$0x3FC9]  }
0x92: {  	[smem:s5], [sflag:s4] =	dma.local [hbm:s2], $0x1  }
0x93: {  	_ =	swait.eq [sflag:s4], $0x1  }
0x94: {  	s16 =	sld [smem:$0x10];
	[sflag:s4] =	ssyncset.done $0x0  }
0x95: {  	s17 =	sld [smem:$0x11];
	[sflag:s4] =	ssyncadd.s32 $0xFFFFFFFF  }
0x96: {  	s18 =	sld [smem:$0x12];
	(tm) =	ssettm $0x1  }
0x97: {  	s6 =	sld [smem:$0x3FFB];
	_ =	sdelay $0x3  }
0x98: {  	_ =	strace s6  }
0x99: {  	s6 =	sld [smem:$0x3FFC];
	_ =	sdelay $0x3  }
0x9a: {  	_ =	strace s6  }
0x9b: {  	s6 =	sld [smem:$0x3FFD];
	_ =	sdelay $0x3  }
0x9c: {  	_ =	strace s6  }
0x9d: {  	_ =	strace $0x8FFFFFFF  }
0x9e: {  	s19 =	sld [smem:$0x3FDB];
	_ =	sdelay $0x1  }
0x9f: {  	s7 =	simm.s32 $_scs_section_size  }
0xa0: {  	s8 =	simm.s32 $_size__tile_overlayer_lowered;
	s9 =	simm.s32 $_tile_overlayer_lowered  }
0xa1: {  	s22 =	simm.s32 $0x1BFF;
	s21 =	sshll.u32 s9, $0x1;
	s6 =	sadd.s32 s7, s19  }
0xa2: {  	s10 =	simm.s32 $0x0;
	s20 =	sshll.u32 s8, $0x1;
	s8 =	sadd.s32 s21, s6  }
0xa3: {  	[timem:s10], [sflag:s22] =	dma.local [hbm:s8], s20  }
0xa4: {  	_ =	swait.ge [sflag:s22], s20  }
0xa5: {  	s7 =	ssub.s32 $0x0, s20;
	[sflag:s22] =	ssyncset.done $0x0  }
0xa6: {  	[sflag:s22] =	ssyncadd.s32 s7;
	_ =	sdelay $0x1  }
0xa7: {  	s23 =	simm.s32 $0x1B8B  }
0xa8: {  	_ =	swait.ge [sflag:s23], $0x1  }
0xa9: {  	[sflag:s23] =	ssyncset.done $0x0  }
0xaa: {  	s25 =	simm.s32 $0x1B8E;
	s24 =	sld [smem:$0x3FFE];
	[sflag:s23] =	ssyncadd.s32 $0xFFFFFFFF  }
0xab: {  	s26 =	simm.s32 $execute0_lowered;
	[smem:$0x3FD2] =	sst s25  }
0xac: {  	s8 =	sshll.u32 s26, $0x1;
	_ =	strace $0x80000046;
	[dreg:$0x1] =	wrdreg $0xFFFFFFFF  }
0xad: {  	s28 =	simm.s32 $_size_execute0_lowered;
	s6 =	sadd.s32 s6, s8;
	[dreg:$0x0] =	wrdreg $0x0  }
0xae: {  	s8 =	sshll.u32 s28, $0x1;
	[dreg:$0x2] =	wrdreg s6  }
0xaf: {  	[dreg:$0x3] =	wrdreg s8  }
0xb0: {  	[dreg:$0x4] =	wrdreg $0xC0  }
0xb1: {  	_ =	task [dreg:s10], $0x5FFFF  }
0xb2: {  	[dreg:$0x1] =	wrdreg $0xFFFFFFFF  }
0xb3: {  	[dreg:$0x0] =	wrdreg $0x60  }
0xb4: {  	[dreg:$0x2] =	wrdreg s15  }
0xb5: {  	[dreg:$0x3] =	wrdreg s16  }
0xb6: {  	[dreg:$0x4] =	wrdreg s17  }
0xb7: {  	[dreg:$0x5] =	wrdreg s24  }
0xb8: {  	[dreg:$0x6] =	wrdreg s18  }
0xb9: {  	[dreg:$0x7] =	wrdreg $0x63800  }
0xba: {  	[dreg:$0x8] =	wrdreg $0x1F3800  }
0xbb: {  	[dreg:$0x9] =	wrdreg $0x9  }
0xbc: {  	_ =	task.clear_ibuf [dreg:s10], $0xAFFFF;
	_ =	strace $0x90000046  }
0xbd: {  	s29 =	simm.s32 $0x9;
	_ =	strace $0x80000048  }
0xbe: {  	_ =	swait.ge [sflag:s29], $0x1  }
0xbf: {  	[sflag:s29] =	ssyncadd.s32 $0xFFFFFFFF  }
0xc0: {  	_ =	strace $0x90000048  }
0xc1: {  	_ =	sfence  }
0xc2: {  	s30 =	sld [smem:$0x0];
	_ =	sdelay $0x2  }
0xc3: {  	s31 =	sshll.u32 s1, $0xD;
	s1 =	sshrl.u32 s1, $0x2  }
0xc4: {  	s3 =	sand.u32 $0x4000, s31;
	s1 =	sadd.s32 s1, s30  }
0xc5: {  	s0 =	sor.u32 s3, s0;
	s1 =	sshll.u32 s1, $0x11  }
0xc6: {  	s0 =	sor.u32 s1, s0  }
0xc7: {  	s0 =	sadd.s32 $0x8F2B, s0  }
0xc8: {  	[sflag:s0] =	ssyncadd.remote.s32 $0x1  }
0xc9: {  	_ =	sfence.sel $0xFFFF  }
0xca: {  	[dreg:$0x0] =	wrdreg $0xFFFFFFFF;
	(pc) =	sbr.abs _section_cstart, $3  }
0xcb: {  	[dreg:$0x1] =	wrdreg $0xFFFFFFFF  }
0xcc: {  	_ =	task.clear_ibuf [dreg:s10], $0x2FFFF;
	_ =	strace $0x9FFFFFFF  }
0xcd: {  	(tm) =	ssettm $0x7FFFFFFF  }
tec
execute0_lowered:
.L_overlay_start_1:
0x0: {  	(tag) =	ssettag $0x1  }
0x1: {  	s0 =	rddreg [dreg:$0x0]  }
0x2: {  	s1 =	rddreg [dreg:$0x1]  }
0x3: {  	s3 =	rddreg [dreg:$0x2]  }
0x4: {  	s6 =	rddreg [dreg:$0x3]  }
0x5: {  	s7 =	rddreg [dreg:$0x4]  }
0x6: {  	s2 =	rddreg [dreg:$0x5]  }
0x7: {  	s4 =	rddreg [dreg:$0x6];
	s5 =	simm.s32 $0x0;
	s16 =	stileid.u32  }
0x8: {  	s8 =	srdreg.scid;
	s28 =	simm.s32 $0x5C80;
	s9 =	smul.u32 $0x64000, s16  }
0x9: {  	s29 =	simm.s32 $0x400;
	s30 =	simm.s32 $0x440;
	s31 =	simm.s32 $0x480  }
0xa: {  	[smem:$0x7FF] =	sst s5;
	s8 =	sand.u32 $0x1, s8;
	s9 =	sshrl.u32 s9, $0x2  }
0xb: {  	s10 =	sadd.s32 $0x1200, s6;
	s26 =	smul.u32 $0xC80, s16;
	s19 =	sadd.s32 s9, s2  }
0xc: {  	_ =	strace $0x80000047;
	s9 =	sadd.s32 $0x1400, s19;
	[dreg:$0x8] =	wrdreg s19  }
0xd: {  	s11 =	ssub.s32 $0x2, s8;
	s21 =	sadd.s32 $0x2800, s19;
	[dreg:$0x9] =	wrdreg s9  }
0xe: {  	s6 =	smul.u32 $0x6200, s8;
	s22 =	sadd.s32 $0x3C00, s19;
	[dreg:$0xa] =	wrdreg s21  }
0xf: {  	s12 =	sshrl.u32 s11, $0x1;
	s23 =	sadd.s32 $0x5000, s19;
	[dreg:$0xb] =	wrdreg s22  }
0x10: {  	s8 =	ssub.s32 s11, s12;
	s24 =	sadd.s32 $0x6400, s19;
	[dreg:$0xc] =	wrdreg s23  }
0x11: {  	s15 =	sadd.s32 $0x3100, s6;
	s12 =	sadd.s32 $0xB400, s19;
	[dreg:$0xd] =	wrdreg s24  }
0x12: {  	s9 =	smul.u32 $0x310, s16;
	s23 =	sadd.s32 $0x7800, s19;
	[dreg:$0x19] =	wrdreg s12  }
0x13: {  	s21 =	smul.u32 $0x620, s16;
	s24 =	sadd.s32 $0x8C00, s19;
	[dreg:$0x12] =	wrdreg s23  }
0x14: {  	s22 =	smul.u32 $0x62000, s16;
	s16 =	sadd.s32 $0xF000, s19;
	[dreg:$0x13] =	wrdreg s24  }
0x15: {  	s12 =	simm.s32 $0x540;
	[dreg:$0x1c] =	wrdreg s16;
	s23 =	sadd.s32 $0x14000, s19  }
0x16: {  	s24 =	sadd.s32 $0x15400, s19;
	s16 =	simm.s32 $0x700;
	s25 =	sadd.s32 s9, s6  }
0x17: {  	s14 =	sadd.s32 s9, s15;
	s17 =	sadd.s32 s21, s1;
	[smem:$0x7FA] =	sst s23  }
0x18: {  	s9 =	sadd.s32 s9, s4;
	[smem:$0x7FB] =	sst s24;
	s13 =	sshll.u32 s25, $0x4  }
0x19: {  	s11 =	sshrl.u32 s25, $0x3;
	s18 =	sshll.u32 s14, $0x4;
	s20 =	sshrl.u32 s14, $0x3  }
0x1a: {  	s25 =	sshrl.u32 s26, $0x2;
	[dreg:$0x16] =	wrdreg s9;
	s14 =	sadd.s32 $0xDC00, s19  }
0x1b: {  	s26 =	sshrl.u32 s22, $0x2;
	s22 =	sadd.s32 $0x12C00, s19;
	[dreg:$0x1b] =	wrdreg s14  }
0x1c: {  	s23 =	simm.s32 $0x380;
	s13 =	sadd.s32 s10, s13;
	[dreg:$0x1f] =	wrdreg s22  }
0x1d: {  	v0 =	vmov s6;
	s6 =	simm.s32 $0x600;
	s10 =	sadd.s32 s10, s18;
	[dreg:$0xe] =	wrdreg s13  }
0x1e: {  	v1 =	vmov s15;
	s15 =	simm.s32 $0x0;
	s11 =	sadd.s32 s7, s11;
	[dreg:$0xf] =	wrdreg s10  }
0x1f: {  	s7 =	sadd.s32 s7, s20;
	s18 =	sadd.s32 s21, s3;
	[dreg:$0x10] =	wrdreg s11  }
0x20: {  	s1 =	sadd.s32 s25, s4;
	s20 =	sadd.s32 $0x10400, s19;
	[dreg:$0x11] =	wrdreg s7  }
0x21: {  	s21 =	sadd.s32 $0x11800, s19;
	s25 =	sadd.s32 $0x16800, s19;
	[dreg:$0x14] =	wrdreg s1  }
0x22: {  	s22 =	simm.s32 $0x4;
	s3 =	simm.s32 $0x500;
	[dreg:$0x1d] =	wrdreg s20  }
0x23: {  	s14 =	simm.s32 $0x5C0;
	s7 =	sadd.s32 s26, s2;
	[dreg:$0x1e] =	wrdreg s21  }
0x24: {  	s10 =	smax.u32 s8, $0x1;
	s11 =	sadd.s32 $0xA000, s19;
	[smem:$0x7FC] =	sst s25  }
0x25: {  	s13 =	sadd.s32 $0xC800, s19;
	s26 =	sadd.s32 $0x17C00, s19;
	[dreg:$0x15] =	wrdreg s7  }
0x26: {  	s21 =	simm.s32 $0x5;
	s8 =	simm.s32 $0x780;
	[dreg:$0x17] =	wrdreg s10  }
0x27: {  	s19 =	simm.s32 $0x4800;
	s20 =	simm.s32 $0x3;
	[dreg:$0x18] =	wrdreg s11  }
0x28: {  	s25 =	simm.s32 $0x2;
	s1 =	simm.s32 $0x4C0;
	[dreg:$0x1a] =	wrdreg s13  }
0x29: {  	[smem:$0x7FD] =	sst s26;
	s7 =	simm.s32 $0x40;
	s10 =	simm.s32 $0x2800  }
0x2a: {  	v2 =	vimm.f32 $0.0e+00;
	v3 =	vimm.f32 $1.000000000e+00;
	s11 =	simm.s32 $0x1;
	s26 =	simm.s32 $0x2780;
	s13 =	simm.s32 $0x580  }
.LBB2_1:
0x2b: {  	s9 =	simm.s32 $0x0;
	s24 =	simm.s32 $0x200  }
.LBB2_2:
0x2c: {  	p0 =	sne.s32 s24, $0x4E00;
	[tilespmem:s9+$0x48F0] =	vst v2  }
0x2d: {  	[tilespmem:s9+$0x4880] =	vst v2  }
0x2e: {  	[tilespmem:s9+$0x4890] =	vst v2  }
.Ltmp0:
0x2f: {  	[tilespmem:s9+$0x48A0] =	vst v2;
	(pc) =	sbr.rel @p0 .LBB2_2-.Ltmp0, $4  }
0x30: {  	[tilespmem:s9+$0x48B0] =	vst v2  }
0x31: {  	[tilespmem:s9+$0x48C0] =	vst v2  }
0x32: {  	[tilespmem:s9+$0x48D0] =	vst v2  }
0x33: {  	[tilespmem:s9+$0x48E0] =	vst v2;
	s9 =	sshra.s32 s24, $0x2;
	s24 =	sadd.s32 $0x200, s24  }
0x34: {  	[tilespmem:s9+$0x48F0] =	vst v2  }
0x35: {  	[tilespmem:s9+$0x4880] =	vst v2  }
0x36: {  	[tilespmem:s9+$0x4890] =	vst v2  }
0x37: {  	[tilespmem:s9+$0x48A0] =	vst v2  }
0x38: {  	[tilespmem:s9+$0x48B0] =	vst v2  }
0x39: {  	[tilespmem:s9+$0x48C0] =	vst v2  }
0x3a: {  	[tilespmem:s9+$0x48D0] =	vst v2  }
0x3b: {  	[smem:$0x7F9] =	sst s15;
	[tilespmem:s9+$0x48E0] =	vst v2;
	s9 =	simm.s32 $0x40;
	s24 =	simm.s32 $0x0  }
.LBB2_4:
0x3c: {  	p0 =	sne.s32 s9, $0xC40;
	[tilespmem:s24+$0x5C80] =	vst v2;
	s24 =	smov.u32 s9;
	s9 =	sadd.s32 $0x40, s9  }
.Ltmp1:
0x3d: {  	(pc) =	sbr.rel @p0 .LBB2_4-.Ltmp1, $2  }
0x3e: {  	_ =	sdelay $0x2  }
0x3f: {  	s24 =	sshra.s32 s24, $0x2  }
0x40: {  	[tilespmem:s24+$0x5C80] =	vst v2  }
0x41: {  	[tilespmem:$0x4800] =	vst v3  }
0x42: {  	[tilespmem:$0x4810] =	vst v3  }
0x43: {  	[tilespmem:$0x4820] =	vst v3  }
0x44: {  	s9 =	rddreg [dreg:$0x8];
	s24 =	simm.s32 $0x4880;
	[tilespmem:$0x4830] =	vst v3  }
0x45: {  	[spmem:s9] =	stream.linear.scatter [tilespmem:s24], [sflag:$0x5], $0x1400, $0x38;
	[tilespmem:$0x1F6A0] =	vst v63  }
0x46: {  	_ =	swait.ge [sflag:s21], $0x1400  }
0x47: {  	[sflag:s21] =	ssyncset.done $0x0  }
0x48: {  	s15 =	rddreg [dreg:$0x9];
	[sflag:s21] =	ssyncadd.s32 $0xFFFFEC00  }
0x49: {  	[spmem:s15] =	stream.linear.scatter [tilespmem:s24], [sflag:$0x5], $0x1400, $0x38;
	[tilespmem:$0x1F6A0] =	vst v63  }
0x4a: {  	_ =	swait.ge [sflag:s21], $0x1400  }
0x4b: {  	[sflag:s21] =	ssyncset.done $0x0  }
0x4c: {  	s15 =	rddreg [dreg:$0xa];
	[sflag:s21] =	ssyncadd.s32 $0xFFFFEC00  }
0x4d: {  	[spmem:s15] =	stream.linear.scatter [tilespmem:s24], [sflag:$0x5], $0x1400, $0x38;
	[tilespmem:$0x1F6A0] =	vst v63  }
0x4e: {  	_ =	swait.ge [sflag:s21], $0x1400  }
0x4f: {  	[sflag:s21] =	ssyncset.done $0x0  }
0x50: {  	s15 =	rddreg [dreg:$0xb];
	[sflag:s21] =	ssyncadd.s32 $0xFFFFEC00  }
0x51: {  	[spmem:s15] =	stream.linear.scatter [tilespmem:s24], [sflag:$0x5], $0x1400, $0x38;
	[tilespmem:$0x1F6A0] =	vst v63  }
0x52: {  	_ =	swait.ge [sflag:s21], $0x1400  }
0x53: {  	[sflag:s21] =	ssyncset.done $0x0  }
0x54: {  	s15 =	rddreg [dreg:$0xc];
	[sflag:s21] =	ssyncadd.s32 $0xFFFFEC00  }
0x55: {  	[spmem:s15] =	stream.linear.scatter [tilespmem:s24], [sflag:$0x5], $0x1400, $0x38;
	[tilespmem:$0x1F6A0] =	vst v63  }
0x56: {  	_ =	swait.ge [sflag:s21], $0x1400  }
0x57: {  	[sflag:s21] =	ssyncset.done $0x0  }
0x58: {  	s15 =	rddreg [dreg:$0xd];
	[sflag:s21] =	ssyncadd.s32 $0xFFFFEC00  }
0x59: {  	[spmem:s15] =	stream.linear.scatter [tilespmem:s24], [sflag:$0x5], $0x1400, $0x38;
	[tilespmem:$0x1F6A0] =	vst v63  }
0x5a: {  	_ =	swait.ge [sflag:s21], $0x1400  }
0x5b: {  	[sflag:s21] =	ssyncset.done $0x0  }
0x5c: {  	s15 =	rddreg [dreg:$0x12];
	[sflag:s21] =	ssyncadd.s32 $0xFFFFEC00  }
0x5d: {  	[spmem:s15] =	stream.linear.scatter [tilespmem:s24], [sflag:$0x5], $0x1400, $0x38;
	[tilespmem:$0x1F6A0] =	vst v63  }
0x5e: {  	_ =	swait.ge [sflag:s21], $0x1400  }
0x5f: {  	[sflag:s21] =	ssyncset.done $0x0  }
0x60: {  	s15 =	rddreg [dreg:$0x13];
	[sflag:s21] =	ssyncadd.s32 $0xFFFFEC00  }
0x61: {  	[spmem:s15] =	stream.linear.scatter [tilespmem:s24], [sflag:$0x5], $0x1400, $0x38;
	[tilespmem:$0x1F6A0] =	vst v63  }
0x62: {  	_ =	swait.ge [sflag:s21], $0x1400  }
0x63: {  	[sflag:s21] =	ssyncset.done $0x0  }
0x64: {  	s15 =	rddreg [dreg:$0x18];
	[sflag:s21] =	ssyncadd.s32 $0xFFFFEC00  }
0x65: {  	[spmem:s15] =	stream.linear.scatter [tilespmem:s24], [sflag:$0x5], $0x1400, $0x38;
	[tilespmem:$0x1F6A0] =	vst v63  }
0x66: {  	_ =	swait.ge [sflag:s21], $0x1400  }
0x67: {  	[sflag:s21] =	ssyncset.done $0x0  }
0x68: {  	s15 =	rddreg [dreg:$0x19];
	[sflag:s21] =	ssyncadd.s32 $0xFFFFEC00  }
0x69: {  	[spmem:s15] =	stream.linear.scatter [tilespmem:s24], [sflag:$0x5], $0x1400, $0x38;
	[tilespmem:$0x1F6A0] =	vst v63  }
0x6a: {  	_ =	swait.ge [sflag:s21], $0x1400  }
0x6b: {  	[sflag:s21] =	ssyncset.done $0x0  }
0x6c: {  	s15 =	rddreg [dreg:$0x1a];
	[sflag:s21] =	ssyncadd.s32 $0xFFFFEC00  }
0x6d: {  	[spmem:s15] =	stream.linear.scatter [tilespmem:s24], [sflag:$0x5], $0x1400, $0x38;
	[tilespmem:$0x1F6A0] =	vst v63  }
0x6e: {  	_ =	swait.ge [sflag:s21], $0x1400  }
0x6f: {  	[sflag:s21] =	ssyncset.done $0x0  }
0x70: {  	s15 =	rddreg [dreg:$0x1b];
	[sflag:s21] =	ssyncadd.s32 $0xFFFFEC00  }
0x71: {  	[spmem:s15] =	stream.linear.scatter [tilespmem:s24], [sflag:$0x5], $0x1400, $0x38;
	[tilespmem:$0x1F6A0] =	vst v63  }
0x72: {  	_ =	swait.ge [sflag:s21], $0x1400  }
0x73: {  	[sflag:s21] =	ssyncset.done $0x0  }
0x74: {  	s15 =	rddreg [dreg:$0x1c];
	[sflag:s21] =	ssyncadd.s32 $0xFFFFEC00  }
0x75: {  	[spmem:s15] =	stream.linear.scatter [tilespmem:s24], [sflag:$0x5], $0x1400, $0x38;
	[tilespmem:$0x1F6A0] =	vst v63  }
0x76: {  	_ =	swait.ge [sflag:s21], $0x1400  }
0x77: {  	[sflag:s21] =	ssyncset.done $0x0  }
0x78: {  	s15 =	rddreg [dreg:$0x1d];
	[sflag:s21] =	ssyncadd.s32 $0xFFFFEC00  }
0x79: {  	[spmem:s15] =	stream.linear.scatter [tilespmem:s24], [sflag:$0x5], $0x1400, $0x38;
	[tilespmem:$0x1F6A0] =	vst v63  }
0x7a: {  	_ =	swait.ge [sflag:s21], $0x1400  }
0x7b: {  	[sflag:s21] =	ssyncset.done $0x0  }
0x7c: {  	s15 =	rddreg [dreg:$0x1e];
	[sflag:s21] =	ssyncadd.s32 $0xFFFFEC00  }
0x7d: {  	[spmem:s15] =	stream.linear.scatter [tilespmem:s24], [sflag:$0x5], $0x1400, $0x38;
	[tilespmem:$0x1F6A0] =	vst v63  }
0x7e: {  	_ =	swait.ge [sflag:s21], $0x1400  }
0x7f: {  	[sflag:s21] =	ssyncset.done $0x0  }
0x80: {  	s15 =	rddreg [dreg:$0x1f];
	[sflag:s21] =	ssyncadd.s32 $0xFFFFEC00  }
0x81: {  	[spmem:s15] =	stream.linear.scatter [tilespmem:s24], [sflag:$0x5], $0x1400, $0x38;
	[tilespmem:$0x1F6A0] =	vst v63  }
0x82: {  	_ =	swait.ge [sflag:s21], $0x1400  }
0x83: {  	s15 =	sld [smem:$0x7FA]  }
0x84: {  	[sflag:s21] =	ssyncset.done $0x0  }
0x85: {  	[sflag:s21] =	ssyncadd.s32 $0xFFFFEC00  }
0x86: {  	[spmem:s15] =	stream.linear.scatter [tilespmem:s24], [sflag:$0x5], $0x1400, $0x38;
	[tilespmem:$0x1F6A0] =	vst v63  }
0x87: {  	_ =	swait.ge [sflag:s21], $0x1400  }
0x88: {  	s15 =	sld [smem:$0x7FB]  }
0x89: {  	[sflag:s21] =	ssyncset.done $0x0  }
0x8a: {  	[sflag:s21] =	ssyncadd.s32 $0xFFFFEC00  }
0x8b: {  	[spmem:s15] =	stream.linear.scatter [tilespmem:s24], [sflag:$0x5], $0x1400, $0x38;
	[tilespmem:$0x1F6A0] =	vst v63  }
0x8c: {  	_ =	swait.ge [sflag:s21], $0x1400  }
0x8d: {  	s15 =	sld [smem:$0x7FC]  }
0x8e: {  	[sflag:s21] =	ssyncset.done $0x0  }
0x8f: {  	[sflag:s21] =	ssyncadd.s32 $0xFFFFEC00  }
0x90: {  	[spmem:s15] =	stream.linear.scatter [tilespmem:s24], [sflag:$0x5], $0x1400, $0x38;
	[tilespmem:$0x1F6A0] =	vst v63  }
0x91: {  	_ =	swait.ge [sflag:s21], $0x1400  }
0x92: {  	s15 =	sld [smem:$0x7FD]  }
0x93: {  	[sflag:s21] =	ssyncset.done $0x0  }
0x94: {  	[sflag:s21] =	ssyncadd.s32 $0xFFFFEC00  }
0x95: {  	[spmem:s15] =	stream.linear.scatter [tilespmem:s24], [sflag:$0x5], $0x1400, $0x38;
	[tilespmem:$0x1F6A0] =	vst v63  }
0x96: {  	_ =	swait.ge [sflag:s21], $0x1400  }
0x97: {  	[sflag:s21] =	ssyncset.done $0x0  }
0x98: {  	s24 =	rddreg [dreg:$0x14];
	[sflag:s21] =	ssyncadd.s32 $0xFFFFEC00  }
0x99: {  	[spmem:s24] =	stream.linear.scatter [tilespmem:s28], [sflag:$0x5], $0x320, $0x38;
	[tilespmem:$0x1F6A0] =	vst v63  }
0x9a: {  	_ =	swait.ge [sflag:s21], $0x320  }
0x9b: {  	[sflag:s21] =	ssyncset.done $0x0  }
0x9c: {  	s9 =	simm.s32 $0x0;
	[sflag:s21] =	ssyncadd.s32 $0xFFFFFCE0  }
0x9d: {  	s15 =	simm.s32 $0x640;
	s28 =	simm.s32 $0x6C0;
	[bflag:$0x0] =	sbarrier.arrive $0xFFFF  }
.LBB2_6:
0x9e: {  	s24 =	sadd.s32 s9, s18  }
0x9f: {  	[tilespmem:s5], [sflag:$0x5] =	stream.linear.gather [hbm4b:s24+s5], $0x380, $0x38;
	[tilespmem:$0x1F6A0] =	vst v63  }
0xa0: {  	_ =	swait.ge [sflag:s21], $0x380  }
0xa1: {  	[sflag:s21] =	ssyncset.done $0x0  }
0xa2: {  	s24 =	sadd.s32 s9, s17;
	[sflag:s21] =	ssyncadd.s32 $0xFFFFFC80  }
0xa3: {  	[tilespmem:s23], [sflag:$0x5] =	stream.linear.gather [hbm4b:s24+s5], $0x380, $0x38;
	[tilespmem:$0x1F6A0] =	vst v63  }
0xa4: {  	_ =	swait.ge [sflag:s21], $0x380  }
0xa5: {  	[sflag:s21] =	ssyncset.done $0x0  }
0xa6: {  	[sflag:s21] =	ssyncadd.s32 $0xFFFFFC80  }
0xa7: {  	v4 =	vld [tilespmem:$0x0]  }
0xa8: {  	v5 =	vld [tilespmem:$0x10]  }
0xa9: {  	v6 =	vld [tilespmem:$0x20]  }
0xaa: {  	v7 =	vld [tilespmem:$0x30];
	_ =	sdelay $0x1  }
0xab: {  	v4 =	vsub.s32 v4, v0  }
0xac: {  	v5 =	vsub.s32 v5, v0;
	v4 =	vmin.u32 v4, $0x3100  }
0xad: {  	[tilespmem:$0x700] =	vst v4;
	v4 =	vmin.u32 v5, $0x3100;
	v5 =	vsub.s32 v6, v0  }
0xae: {  	[tilespmem:$0x710] =	vst v4;
	v4 =	vmin.u32 v5, $0x3100;
	v5 =	vsub.s32 v7, v0  }
0xaf: {  	[tilespmem:$0x720] =	vst v4;
	v4 =	vmin.u32 v5, $0x3100  }
0xb0: {  	[tilespmem:$0x730] =	vst v4  }
0xb1: {  	[tilespmem:s8], [sflag:$0x1] =	stream.indirect.gather [hbm4b:s0+s7], $0x80, s23, s7, $0xb8;
	[tilespmem:$0x1F6A0] =	vst v63  }
0xb2: {  	v4 =	vld [tilespmem:$0x40]  }
0xb3: {  	v5 =	vld [tilespmem:$0x50]  }
0xb4: {  	v38 =	vld [tilespmem:$0x60]  }
0xb5: {  	v39 =	vld [tilespmem:$0x70];
	_ =	sdelay $0x1  }
0xb6: {  	v4 =	vsub.s32 v4, v0  }
0xb7: {  	v5 =	vsub.s32 v5, v0;
	v4 =	vmin.u32 v4, $0x3100  }
0xb8: {  	[tilespmem:$0x2780] =	vst v4;
	v4 =	vmin.u32 v5, $0x3100;
	v5 =	vsub.s32 v38, v0  }
0xb9: {  	[tilespmem:$0x2790] =	vst v4;
	v4 =	vmin.u32 v5, $0x3100;
	v5 =	vsub.s32 v39, v0  }
0xba: {  	[tilespmem:$0x27A0] =	vst v4;
	v4 =	vmin.u32 v5, $0x3100  }
0xbb: {  	s24 =	simm.s32 $0x3C0;
	[tilespmem:$0x27B0] =	vst v4  }
0xbc: {  	[tilespmem:s10], [sflag:$0x2] =	stream.indirect.gather [hbm4b:s0+s7], $0x80, s24, s7, $0xb8;
	[tilespmem:$0x1F6A0] =	vst v63  }
0xbd: {  	_ =	swait.ge [sflag:s11], $0x2000  }
0xbe: {  	[sflag:s11] =	ssyncset.done $0x0  }
0xbf: {  	[sflag:s11] =	ssyncadd.s32 $0xFFFFE000  }
0xc0: {  	[spmem:s2] =	stream.indirect.scatter.add.f32 [tilespmem:s8], [sflag:$0x3], $0x80, s16, s7, $0xb8;
	[tilespmem:$0x1F6A0] =	vst v63  }
0xc1: {  	_ = 	snop  }
0xc2: {  	[spmem:s4] =	stream.indirect.scatter.add.f32 [tilespmem:s19], [sflag:$0x4], $0x1, s16, s7, $0xb8;
	[tilespmem:$0x1F6A0] =	vst v63  }
0xc3: {  	_ =	swait.ge [sflag:s20], $0x2000  }
0xc4: {  	[sflag:s20] =	ssyncset.done $0x0  }
0xc5: {  	[sflag:s20] =	ssyncadd.s32 $0xFFFFE000  }
0xc6: {  	_ =	swait.ge [sflag:s22], $0x40  }
0xc7: {  	[sflag:s22] =	ssyncset.done $0x0  }
0xc8: {  	[sflag:s22] =	ssyncadd.s32 $0xFFFFFFC0  }
0xc9: {  	v4 =	vld [tilespmem:$0x80]  }
0xca: {  	v5 =	vld [tilespmem:$0x90]  }
0xcb: {  	v40 =	vld [tilespmem:$0xA0]  }
0xcc: {  	v41 =	vld [tilespmem:$0xB0];
	_ =	sdelay $0x1  }
0xcd: {  	v4 =	vsub.s32 v4, v0  }
0xce: {  	v5 =	vsub.s32 v5, v0;
	v4 =	vmin.u32 v4, $0x3100  }
0xcf: {  	[tilespmem:$0x700] =	vst v4;
	v4 =	vmin.u32 v5, $0x3100;
	v5 =	vsub.s32 v40, v0  }
0xd0: {  	[tilespmem:$0x710] =	vst v4;
	v4 =	vmin.u32 v5, $0x3100;
	v5 =	vsub.s32 v41, v0  }
0xd1: {  	[tilespmem:$0x720] =	vst v4;
	v4 =	vmin.u32 v5, $0x3100  }
0xd2: {  	[tilespmem:$0x730] =	vst v4  }
0xd3: {  	[tilespmem:s8], [sflag:$0x1] =	stream.indirect.gather [hbm4b:s0+s7], $0x80, s29, s7, $0xb8;
	[tilespmem:$0x1F6A0] =	vst v63  }
0xd4: {  	_ =	swait.ge [sflag:s25], $0x2000  }
0xd5: {  	[sflag:s25] =	ssyncset.done $0x0  }
0xd6: {  	[sflag:s25] =	ssyncadd.s32 $0xFFFFE000  }
0xd7: {  	[spmem:s2] =	stream.indirect.scatter.add.f32 [tilespmem:s10], [sflag:$0x3], $0x80, s26, s7, $0xb8;
	[tilespmem:$0x1F6A0] =	vst v63  }
0xd8: {  	_ = 	snop  }
0xd9: {  	[spmem:s4] =	stream.indirect.scatter.add.f32 [tilespmem:s19], [sflag:$0x4], $0x1, s26, s7, $0xb8;
	[tilespmem:$0x1F6A0] =	vst v63  }
0xda: {  	_ =	swait.ge [sflag:s20], $0x2000  }
0xdb: {  	[sflag:s20] =	ssyncset.done $0x0  }
0xdc: {  	[sflag:s20] =	ssyncadd.s32 $0xFFFFE000  }
0xdd: {  	_ =	swait.ge [sflag:s22], $0x40  }
0xde: {  	[sflag:s22] =	ssyncset.done $0x0  }
0xdf: {  	[sflag:s22] =	ssyncadd.s32 $0xFFFFFFC0  }
0xe0: {  	v4 =	vld [tilespmem:$0xC0]  }
0xe1: {  	v5 =	vld [tilespmem:$0xD0]  }
0xe2: {  	v42 =	vld [tilespmem:$0xE0]  }
0xe3: {  	v43 =	vld [tilespmem:$0xF0];
	_ =	sdelay $0x1  }
0xe4: {  	v4 =	vsub.s32 v4, v0  }
0xe5: {  	v5 =	vsub.s32 v5, v0;
	v4 =	vmin.u32 v4, $0x3100  }
0xe6: {  	[tilespmem:$0x2780] =	vst v4;
	v4 =	vmin.u32 v5, $0x3100;
	v5 =	vsub.s32 v42, v0  }
0xe7: {  	[tilespmem:$0x2790] =	vst v4;
	v4 =	vmin.u32 v5, $0x3100;
	v5 =	vsub.s32 v43, v0  }
0xe8: {  	[tilespmem:$0x27A0] =	vst v4;
	v4 =	vmin.u32 v5, $0x3100  }
0xe9: {  	[tilespmem:$0x27B0] =	vst v4  }
0xea: {  	[tilespmem:s10], [sflag:$0x2] =	stream.indirect.gather [hbm4b:s0+s7], $0x80, s30, s7, $0xb8;
	[tilespmem:$0x1F6A0] =	vst v63  }
0xeb: {  	_ =	swait.ge [sflag:s11], $0x2000  }
0xec: {  	[sflag:s11] =	ssyncset.done $0x0  }
0xed: {  	[sflag:s11] =	ssyncadd.s32 $0xFFFFE000  }
0xee: {  	[spmem:s2] =	stream.indirect.scatter.add.f32 [tilespmem:s8], [sflag:$0x3], $0x80, s16, s7, $0xb8;
	[tilespmem:$0x1F6A0] =	vst v63  }
0xef: {  	_ = 	snop  }
0xf0: {  	[spmem:s4] =	stream.indirect.scatter.add.f32 [tilespmem:s19], [sflag:$0x4], $0x1, s16, s7, $0xb8;
	[tilespmem:$0x1F6A0] =	vst v63  }
0xf1: {  	_ =	swait.ge [sflag:s20], $0x2000  }
0xf2: {  	[sflag:s20] =	ssyncset.done $0x0  }
0xf3: {  	[sflag:s20] =	ssyncadd.s32 $0xFFFFE000  }
0xf4: {  	_ =	swait.ge [sflag:s22], $0x40  }
0xf5: {  	[sflag:s22] =	ssyncset.done $0x0  }
0xf6: {  	[sflag:s22] =	ssyncadd.s32 $0xFFFFFFC0  }
0xf7: {  	v4 =	vld [tilespmem:$0x100]  }
0xf8: {  	v5 =	vld [tilespmem:$0x110]  }
0xf9: {  	v44 =	vld [tilespmem:$0x120]  }
0xfa: {  	v45 =	vld [tilespmem:$0x130];
	_ =	sdelay $0x1  }
0xfb: {  	v4 =	vsub.s32 v4, v0  }
0xfc: {  	v5 =	vsub.s32 v5, v0;
	v4 =	vmin.u32 v4, $0x3100  }
0xfd: {  	[tilespmem:$0x700] =	vst v4;
	v4 =	vmin.u32 v5, $0x3100;
	v5 =	vsub.s32 v44, v0  }
0xfe: {  	[tilespmem:$0x710] =	vst v4;
	v4 =	vmin.u32 v5, $0x3100;
	v5 =	vsub.s32 v45, v0  }
0xff: {  	[tilespmem:$0x720] =	vst v4;
	v4 =	vmin.u32 v5, $0x3100  }
0x100: {  	[tilespmem:$0x730] =	vst v4  }
0x101: {  	[tilespmem:s8], [sflag:$0x1] =	stream.indirect.gather [hbm4b:s0+s7], $0x80, s31, s7, $0xb8;
	[tilespmem:$0x1F6A0] =	vst v63  }
0x102: {  	_ =	swait.ge [sflag:s25], $0x2000  }
0x103: {  	[sflag:s25] =	ssyncset.done $0x0  }
0x104: {  	[sflag:s25] =	ssyncadd.s32 $0xFFFFE000  }
0x105: {  	[spmem:s2] =	stream.indirect.scatter.add.f32 [tilespmem:s10], [sflag:$0x3], $0x80, s26, s7, $0xb8;
	[tilespmem:$0x1F6A0] =	vst v63  }
0x106: {  	_ = 	snop  }
0x107: {  	[spmem:s4] =	stream.indirect.scatter.add.f32 [tilespmem:s19], [sflag:$0x4], $0x1, s26, s7, $0xb8;
	[tilespmem:$0x1F6A0] =	vst v63  }
0x108: {  	_ =	swait.ge [sflag:s20], $0x2000  }
0x109: {  	[sflag:s20] =	ssyncset.done $0x0  }
0x10a: {  	[sflag:s20] =	ssyncadd.s32 $0xFFFFE000  }
0x10b: {  	_ =	swait.ge [sflag:s22], $0x40  }
0x10c: {  	[sflag:s22] =	ssyncset.done $0x0  }
0x10d: {  	[sflag:s22] =	ssyncadd.s32 $0xFFFFFFC0  }
0x10e: {  	v4 =	vld [tilespmem:$0x140]  }
0x10f: {  	v5 =	vld [tilespmem:$0x150]  }
0x110: {  	v46 =	vld [tilespmem:$0x160]  }
0x111: {  	v47 =	vld [tilespmem:$0x170];
	_ =	sdelay $0x1  }
0x112: {  	v4 =	vsub.s32 v4, v0  }
0x113: {  	v5 =	vsub.s32 v5, v0;
	v4 =	vmin.u32 v4, $0x3100  }
0x114: {  	[tilespmem:$0x2780] =	vst v4;
	v4 =	vmin.u32 v5, $0x3100;
	v5 =	vsub.s32 v46, v0  }
0x115: {  	[tilespmem:$0x2790] =	vst v4;
	v4 =	vmin.u32 v5, $0x3100;
	v5 =	vsub.s32 v47, v0  }
0x116: {  	[tilespmem:$0x27A0] =	vst v4;
	v4 =	vmin.u32 v5, $0x3100  }
0x117: {  	[tilespmem:$0x27B0] =	vst v4  }
0x118: {  	[tilespmem:s10], [sflag:$0x2] =	stream.indirect.gather [hbm4b:s0+s7], $0x80, s1, s7, $0xb8;
	[tilespmem:$0x1F6A0] =	vst v63  }
0x119: {  	_ =	swait.ge [sflag:s11], $0x2000  }
0x11a: {  	[sflag:s11] =	ssyncset.done $0x0  }
0x11b: {  	[sflag:s11] =	ssyncadd.s32 $0xFFFFE000  }
0x11c: {  	[spmem:s2] =	stream.indirect.scatter.add.f32 [tilespmem:s8], [sflag:$0x3], $0x80, s16, s7, $0xb8;
	[tilespmem:$0x1F6A0] =	vst v63  }
0x11d: {  	_ = 	snop  }
0x11e: {  	[spmem:s4] =	stream.indirect.scatter.add.f32 [tilespmem:s19], [sflag:$0x4], $0x1, s16, s7, $0xb8;
	[tilespmem:$0x1F6A0] =	vst v63  }
0x11f: {  	_ =	swait.ge [sflag:s20], $0x2000  }
0x120: {  	[sflag:s20] =	ssyncset.done $0x0  }
0x121: {  	[sflag:s20] =	ssyncadd.s32 $0xFFFFE000  }
0x122: {  	_ =	swait.ge [sflag:s22], $0x40  }
0x123: {  	[sflag:s22] =	ssyncset.done $0x0  }
0x124: {  	[sflag:s22] =	ssyncadd.s32 $0xFFFFFFC0  }
0x125: {  	v4 =	vld [tilespmem:$0x180]  }
0x126: {  	v5 =	vld [tilespmem:$0x190]  }
0x127: {  	v48 =	vld [tilespmem:$0x1A0]  }
0x128: {  	v49 =	vld [tilespmem:$0x1B0];
	_ =	sdelay $0x1  }
0x129: {  	v4 =	vsub.s32 v4, v0  }
0x12a: {  	v5 =	vsub.s32 v5, v0;
	v4 =	vmin.u32 v4, $0x3100  }
0x12b: {  	[tilespmem:$0x700] =	vst v4;
	v4 =	vmin.u32 v5, $0x3100;
	v5 =	vsub.s32 v48, v0  }
0x12c: {  	[tilespmem:$0x710] =	vst v4;
	v4 =	vmin.u32 v5, $0x3100;
	v5 =	vsub.s32 v49, v0  }
0x12d: {  	[tilespmem:$0x720] =	vst v4;
	v4 =	vmin.u32 v5, $0x3100  }
0x12e: {  	[tilespmem:$0x730] =	vst v4  }
0x12f: {  	[tilespmem:s8], [sflag:$0x1] =	stream.indirect.gather [hbm4b:s0+s7], $0x80, s3, s7, $0xb8;
	[tilespmem:$0x1F6A0] =	vst v63  }
0x130: {  	_ =	swait.ge [sflag:s25], $0x2000  }
0x131: {  	[sflag:s25] =	ssyncset.done $0x0  }
0x132: {  	[sflag:s25] =	ssyncadd.s32 $0xFFFFE000  }
0x133: {  	[spmem:s2] =	stream.indirect.scatter.add.f32 [tilespmem:s10], [sflag:$0x3], $0x80, s26, s7, $0xb8;
	[tilespmem:$0x1F6A0] =	vst v63  }
0x134: {  	_ = 	snop  }
0x135: {  	[spmem:s4] =	stream.indirect.scatter.add.f32 [tilespmem:s19], [sflag:$0x4], $0x1, s26, s7, $0xb8;
	[tilespmem:$0x1F6A0] =	vst v63  }
0x136: {  	_ =	swait.ge [sflag:s20], $0x2000  }
0x137: {  	[sflag:s20] =	ssyncset.done $0x0  }
0x138: {  	[sflag:s20] =	ssyncadd.s32 $0xFFFFE000  }
0x139: {  	_ =	swait.ge [sflag:s22], $0x40  }
0x13a: {  	[sflag:s22] =	ssyncset.done $0x0  }
0x13b: {  	[sflag:s22] =	ssyncadd.s32 $0xFFFFFFC0  }
0x13c: {  	v4 =	vld [tilespmem:$0x1C0]  }
0x13d: {  	v5 =	vld [tilespmem:$0x1D0]  }
0x13e: {  	v50 =	vld [tilespmem:$0x1E0]  }
0x13f: {  	v51 =	vld [tilespmem:$0x1F0];
	_ =	sdelay $0x1  }
0x140: {  	v4 =	vsub.s32 v4, v0  }
0x141: {  	v5 =	vsub.s32 v5, v0;
	v4 =	vmin.u32 v4, $0x3100  }
0x142: {  	[tilespmem:$0x2780] =	vst v4;
	v4 =	vmin.u32 v5, $0x3100;
	v5 =	vsub.s32 v50, v0  }
0x143: {  	[tilespmem:$0x2790] =	vst v4;
	v4 =	vmin.u32 v5, $0x3100;
	v5 =	vsub.s32 v51, v0  }
0x144: {  	[tilespmem:$0x27A0] =	vst v4;
	v4 =	vmin.u32 v5, $0x3100  }
0x145: {  	[tilespmem:$0x27B0] =	vst v4  }
0x146: {  	[tilespmem:s10], [sflag:$0x2] =	stream.indirect.gather [hbm4b:s0+s7], $0x80, s12, s7, $0xb8;
	[tilespmem:$0x1F6A0] =	vst v63  }
0x147: {  	_ =	swait.ge [sflag:s11], $0x2000  }
0x148: {  	[sflag:s11] =	ssyncset.done $0x0  }
0x149: {  	[sflag:s11] =	ssyncadd.s32 $0xFFFFE000  }
0x14a: {  	[spmem:s2] =	stream.indirect.scatter.add.f32 [tilespmem:s8], [sflag:$0x3], $0x80, s16, s7, $0xb8;
	[tilespmem:$0x1F6A0] =	vst v63  }
0x14b: {  	_ = 	snop  }
0x14c: {  	[spmem:s4] =	stream.indirect.scatter.add.f32 [tilespmem:s19], [sflag:$0x4], $0x1, s16, s7, $0xb8;
	[tilespmem:$0x1F6A0] =	vst v63  }
0x14d: {  	_ =	swait.ge [sflag:s20], $0x2000  }
0x14e: {  	[sflag:s20] =	ssyncset.done $0x0  }
0x14f: {  	[sflag:s20] =	ssyncadd.s32 $0xFFFFE000  }
0x150: {  	_ =	swait.ge [sflag:s22], $0x40  }
0x151: {  	[sflag:s22] =	ssyncset.done $0x0  }
0x152: {  	[sflag:s22] =	ssyncadd.s32 $0xFFFFFFC0  }
0x153: {  	v4 =	vld [tilespmem:$0x200]  }
0x154: {  	v5 =	vld [tilespmem:$0x210]  }
0x155: {  	v52 =	vld [tilespmem:$0x220]  }
0x156: {  	v53 =	vld [tilespmem:$0x230];
	_ =	sdelay $0x1  }
0x157: {  	v4 =	vsub.s32 v4, v0  }
0x158: {  	v5 =	vsub.s32 v5, v0;
	v4 =	vmin.u32 v4, $0x3100  }
0x159: {  	[tilespmem:$0x700] =	vst v4;
	v4 =	vmin.u32 v5, $0x3100;
	v5 =	vsub.s32 v52, v0  }
0x15a: {  	[tilespmem:$0x710] =	vst v4;
	v4 =	vmin.u32 v5, $0x3100;
	v5 =	vsub.s32 v53, v0  }
0x15b: {  	[tilespmem:$0x720] =	vst v4;
	v4 =	vmin.u32 v5, $0x3100  }
0x15c: {  	[tilespmem:$0x730] =	vst v4  }
0x15d: {  	[tilespmem:s8], [sflag:$0x1] =	stream.indirect.gather [hbm4b:s0+s7], $0x80, s13, s7, $0xb8;
	[tilespmem:$0x1F6A0] =	vst v63  }
0x15e: {  	_ =	swait.ge [sflag:s25], $0x2000  }
0x15f: {  	[sflag:s25] =	ssyncset.done $0x0  }
0x160: {  	[sflag:s25] =	ssyncadd.s32 $0xFFFFE000  }
0x161: {  	[spmem:s2] =	stream.indirect.scatter.add.f32 [tilespmem:s10], [sflag:$0x3], $0x80, s26, s7, $0xb8;
	[tilespmem:$0x1F6A0] =	vst v63  }
0x162: {  	_ = 	snop  }
0x163: {  	[spmem:s4] =	stream.indirect.scatter.add.f32 [tilespmem:s19], [sflag:$0x4], $0x1, s26, s7, $0xb8;
	[tilespmem:$0x1F6A0] =	vst v63  }
0x164: {  	_ =	swait.ge [sflag:s20], $0x2000  }
0x165: {  	[sflag:s20] =	ssyncset.done $0x0  }
0x166: {  	[sflag:s20] =	ssyncadd.s32 $0xFFFFE000  }
0x167: {  	_ =	swait.ge [sflag:s22], $0x40  }
0x168: {  	[sflag:s22] =	ssyncset.done $0x0  }
0x169: {  	[sflag:s22] =	ssyncadd.s32 $0xFFFFFFC0  }
0x16a: {  	v4 =	vld [tilespmem:$0x240]  }
0x16b: {  	v5 =	vld [tilespmem:$0x250]  }
0x16c: {  	v54 =	vld [tilespmem:$0x260]  }
0x16d: {  	v55 =	vld [tilespmem:$0x270];
	_ =	sdelay $0x1  }
0x16e: {  	v4 =	vsub.s32 v4, v0  }
0x16f: {  	v5 =	vsub.s32 v5, v0;
	v4 =	vmin.u32 v4, $0x3100  }
0x170: {  	[tilespmem:$0x2780] =	vst v4;
	v4 =	vmin.u32 v5, $0x3100;
	v5 =	vsub.s32 v54, v0  }
0x171: {  	[tilespmem:$0x2790] =	vst v4;
	v4 =	vmin.u32 v5, $0x3100;
	v5 =	vsub.s32 v55, v0  }
0x172: {  	[tilespmem:$0x27A0] =	vst v4;
	v4 =	vmin.u32 v5, $0x3100  }
0x173: {  	[tilespmem:$0x27B0] =	vst v4  }
0x174: {  	[tilespmem:s10], [sflag:$0x2] =	stream.indirect.gather [hbm4b:s0+s7], $0x80, s14, s7, $0xb8;
	[tilespmem:$0x1F6A0] =	vst v63  }
0x175: {  	_ =	swait.ge [sflag:s11], $0x2000  }
0x176: {  	[sflag:s11] =	ssyncset.done $0x0  }
0x177: {  	[sflag:s11] =	ssyncadd.s32 $0xFFFFE000  }
0x178: {  	[spmem:s2] =	stream.indirect.scatter.add.f32 [tilespmem:s8], [sflag:$0x3], $0x80, s16, s7, $0xb8;
	[tilespmem:$0x1F6A0] =	vst v63  }
0x179: {  	_ = 	snop  }
0x17a: {  	[spmem:s4] =	stream.indirect.scatter.add.f32 [tilespmem:s19], [sflag:$0x4], $0x1, s16, s7, $0xb8;
	[tilespmem:$0x1F6A0] =	vst v63  }
0x17b: {  	_ =	swait.ge [sflag:s20], $0x2000  }
0x17c: {  	[sflag:s20] =	ssyncset.done $0x0  }
0x17d: {  	[sflag:s20] =	ssyncadd.s32 $0xFFFFE000  }
0x17e: {  	_ =	swait.ge [sflag:s22], $0x40  }
0x17f: {  	[sflag:s22] =	ssyncset.done $0x0  }
0x180: {  	[sflag:s22] =	ssyncadd.s32 $0xFFFFFFC0  }
0x181: {  	v4 =	vld [tilespmem:$0x280]  }
0x182: {  	v5 =	vld [tilespmem:$0x290]  }
0x183: {  	v56 =	vld [tilespmem:$0x2A0]  }
0x184: {  	v57 =	vld [tilespmem:$0x2B0];
	_ =	sdelay $0x1  }
0x185: {  	v4 =	vsub.s32 v4, v0  }
0x186: {  	v5 =	vsub.s32 v5, v0;
	v4 =	vmin.u32 v4, $0x3100  }
0x187: {  	[tilespmem:$0x700] =	vst v4;
	v4 =	vmin.u32 v5, $0x3100;
	v5 =	vsub.s32 v56, v0  }
0x188: {  	[tilespmem:$0x710] =	vst v4;
	v4 =	vmin.u32 v5, $0x3100;
	v5 =	vsub.s32 v57, v0  }
0x189: {  	[tilespmem:$0x720] =	vst v4;
	v4 =	vmin.u32 v5, $0x3100  }
0x18a: {  	[tilespmem:$0x730] =	vst v4  }
0x18b: {  	[tilespmem:s8], [sflag:$0x1] =	stream.indirect.gather [hbm4b:s0+s7], $0x80, s6, s7, $0xb8;
	[tilespmem:$0x1F6A0] =	vst v63  }
0x18c: {  	_ =	swait.ge [sflag:s25], $0x2000  }
0x18d: {  	[sflag:s25] =	ssyncset.done $0x0  }
0x18e: {  	[sflag:s25] =	ssyncadd.s32 $0xFFFFE000  }
0x18f: {  	[spmem:s2] =	stream.indirect.scatter.add.f32 [tilespmem:s10], [sflag:$0x3], $0x80, s26, s7, $0xb8;
	[tilespmem:$0x1F6A0] =	vst v63  }
0x190: {  	_ = 	snop  }
0x191: {  	[spmem:s4] =	stream.indirect.scatter.add.f32 [tilespmem:s19], [sflag:$0x4], $0x1, s26, s7, $0xb8;
	[tilespmem:$0x1F6A0] =	vst v63  }
0x192: {  	_ =	swait.ge [sflag:s20], $0x2000  }
0x193: {  	[sflag:s20] =	ssyncset.done $0x0  }
0x194: {  	[sflag:s20] =	ssyncadd.s32 $0xFFFFE000  }
0x195: {  	_ =	swait.ge [sflag:s22], $0x40  }
0x196: {  	[sflag:s22] =	ssyncset.done $0x0  }
0x197: {  	[sflag:s22] =	ssyncadd.s32 $0xFFFFFFC0  }
0x198: {  	v4 =	vld [tilespmem:$0x2C0]  }
0x199: {  	v5 =	vld [tilespmem:$0x2D0]  }
0x19a: {  	v58 =	vld [tilespmem:$0x2E0]  }
0x19b: {  	v59 =	vld [tilespmem:$0x2F0];
	_ =	sdelay $0x1  }
0x19c: {  	v4 =	vsub.s32 v4, v0  }
0x19d: {  	v5 =	vsub.s32 v5, v0;
	v4 =	vmin.u32 v4, $0x3100  }
0x19e: {  	[tilespmem:$0x2780] =	vst v4;
	v4 =	vmin.u32 v5, $0x3100;
	v5 =	vsub.s32 v58, v0  }
0x19f: {  	[tilespmem:$0x2790] =	vst v4;
	v4 =	vmin.u32 v5, $0x3100;
	v5 =	vsub.s32 v59, v0  }
0x1a0: {  	[tilespmem:$0x27A0] =	vst v4;
	v4 =	vmin.u32 v5, $0x3100  }
0x1a1: {  	[tilespmem:$0x27B0] =	vst v4  }
0x1a2: {  	[tilespmem:s10], [sflag:$0x2] =	stream.indirect.gather [hbm4b:s0+s7], $0x80, s15, s7, $0xb8;
	[tilespmem:$0x1F6A0] =	vst v63  }
0x1a3: {  	_ =	swait.ge [sflag:s11], $0x2000  }
0x1a4: {  	[sflag:s11] =	ssyncset.done $0x0  }
0x1a5: {  	[sflag:s11] =	ssyncadd.s32 $0xFFFFE000  }
0x1a6: {  	[spmem:s2] =	stream.indirect.scatter.add.f32 [tilespmem:s8], [sflag:$0x3], $0x80, s16, s7, $0xb8;
	[tilespmem:$0x1F6A0] =	vst v63  }
0x1a7: {  	_ = 	snop  }
0x1a8: {  	[spmem:s4] =	stream.indirect.scatter.add.f32 [tilespmem:s19], [sflag:$0x4], $0x1, s16, s7, $0xb8;
	[tilespmem:$0x1F6A0] =	vst v63  }
0x1a9: {  	_ =	swait.ge [sflag:s20], $0x2000  }
0x1aa: {  	[sflag:s20] =	ssyncset.done $0x0  }
0x1ab: {  	[sflag:s20] =	ssyncadd.s32 $0xFFFFE000  }
0x1ac: {  	_ =	swait.ge [sflag:s22], $0x40  }
0x1ad: {  	[sflag:s22] =	ssyncset.done $0x0  }
0x1ae: {  	[sflag:s22] =	ssyncadd.s32 $0xFFFFFFC0  }
0x1af: {  	v4 =	vld [tilespmem:$0x300]  }
0x1b0: {  	v5 =	vld [tilespmem:$0x310]  }
0x1b1: {  	v60 =	vld [tilespmem:$0x320]  }
0x1b2: {  	v61 =	vld [tilespmem:$0x330];
	_ =	sdelay $0x1  }
0x1b3: {  	v4 =	vsub.s32 v4, v0  }
0x1b4: {  	v5 =	vsub.s32 v5, v0;
	v4 =	vmin.u32 v4, $0x3100  }
0x1b5: {  	[tilespmem:$0x700] =	vst v4;
	v4 =	vmin.u32 v5, $0x3100;
	v5 =	vsub.s32 v60, v0  }
0x1b6: {  	[tilespmem:$0x710] =	vst v4;
	v4 =	vmin.u32 v5, $0x3100;
	v5 =	vsub.s32 v61, v0  }
0x1b7: {  	[tilespmem:$0x720] =	vst v4;
	v4 =	vmin.u32 v5, $0x3100  }
0x1b8: {  	s24 =	simm.s32 $0x680;
	[tilespmem:$0x730] =	vst v4  }
0x1b9: {  	[tilespmem:s8], [sflag:$0x1] =	stream.indirect.gather [hbm4b:s0+s7], $0x80, s24, s7, $0xb8;
	[tilespmem:$0x1F6A0] =	vst v63  }
0x1ba: {  	_ =	swait.ge [sflag:s25], $0x2000  }
0x1bb: {  	[sflag:s25] =	ssyncset.done $0x0  }
0x1bc: {  	[sflag:s25] =	ssyncadd.s32 $0xFFFFE000  }
0x1bd: {  	[spmem:s2] =	stream.indirect.scatter.add.f32 [tilespmem:s10], [sflag:$0x3], $0x80, s26, s7, $0xb8;
	[tilespmem:$0x1F6A0] =	vst v63  }
0x1be: {  	_ = 	snop  }
0x1bf: {  	[spmem:s4] =	stream.indirect.scatter.add.f32 [tilespmem:s19], [sflag:$0x4], $0x1, s26, s7, $0xb8;
	[tilespmem:$0x1F6A0] =	vst v63  }
0x1c0: {  	_ =	swait.ge [sflag:s20], $0x2000  }
0x1c1: {  	[sflag:s20] =	ssyncset.done $0x0  }
0x1c2: {  	[sflag:s20] =	ssyncadd.s32 $0xFFFFE000  }
0x1c3: {  	_ =	swait.ge [sflag:s22], $0x40  }
0x1c4: {  	[sflag:s22] =	ssyncset.done $0x0  }
0x1c5: {  	[sflag:s22] =	ssyncadd.s32 $0xFFFFFFC0  }
0x1c6: {  	v4 =	vld [tilespmem:$0x340]  }
0x1c7: {  	v5 =	vld [tilespmem:$0x350]  }
0x1c8: {  	v62 =	vld [tilespmem:$0x360]  }
0x1c9: {  	v63 =	vld [tilespmem:$0x370];
	_ =	sdelay $0x1  }
0x1ca: {  	v4 =	vsub.s32 v4, v0  }
0x1cb: {  	v5 =	vsub.s32 v5, v0;
	v4 =	vmin.u32 v4, $0x3100  }
0x1cc: {  	[tilespmem:$0x2780] =	vst v4;
	v4 =	vmin.u32 v5, $0x3100;
	v5 =	vsub.s32 v62, v0  }
0x1cd: {  	[tilespmem:$0x2790] =	vst v4;
	v4 =	vmin.u32 v5, $0x3100;
	v5 =	vsub.s32 v63, v0  }
0x1ce: {  	[tilespmem:$0x27A0] =	vst v4;
	v4 =	vmin.u32 v5, $0x3100  }
0x1cf: {  	[tilespmem:$0x27B0] =	vst v4  }
0x1d0: {  	[tilespmem:s10], [sflag:$0x2] =	stream.indirect.gather [hbm4b:s0+s7], $0x80, s28, s7, $0xb8;
	[tilespmem:$0x1F6A0] =	vst v63  }
0x1d1: {  	_ =	swait.ge [sflag:s11], $0x2000  }
0x1d2: {  	[sflag:s11] =	ssyncset.done $0x0  }
0x1d3: {  	[sflag:s11] =	ssyncadd.s32 $0xFFFFE000  }
0x1d4: {  	[spmem:s2] =	stream.indirect.scatter.add.f32 [tilespmem:s8], [sflag:$0x3], $0x80, s16, s7, $0xb8;
	[tilespmem:$0x1F6A0] =	vst v63  }
0x1d5: {  	_ = 	snop  }
0x1d6: {  	[spmem:s4] =	stream.indirect.scatter.add.f32 [tilespmem:s19], [sflag:$0x4], $0x1, s16, s7, $0xb8;
	[tilespmem:$0x1F6A0] =	vst v63  }
0x1d7: {  	_ =	swait.ge [sflag:s20], $0x2000  }
0x1d8: {  	[sflag:s20] =	ssyncset.done $0x0  }
0x1d9: {  	[sflag:s20] =	ssyncadd.s32 $0xFFFFE000  }
0x1da: {  	_ =	swait.ge [sflag:s22], $0x40  }
0x1db: {  	[sflag:s22] =	ssyncset.done $0x0  }
0x1dc: {  	[sflag:s22] =	ssyncadd.s32 $0xFFFFFFC0  }
0x1dd: {  	_ =	swait.ge [sflag:s25], $0x2000  }
0x1de: {  	[sflag:s25] =	ssyncset.done $0x0  }
0x1df: {  	[sflag:s25] =	ssyncadd.s32 $0xFFFFE000  }
0x1e0: {  	[spmem:s2] =	stream.indirect.scatter.add.f32 [tilespmem:s10], [sflag:$0x3], $0x80, s26, s7, $0xb8;
	[tilespmem:$0x1F6A0] =	vst v63  }
0x1e1: {  	_ = 	snop  }
0x1e2: {  	[spmem:s4] =	stream.indirect.scatter.add.f32 [tilespmem:s19], [sflag:$0x4], $0x1, s26, s7, $0xb8;
	[tilespmem:$0x1F6A0] =	vst v63  }
0x1e3: {  	p0 =	sne.s32 s9, $0x5B0;
	_ =	swait.ge [sflag:s20], $0x2000  }
.Ltmp2:
0x1e4: {  	[sflag:s20] =	ssyncset.done $0x0;
	(pc) =	sbr.rel @p0 .LBB2_6-.Ltmp2, $4  }
0x1e5: {  	[sflag:s20] =	ssyncadd.s32 $0xFFFFE000  }
0x1e6: {  	_ =	swait.ge [sflag:s22], $0x40  }
0x1e7: {  	[sflag:s22] =	ssyncset.done $0x0  }
0x1e8: {  	s9 =	sadd.s32 $0x70, s9;
	[sflag:s22] =	ssyncadd.s32 $0xFFFFFFC0  }
0x1e9: {  	s9 =	stileid.u32;
	[bflag:$0x0] =	sbarrier.arrive $0xFFFF  }
0x1ea: {  	s9 =	sshll.u32 s9, $0x6;
	s6 =	rddreg [dreg:$0x15]  }
0x1eb: {  	s12 =	rddreg [dreg:$0xe];
	s1 =	sor.u32 $0x1C05, s9  }
0x1ec: {  	s3 =	sshrl.u32 s6, $0x3;
	[smem:$0x7F7] =	sst s1  }
0x1ed: {  	[smem:$0x7F8] =	sst s3  }
0x1ee: {  	[hbm:s12], [sflag:s1] =	dma.local [spmem:s3], $0x3100  }
0x1ef: {  	_ =	swait.ge [sflag:s21], $0x3100  }
0x1f0: {  	[sflag:s21] =	ssyncset.done $0x0  }
0x1f1: {  	s14 =	simm.s32 $0x6000;
	s13 =	rddreg [dreg:$0x16];
	[sflag:s21] =	ssyncadd.s32 $0xFFFFCF00  }
0x1f2: {  	[tilespmem:s14], [sflag:$0x5] =	stream.linear.gather [spmem:s13], $0x310, $0x38;
	[tilespmem:$0x1F6A0] =	vst v63  }
0x1f3: {  	_ =	swait.ge [sflag:s21], $0x310  }
0x1f4: {  	[sflag:s21] =	ssyncset.done $0x0  }
0x1f5: {  	s9 =	simm.s32 $0x0;
	s24 =	rddreg [dreg:$0x10];
	[sflag:s21] =	ssyncadd.s32 $0xFFFFFCF0  }
0x1f6: {  	[hbm4b:s24+s9] =	stream.linear.scatter [tilespmem:s14], [sflag:$0x5], $0x310, $0x38;
	[tilespmem:$0x1F6A0] =	vst v63  }
0x1f7: {  	_ =	swait.ge [sflag:s21], $0x310  }
0x1f8: {  	[sflag:s21] =	ssyncset.done $0x0  }
0x1f9: {  	[sflag:s21] =	ssyncadd.s32 $0xFFFFFCF0  }
0x1fa: {  	[bflag:$0x0] =	sbarrier.arrive $0xFFFF  }
0x1fb: {  	s28 =	simm.s32 $0x4880;
	s15 =	rddreg [dreg:$0x8]  }
0x1fc: {  	[spmem:s15] =	stream.linear.scatter [tilespmem:s28], [sflag:$0x5], $0x1400, $0x38;
	[tilespmem:$0x1F6A0] =	vst v63  }
0x1fd: {  	_ =	swait.ge [sflag:s21], $0x1400  }
0x1fe: {  	[sflag:s21] =	ssyncset.done $0x0  }
0x1ff: {  	s15 =	rddreg [dreg:$0x9];
	[sflag:s21] =	ssyncadd.s32 $0xFFFFEC00  }
0x200: {  	[spmem:s15] =	stream.linear.scatter [tilespmem:s28], [sflag:$0x5], $0x1400, $0x38;
	[tilespmem:$0x1F6A0] =	vst v63  }
0x201: {  	_ =	swait.ge [sflag:s21], $0x1400  }
0x202: {  	[sflag:s21] =	ssyncset.done $0x0  }
0x203: {  	s15 =	rddreg [dreg:$0xa];
	[sflag:s21] =	ssyncadd.s32 $0xFFFFEC00  }
0x204: {  	[spmem:s15] =	stream.linear.scatter [tilespmem:s28], [sflag:$0x5], $0x1400, $0x38;
	[tilespmem:$0x1F6A0] =	vst v63  }
0x205: {  	_ =	swait.ge [sflag:s21], $0x1400  }
0x206: {  	[sflag:s21] =	ssyncset.done $0x0  }
0x207: {  	s15 =	rddreg [dreg:$0xb];
	[sflag:s21] =	ssyncadd.s32 $0xFFFFEC00  }
0x208: {  	[spmem:s15] =	stream.linear.scatter [tilespmem:s28], [sflag:$0x5], $0x1400, $0x38;
	[tilespmem:$0x1F6A0] =	vst v63  }
0x209: {  	_ =	swait.ge [sflag:s21], $0x1400  }
0x20a: {  	[sflag:s21] =	ssyncset.done $0x0  }
0x20b: {  	s15 =	rddreg [dreg:$0xc];
	[sflag:s21] =	ssyncadd.s32 $0xFFFFEC00  }
0x20c: {  	[spmem:s15] =	stream.linear.scatter [tilespmem:s28], [sflag:$0x5], $0x1400, $0x38;
	[tilespmem:$0x1F6A0] =	vst v63  }
0x20d: {  	_ =	swait.ge [sflag:s21], $0x1400  }
0x20e: {  	[sflag:s21] =	ssyncset.done $0x0  }
0x20f: {  	s15 =	rddreg [dreg:$0xd];
	[sflag:s21] =	ssyncadd.s32 $0xFFFFEC00  }
0x210: {  	[spmem:s15] =	stream.linear.scatter [tilespmem:s28], [sflag:$0x5], $0x1400, $0x38;
	[tilespmem:$0x1F6A0] =	vst v63  }
0x211: {  	_ =	swait.ge [sflag:s21], $0x1400  }
0x212: {  	[sflag:s21] =	ssyncset.done $0x0  }
0x213: {  	s15 =	rddreg [dreg:$0x12];
	[sflag:s21] =	ssyncadd.s32 $0xFFFFEC00  }
0x214: {  	[spmem:s15] =	stream.linear.scatter [tilespmem:s28], [sflag:$0x5], $0x1400, $0x38;
	[tilespmem:$0x1F6A0] =	vst v63  }
0x215: {  	_ =	swait.ge [sflag:s21], $0x1400  }
0x216: {  	[sflag:s21] =	ssyncset.done $0x0  }
0x217: {  	s15 =	rddreg [dreg:$0x13];
	[sflag:s21] =	ssyncadd.s32 $0xFFFFEC00  }
0x218: {  	[spmem:s15] =	stream.linear.scatter [tilespmem:s28], [sflag:$0x5], $0x1400, $0x38;
	[tilespmem:$0x1F6A0] =	vst v63  }
0x219: {  	_ =	swait.ge [sflag:s21], $0x1400  }
0x21a: {  	[sflag:s21] =	ssyncset.done $0x0  }
0x21b: {  	s15 =	rddreg [dreg:$0x18];
	[sflag:s21] =	ssyncadd.s32 $0xFFFFEC00  }
0x21c: {  	[spmem:s15] =	stream.linear.scatter [tilespmem:s28], [sflag:$0x5], $0x1400, $0x38;
	[tilespmem:$0x1F6A0] =	vst v63  }
0x21d: {  	_ =	swait.ge [sflag:s21], $0x1400  }
0x21e: {  	[sflag:s21] =	ssyncset.done $0x0  }
0x21f: {  	s15 =	rddreg [dreg:$0x19];
	[sflag:s21] =	ssyncadd.s32 $0xFFFFEC00  }
0x220: {  	[spmem:s15] =	stream.linear.scatter [tilespmem:s28], [sflag:$0x5], $0x1400, $0x38;
	[tilespmem:$0x1F6A0] =	vst v63  }
0x221: {  	_ =	swait.ge [sflag:s21], $0x1400  }
0x222: {  	[sflag:s21] =	ssyncset.done $0x0  }
0x223: {  	s15 =	rddreg [dreg:$0x1a];
	[sflag:s21] =	ssyncadd.s32 $0xFFFFEC00  }
0x224: {  	[spmem:s15] =	stream.linear.scatter [tilespmem:s28], [sflag:$0x5], $0x1400, $0x38;
	[tilespmem:$0x1F6A0] =	vst v63  }
0x225: {  	_ =	swait.ge [sflag:s21], $0x1400  }
0x226: {  	[sflag:s21] =	ssyncset.done $0x0  }
0x227: {  	s15 =	rddreg [dreg:$0x1b];
	[sflag:s21] =	ssyncadd.s32 $0xFFFFEC00  }
0x228: {  	[spmem:s15] =	stream.linear.scatter [tilespmem:s28], [sflag:$0x5], $0x1400, $0x38;
	[tilespmem:$0x1F6A0] =	vst v63  }
0x229: {  	_ =	swait.ge [sflag:s21], $0x1400  }
0x22a: {  	[sflag:s21] =	ssyncset.done $0x0  }
0x22b: {  	s15 =	rddreg [dreg:$0x1c];
	[sflag:s21] =	ssyncadd.s32 $0xFFFFEC00  }
0x22c: {  	[spmem:s15] =	stream.linear.scatter [tilespmem:s28], [sflag:$0x5], $0x1400, $0x38;
	[tilespmem:$0x1F6A0] =	vst v63  }
0x22d: {  	_ =	swait.ge [sflag:s21], $0x1400  }
0x22e: {  	[sflag:s21] =	ssyncset.done $0x0  }
0x22f: {  	s15 =	rddreg [dreg:$0x1d];
	[sflag:s21] =	ssyncadd.s32 $0xFFFFEC00  }
0x230: {  	[spmem:s15] =	stream.linear.scatter [tilespmem:s28], [sflag:$0x5], $0x1400, $0x38;
	[tilespmem:$0x1F6A0] =	vst v63  }
0x231: {  	_ =	swait.ge [sflag:s21], $0x1400  }
0x232: {  	[sflag:s21] =	ssyncset.done $0x0  }
0x233: {  	s15 =	rddreg [dreg:$0x1e];
	[sflag:s21] =	ssyncadd.s32 $0xFFFFEC00  }
0x234: {  	[spmem:s15] =	stream.linear.scatter [tilespmem:s28], [sflag:$0x5], $0x1400, $0x38;
	[tilespmem:$0x1F6A0] =	vst v63  }
0x235: {  	_ =	swait.ge [sflag:s21], $0x1400  }
0x236: {  	[sflag:s21] =	ssyncset.done $0x0  }
0x237: {  	s15 =	rddreg [dreg:$0x1f];
	[sflag:s21] =	ssyncadd.s32 $0xFFFFEC00  }
0x238: {  	[spmem:s15] =	stream.linear.scatter [tilespmem:s28], [sflag:$0x5], $0x1400, $0x38;
	[tilespmem:$0x1F6A0] =	vst v63  }
0x239: {  	_ =	swait.ge [sflag:s21], $0x1400  }
0x23a: {  	s15 =	sld [smem:$0x7FA]  }
0x23b: {  	[sflag:s21] =	ssyncset.done $0x0  }
0x23c: {  	[sflag:s21] =	ssyncadd.s32 $0xFFFFEC00  }
0x23d: {  	[spmem:s15] =	stream.linear.scatter [tilespmem:s28], [sflag:$0x5], $0x1400, $0x38;
	[tilespmem:$0x1F6A0] =	vst v63  }
0x23e: {  	_ =	swait.ge [sflag:s21], $0x1400  }
0x23f: {  	s15 =	sld [smem:$0x7FB]  }
0x240: {  	[sflag:s21] =	ssyncset.done $0x0  }
0x241: {  	[sflag:s21] =	ssyncadd.s32 $0xFFFFEC00  }
0x242: {  	[spmem:s15] =	stream.linear.scatter [tilespmem:s28], [sflag:$0x5], $0x1400, $0x38;
	[tilespmem:$0x1F6A0] =	vst v63  }
0x243: {  	_ =	swait.ge [sflag:s21], $0x1400  }
0x244: {  	s15 =	sld [smem:$0x7FC]  }
0x245: {  	[sflag:s21] =	ssyncset.done $0x0  }
0x246: {  	[sflag:s21] =	ssyncadd.s32 $0xFFFFEC00  }
0x247: {  	[spmem:s15] =	stream.linear.scatter [tilespmem:s28], [sflag:$0x5], $0x1400, $0x38;
	[tilespmem:$0x1F6A0] =	vst v63  }
0x248: {  	_ =	swait.ge [sflag:s21], $0x1400  }
0x249: {  	s15 =	sld [smem:$0x7FD]  }
0x24a: {  	[sflag:s21] =	ssyncset.done $0x0  }
0x24b: {  	[sflag:s21] =	ssyncadd.s32 $0xFFFFEC00  }
0x24c: {  	[spmem:s15] =	stream.linear.scatter [tilespmem:s28], [sflag:$0x5], $0x1400, $0x38;
	[tilespmem:$0x1F6A0] =	vst v63  }
0x24d: {  	_ =	swait.ge [sflag:s21], $0x1400  }
0x24e: {  	s31 =	simm.s32 $0x440;
	s30 =	simm.s32 $0x400;
	[sflag:s21] =	ssyncset.done $0x0  }
0x24f: {  	s28 =	simm.s32 $0x5C80;
	s15 =	rddreg [dreg:$0x14];
	[sflag:s21] =	ssyncadd.s32 $0xFFFFEC00  }
0x250: {  	[spmem:s15] =	stream.linear.scatter [tilespmem:s28], [sflag:$0x5], $0x320, $0x38;
	[tilespmem:$0x1F6A0] =	vst v63  }
0x251: {  	s29 =	simm.s32 $0x3C0;
	s6 =	simm.s32 $0x5C0;
	_ =	swait.ge [sflag:s21], $0x320  }
0x252: {  	s1 =	simm.s32 $0x640;
	s12 =	simm.s32 $0x500;
	[sflag:s21] =	ssyncset.done $0x0  }
0x253: {  	s3 =	simm.s32 $0x4C0;
	s13 =	simm.s32 $0x540;
	[sflag:s21] =	ssyncadd.s32 $0xFFFFFCE0  }
0x254: {  	s14 =	simm.s32 $0x580;
	s15 =	simm.s32 $0x6C0;
	[bflag:$0x0] =	sbarrier.arrive $0xFFFF  }
.LBB2_8:
0x255: {  	s24 =	sadd.s32 s9, s18  }
0x256: {  	[tilespmem:s5], [sflag:$0x5] =	stream.linear.gather [hbm4b:s24+s5], $0x380, $0x38;
	[tilespmem:$0x1F6A0] =	vst v63  }
0x257: {  	_ =	swait.ge [sflag:s21], $0x380  }
0x258: {  	[sflag:s21] =	ssyncset.done $0x0  }
0x259: {  	s24 =	sadd.s32 s9, s17;
	[sflag:s21] =	ssyncadd.s32 $0xFFFFFC80  }
0x25a: {  	[tilespmem:s23], [sflag:$0x5] =	stream.linear.gather [hbm4b:s24+s5], $0x380, $0x38;
	[tilespmem:$0x1F6A0] =	vst v63  }
0x25b: {  	_ =	swait.ge [sflag:s21], $0x380  }
0x25c: {  	[sflag:s21] =	ssyncset.done $0x0  }
0x25d: {  	[sflag:s21] =	ssyncadd.s32 $0xFFFFFC80  }
0x25e: {  	v4 =	vld [tilespmem:$0x0]  }
0x25f: {  	v5 =	vld [tilespmem:$0x10]  }
0x260: {  	v6 =	vld [tilespmem:$0x20]  }
0x261: {  	v7 =	vld [tilespmem:$0x30];
	_ =	sdelay $0x1  }
0x262: {  	v4 =	vsub.s32 v4, v1  }
0x263: {  	v5 =	vsub.s32 v5, v1;
	v4 =	vmin.u32 v4, $0x3100  }
0x264: {  	[tilespmem:$0x700] =	vst v4;
	v4 =	vmin.u32 v5, $0x3100;
	v5 =	vsub.s32 v6, v1  }
0x265: {  	[tilespmem:$0x710] =	vst v4;
	v4 =	vmin.u32 v5, $0x3100;
	v5 =	vsub.s32 v7, v1  }
0x266: {  	[tilespmem:$0x720] =	vst v4;
	v4 =	vmin.u32 v5, $0x3100  }
0x267: {  	[tilespmem:$0x730] =	vst v4  }
0x268: {  	[tilespmem:s8], [sflag:$0x1] =	stream.indirect.gather [hbm4b:s0+s7], $0x80, s23, s7, $0xb8;
	[tilespmem:$0x1F6A0] =	vst v63  }
0x269: {  	v4 =	vld [tilespmem:$0x40]  }
0x26a: {  	v5 =	vld [tilespmem:$0x50]  }
0x26b: {  	v38 =	vld [tilespmem:$0x60]  }
0x26c: {  	v39 =	vld [tilespmem:$0x70];
	_ =	sdelay $0x1  }
0x26d: {  	v4 =	vsub.s32 v4, v1  }
0x26e: {  	v5 =	vsub.s32 v5, v1;
	v4 =	vmin.u32 v4, $0x3100  }
0x26f: {  	[tilespmem:$0x2780] =	vst v4;
	v4 =	vmin.u32 v5, $0x3100;
	v5 =	vsub.s32 v38, v1  }
0x270: {  	[tilespmem:$0x2790] =	vst v4;
	v4 =	vmin.u32 v5, $0x3100;
	v5 =	vsub.s32 v39, v1  }
0x271: {  	[tilespmem:$0x27A0] =	vst v4;
	v4 =	vmin.u32 v5, $0x3100  }
0x272: {  	[tilespmem:$0x27B0] =	vst v4  }
0x273: {  	[tilespmem:s10], [sflag:$0x2] =	stream.indirect.gather [hbm4b:s0+s7], $0x80, s29, s7, $0xb8;
	[tilespmem:$0x1F6A0] =	vst v63  }
0x274: {  	_ =	swait.ge [sflag:s11], $0x2000  }
0x275: {  	[sflag:s11] =	ssyncset.done $0x0  }
0x276: {  	[sflag:s11] =	ssyncadd.s32 $0xFFFFE000  }
0x277: {  	[spmem:s2] =	stream.indirect.scatter.add.f32 [tilespmem:s8], [sflag:$0x3], $0x80, s16, s7, $0xb8;
	[tilespmem:$0x1F6A0] =	vst v63  }
0x278: {  	_ = 	snop  }
0x279: {  	[spmem:s4] =	stream.indirect.scatter.add.f32 [tilespmem:s19], [sflag:$0x4], $0x1, s16, s7, $0xb8;
	[tilespmem:$0x1F6A0] =	vst v63  }
0x27a: {  	_ =	swait.ge [sflag:s20], $0x2000  }
0x27b: {  	[sflag:s20] =	ssyncset.done $0x0  }
0x27c: {  	[sflag:s20] =	ssyncadd.s32 $0xFFFFE000  }
0x27d: {  	_ =	swait.ge [sflag:s22], $0x40  }
0x27e: {  	[sflag:s22] =	ssyncset.done $0x0  }
0x27f: {  	[sflag:s22] =	ssyncadd.s32 $0xFFFFFFC0  }
0x280: {  	v4 =	vld [tilespmem:$0x80]  }
0x281: {  	v5 =	vld [tilespmem:$0x90]  }
0x282: {  	v40 =	vld [tilespmem:$0xA0]  }
0x283: {  	v41 =	vld [tilespmem:$0xB0];
	_ =	sdelay $0x1  }
0x284: {  	v4 =	vsub.s32 v4, v1  }
0x285: {  	v5 =	vsub.s32 v5, v1;
	v4 =	vmin.u32 v4, $0x3100  }
0x286: {  	[tilespmem:$0x700] =	vst v4;
	v4 =	vmin.u32 v5, $0x3100;
	v5 =	vsub.s32 v40, v1  }
0x287: {  	[tilespmem:$0x710] =	vst v4;
	v4 =	vmin.u32 v5, $0x3100;
	v5 =	vsub.s32 v41, v1  }
0x288: {  	[tilespmem:$0x720] =	vst v4;
	v4 =	vmin.u32 v5, $0x3100  }
0x289: {  	[tilespmem:$0x730] =	vst v4  }
0x28a: {  	[tilespmem:s8], [sflag:$0x1] =	stream.indirect.gather [hbm4b:s0+s7], $0x80, s30, s7, $0xb8;
	[tilespmem:$0x1F6A0] =	vst v63  }
0x28b: {  	_ =	swait.ge [sflag:s25], $0x2000  }
0x28c: {  	[sflag:s25] =	ssyncset.done $0x0  }
0x28d: {  	[sflag:s25] =	ssyncadd.s32 $0xFFFFE000  }
0x28e: {  	[spmem:s2] =	stream.indirect.scatter.add.f32 [tilespmem:s10], [sflag:$0x3], $0x80, s26, s7, $0xb8;
	[tilespmem:$0x1F6A0] =	vst v63  }
0x28f: {  	_ = 	snop  }
0x290: {  	[spmem:s4] =	stream.indirect.scatter.add.f32 [tilespmem:s19], [sflag:$0x4], $0x1, s26, s7, $0xb8;
	[tilespmem:$0x1F6A0] =	vst v63  }
0x291: {  	_ =	swait.ge [sflag:s20], $0x2000  }
0x292: {  	[sflag:s20] =	ssyncset.done $0x0  }
0x293: {  	[sflag:s20] =	ssyncadd.s32 $0xFFFFE000  }
0x294: {  	_ =	swait.ge [sflag:s22], $0x40  }
0x295: {  	[sflag:s22] =	ssyncset.done $0x0  }
0x296: {  	[sflag:s22] =	ssyncadd.s32 $0xFFFFFFC0  }
0x297: {  	v4 =	vld [tilespmem:$0xC0]  }
0x298: {  	v5 =	vld [tilespmem:$0xD0]  }
0x299: {  	v42 =	vld [tilespmem:$0xE0]  }
0x29a: {  	v43 =	vld [tilespmem:$0xF0];
	_ =	sdelay $0x1  }
0x29b: {  	v4 =	vsub.s32 v4, v1  }
0x29c: {  	v5 =	vsub.s32 v5, v1;
	v4 =	vmin.u32 v4, $0x3100  }
0x29d: {  	[tilespmem:$0x2780] =	vst v4;
	v4 =	vmin.u32 v5, $0x3100;
	v5 =	vsub.s32 v42, v1  }
0x29e: {  	[tilespmem:$0x2790] =	vst v4;
	v4 =	vmin.u32 v5, $0x3100;
	v5 =	vsub.s32 v43, v1  }
0x29f: {  	[tilespmem:$0x27A0] =	vst v4;
	v4 =	vmin.u32 v5, $0x3100  }
0x2a0: {  	[tilespmem:$0x27B0] =	vst v4  }
0x2a1: {  	[tilespmem:s10], [sflag:$0x2] =	stream.indirect.gather [hbm4b:s0+s7], $0x80, s31, s7, $0xb8;
	[tilespmem:$0x1F6A0] =	vst v63  }
0x2a2: {  	_ =	swait.ge [sflag:s11], $0x2000  }
0x2a3: {  	[sflag:s11] =	ssyncset.done $0x0  }
0x2a4: {  	[sflag:s11] =	ssyncadd.s32 $0xFFFFE000  }
0x2a5: {  	[spmem:s2] =	stream.indirect.scatter.add.f32 [tilespmem:s8], [sflag:$0x3], $0x80, s16, s7, $0xb8;
	[tilespmem:$0x1F6A0] =	vst v63  }
0x2a6: {  	_ = 	snop  }
0x2a7: {  	[spmem:s4] =	stream.indirect.scatter.add.f32 [tilespmem:s19], [sflag:$0x4], $0x1, s16, s7, $0xb8;
	[tilespmem:$0x1F6A0] =	vst v63  }
0x2a8: {  	_ =	swait.ge [sflag:s20], $0x2000  }
0x2a9: {  	[sflag:s20] =	ssyncset.done $0x0  }
0x2aa: {  	[sflag:s20] =	ssyncadd.s32 $0xFFFFE000  }
0x2ab: {  	_ =	swait.ge [sflag:s22], $0x40  }
0x2ac: {  	[sflag:s22] =	ssyncset.done $0x0  }
0x2ad: {  	[sflag:s22] =	ssyncadd.s32 $0xFFFFFFC0  }
0x2ae: {  	v4 =	vld [tilespmem:$0x100]  }
0x2af: {  	v5 =	vld [tilespmem:$0x110]  }
0x2b0: {  	v44 =	vld [tilespmem:$0x120]  }
0x2b1: {  	v45 =	vld [tilespmem:$0x130];
	_ =	sdelay $0x1  }
0x2b2: {  	v4 =	vsub.s32 v4, v1  }
0x2b3: {  	v5 =	vsub.s32 v5, v1;
	v4 =	vmin.u32 v4, $0x3100  }
0x2b4: {  	[tilespmem:$0x700] =	vst v4;
	v4 =	vmin.u32 v5, $0x3100;
	v5 =	vsub.s32 v44, v1  }
0x2b5: {  	[tilespmem:$0x710] =	vst v4;
	v4 =	vmin.u32 v5, $0x3100;
	v5 =	vsub.s32 v45, v1  }
0x2b6: {  	[tilespmem:$0x720] =	vst v4;
	v4 =	vmin.u32 v5, $0x3100  }
0x2b7: {  	s24 =	simm.s32 $0x480;
	[tilespmem:$0x730] =	vst v4  }
0x2b8: {  	[tilespmem:s8], [sflag:$0x1] =	stream.indirect.gather [hbm4b:s0+s7], $0x80, s24, s7, $0xb8;
	[tilespmem:$0x1F6A0] =	vst v63  }
0x2b9: {  	_ =	swait.ge [sflag:s25], $0x2000  }
0x2ba: {  	[sflag:s25] =	ssyncset.done $0x0  }
0x2bb: {  	[sflag:s25] =	ssyncadd.s32 $0xFFFFE000  }
0x2bc: {  	[spmem:s2] =	stream.indirect.scatter.add.f32 [tilespmem:s10], [sflag:$0x3], $0x80, s26, s7, $0xb8;
	[tilespmem:$0x1F6A0] =	vst v63  }
0x2bd: {  	_ = 	snop  }
0x2be: {  	[spmem:s4] =	stream.indirect.scatter.add.f32 [tilespmem:s19], [sflag:$0x4], $0x1, s26, s7, $0xb8;
	[tilespmem:$0x1F6A0] =	vst v63  }
0x2bf: {  	_ =	swait.ge [sflag:s20], $0x2000  }
0x2c0: {  	[sflag:s20] =	ssyncset.done $0x0  }
0x2c1: {  	[sflag:s20] =	ssyncadd.s32 $0xFFFFE000  }
0x2c2: {  	_ =	swait.ge [sflag:s22], $0x40  }
0x2c3: {  	[sflag:s22] =	ssyncset.done $0x0  }
0x2c4: {  	[sflag:s22] =	ssyncadd.s32 $0xFFFFFFC0  }
0x2c5: {  	v4 =	vld [tilespmem:$0x140]  }
0x2c6: {  	v5 =	vld [tilespmem:$0x150]  }
0x2c7: {  	v46 =	vld [tilespmem:$0x160]  }
0x2c8: {  	v47 =	vld [tilespmem:$0x170];
	_ =	sdelay $0x1  }
0x2c9: {  	v4 =	vsub.s32 v4, v1  }
0x2ca: {  	v5 =	vsub.s32 v5, v1;
	v4 =	vmin.u32 v4, $0x3100  }
0x2cb: {  	[tilespmem:$0x2780] =	vst v4;
	v4 =	vmin.u32 v5, $0x3100;
	v5 =	vsub.s32 v46, v1  }
0x2cc: {  	[tilespmem:$0x2790] =	vst v4;
	v4 =	vmin.u32 v5, $0x3100;
	v5 =	vsub.s32 v47, v1  }
0x2cd: {  	[tilespmem:$0x27A0] =	vst v4;
	v4 =	vmin.u32 v5, $0x3100  }
0x2ce: {  	[tilespmem:$0x27B0] =	vst v4  }
0x2cf: {  	[tilespmem:s10], [sflag:$0x2] =	stream.indirect.gather [hbm4b:s0+s7], $0x80, s3, s7, $0xb8;
	[tilespmem:$0x1F6A0] =	vst v63  }
0x2d0: {  	_ =	swait.ge [sflag:s11], $0x2000  }
0x2d1: {  	[sflag:s11] =	ssyncset.done $0x0  }
0x2d2: {  	[sflag:s11] =	ssyncadd.s32 $0xFFFFE000  }
0x2d3: {  	[spmem:s2] =	stream.indirect.scatter.add.f32 [tilespmem:s8], [sflag:$0x3], $0x80, s16, s7, $0xb8;
	[tilespmem:$0x1F6A0] =	vst v63  }
0x2d4: {  	_ = 	snop  }
0x2d5: {  	[spmem:s4] =	stream.indirect.scatter.add.f32 [tilespmem:s19], [sflag:$0x4], $0x1, s16, s7, $0xb8;
	[tilespmem:$0x1F6A0] =	vst v63  }
0x2d6: {  	_ =	swait.ge [sflag:s20], $0x2000  }
0x2d7: {  	[sflag:s20] =	ssyncset.done $0x0  }
0x2d8: {  	[sflag:s20] =	ssyncadd.s32 $0xFFFFE000  }
0x2d9: {  	_ =	swait.ge [sflag:s22], $0x40  }
0x2da: {  	[sflag:s22] =	ssyncset.done $0x0  }
0x2db: {  	[sflag:s22] =	ssyncadd.s32 $0xFFFFFFC0  }
0x2dc: {  	v4 =	vld [tilespmem:$0x180]  }
0x2dd: {  	v5 =	vld [tilespmem:$0x190]  }
0x2de: {  	v48 =	vld [tilespmem:$0x1A0]  }
0x2df: {  	v49 =	vld [tilespmem:$0x1B0];
	_ =	sdelay $0x1  }
0x2e0: {  	v4 =	vsub.s32 v4, v1  }
0x2e1: {  	v5 =	vsub.s32 v5, v1;
	v4 =	vmin.u32 v4, $0x3100  }
0x2e2: {  	[tilespmem:$0x700] =	vst v4;
	v4 =	vmin.u32 v5, $0x3100;
	v5 =	vsub.s32 v48, v1  }
0x2e3: {  	[tilespmem:$0x710] =	vst v4;
	v4 =	vmin.u32 v5, $0x3100;
	v5 =	vsub.s32 v49, v1  }
0x2e4: {  	[tilespmem:$0x720] =	vst v4;
	v4 =	vmin.u32 v5, $0x3100  }
0x2e5: {  	[tilespmem:$0x730] =	vst v4  }
0x2e6: {  	[tilespmem:s8], [sflag:$0x1] =	stream.indirect.gather [hbm4b:s0+s7], $0x80, s12, s7, $0xb8;
	[tilespmem:$0x1F6A0] =	vst v63  }
0x2e7: {  	_ =	swait.ge [sflag:s25], $0x2000  }
0x2e8: {  	[sflag:s25] =	ssyncset.done $0x0  }
0x2e9: {  	[sflag:s25] =	ssyncadd.s32 $0xFFFFE000  }
0x2ea: {  	[spmem:s2] =	stream.indirect.scatter.add.f32 [tilespmem:s10], [sflag:$0x3], $0x80, s26, s7, $0xb8;
	[tilespmem:$0x1F6A0] =	vst v63  }
0x2eb: {  	_ = 	snop  }
0x2ec: {  	[spmem:s4] =	stream.indirect.scatter.add.f32 [tilespmem:s19], [sflag:$0x4], $0x1, s26, s7, $0xb8;
	[tilespmem:$0x1F6A0] =	vst v63  }
0x2ed: {  	_ =	swait.ge [sflag:s20], $0x2000  }
0x2ee: {  	[sflag:s20] =	ssyncset.done $0x0  }
0x2ef: {  	[sflag:s20] =	ssyncadd.s32 $0xFFFFE000  }
0x2f0: {  	_ =	swait.ge [sflag:s22], $0x40  }
0x2f1: {  	[sflag:s22] =	ssyncset.done $0x0  }
0x2f2: {  	[sflag:s22] =	ssyncadd.s32 $0xFFFFFFC0  }
0x2f3: {  	v4 =	vld [tilespmem:$0x1C0]  }
0x2f4: {  	v5 =	vld [tilespmem:$0x1D0]  }
0x2f5: {  	v50 =	vld [tilespmem:$0x1E0]  }
0x2f6: {  	v51 =	vld [tilespmem:$0x1F0];
	_ =	sdelay $0x1  }
0x2f7: {  	v4 =	vsub.s32 v4, v1  }
0x2f8: {  	v5 =	vsub.s32 v5, v1;
	v4 =	vmin.u32 v4, $0x3100  }
0x2f9: {  	[tilespmem:$0x2780] =	vst v4;
	v4 =	vmin.u32 v5, $0x3100;
	v5 =	vsub.s32 v50, v1  }
0x2fa: {  	[tilespmem:$0x2790] =	vst v4;
	v4 =	vmin.u32 v5, $0x3100;
	v5 =	vsub.s32 v51, v1  }
0x2fb: {  	[tilespmem:$0x27A0] =	vst v4;
	v4 =	vmin.u32 v5, $0x3100  }
0x2fc: {  	[tilespmem:$0x27B0] =	vst v4  }
0x2fd: {  	[tilespmem:s10], [sflag:$0x2] =	stream.indirect.gather [hbm4b:s0+s7], $0x80, s13, s7, $0xb8;
	[tilespmem:$0x1F6A0] =	vst v63  }
0x2fe: {  	_ =	swait.ge [sflag:s11], $0x2000  }
0x2ff: {  	[sflag:s11] =	ssyncset.done $0x0  }
0x300: {  	[sflag:s11] =	ssyncadd.s32 $0xFFFFE000  }
0x301: {  	[spmem:s2] =	stream.indirect.scatter.add.f32 [tilespmem:s8], [sflag:$0x3], $0x80, s16, s7, $0xb8;
	[tilespmem:$0x1F6A0] =	vst v63  }
0x302: {  	_ = 	snop  }
0x303: {  	[spmem:s4] =	stream.indirect.scatter.add.f32 [tilespmem:s19], [sflag:$0x4], $0x1, s16, s7, $0xb8;
	[tilespmem:$0x1F6A0] =	vst v63  }
0x304: {  	_ =	swait.ge [sflag:s20], $0x2000  }
0x305: {  	[sflag:s20] =	ssyncset.done $0x0  }
0x306: {  	[sflag:s20] =	ssyncadd.s32 $0xFFFFE000  }
0x307: {  	_ =	swait.ge [sflag:s22], $0x40  }
0x308: {  	[sflag:s22] =	ssyncset.done $0x0  }
0x309: {  	[sflag:s22] =	ssyncadd.s32 $0xFFFFFFC0  }
0x30a: {  	v4 =	vld [tilespmem:$0x200]  }
0x30b: {  	v5 =	vld [tilespmem:$0x210]  }
0x30c: {  	v52 =	vld [tilespmem:$0x220]  }
0x30d: {  	v53 =	vld [tilespmem:$0x230];
	_ =	sdelay $0x1  }
0x30e: {  	v4 =	vsub.s32 v4, v1  }
0x30f: {  	v5 =	vsub.s32 v5, v1;
	v4 =	vmin.u32 v4, $0x3100  }
0x310: {  	[tilespmem:$0x700] =	vst v4;
	v4 =	vmin.u32 v5, $0x3100;
	v5 =	vsub.s32 v52, v1  }
0x311: {  	[tilespmem:$0x710] =	vst v4;
	v4 =	vmin.u32 v5, $0x3100;
	v5 =	vsub.s32 v53, v1  }
0x312: {  	[tilespmem:$0x720] =	vst v4;
	v4 =	vmin.u32 v5, $0x3100  }
0x313: {  	[tilespmem:$0x730] =	vst v4  }
0x314: {  	[tilespmem:s8], [sflag:$0x1] =	stream.indirect.gather [hbm4b:s0+s7], $0x80, s14, s7, $0xb8;
	[tilespmem:$0x1F6A0] =	vst v63  }
0x315: {  	_ =	swait.ge [sflag:s25], $0x2000  }
0x316: {  	[sflag:s25] =	ssyncset.done $0x0  }
0x317: {  	[sflag:s25] =	ssyncadd.s32 $0xFFFFE000  }
0x318: {  	[spmem:s2] =	stream.indirect.scatter.add.f32 [tilespmem:s10], [sflag:$0x3], $0x80, s26, s7, $0xb8;
	[tilespmem:$0x1F6A0] =	vst v63  }
0x319: {  	_ = 	snop  }
0x31a: {  	[spmem:s4] =	stream.indirect.scatter.add.f32 [tilespmem:s19], [sflag:$0x4], $0x1, s26, s7, $0xb8;
	[tilespmem:$0x1F6A0] =	vst v63  }
0x31b: {  	_ =	swait.ge [sflag:s20], $0x2000  }
0x31c: {  	[sflag:s20] =	ssyncset.done $0x0  }
0x31d: {  	[sflag:s20] =	ssyncadd.s32 $0xFFFFE000  }
0x31e: {  	_ =	swait.ge [sflag:s22], $0x40  }
0x31f: {  	[sflag:s22] =	ssyncset.done $0x0  }
0x320: {  	[sflag:s22] =	ssyncadd.s32 $0xFFFFFFC0  }
0x321: {  	v4 =	vld [tilespmem:$0x240]  }
0x322: {  	v5 =	vld [tilespmem:$0x250]  }
0x323: {  	v54 =	vld [tilespmem:$0x260]  }
0x324: {  	v55 =	vld [tilespmem:$0x270];
	_ =	sdelay $0x1  }
0x325: {  	v4 =	vsub.s32 v4, v1  }
0x326: {  	v5 =	vsub.s32 v5, v1;
	v4 =	vmin.u32 v4, $0x3100  }
0x327: {  	[tilespmem:$0x2780] =	vst v4;
	v4 =	vmin.u32 v5, $0x3100;
	v5 =	vsub.s32 v54, v1  }
0x328: {  	[tilespmem:$0x2790] =	vst v4;
	v4 =	vmin.u32 v5, $0x3100;
	v5 =	vsub.s32 v55, v1  }
0x329: {  	[tilespmem:$0x27A0] =	vst v4;
	v4 =	vmin.u32 v5, $0x3100  }
0x32a: {  	[tilespmem:$0x27B0] =	vst v4  }
0x32b: {  	[tilespmem:s10], [sflag:$0x2] =	stream.indirect.gather [hbm4b:s0+s7], $0x80, s6, s7, $0xb8;
	[tilespmem:$0x1F6A0] =	vst v63  }
0x32c: {  	_ =	swait.ge [sflag:s11], $0x2000  }
0x32d: {  	[sflag:s11] =	ssyncset.done $0x0  }
0x32e: {  	[sflag:s11] =	ssyncadd.s32 $0xFFFFE000  }
0x32f: {  	[spmem:s2] =	stream.indirect.scatter.add.f32 [tilespmem:s8], [sflag:$0x3], $0x80, s16, s7, $0xb8;
	[tilespmem:$0x1F6A0] =	vst v63  }
0x330: {  	_ = 	snop  }
0x331: {  	[spmem:s4] =	stream.indirect.scatter.add.f32 [tilespmem:s19], [sflag:$0x4], $0x1, s16, s7, $0xb8;
	[tilespmem:$0x1F6A0] =	vst v63  }
0x332: {  	_ =	swait.ge [sflag:s20], $0x2000  }
0x333: {  	[sflag:s20] =	ssyncset.done $0x0  }
0x334: {  	[sflag:s20] =	ssyncadd.s32 $0xFFFFE000  }
0x335: {  	_ =	swait.ge [sflag:s22], $0x40  }
0x336: {  	[sflag:s22] =	ssyncset.done $0x0  }
0x337: {  	[sflag:s22] =	ssyncadd.s32 $0xFFFFFFC0  }
0x338: {  	v4 =	vld [tilespmem:$0x280]  }
0x339: {  	v5 =	vld [tilespmem:$0x290]  }
0x33a: {  	v56 =	vld [tilespmem:$0x2A0]  }
0x33b: {  	v57 =	vld [tilespmem:$0x2B0];
	_ =	sdelay $0x1  }
0x33c: {  	v4 =	vsub.s32 v4, v1  }
0x33d: {  	v5 =	vsub.s32 v5, v1;
	v4 =	vmin.u32 v4, $0x3100  }
0x33e: {  	[tilespmem:$0x700] =	vst v4;
	v4 =	vmin.u32 v5, $0x3100;
	v5 =	vsub.s32 v56, v1  }
0x33f: {  	[tilespmem:$0x710] =	vst v4;
	v4 =	vmin.u32 v5, $0x3100;
	v5 =	vsub.s32 v57, v1  }
0x340: {  	[tilespmem:$0x720] =	vst v4;
	v4 =	vmin.u32 v5, $0x3100  }
0x341: {  	s24 =	simm.s32 $0x600;
	[tilespmem:$0x730] =	vst v4  }
0x342: {  	[tilespmem:s8], [sflag:$0x1] =	stream.indirect.gather [hbm4b:s0+s7], $0x80, s24, s7, $0xb8;
	[tilespmem:$0x1F6A0] =	vst v63  }
0x343: {  	_ =	swait.ge [sflag:s25], $0x2000  }
0x344: {  	[sflag:s25] =	ssyncset.done $0x0  }
0x345: {  	[sflag:s25] =	ssyncadd.s32 $0xFFFFE000  }
0x346: {  	[spmem:s2] =	stream.indirect.scatter.add.f32 [tilespmem:s10], [sflag:$0x3], $0x80, s26, s7, $0xb8;
	[tilespmem:$0x1F6A0] =	vst v63  }
0x347: {  	_ = 	snop  }
0x348: {  	[spmem:s4] =	stream.indirect.scatter.add.f32 [tilespmem:s19], [sflag:$0x4], $0x1, s26, s7, $0xb8;
	[tilespmem:$0x1F6A0] =	vst v63  }
0x349: {  	_ =	swait.ge [sflag:s20], $0x2000  }
0x34a: {  	[sflag:s20] =	ssyncset.done $0x0  }
0x34b: {  	[sflag:s20] =	ssyncadd.s32 $0xFFFFE000  }
0x34c: {  	_ =	swait.ge [sflag:s22], $0x40  }
0x34d: {  	[sflag:s22] =	ssyncset.done $0x0  }
0x34e: {  	[sflag:s22] =	ssyncadd.s32 $0xFFFFFFC0  }
0x34f: {  	v4 =	vld [tilespmem:$0x2C0]  }
0x350: {  	v5 =	vld [tilespmem:$0x2D0]  }
0x351: {  	v58 =	vld [tilespmem:$0x2E0]  }
0x352: {  	v59 =	vld [tilespmem:$0x2F0];
	_ =	sdelay $0x1  }
0x353: {  	v4 =	vsub.s32 v4, v1  }
0x354: {  	v5 =	vsub.s32 v5, v1;
	v4 =	vmin.u32 v4, $0x3100  }
0x355: {  	[tilespmem:$0x2780] =	vst v4;
	v4 =	vmin.u32 v5, $0x3100;
	v5 =	vsub.s32 v58, v1  }
0x356: {  	[tilespmem:$0x2790] =	vst v4;
	v4 =	vmin.u32 v5, $0x3100;
	v5 =	vsub.s32 v59, v1  }
0x357: {  	[tilespmem:$0x27A0] =	vst v4;
	v4 =	vmin.u32 v5, $0x3100  }
0x358: {  	[tilespmem:$0x27B0] =	vst v4  }
0x359: {  	[tilespmem:s10], [sflag:$0x2] =	stream.indirect.gather [hbm4b:s0+s7], $0x80, s1, s7, $0xb8;
	[tilespmem:$0x1F6A0] =	vst v63  }
0x35a: {  	_ =	swait.ge [sflag:s11], $0x2000  }
0x35b: {  	[sflag:s11] =	ssyncset.done $0x0  }
0x35c: {  	[sflag:s11] =	ssyncadd.s32 $0xFFFFE000  }
0x35d: {  	[spmem:s2] =	stream.indirect.scatter.add.f32 [tilespmem:s8], [sflag:$0x3], $0x80, s16, s7, $0xb8;
	[tilespmem:$0x1F6A0] =	vst v63  }
0x35e: {  	_ = 	snop  }
0x35f: {  	[spmem:s4] =	stream.indirect.scatter.add.f32 [tilespmem:s19], [sflag:$0x4], $0x1, s16, s7, $0xb8;
	[tilespmem:$0x1F6A0] =	vst v63  }
0x360: {  	_ =	swait.ge [sflag:s20], $0x2000  }
0x361: {  	[sflag:s20] =	ssyncset.done $0x0  }
0x362: {  	[sflag:s20] =	ssyncadd.s32 $0xFFFFE000  }
0x363: {  	_ =	swait.ge [sflag:s22], $0x40  }
0x364: {  	[sflag:s22] =	ssyncset.done $0x0  }
0x365: {  	[sflag:s22] =	ssyncadd.s32 $0xFFFFFFC0  }
0x366: {  	v4 =	vld [tilespmem:$0x300]  }
0x367: {  	v5 =	vld [tilespmem:$0x310]  }
0x368: {  	v60 =	vld [tilespmem:$0x320]  }
0x369: {  	v61 =	vld [tilespmem:$0x330];
	_ =	sdelay $0x1  }
0x36a: {  	v4 =	vsub.s32 v4, v1  }
0x36b: {  	v5 =	vsub.s32 v5, v1;
	v4 =	vmin.u32 v4, $0x3100  }
0x36c: {  	[tilespmem:$0x700] =	vst v4;
	v4 =	vmin.u32 v5, $0x3100;
	v5 =	vsub.s32 v60, v1  }
0x36d: {  	[tilespmem:$0x710] =	vst v4;
	v4 =	vmin.u32 v5, $0x3100;
	v5 =	vsub.s32 v61, v1  }
0x36e: {  	[tilespmem:$0x720] =	vst v4;
	v4 =	vmin.u32 v5, $0x3100  }
0x36f: {  	s24 =	simm.s32 $0x680;
	[tilespmem:$0x730] =	vst v4  }
0x370: {  	[tilespmem:s8], [sflag:$0x1] =	stream.indirect.gather [hbm4b:s0+s7], $0x80, s24, s7, $0xb8;
	[tilespmem:$0x1F6A0] =	vst v63  }
0x371: {  	_ =	swait.ge [sflag:s25], $0x2000  }
0x372: {  	[sflag:s25] =	ssyncset.done $0x0  }
0x373: {  	[sflag:s25] =	ssyncadd.s32 $0xFFFFE000  }
0x374: {  	[spmem:s2] =	stream.indirect.scatter.add.f32 [tilespmem:s10], [sflag:$0x3], $0x80, s26, s7, $0xb8;
	[tilespmem:$0x1F6A0] =	vst v63  }
0x375: {  	_ = 	snop  }
0x376: {  	[spmem:s4] =	stream.indirect.scatter.add.f32 [tilespmem:s19], [sflag:$0x4], $0x1, s26, s7, $0xb8;
	[tilespmem:$0x1F6A0] =	vst v63  }
0x377: {  	_ =	swait.ge [sflag:s20], $0x2000  }
0x378: {  	[sflag:s20] =	ssyncset.done $0x0  }
0x379: {  	[sflag:s20] =	ssyncadd.s32 $0xFFFFE000  }
0x37a: {  	_ =	swait.ge [sflag:s22], $0x40  }
0x37b: {  	[sflag:s22] =	ssyncset.done $0x0  }
0x37c: {  	[sflag:s22] =	ssyncadd.s32 $0xFFFFFFC0  }
0x37d: {  	v4 =	vld [tilespmem:$0x340]  }
0x37e: {  	v5 =	vld [tilespmem:$0x350]  }
0x37f: {  	v62 =	vld [tilespmem:$0x360]  }
0x380: {  	v63 =	vld [tilespmem:$0x370];
	_ =	sdelay $0x1  }
0x381: {  	v4 =	vsub.s32 v4, v1  }
0x382: {  	v5 =	vsub.s32 v5, v1;
	v4 =	vmin.u32 v4, $0x3100  }
0x383: {  	[tilespmem:$0x2780] =	vst v4;
	v4 =	vmin.u32 v5, $0x3100;
	v5 =	vsub.s32 v62, v1  }
0x384: {  	[tilespmem:$0x2790] =	vst v4;
	v4 =	vmin.u32 v5, $0x3100;
	v5 =	vsub.s32 v63, v1  }
0x385: {  	[tilespmem:$0x27A0] =	vst v4;
	v4 =	vmin.u32 v5, $0x3100  }
0x386: {  	[tilespmem:$0x27B0] =	vst v4  }
0x387: {  	[tilespmem:s10], [sflag:$0x2] =	stream.indirect.gather [hbm4b:s0+s7], $0x80, s15, s7, $0xb8;
	[tilespmem:$0x1F6A0] =	vst v63  }
0x388: {  	_ =	swait.ge [sflag:s11], $0x2000  }
0x389: {  	[sflag:s11] =	ssyncset.done $0x0  }
0x38a: {  	[sflag:s11] =	ssyncadd.s32 $0xFFFFE000  }
0x38b: {  	[spmem:s2] =	stream.indirect.scatter.add.f32 [tilespmem:s8], [sflag:$0x3], $0x80, s16, s7, $0xb8;
	[tilespmem:$0x1F6A0] =	vst v63  }
0x38c: {  	_ = 	snop  }
0x38d: {  	[spmem:s4] =	stream.indirect.scatter.add.f32 [tilespmem:s19], [sflag:$0x4], $0x1, s16, s7, $0xb8;
	[tilespmem:$0x1F6A0] =	vst v63  }
0x38e: {  	_ =	swait.ge [sflag:s20], $0x2000  }
0x38f: {  	[sflag:s20] =	ssyncset.done $0x0  }
0x390: {  	[sflag:s20] =	ssyncadd.s32 $0xFFFFE000  }
0x391: {  	_ =	swait.ge [sflag:s22], $0x40  }
0x392: {  	[sflag:s22] =	ssyncset.done $0x0  }
0x393: {  	[sflag:s22] =	ssyncadd.s32 $0xFFFFFFC0  }
0x394: {  	_ =	swait.ge [sflag:s25], $0x2000  }
0x395: {  	[sflag:s25] =	ssyncset.done $0x0  }
0x396: {  	[sflag:s25] =	ssyncadd.s32 $0xFFFFE000  }
0x397: {  	[spmem:s2] =	stream.indirect.scatter.add.f32 [tilespmem:s10], [sflag:$0x3], $0x80, s26, s7, $0xb8;
	[tilespmem:$0x1F6A0] =	vst v63  }
0x398: {  	_ = 	snop  }
0x399: {  	[spmem:s4] =	stream.indirect.scatter.add.f32 [tilespmem:s19], [sflag:$0x4], $0x1, s26, s7, $0xb8;
	[tilespmem:$0x1F6A0] =	vst v63  }
0x39a: {  	p0 =	sne.s32 s9, $0x5B0;
	_ =	swait.ge [sflag:s20], $0x2000  }
.Ltmp3:
0x39b: {  	[sflag:s20] =	ssyncset.done $0x0;
	(pc) =	sbr.rel @p0 .LBB2_8-.Ltmp3, $4  }
0x39c: {  	[sflag:s20] =	ssyncadd.s32 $0xFFFFE000  }
0x39d: {  	_ =	swait.ge [sflag:s22], $0x40  }
0x39e: {  	[sflag:s22] =	ssyncset.done $0x0  }
0x39f: {  	s9 =	sadd.s32 $0x70, s9;
	[sflag:s22] =	ssyncadd.s32 $0xFFFFFFC0  }
0x3a0: {  	[bflag:$0x0] =	sbarrier.arrive $0xFFFF  }
0x3a1: {  	s1 =	sld [smem:$0x7F7]  }
0x3a2: {  	s3 =	sld [smem:$0x7F8];
	_ =	sdelay $0x1  }
0x3a3: {  	s9 =	rddreg [dreg:$0xf]  }
0x3a4: {  	[hbm:s9], [sflag:s1] =	dma.local [spmem:s3], $0x3100  }
0x3a5: {  	_ =	swait.ge [sflag:s21], $0x3100  }
0x3a6: {  	[sflag:s21] =	ssyncset.done $0x0  }
0x3a7: {  	s14 =	simm.s32 $0x6000;
	s13 =	rddreg [dreg:$0x16];
	[sflag:s21] =	ssyncadd.s32 $0xFFFFCF00  }
0x3a8: {  	[tilespmem:s14], [sflag:$0x5] =	stream.linear.gather [spmem:s13], $0x310, $0x38;
	[tilespmem:$0x1F6A0] =	vst v63  }
0x3a9: {  	_ =	swait.ge [sflag:s21], $0x310  }
0x3aa: {  	[sflag:s21] =	ssyncset.done $0x0  }
0x3ab: {  	s15 =	rddreg [dreg:$0x11];
	[sflag:s21] =	ssyncadd.s32 $0xFFFFFCF0  }
0x3ac: {  	[hbm4b:s15+s5] =	stream.linear.scatter [tilespmem:s14], [sflag:$0x5], $0x310, $0x38;
	[tilespmem:$0x1F6A0] =	vst v63  }
0x3ad: {  	_ =	swait.ge [sflag:s21], $0x310  }
0x3ae: {  	s15 =	sld [smem:$0x7F9];
	_ =	sdelay $0x2  }
0x3af: {  	s24 =	rddreg [dreg:$0x17];
	s15 =	sadd.s32 $0x1, s15  }
0x3b0: {  	p0 =	sne.s32 s15, s24  }
.Ltmp4:
0x3b1: {  	_ = 	snop;
	(pc) =	sbr.rel @p0 .LBB2_1-.Ltmp4, $4  }
0x3b2: {  	s29 =	simm.s32 $0x400;
	s30 =	simm.s32 $0x440;
	[sflag:s21] =	ssyncset.done $0x0  }
0x3b3: {  	s31 =	simm.s32 $0x480;
	s12 =	simm.s32 $0x540;
	[sflag:s21] =	ssyncadd.s32 $0xFFFFFCF0  }
0x3b4: {  	s6 =	simm.s32 $0x600;
	s1 =	simm.s32 $0x4C0;
	[bflag:$0x0] =	sbarrier.arrive $0xFFFF  }
0x3b5: {  	s3 =	simm.s32 $0x500;
	s13 =	simm.s32 $0x580;
	s14 =	simm.s32 $0x5C0  }
0x3b6: {  	_ =	sfence.sel $0x180000  }
0x3b7: {  	[bflag:$0x0] =	sbarrier.arrive $0xFFFF  }
0x3b8: {  	_ =	strace $0x90000047  }
0x3b9: {  	s0 =	stileid.u32;
	[bflag:$0x2] =	sbarrier.arrive $0xFFFF  }
0x3ba: {  	p0 =	sne.s32 s0, $0x0;
	s0 =	rddreg [dreg:$0x7]  }
0x3bb: {  	s0 =	sadd.s32 @!p0 $0x100000, s0  }
0x3bc: {  	[sflag:s0] =	ssyncadd.tile.s32 @!p0 $0x1;
	_ =	shalt  }
.Lfunc_end2:
_tile_overlayer_lowered:
.L_overlay_start_2:
0x3bd: {  	(tag) =	ssettag $0x2  }
0x3be: {  	s0 =	rddreg [dreg:$0x0];
	s2 =	stileid.u32  }
0x3bf: {  	s1 =	rddreg [dreg:$0x1];
	p0 =	sne.s32 s2, $0x0  }
0x3c0: {  	s3 =	rddreg [dreg:$0x2];
	[bflag:$0x3] =	sbarrier.arrive $0xFFFF;
	s2 =	simm.s32 @!p0 $0x1C05  }
0x3c1: {  	[timem:s3], [sflag:s2] =	dma.local @!p0 [hbm:s0], s1  }
0x3c2: {  	s0 =	simm.s32 @!p0 $0x5  }
0x3c3: {  	_ =	swait.ge @!p0 [sflag:s0], s1  }
0x3c4: {  	s1 =	ssub.s32 @!p0 $0x0, s1;
	[sflag:s0] =	ssyncset.done @!p0 $0x0  }
0x3c5: {  	[sflag:s0] =	ssyncadd.s32 @!p0 s1  }
0x3c6: {  	[bflag:$0x3] =	sbarrier.arrive $0xFFFF  }
0x3c7: {  	_ =	shalt  }

</sc_bundles>
